<compile_context>
chip_gen: v7x
topology: tpu7x:2x2x1
jax: 0.10.2.dev20260603
libtpu: 0.0.44.dev20260713+nightly
codegen_flags: <defaults>
</compile_context>

<pallas_src>
import functools

import jax
import jax.numpy as jnp
from jax import lax
from jax.experimental import pallas as pl
from jax.experimental.pallas import tpu as pltpu
from jax.experimental.pallas import tpu_sc as plsc

NC = 2
NS = 16
NW = NC * NS
LANE = 16
K = 128

_Z16 = None


def _zero_rows(ref, nrows, ncols):
  zv = jnp.zeros((LANE,), jnp.float32)

  def row(i, _):
    def col(c, __):
      ref[i, pl.ds(c * LANE, LANE)] = zv
      return 0
    lax.fori_loop(0, ncols // LANE, col, 0)
    return 0

  lax.fori_loop(0, nrows, row, 0)


def _deg_body(n_pad, rpt, n_chunks, dst_hbm, out_hbm, dst_v, ones_v, zbuf_v,
              deg_sh, sem):
  c = lax.axis_index("c")
  s = lax.axis_index("s")
  wid = c * NS + s

  pltpu.sync_copy(dst_hbm.at[pl.ds(wid * n_chunks, n_chunks)], dst_v)

  ov = jnp.ones((LANE,), jnp.float32)
  zv = jnp.zeros((LANE,), jnp.float32)

  def fill(i, _):
    ones_v[pl.ds(i * LANE, LANE)] = ov
    return 0
  lax.fori_loop(0, K // LANE, fill, 0)

  def zfill(i, _):
    zbuf_v[pl.ds(i * LANE, LANE)] = zv
    return 0
  lax.fori_loop(0, -(-rpt // LANE), zfill, 0)

  pltpu.sync_copy(zbuf_v.at[pl.ds(0, rpt)], deg_sh.at[pl.ds(s * rpt, rpt)])
  plsc.subcore_barrier()

  def chunk(j, _):
    pltpu.sync_copy(ones_v, deg_sh.at[dst_v.at[j]], add=True)
    return 0
  lax.fori_loop(0, n_chunks, chunk, 0)

  plsc.subcore_barrier()

  pltpu.sync_copy(deg_sh.at[pl.ds(s * rpt, rpt)],
                  out_hbm.at[pl.ds(c * n_pad + s * rpt, rpt)])


def _row_chunks(rpt):
  out = []
  off = 0
  while off < rpt:
    out.append((off, min(K, rpt - off)))
    off += K
  return out


def _agg_body(n_pad, d, rpt, n_chunks, g_hbm, src_hbm, dst_hbm, out_hbm,
              src_v, dst_v, rows_v, acc_sh, *sems):
  c = lax.axis_index("c")
  s = lax.axis_index("s")
  base = (c * NS + s) * n_chunks
  isem, dsem, gsem, ssem = sems[0:3], sems[3:6], sems[6:9], sems[9:12]

  def load_src(j, b):
    pltpu.async_copy(src_hbm.at[base + j], src_v.at[b], isem[b])

  def wait_src(b):
    pltpu.make_async_copy(src_hbm.at[0], src_v.at[b], isem[b]).wait()

  def load_dst(j, b):
    pltpu.async_copy(dst_hbm.at[base + j], dst_v.at[b], dsem[b])

  def wait_dst(b):
    pltpu.make_async_copy(dst_hbm.at[0], dst_v.at[b], dsem[b]).wait()

  def gather(j, b):
    pltpu.async_copy(g_hbm.at[src_v.at[b]], rows_v.at[b], gsem[b])

  def wait_gather(b):
    pltpu.make_async_copy(g_hbm.at[src_v.at[b]], rows_v.at[b],
                          gsem[b]).wait()

  def scatter(j, b):
    pltpu.async_copy(rows_v.at[b], acc_sh.at[dst_v.at[b]], ssem[b],
                     add=True)

  def wait_scatter(b):
    pltpu.make_async_copy(rows_v.at[b], acc_sh.at[pl.ds(0, K)],
                          ssem[b]).wait()

  zv = jnp.zeros((LANE,), jnp.float32)

  def zrow(i, _):
    def zcol(cc, __):
      rows_v[0, i, pl.ds(cc * LANE, LANE)] = zv
      return 0
    lax.fori_loop(0, d // LANE, zcol, 0)
    return 0
  lax.fori_loop(0, K, zrow, 0)
  for off, sz in _row_chunks(rpt):
    pltpu.sync_copy(rows_v.at[0, pl.ds(0, sz)],
                    acc_sh.at[pl.ds(s * rpt + off, sz)])
  plsc.subcore_barrier()

  def body(j, b):
    bp2 = (b + 2) % 3
    wait_gather(b)
    wait_dst(b)
    scatter(j, b)
    wait_src(bp2)
    wait_scatter(bp2)
    gather(j + 2, bp2)
    load_src(j + 3, b)
    load_dst(j + 2, bp2)

  nc = n_chunks
  load_src(0, 0)
  load_src(1, 1)
  load_src(2, 2)
  load_dst(0, 0)
  load_dst(1, 1)
  wait_src(0)
  gather(0, 0)
  wait_src(1)
  gather(1, 1)
  wait_gather(0)
  wait_dst(0)
  scatter(0, 0)
  wait_src(2)
  gather(2, 2)
  load_src(3, 0)
  load_dst(2, 2)

  nb = (nc - 3) // 3

  def block(i, _):
    for r in (1, 2, 3):
      body(3 * i + r, r % 3)
    return 0
  lax.fori_loop(0, nb, block, 0)
  for j in range(3 * nb + 1, nc - 2):
    body(j, j % 3)

  b = (nc - 2) % 3
  wait_gather(b)
  wait_dst(b)
  scatter(nc - 2, b)
  wait_scatter((nc - 3) % 3)
  b = (nc - 1) % 3
  wait_gather(b)
  wait_dst(b)
  scatter(nc - 1, b)
  wait_scatter((nc - 2) % 3)
  wait_scatter((nc - 1) % 3)
  wait_src(nc % 3)

  plsc.subcore_barrier()

  for off, sz in _row_chunks(rpt):
    pltpu.sync_copy(acc_sh.at[pl.ds(s * rpt + off, sz)],
                    out_hbm.at[pl.ds(c * n_pad + s * rpt + off, sz)])


@functools.lru_cache(maxsize=None)
def _make_deg(n_pad, n_chunks):
  rpt = n_pad // NS
  mesh = plsc.VectorSubcoreMesh(core_axis_name="c", subcore_axis_name="s",
                                num_cores=NC, num_subcores=NS)
  return pl.kernel(
      functools.partial(_deg_body, n_pad, rpt, n_chunks),
      out_type=jax.ShapeDtypeStruct((NC * n_pad,), jnp.float32),
      mesh=mesh,
      scratch_types=[
          pltpu.VMEM((n_chunks, K), jnp.int32),
          pltpu.VMEM((K,), jnp.float32),
          pltpu.VMEM((-(-rpt // LANE) * LANE,), jnp.float32),
          pltpu.VMEM_SHARED((n_pad,), jnp.float32),
          pltpu.SemaphoreType.DMA,
      ],
  )


@functools.lru_cache(maxsize=None)
def _make_agg(n_pad, d, n_chunks):
  rpt = n_pad // NS
  mesh = plsc.VectorSubcoreMesh(core_axis_name="c", subcore_axis_name="s",
                                num_cores=NC, num_subcores=NS)
  return pl.kernel(
      functools.partial(_agg_body, n_pad, d, rpt, n_chunks),
      out_type=jax.ShapeDtypeStruct((NC * n_pad, d), jnp.float32),
      mesh=mesh,
      scratch_types=[
          pltpu.VMEM((3, K), jnp.int32),
          pltpu.VMEM((3, K), jnp.int32),
          pltpu.VMEM((3, K, d), jnp.float32),
          pltpu.VMEM_SHARED((n_pad, d), jnp.float32),
      ] + [pltpu.SemaphoreType.DMA] * 12,
  )


def _tc1a_body(x_ref, w_ref, h_ref):
  h_ref[...] = jnp.dot(x_ref[...], w_ref[...],
                       preferred_element_type=jnp.float32)


def _tc1b_body(h_ref, d0_ref, d1_ref, g_ref):
  dinv = lax.rsqrt(d0_ref[...] + d1_ref[...] + 1.0)
  g_ref[...] = h_ref[...] * dinv


def _tc2_body(p0_ref, p1_ref, g_ref, b_ref, w_ref, d0_ref, d1_ref, o_ref):
  dinv = lax.rsqrt(d0_ref[...] + d1_ref[...] + 1.0)
  z = jnp.maximum(
      dinv * (p0_ref[0] + p1_ref[0] + g_ref[...]) + b_ref[...], 0.0)
  o_ref[...] = jnp.dot(z, w_ref[...], preferred_element_type=jnp.float32) * dinv


def _tc3_body(p0_ref, p1_ref, g_ref, b_ref, d0_ref, d1_ref, o_ref):
  dinv = lax.rsqrt(d0_ref[...] + d1_ref[...] + 1.0)
  o_ref[...] = jnp.maximum(
      dinv * (p0_ref[0] + p1_ref[0] + g_ref[...]) + b_ref[...], 0.0)


def _row_spec(bn, d):
  return pl.BlockSpec((bn, d), lambda i: (i, 0))


def _full_spec(shape):
  return pl.BlockSpec(shape, lambda i: tuple(0 for _ in shape))


def kernel(x, edge_index, W1, b1, W2, b2):
  n, d_in = x.shape
  hid = W1.shape[1]
  e = edge_index.shape[1]

  src = edge_index[0].astype(jnp.int32)
  dst = edge_index[1].astype(jnp.int32)

  n_pad = -(-(n + 1) // (NS * 8)) * (NS * 8)
  n_pad_deg = -(-(n + 1) // (NS * 16)) * (NS * 16)

  e_pad = -(-e // (NW * K * 8)) * (NW * K * 8)
  pad = e_pad - e
  if pad:
    spread = jnp.arange(pad, dtype=jnp.int32)
    src = jnp.concatenate([src, spread % n])
    dst = jnp.concatenate([dst, n + spread % (n_pad - n)])
  n_chunks = e_pad // (NW * K)
  src2d = jnp.concatenate(
      [src.reshape(NW * n_chunks, K), jnp.zeros((8, K), jnp.int32)])
  dst2d = dst.reshape(NW * n_chunks, K)

  deg = _make_deg(n_pad_deg, n_chunks)(dst2d).reshape(NC, n_pad_deg)
  d0 = deg[0, :n][:, None]
  d1 = deg[1, :n][:, None]

  bn = 2000 if n % 2000 == 0 else n
  grid = (n // bn,)
  b1r = b1.reshape(1, hid)
  b2r = b2.reshape(1, hid)

  h1 = pl.pallas_call(
      _tc1a_body,
      grid=grid,
      in_specs=[_row_spec(bn, d_in), _full_spec((d_in, hid))],
      out_specs=_row_spec(bn, hid),
      out_shape=jax.ShapeDtypeStruct((n, hid), jnp.float32),
  )(x, W1)

  g1 = pl.pallas_call(
      _tc1b_body,
      grid=grid,
      in_specs=[_row_spec(bn, hid), _row_spec(bn, 1), _row_spec(bn, 1)],
      out_specs=_row_spec(bn, hid),
      out_shape=jax.ShapeDtypeStruct((n, hid), jnp.float32),
  )(h1, d0, d1)

  part0 = pl.BlockSpec((1, bn, hid), lambda i: (0, i, 0))
  part1 = pl.BlockSpec((1, bn, hid), lambda i: (1, i, 0))

  agg = _make_agg(n_pad, hid, n_chunks)
  p = agg(g1, src2d, dst2d).reshape(NC, n_pad, hid)

  g2 = pl.pallas_call(
      _tc2_body,
      grid=grid,
      in_specs=[part0, part1, _row_spec(bn, hid),
                _full_spec((1, hid)), _full_spec((hid, hid)),
                _row_spec(bn, 1), _row_spec(bn, 1)],
      out_specs=_row_spec(bn, hid),
      out_shape=jax.ShapeDtypeStruct((n, hid), jnp.float32),
  )(p, p, g1, b1r, W2, d0, d1)

  q = agg(g2, src2d, dst2d).reshape(NC, n_pad, hid)

  out = pl.pallas_call(
      _tc3_body,
      grid=grid,
      in_specs=[part0, part1, _row_spec(bn, hid),
                _full_spec((1, hid)), _row_spec(bn, 1), _row_spec(bn, 1)],
      out_specs=_row_spec(bn, hid),
      out_shape=jax.ShapeDtypeStruct((n, hid), jnp.float32),
  )(q, q, g2, b2r, d0, d1)

  return out

# --- scband reference (transcript-rebuilt; emitter-appended) ---
"""Pipeline reference for scband-interpersonal-gnn-70463233458394 (READ-ONLY COPY).

The authoritative reference and input builder live on the scoring server;
editing this copy changes nothing except your own understanding.
"""

import jax, jax.numpy as jnp
import numpy as np

N = 10000
E = 320000
D_IN = 128
HID = 128

def setup_inputs(seed: int = 0) -> dict:
    key = jax.random.key(seed)
    k1, k2, k3, k4, k5, k6 = jax.random.split(key, 6)
    x = jax.random.normal(k1, (N, D_IN), dtype=jnp.float32)
    edge_index = jax.random.randint(k2, (2, E), 0, N, dtype=jnp.int64)
    s1 = (6.0 / (D_IN + HID)) ** 0.5
    s2 = (6.0 / (HID + HID)) ** 0.5
    W1 = jax.random.uniform(k3, (D_IN, HID), dtype=jnp.float32, minval=-s1, maxval=s1)
    b1 = jnp.zeros((HID,), dtype=jnp.float32)
    W2 = jax.random.uniform(k4, (HID, HID), dtype=jnp.float32, minval=-s2, maxval=s2)
    b2 = jnp.zeros((HID,), dtype=jnp.float32)
    return {"x": x, "edge_index": edge_index, "W1": W1, "b1": b1, "W2": W2, "b2": b2}

def _gcn_conv(x, src, dst, W, b, n_nodes):
    # GCN normalization with self loops: D^{-1/2} (A+I) D^{-1/2} X W + b
    deg = jnp.zeros((n_nodes,), dtype=x.dtype).at[dst].add(1.0)
    deg_inv_sqrt = jnp.where(deg > 0, deg ** -0.5, 0.0)
    norm = deg_inv_sqrt[src] * deg_inv_sqrt[dst]
    h = x @ W
    msg = h[src] * norm[:, None]
    out = jnp.zeros((n_nodes, W.shape[1]), dtype=x.dtype).at[dst].add(msg)
    return out + b

def reference(x, edge_index, W1, b1, W2, b2):
    n_nodes = x.shape[0]
    loop = jnp.arange(n_nodes, dtype=edge_index.dtype)
    src = jnp.concatenate([edge_index[0], loop])
    dst = jnp.concatenate([edge_index[1], loop])
    h = jax.nn.relu(_gcn_conv(x, src, dst, W1, b1, n_nodes))
    h = jax.nn.relu(_gcn_conv(h, src, dst, W2, b2, n_nodes))
    return h

if __name__ == "__main__":
    import jax
    _d = setup_inputs()
    print(jax.jit(kernel)(*tuple(_d.values())))

</pallas_src>

<mosaic_0001>
#map = affine_map<(d0, d1) -> (0, 0)>
#map1 = affine_map<(d0, d1) -> (0)>
module attributes {stable_mosaic.version = 14 : i64} {
  func.func @_deg_body(%arg0: i32, %arg1: i32, %arg2: memref<2560x128xi32, #tpu.memory_space<hbm>>, %arg3: memref<20480xf32, #tpu.memory_space<hbm>>, %arg4: memref<80x128xi32, #tpu.memory_space<vmem>>, %arg5: memref<128xf32, #tpu.memory_space<vmem>>, %arg6: memref<640xf32, #tpu.memory_space<vmem>>, %arg7: memref<10240xf32, #tpu.memory_space<vmem_shared>>, %arg8: memref<!tpu.dma_semaphore, #tpu.memory_space<semaphore_mem>>) attributes {dimension_semantics = [#tpu.dimension_semantics<core_parallel>, #tpu.dimension_semantics<subcore_parallel>], iteration_bounds = array<i64: 2, 16>, scalar_prefetch = 0 : i64, scratch_operands = 5 : i64, tpu.core_type = #tpu.core_type<sc_vector_subcore>, window_params = [{transform_indices = #map}, {transform_indices = #map1}]} {
    %mul3A = arith.constant 16 : i32
    %mul3A_0 = arith.muli %arg0, %mul3A : i32
    %add3A = arith.addi %mul3A_0, %arg1 : i32
    %mul3A_1 = arith.constant 80 : i32
    %mul3A_2 = arith.muli %add3A, %mul3A_1 : i32
    "tpu.region"() ({
      %run_scoped3A = tpu.sem_alloc : memref<!tpu.dma_semaphore, #tpu.memory_space<semaphore_mem>>
      %dma_start3A = arith.constant 0 : i32
      %dma_start3A_36 = tpu.memref_slice %arg2[%mul3A_2, %dma_start3A] : memref<2560x128xi32, #tpu.memory_space<hbm>> -> memref<80x128xi32, #tpu.memory_space<hbm>>
      %dma_start3A_37 = arith.constant 0 : i32
      %dma_start3A_38 = tpu.memref_slice %arg2[%mul3A_2, %dma_start3A_37] : memref<2560x128xi32, #tpu.memory_space<hbm>> -> memref<80x128xi32, #tpu.memory_space<hbm>>
      tpu.enqueue_dma source(%dma_start3A_38 : memref<80x128xi32, #tpu.memory_space<hbm>>) target(%arg4 : memref<80x128xi32, #tpu.memory_space<vmem>>) target_semaphore(%run_scoped3A : memref<!tpu.dma_semaphore, #tpu.memory_space<semaphore_mem>>)
      %dma_wait3A = arith.constant 0 : i32
      %dma_wait3A_39 = tpu.memref_slice %arg2[%mul3A_2, %dma_wait3A] : memref<2560x128xi32, #tpu.memory_space<hbm>> -> memref<80x128xi32, #tpu.memory_space<hbm>>
      %dma_wait3A_40 = arith.constant 0 : i32
      %dma_wait3A_41 = tpu.memref_slice %arg2[%mul3A_2, %dma_wait3A_40] : memref<2560x128xi32, #tpu.memory_space<hbm>> -> memref<80x128xi32, #tpu.memory_space<hbm>>
      tpu.wait_dma2 semaphore(%run_scoped3A : memref<!tpu.dma_semaphore, #tpu.memory_space<semaphore_mem>>) src(%dma_wait3A_41 : memref<80x128xi32, #tpu.memory_space<hbm>>) dst(%arg4 : memref<80x128xi32, #tpu.memory_space<vmem>>)
      tpu.yield
    }) : () -> ()
    %broadcast_in_dim3A = arith.constant 1.000000e+00 : f32
    %broadcast_in_dim3A_3 = vector.broadcast %broadcast_in_dim3A : f32 to vector<16xf32>
    %broadcast_in_dim3A_4 = arith.constant 0.000000e+00 : f32
    %broadcast_in_dim3A_5 = vector.broadcast %broadcast_in_dim3A_4 : f32 to vector<16xf32>
    %scan3A = arith.constant 0 : i32
    %scan3A_6 = arith.constant 0 : i32
    %scan3A_7 = arith.constant 8 : i32
    %scan3A_8 = arith.addi %scan3A_6, %scan3A_7 : i32
    %scan3A_9 = arith.constant 1 : i32
    %scan3A_10 = scf.for %scan3A_36 = %scan3A_6 to %scan3A_8 step %scan3A_9 iter_args(%scan3A_37 = %scan3A) -> (i32)  : i32 {
      %mul3A_38 = arith.constant 16 : i32
      %mul3A_39 = arith.muli %scan3A_36, %mul3A_38 : i32
      %swap3A = arith.index_cast %mul3A_39 : i32 to index
      %swap3A_40 = tpu.vector_load %arg5[%swap3A] {strides = array<i32>} : memref<128xf32, #tpu.memory_space<vmem>>, vector<16xf32>,
      %swap3A_41 = vector.shape_cast %swap3A_40 : vector<16xf32> to vector<16xf32>
      %swap3A_42 = vector.shape_cast %broadcast_in_dim3A_3 : vector<16xf32> to vector<16xf32>
      tpu.vector_store %arg5[%swap3A], %swap3A_42 {strides = array<i32>} : memref<128xf32, #tpu.memory_space<vmem>>, vector<16xf32>,
      %scan3A_43 = arith.constant 0 : i32
      scf.yield %scan3A_43 : i32
    }
    %scan3A_11 = arith.constant 8 : i32
    %scan3A_12 = arith.constant 0 : i32
    %scan3A_13 = arith.constant 0 : i32
    %scan3A_14 = arith.constant 40 : i32
    %scan3A_15 = arith.addi %scan3A_13, %scan3A_14 : i32
    %scan3A_16 = arith.constant 1 : i32
    %scan3A_17 = scf.for %scan3A_36 = %scan3A_13 to %scan3A_15 step %scan3A_16 iter_args(%scan3A_37 = %scan3A_12) -> (i32)  : i32 {
      %mul3A_38 = arith.constant 16 : i32
      %mul3A_39 = arith.muli %scan3A_36, %mul3A_38 : i32
      %swap3A = arith.index_cast %mul3A_39 : i32 to index
      %swap3A_40 = tpu.vector_load %arg6[%swap3A] {strides = array<i32>} : memref<640xf32, #tpu.memory_space<vmem>>, vector<16xf32>,
      %swap3A_41 = vector.shape_cast %swap3A_40 : vector<16xf32> to vector<16xf32>
      %swap3A_42 = vector.shape_cast %broadcast_in_dim3A_5 : vector<16xf32> to vector<16xf32>
      tpu.vector_store %arg6[%swap3A], %swap3A_42 {strides = array<i32>} : memref<640xf32, #tpu.memory_space<vmem>>, vector<16xf32>,
      %scan3A_43 = arith.constant 0 : i32
      scf.yield %scan3A_43 : i32
    }
    %scan3A_18 = arith.constant 40 : i32
    %mul3A_19 = arith.constant 640 : i32
    %mul3A_20 = arith.muli %arg1, %mul3A_19 : i32
    "tpu.region"() ({
      %run_scoped3A = tpu.sem_alloc : memref<!tpu.dma_semaphore, #tpu.memory_space<semaphore_mem>>
      %dma_start3A = arith.constant 0 : i32
      %dma_start3A_36 = tpu.memref_slice %arg6[%dma_start3A] : memref<640xf32, #tpu.memory_space<vmem>> -> memref<640xf32, #tpu.memory_space<vmem>>
      %dma_start3A_37 = tpu.memref_slice %arg7[%mul3A_20] : memref<10240xf32, #tpu.memory_space<vmem_shared>> -> memref<640xf32, #tpu.memory_space<vmem_shared>>
      %dma_start3A_38 = tpu.memref_slice %arg7[%mul3A_20] : memref<10240xf32, #tpu.memory_space<vmem_shared>> -> memref<640xf32, #tpu.memory_space<vmem_shared>>
      %dma_start3A_39 = arith.constant 0 : i32
      %dma_start3A_40 = tpu.memref_slice %arg6[%dma_start3A_39] : memref<640xf32, #tpu.memory_space<vmem>> -> memref<640xf32, #tpu.memory_space<vmem>>
      tpu.enqueue_dma source(%dma_start3A_40 : memref<640xf32, #tpu.memory_space<vmem>>) target(%dma_start3A_38 : memref<640xf32, #tpu.memory_space<vmem_shared>>) target_semaphore(%run_scoped3A : memref<!tpu.dma_semaphore, #tpu.memory_space<semaphore_mem>>)
      %dma_wait3A = arith.constant 0 : i32
      %dma_wait3A_41 = tpu.memref_slice %arg6[%dma_wait3A] : memref<640xf32, #tpu.memory_space<vmem>> -> memref<640xf32, #tpu.memory_space<vmem>>
      %dma_wait3A_42 = tpu.memref_slice %arg7[%mul3A_20] : memref<10240xf32, #tpu.memory_space<vmem_shared>> -> memref<640xf32, #tpu.memory_space<vmem_shared>>
      %dma_wait3A_43 = tpu.memref_slice %arg7[%mul3A_20] : memref<10240xf32, #tpu.memory_space<vmem_shared>> -> memref<640xf32, #tpu.memory_space<vmem_shared>>
      %dma_wait3A_44 = arith.constant 0 : i32
      %dma_wait3A_45 = tpu.memref_slice %arg6[%dma_wait3A_44] : memref<640xf32, #tpu.memory_space<vmem>> -> memref<640xf32, #tpu.memory_space<vmem>>
      tpu.wait_dma2 semaphore(%run_scoped3A : memref<!tpu.dma_semaphore, #tpu.memory_space<semaphore_mem>>) src(%dma_wait3A_45 : memref<640xf32, #tpu.memory_space<vmem>>) dst(%dma_wait3A_43 : memref<640xf32, #tpu.memory_space<vmem_shared>>)
      tpu.yield
    }) : () -> ()
    %barrier3A = arith.constant 0 : index
    tpu.barrier barrier_id(%barrier3A)
    %scan3A_21 = arith.constant 0 : i32
    %scan3A_22 = arith.constant 0 : i32
    %scan3A_23 = arith.constant 80 : i32
    %scan3A_24 = arith.addi %scan3A_22, %scan3A_23 : i32
    %scan3A_25 = arith.constant 1 : i32
    %scan3A_26 = scf.for %scan3A_36 = %scan3A_22 to %scan3A_24 step %scan3A_25 iter_args(%scan3A_37 = %scan3A_21) -> (i32)  : i32 {
      "tpu.region"() ({
        %run_scoped3A = tpu.sem_alloc : memref<!tpu.dma_semaphore, #tpu.memory_space<semaphore_mem>>
        %dma_start3A = arith.constant 0 : i32
        %dma_start3A_39 = tpu.memref_slice %arg4[%scan3A_36, %dma_start3A] : memref<80x128xi32, #tpu.memory_space<vmem>> -> memref<1x128xi32, #tpu.memory_space<vmem>>
        %dma_start3A_40 = tpu.memref_squeeze %dma_start3A_39 : memref<1x128xi32, #tpu.memory_space<vmem>> -> memref<128xi32, #tpu.memory_space<vmem>>
        %dma_start3A_41 = arith.constant 0 : i32
        %dma_start3A_42 = tpu.memref_slice %arg7[%dma_start3A_41] : memref<10240xf32, #tpu.memory_space<vmem_shared>> -> memref<10240xf32, #tpu.memory_space<vmem_shared>>
        tpu.enqueue_indirect_dma source(%arg5 : memref<128xf32, #tpu.memory_space<vmem>>) target(%dma_start3A_42 : memref<10240xf32, #tpu.memory_space<vmem_shared>>) offsets(%dma_start3A_40 : memref<128xi32, #tpu.memory_space<vmem>>) semaphore(%run_scoped3A : memref<!tpu.dma_semaphore, #tpu.memory_space<semaphore_mem>>) {add = true}
        %dma_wait3A = arith.constant 0 : i32
        %dma_wait3A_43 = tpu.memref_slice %arg4[%scan3A_36, %dma_wait3A] : memref<80x128xi32, #tpu.memory_space<vmem>> -> memref<1x128xi32, #tpu.memory_space<vmem>>
        %dma_wait3A_44 = tpu.memref_squeeze %dma_wait3A_43 : memref<1x128xi32, #tpu.memory_space<vmem>> -> memref<128xi32, #tpu.memory_space<vmem>>
        %dma_wait3A_45 = arith.constant 0 : i32
        %dma_wait3A_46 = tpu.memref_slice %arg7[%dma_wait3A_45] : memref<10240xf32, #tpu.memory_space<vmem_shared>> -> memref<10240xf32, #tpu.memory_space<vmem_shared>>
        tpu.wait_indirect_dma semaphore(%run_scoped3A : memref<!tpu.dma_semaphore, #tpu.memory_space<semaphore_mem>>) src(%arg5 : memref<128xf32, #tpu.memory_space<vmem>>) dst(%dma_wait3A_46 : memref<10240xf32, #tpu.memory_space<vmem_shared>>)
        tpu.yield
      }) : () -> ()
      %scan3A_38 = arith.constant 0 : i32
      scf.yield %scan3A_38 : i32
    }
    %scan3A_27 = arith.constant 80 : i32
    %barrier3A_28 = arith.constant 0 : index
    tpu.barrier barrier_id(%barrier3A_28)
    %mul3A_29 = arith.constant 640 : i32
    %mul3A_30 = arith.muli %arg1, %mul3A_29 : i32
    %mul3A_31 = arith.constant 10240 : i32
    %mul3A_32 = arith.muli %arg0, %mul3A_31 : i32
    %mul3A_33 = arith.constant 640 : i32
    %mul3A_34 = arith.muli %arg1, %mul3A_33 : i32
    %add3A_35 = arith.addi %mul3A_32, %mul3A_34 : i32
    "tpu.region"() ({
      %run_scoped3A = tpu.sem_alloc : memref<!tpu.dma_semaphore, #tpu.memory_space<semaphore_mem>>
      %dma_start3A = tpu.memref_slice %arg3[%add3A_35] : memref<20480xf32, #tpu.memory_space<hbm>> -> memref<640xf32, #tpu.memory_space<hbm>>
      %dma_start3A_36 = tpu.memref_slice %arg7[%mul3A_30] : memref<10240xf32, #tpu.memory_space<vmem_shared>> -> memref<640xf32, #tpu.memory_space<vmem_shared>>
      tpu.enqueue_dma source(%dma_start3A_36 : memref<640xf32, #tpu.memory_space<vmem_shared>>) target(%dma_start3A : memref<640xf32, #tpu.memory_space<hbm>>) target_semaphore(%run_scoped3A : memref<!tpu.dma_semaphore, #tpu.memory_space<semaphore_mem>>)
      %dma_wait3A = tpu.memref_slice %arg3[%add3A_35] : memref<20480xf32, #tpu.memory_space<hbm>> -> memref<640xf32, #tpu.memory_space<hbm>>
      %dma_wait3A_37 = tpu.memref_slice %arg7[%mul3A_30] : memref<10240xf32, #tpu.memory_space<vmem_shared>> -> memref<640xf32, #tpu.memory_space<vmem_shared>>
      tpu.wait_dma2 semaphore(%run_scoped3A : memref<!tpu.dma_semaphore, #tpu.memory_space<semaphore_mem>>) src(%dma_wait3A_37 : memref<640xf32, #tpu.memory_space<vmem_shared>>) dst(%dma_wait3A : memref<640xf32, #tpu.memory_space<hbm>>)
      tpu.yield
    }) : () -> ()
    return
  }
}

#map = affine_map<(d0, d1) -> (0, 0)>
module attributes {stable_mosaic.version = 14 : i64} {
  func.func @_agg_body(%arg0: i32, %arg1: i32, %arg2: memref<10000x128xf32, #tpu.memory_space<hbm>>, %arg3: memref<2568x128xi32, #tpu.memory_space<hbm>>, %arg4: memref<2560x128xi32, #tpu.memory_space<hbm>>, %arg5: memref<20224x128xf32, #tpu.memory_space<hbm>>, %arg6: memref<3x128xi32, #tpu.memory_space<vmem>>, %arg7: memref<3x128xi32, #tpu.memory_space<vmem>>, %arg8: memref<3x128x128xf32, #tpu.memory_space<vmem>>, %arg9: memref<10112x128xf32, #tpu.memory_space<vmem_shared>>, %arg10: memref<!tpu.dma_semaphore, #tpu.memory_space<semaphore_mem>>, %arg11: memref<!tpu.dma_semaphore, #tpu.memory_space<semaphore_mem>>, %arg12: memref<!tpu.dma_semaphore, #tpu.memory_space<semaphore_mem>>, %arg13: memref<!tpu.dma_semaphore, #tpu.memory_space<semaphore_mem>>, %arg14: memref<!tpu.dma_semaphore, #tpu.memory_space<semaphore_mem>>, %arg15: memref<!tpu.dma_semaphore, #tpu.memory_space<semaphore_mem>>, %arg16: memref<!tpu.dma_semaphore, #tpu.memory_space<semaphore_mem>>, %arg17: memref<!tpu.dma_semaphore, #tpu.memory_space<semaphore_mem>>, %arg18: memref<!tpu.dma_semaphore, #tpu.memory_space<semaphore_mem>>, %arg19: memref<!tpu.dma_semaphore, #tpu.memory_space<semaphore_mem>>, %arg20: memref<!tpu.dma_semaphore, #tpu.memory_space<semaphore_mem>>, %arg21: memref<!tpu.dma_semaphore, #tpu.memory_space<semaphore_mem>>) attributes {dimension_semantics = [#tpu.dimension_semantics<core_parallel>, #tpu.dimension_semantics<subcore_parallel>], iteration_bounds = array<i64: 2, 16>, scalar_prefetch = 0 : i64, scratch_operands = 16 : i64, tpu.core_type = #tpu.core_type<sc_vector_subcore>, window_params = [{transform_indices = #map}, {transform_indices = #map}, {transform_indices = #map}, {transform_indices = #map}]} {
    %mul3A = arith.constant 16 : i32
    %mul3A_0 = arith.muli %arg0, %mul3A : i32
    %add3A = arith.addi %mul3A_0, %arg1 : i32
    %mul3A_1 = arith.constant 80 : i32
    %mul3A_2 = arith.muli %add3A, %mul3A_1 : i32
    %broadcast_in_dim3A = arith.constant 0.000000e+00 : f32
    %broadcast_in_dim3A_3 = vector.broadcast %broadcast_in_dim3A : f32 to vector<16xf32>
    %scan3A = arith.constant 0 : i32
    %scan3A_4 = arith.constant 0 : i32
    %scan3A_5 = arith.constant 128 : i32
    %scan3A_6 = arith.addi %scan3A_4, %scan3A_5 : i32
    %scan3A_7 = arith.constant 1 : i32
    %scan3A_8 = scf.for %scan3A_669 = %scan3A_4 to %scan3A_6 step %scan3A_7 iter_args(%scan3A_670 = %scan3A) -> (i32)  : i32 {
      %scan3A_671 = arith.constant 0 : i32
      %scan3A_672 = arith.constant 0 : i32
      %scan3A_673 = arith.constant 8 : i32
      %scan3A_674 = arith.addi %scan3A_672, %scan3A_673 : i32
      %scan3A_675 = arith.constant 1 : i32
      %scan3A_676 = scf.for %scan3A_679 = %scan3A_672 to %scan3A_674 step %scan3A_675 iter_args(%scan3A_680 = %scan3A_671) -> (i32)  : i32 {
        %mul3A_681 = arith.constant 16 : i32
        %mul3A_682 = arith.muli %scan3A_679, %mul3A_681 : i32
        %swap3A = arith.constant 0 : i32
        %swap3A_683 = arith.index_cast %swap3A : i32 to index
        %swap3A_684 = arith.index_cast %scan3A_669 : i32 to index
        %swap3A_685 = arith.index_cast %mul3A_682 : i32 to index
        %swap3A_686 = tpu.vector_load %arg8[%swap3A_683, %swap3A_684, %swap3A_685] {strides = array<i32>} : memref<3x128x128xf32, #tpu.memory_space<vmem>>, vector<1x1x16xf32>,
        %swap3A_687 = vector.shape_cast %swap3A_686 : vector<1x1x16xf32> to vector<16xf32>
        %swap3A_688 = vector.shape_cast %broadcast_in_dim3A_3 : vector<16xf32> to vector<1x1x16xf32>
        tpu.vector_store %arg8[%swap3A_683, %swap3A_684, %swap3A_685], %swap3A_688 {strides = array<i32>} : memref<3x128x128xf32, #tpu.memory_space<vmem>>, vector<1x1x16xf32>,
        %scan3A_689 = arith.constant 0 : i32
        scf.yield %scan3A_689 : i32
      }
      %scan3A_677 = arith.constant 8 : i32
      %scan3A_678 = arith.constant 0 : i32
      scf.yield %scan3A_678 : i32
    }
    %scan3A_9 = arith.constant 128 : i32
    %mul3A_10 = arith.constant 632 : i32
    %mul3A_11 = arith.muli %arg1, %mul3A_10 : i32
    %add3A_12 = arith.constant 0 : i32
    %add3A_13 = arith.addi %mul3A_11, %add3A_12 : i32
    %run_scoped3A = arith.constant 0 : i32
    "tpu.region"() ({
      %run_scoped3A_669 = tpu.sem_alloc : memref<!tpu.dma_semaphore, #tpu.memory_space<semaphore_mem>>
      %dma_start3A_670 = arith.constant 0 : i32
      %dma_start3A_671 = arith.constant 0 : i32
      %dma_start3A_672 = tpu.memref_slice %arg8[%run_scoped3A, %dma_start3A_670, %dma_start3A_671] : memref<3x128x128xf32, #tpu.memory_space<vmem>> -> memref<1x128x128xf32, #tpu.memory_space<vmem>>
      %dma_start3A_673 = tpu.memref_squeeze %dma_start3A_672 : memref<1x128x128xf32, #tpu.memory_space<vmem>> -> memref<128x128xf32, #tpu.memory_space<vmem>>
      %dma_start3A_674 = arith.constant 0 : i32
      %dma_start3A_675 = tpu.memref_slice %arg9[%add3A_13, %dma_start3A_674] : memref<10112x128xf32, #tpu.memory_space<vmem_shared>> -> memref<128x128xf32, #tpu.memory_space<vmem_shared>>
      %dma_start3A_676 = arith.constant 0 : i32
      %dma_start3A_677 = tpu.memref_slice %arg9[%add3A_13, %dma_start3A_676] : memref<10112x128xf32, #tpu.memory_space<vmem_shared>> -> memref<128x128xf32, #tpu.memory_space<vmem_shared>>
      %dma_start3A_678 = arith.constant 0 : i32
      %dma_start3A_679 = arith.constant 0 : i32
      %dma_start3A_680 = tpu.memref_slice %arg8[%run_scoped3A, %dma_start3A_678, %dma_start3A_679] : memref<3x128x128xf32, #tpu.memory_space<vmem>> -> memref<1x128x128xf32, #tpu.memory_space<vmem>>
      %dma_start3A_681 = tpu.memref_squeeze %dma_start3A_680 : memref<1x128x128xf32, #tpu.memory_space<vmem>> -> memref<128x128xf32, #tpu.memory_space<vmem>>
      tpu.enqueue_dma source(%dma_start3A_681 : memref<128x128xf32, #tpu.memory_space<vmem>>) target(%dma_start3A_677 : memref<128x128xf32, #tpu.memory_space<vmem_shared>>) target_semaphore(%run_scoped3A_669 : memref<!tpu.dma_semaphore, #tpu.memory_space<semaphore_mem>>)
      %dma_wait3A_682 = arith.constant 0 : i32
      %dma_wait3A_683 = arith.constant 0 : i32
      %dma_wait3A_684 = tpu.memref_slice %arg8[%run_scoped3A, %dma_wait3A_682, %dma_wait3A_683] : memref<3x128x128xf32, #tpu.memory_space<vmem>> -> memref<1x128x128xf32, #tpu.memory_space<vmem>>
      %dma_wait3A_685 = tpu.memref_squeeze %dma_wait3A_684 : memref<1x128x128xf32, #tpu.memory_space<vmem>> -> memref<128x128xf32, #tpu.memory_space<vmem>>
      %dma_wait3A_686 = arith.constant 0 : i32
      %dma_wait3A_687 = tpu.memref_slice %arg9[%add3A_13, %dma_wait3A_686] : memref<10112x128xf32, #tpu.memory_space<vmem_shared>> -> memref<128x128xf32, #tpu.memory_space<vmem_shared>>
      %dma_wait3A_688 = arith.constant 0 : i32
      %dma_wait3A_689 = tpu.memref_slice %arg9[%add3A_13, %dma_wait3A_688] : memref<10112x128xf32, #tpu.memory_space<vmem_shared>> -> memref<128x128xf32, #tpu.memory_space<vmem_shared>>
      %dma_wait3A_690 = arith.constant 0 : i32
      %dma_wait3A_691 = arith.constant 0 : i32
      %dma_wait3A_692 = tpu.memref_slice %arg8[%run_scoped3A, %dma_wait3A_690, %dma_wait3A_691] : memref<3x128x128xf32, #tpu.memory_space<vmem>> -> memref<1x128x128xf32, #tpu.memory_space<vmem>>
      %dma_wait3A_693 = tpu.memref_squeeze %dma_wait3A_692 : memref<1x128x128xf32, #tpu.memory_space<vmem>> -> memref<128x128xf32, #tpu.memory_space<vmem>>
      tpu.wait_dma2 semaphore(%run_scoped3A_669 : memref<!tpu.dma_semaphore, #tpu.memory_space<semaphore_mem>>) src(%dma_wait3A_693 : memref<128x128xf32, #tpu.memory_space<vmem>>) dst(%dma_wait3A_689 : memref<128x128xf32, #tpu.memory_space<vmem_shared>>)
      tpu.yield
    }) : () -> ()
    %mul3A_14 = arith.constant 632 : i32
    %mul3A_15 = arith.muli %arg1, %mul3A_14 : i32
    %add3A_16 = arith.constant 128 : i32
    %add3A_17 = arith.addi %mul3A_15, %add3A_16 : i32
    %run_scoped3A_18 = arith.constant 0 : i32
    "tpu.region"() ({
      %run_scoped3A_669 = tpu.sem_alloc : memref<!tpu.dma_semaphore, #tpu.memory_space<semaphore_mem>>
      %dma_start3A_670 = arith.constant 0 : i32
      %dma_start3A_671 = arith.constant 0 : i32
      %dma_start3A_672 = tpu.memref_slice %arg8[%run_scoped3A_18, %dma_start3A_670, %dma_start3A_671] : memref<3x128x128xf32, #tpu.memory_space<vmem>> -> memref<1x128x128xf32, #tpu.memory_space<vmem>>
      %dma_start3A_673 = tpu.memref_squeeze %dma_start3A_672 : memref<1x128x128xf32, #tpu.memory_space<vmem>> -> memref<128x128xf32, #tpu.memory_space<vmem>>
      %dma_start3A_674 = arith.constant 0 : i32
      %dma_start3A_675 = tpu.memref_slice %arg9[%add3A_17, %dma_start3A_674] : memref<10112x128xf32, #tpu.memory_space<vmem_shared>> -> memref<128x128xf32, #tpu.memory_space<vmem_shared>>
      %dma_start3A_676 = arith.constant 0 : i32
      %dma_start3A_677 = tpu.memref_slice %arg9[%add3A_17, %dma_start3A_676] : memref<10112x128xf32, #tpu.memory_space<vmem_shared>> -> memref<128x128xf32, #tpu.memory_space<vmem_shared>>
      %dma_start3A_678 = arith.constant 0 : i32
      %dma_start3A_679 = arith.constant 0 : i32
      %dma_start3A_680 = tpu.memref_slice %arg8[%run_scoped3A_18, %dma_start3A_678, %dma_start3A_679] : memref<3x128x128xf32, #tpu.memory_space<vmem>> -> memref<1x128x128xf32, #tpu.memory_space<vmem>>
      %dma_start3A_681 = tpu.memref_squeeze %dma_start3A_680 : memref<1x128x128xf32, #tpu.memory_space<vmem>> -> memref<128x128xf32, #tpu.memory_space<vmem>>
      tpu.enqueue_dma source(%dma_start3A_681 : memref<128x128xf32, #tpu.memory_space<vmem>>) target(%dma_start3A_677 : memref<128x128xf32, #tpu.memory_space<vmem_shared>>) target_semaphore(%run_scoped3A_669 : memref<!tpu.dma_semaphore, #tpu.memory_space<semaphore_mem>>)
      %dma_wait3A_682 = arith.constant 0 : i32
      %dma_wait3A_683 = arith.constant 0 : i32
      %dma_wait3A_684 = tpu.memref_slice %arg8[%run_scoped3A_18, %dma_wait3A_682, %dma_wait3A_683] : memref<3x128x128xf32, #tpu.memory_space<vmem>> -> memref<1x128x128xf32, #tpu.memory_space<vmem>>
      %dma_wait3A_685 = tpu.memref_squeeze %dma_wait3A_684 : memref<1x128x128xf32, #tpu.memory_space<vmem>> -> memref<128x128xf32, #tpu.memory_space<vmem>>
      %dma_wait3A_686 = arith.constant 0 : i32
      %dma_wait3A_687 = tpu.memref_slice %arg9[%add3A_17, %dma_wait3A_686] : memref<10112x128xf32, #tpu.memory_space<vmem_shared>> -> memref<128x128xf32, #tpu.memory_space<vmem_shared>>
      %dma_wait3A_688 = arith.constant 0 : i32
      %dma_wait3A_689 = tpu.memref_slice %arg9[%add3A_17, %dma_wait3A_688] : memref<10112x128xf32, #tpu.memory_space<vmem_shared>> -> memref<128x128xf32, #tpu.memory_space<vmem_shared>>
      %dma_wait3A_690 = arith.constant 0 : i32
      %dma_wait3A_691 = arith.constant 0 : i32
      %dma_wait3A_692 = tpu.memref_slice %arg8[%run_scoped3A_18, %dma_wait3A_690, %dma_wait3A_691] : memref<3x128x128xf32, #tpu.memory_space<vmem>> -> memref<1x128x128xf32, #tpu.memory_space<vmem>>
      %dma_wait3A_693 = tpu.memref_squeeze %dma_wait3A_692 : memref<1x128x128xf32, #tpu.memory_space<vmem>> -> memref<128x128xf32, #tpu.memory_space<vmem>>
      tpu.wait_dma2 semaphore(%run_scoped3A_669 : memref<!tpu.dma_semaphore, #tpu.memory_space<semaphore_mem>>) src(%dma_wait3A_693 : memref<128x128xf32, #tpu.memory_space<vmem>>) dst(%dma_wait3A_689 : memref<128x128xf32, #tpu.memory_space<vmem_shared>>)
      tpu.yield
    }) : () -> ()
    %mul3A_19 = arith.constant 632 : i32
    %mul3A_20 = arith.muli %arg1, %mul3A_19 : i32
    %add3A_21 = arith.constant 256 : i32
    %add3A_22 = arith.addi %mul3A_20, %add3A_21 : i32
    %run_scoped3A_23 = arith.constant 0 : i32
    "tpu.region"() ({
      %run_scoped3A_669 = tpu.sem_alloc : memref<!tpu.dma_semaphore, #tpu.memory_space<semaphore_mem>>
      %dma_start3A_670 = arith.constant 0 : i32
      %dma_start3A_671 = arith.constant 0 : i32
      %dma_start3A_672 = tpu.memref_slice %arg8[%run_scoped3A_23, %dma_start3A_670, %dma_start3A_671] : memref<3x128x128xf32, #tpu.memory_space<vmem>> -> memref<1x128x128xf32, #tpu.memory_space<vmem>>
      %dma_start3A_673 = tpu.memref_squeeze %dma_start3A_672 : memref<1x128x128xf32, #tpu.memory_space<vmem>> -> memref<128x128xf32, #tpu.memory_space<vmem>>
      %dma_start3A_674 = arith.constant 0 : i32
      %dma_start3A_675 = tpu.memref_slice %arg9[%add3A_22, %dma_start3A_674] : memref<10112x128xf32, #tpu.memory_space<vmem_shared>> -> memref<128x128xf32, #tpu.memory_space<vmem_shared>>
      %dma_start3A_676 = arith.constant 0 : i32
      %dma_start3A_677 = tpu.memref_slice %arg9[%add3A_22, %dma_start3A_676] : memref<10112x128xf32, #tpu.memory_space<vmem_shared>> -> memref<128x128xf32, #tpu.memory_space<vmem_shared>>
      %dma_start3A_678 = arith.constant 0 : i32
      %dma_start3A_679 = arith.constant 0 : i32
      %dma_start3A_680 = tpu.memref_slice %arg8[%run_scoped3A_23, %dma_start3A_678, %dma_start3A_679] : memref<3x128x128xf32, #tpu.memory_space<vmem>> -> memref<1x128x128xf32, #tpu.memory_space<vmem>>
      %dma_start3A_681 = tpu.memref_squeeze %dma_start3A_680 : memref<1x128x128xf32, #tpu.memory_space<vmem>> -> memref<128x128xf32, #tpu.memory_space<vmem>>
      tpu.enqueue_dma source(%dma_start3A_681 : memref<128x128xf32, #tpu.memory_space<vmem>>) target(%dma_start3A_677 : memref<128x128xf32, #tpu.memory_space<vmem_shared>>) target_semaphore(%run_scoped3A_669 : memref<!tpu.dma_semaphore, #tpu.memory_space<semaphore_mem>>)
      %dma_wait3A_682 = arith.constant 0 : i32
      %dma_wait3A_683 = arith.constant 0 : i32
      %dma_wait3A_684 = tpu.memref_slice %arg8[%run_scoped3A_23, %dma_wait3A_682, %dma_wait3A_683] : memref<3x128x128xf32, #tpu.memory_space<vmem>> -> memref<1x128x128xf32, #tpu.memory_space<vmem>>
      %dma_wait3A_685 = tpu.memref_squeeze %dma_wait3A_684 : memref<1x128x128xf32, #tpu.memory_space<vmem>> -> memref<128x128xf32, #tpu.memory_space<vmem>>
      %dma_wait3A_686 = arith.constant 0 : i32
      %dma_wait3A_687 = tpu.memref_slice %arg9[%add3A_22, %dma_wait3A_686] : memref<10112x128xf32, #tpu.memory_space<vmem_shared>> -> memref<128x128xf32, #tpu.memory_space<vmem_shared>>
      %dma_wait3A_688 = arith.constant 0 : i32
      %dma_wait3A_689 = tpu.memref_slice %arg9[%add3A_22, %dma_wait3A_688] : memref<10112x128xf32, #tpu.memory_space<vmem_shared>> -> memref<128x128xf32, #tpu.memory_space<vmem_shared>>
      %dma_wait3A_690 = arith.constant 0 : i32
      %dma_wait3A_691 = arith.constant 0 : i32
      %dma_wait3A_692 = tpu.memref_slice %arg8[%run_scoped3A_23, %dma_wait3A_690, %dma_wait3A_691] : memref<3x128x128xf32, #tpu.memory_space<vmem>> -> memref<1x128x128xf32, #tpu.memory_space<vmem>>
      %dma_wait3A_693 = tpu.memref_squeeze %dma_wait3A_692 : memref<1x128x128xf32, #tpu.memory_space<vmem>> -> memref<128x128xf32, #tpu.memory_space<vmem>>
      tpu.wait_dma2 semaphore(%run_scoped3A_669 : memref<!tpu.dma_semaphore, #tpu.memory_space<semaphore_mem>>) src(%dma_wait3A_693 : memref<128x128xf32, #tpu.memory_space<vmem>>) dst(%dma_wait3A_689 : memref<128x128xf32, #tpu.memory_space<vmem_shared>>)
      tpu.yield
    }) : () -> ()
    %mul3A_24 = arith.constant 632 : i32
    %mul3A_25 = arith.muli %arg1, %mul3A_24 : i32
    %add3A_26 = arith.constant 384 : i32
    %add3A_27 = arith.addi %mul3A_25, %add3A_26 : i32
    %run_scoped3A_28 = arith.constant 0 : i32
    "tpu.region"() ({
      %run_scoped3A_669 = tpu.sem_alloc : memref<!tpu.dma_semaphore, #tpu.memory_space<semaphore_mem>>
      %dma_start3A_670 = arith.constant 0 : i32
      %dma_start3A_671 = arith.constant 0 : i32
      %dma_start3A_672 = tpu.memref_slice %arg8[%run_scoped3A_28, %dma_start3A_670, %dma_start3A_671] : memref<3x128x128xf32, #tpu.memory_space<vmem>> -> memref<1x128x128xf32, #tpu.memory_space<vmem>>
      %dma_start3A_673 = tpu.memref_squeeze %dma_start3A_672 : memref<1x128x128xf32, #tpu.memory_space<vmem>> -> memref<128x128xf32, #tpu.memory_space<vmem>>
      %dma_start3A_674 = arith.constant 0 : i32
      %dma_start3A_675 = tpu.memref_slice %arg9[%add3A_27, %dma_start3A_674] : memref<10112x128xf32, #tpu.memory_space<vmem_shared>> -> memref<128x128xf32, #tpu.memory_space<vmem_shared>>
      %dma_start3A_676 = arith.constant 0 : i32
      %dma_start3A_677 = tpu.memref_slice %arg9[%add3A_27, %dma_start3A_676] : memref<10112x128xf32, #tpu.memory_space<vmem_shared>> -> memref<128x128xf32, #tpu.memory_space<vmem_shared>>
      %dma_start3A_678 = arith.constant 0 : i32
      %dma_start3A_679 = arith.constant 0 : i32
      %dma_start3A_680 = tpu.memref_slice %arg8[%run_scoped3A_28, %dma_start3A_678, %dma_start3A_679] : memref<3x128x128xf32, #tpu.memory_space<vmem>> -> memref<1x128x128xf32, #tpu.memory_space<vmem>>
      %dma_start3A_681 = tpu.memref_squeeze %dma_start3A_680 : memref<1x128x128xf32, #tpu.memory_space<vmem>> -> memref<128x128xf32, #tpu.memory_space<vmem>>
      tpu.enqueue_dma source(%dma_start3A_681 : memref<128x128xf32, #tpu.memory_space<vmem>>) target(%dma_start3A_677 : memref<128x128xf32, #tpu.memory_space<vmem_shared>>) target_semaphore(%run_scoped3A_669 : memref<!tpu.dma_semaphore, #tpu.memory_space<semaphore_mem>>)
      %dma_wait3A_682 = arith.constant 0 : i32
      %dma_wait3A_683 = arith.constant 0 : i32
      %dma_wait3A_684 = tpu.memref_slice %arg8[%run_scoped3A_28, %dma_wait3A_682, %dma_wait3A_683] : memref<3x128x128xf32, #tpu.memory_space<vmem>> -> memref<1x128x128xf32, #tpu.memory_space<vmem>>
      %dma_wait3A_685 = tpu.memref_squeeze %dma_wait3A_684 : memref<1x128x128xf32, #tpu.memory_space<vmem>> -> memref<128x128xf32, #tpu.memory_space<vmem>>
      %dma_wait3A_686 = arith.constant 0 : i32
      %dma_wait3A_687 = tpu.memref_slice %arg9[%add3A_27, %dma_wait3A_686] : memref<10112x128xf32, #tpu.memory_space<vmem_shared>> -> memref<128x128xf32, #tpu.memory_space<vmem_shared>>
      %dma_wait3A_688 = arith.constant 0 : i32
      %dma_wait3A_689 = tpu.memref_slice %arg9[%add3A_27, %dma_wait3A_688] : memref<10112x128xf32, #tpu.memory_space<vmem_shared>> -> memref<128x128xf32, #tpu.memory_space<vmem_shared>>
      %dma_wait3A_690 = arith.constant 0 : i32
      %dma_wait3A_691 = arith.constant 0 : i32
      %dma_wait3A_692 = tpu.memref_slice %arg8[%run_scoped3A_28, %dma_wait3A_690, %dma_wait3A_691] : memref<3x128x128xf32, #tpu.memory_space<vmem>> -> memref<1x128x128xf32, #tpu.memory_space<vmem>>
      %dma_wait3A_693 = tpu.memref_squeeze %dma_wait3A_692 : memref<1x128x128xf32, #tpu.memory_space<vmem>> -> memref<128x128xf32, #tpu.memory_space<vmem>>
      tpu.wait_dma2 semaphore(%run_scoped3A_669 : memref<!tpu.dma_semaphore, #tpu.memory_space<semaphore_mem>>) src(%dma_wait3A_693 : memref<128x128xf32, #tpu.memory_space<vmem>>) dst(%dma_wait3A_689 : memref<128x128xf32, #tpu.memory_space<vmem_shared>>)
      tpu.yield
    }) : () -> ()
    %mul3A_29 = arith.constant 632 : i32
    %mul3A_30 = arith.muli %arg1, %mul3A_29 : i32
    %add3A_31 = arith.constant 512 : i32
    %add3A_32 = arith.addi %mul3A_30, %add3A_31 : i32
    %run_scoped3A_33 = arith.constant 0 : i32
    "tpu.region"() ({
      %run_scoped3A_669 = tpu.sem_alloc : memref<!tpu.dma_semaphore, #tpu.memory_space<semaphore_mem>>
      %dma_start3A_670 = arith.constant 0 : i32
      %dma_start3A_671 = arith.constant 0 : i32
      %dma_start3A_672 = tpu.memref_slice %arg8[%run_scoped3A_33, %dma_start3A_670, %dma_start3A_671] : memref<3x128x128xf32, #tpu.memory_space<vmem>> -> memref<1x120x128xf32, #tpu.memory_space<vmem>>
      %dma_start3A_673 = tpu.memref_squeeze %dma_start3A_672 : memref<1x120x128xf32, #tpu.memory_space<vmem>> -> memref<120x128xf32, #tpu.memory_space<vmem>>
      %dma_start3A_674 = arith.constant 0 : i32
      %dma_start3A_675 = tpu.memref_slice %arg9[%add3A_32, %dma_start3A_674] : memref<10112x128xf32, #tpu.memory_space<vmem_shared>> -> memref<120x128xf32, #tpu.memory_space<vmem_shared>>
      %dma_start3A_676 = arith.constant 0 : i32
      %dma_start3A_677 = tpu.memref_slice %arg9[%add3A_32, %dma_start3A_676] : memref<10112x128xf32, #tpu.memory_space<vmem_shared>> -> memref<120x128xf32, #tpu.memory_space<vmem_shared>>
      %dma_start3A_678 = arith.constant 0 : i32
      %dma_start3A_679 = arith.constant 0 : i32
      %dma_start3A_680 = tpu.memref_slice %arg8[%run_scoped3A_33, %dma_start3A_678, %dma_start3A_679] : memref<3x128x128xf32, #tpu.memory_space<vmem>> -> memref<1x120x128xf32, #tpu.memory_space<vmem>>
      %dma_start3A_681 = tpu.memref_squeeze %dma_start3A_680 : memref<1x120x128xf32, #tpu.memory_space<vmem>> -> memref<120x128xf32, #tpu.memory_space<vmem>>
      tpu.enqueue_dma source(%dma_start3A_681 : memref<120x128xf32, #tpu.memory_space<vmem>>) target(%dma_start3A_677 : memref<120x128xf32, #tpu.memory_space<vmem_shared>>) target_semaphore(%run_scoped3A_669 : memref<!tpu.dma_semaphore, #tpu.memory_space<semaphore_mem>>)
      %dma_wait3A_682 = arith.constant 0 : i32
      %dma_wait3A_683 = arith.constant 0 : i32
      %dma_wait3A_684 = tpu.memref_slice %arg8[%run_scoped3A_33, %dma_wait3A_682, %dma_wait3A_683] : memref<3x128x128xf32, #tpu.memory_space<vmem>> -> memref<1x120x128xf32, #tpu.memory_space<vmem>>
      %dma_wait3A_685 = tpu.memref_squeeze %dma_wait3A_684 : memref<1x120x128xf32, #tpu.memory_space<vmem>> -> memref<120x128xf32, #tpu.memory_space<vmem>>
      %dma_wait3A_686 = arith.constant 0 : i32
      %dma_wait3A_687 = tpu.memref_slice %arg9[%add3A_32, %dma_wait3A_686] : memref<10112x128xf32, #tpu.memory_space<vmem_shared>> -> memref<120x128xf32, #tpu.memory_space<vmem_shared>>
      %dma_wait3A_688 = arith.constant 0 : i32
      %dma_wait3A_689 = tpu.memref_slice %arg9[%add3A_32, %dma_wait3A_688] : memref<10112x128xf32, #tpu.memory_space<vmem_shared>> -> memref<120x128xf32, #tpu.memory_space<vmem_shared>>
      %dma_wait3A_690 = arith.constant 0 : i32
      %dma_wait3A_691 = arith.constant 0 : i32
      %dma_wait3A_692 = tpu.memref_slice %arg8[%run_scoped3A_33, %dma_wait3A_690, %dma_wait3A_691] : memref<3x128x128xf32, #tpu.memory_space<vmem>> -> memref<1x120x128xf32, #tpu.memory_space<vmem>>
      %dma_wait3A_693 = tpu.memref_squeeze %dma_wait3A_692 : memref<1x120x128xf32, #tpu.memory_space<vmem>> -> memref<120x128xf32, #tpu.memory_space<vmem>>
      tpu.wait_dma2 semaphore(%run_scoped3A_669 : memref<!tpu.dma_semaphore, #tpu.memory_space<semaphore_mem>>) src(%dma_wait3A_693 : memref<120x128xf32, #tpu.memory_space<vmem>>) dst(%dma_wait3A_689 : memref<120x128xf32, #tpu.memory_space<vmem_shared>>)
      tpu.yield
    }) : () -> ()
    %barrier3A = arith.constant 0 : index
    tpu.barrier barrier_id(%barrier3A)
    %add3A_34 = arith.constant 0 : i32
    %add3A_35 = arith.addi %mul3A_2, %add3A_34 : i32
    %dma_start3A = arith.constant 0 : i32
    %dma_start3A_36 = arith.constant 0 : i32
    %dma_start3A_37 = tpu.memref_slice %arg6[%dma_start3A, %dma_start3A_36] : memref<3x128xi32, #tpu.memory_space<vmem>> -> memref<1x128xi32, #tpu.memory_space<vmem>>
    %dma_start3A_38 = tpu.memref_squeeze %dma_start3A_37 : memref<1x128xi32, #tpu.memory_space<vmem>> -> memref<128xi32, #tpu.memory_space<vmem>>
    %dma_start3A_39 = arith.constant 0 : i32
    %dma_start3A_40 = tpu.memref_slice %arg3[%add3A_35, %dma_start3A_39] : memref<2568x128xi32, #tpu.memory_space<hbm>> -> memref<1x128xi32, #tpu.memory_space<hbm>>
    %dma_start3A_41 = tpu.memref_squeeze %dma_start3A_40 : memref<1x128xi32, #tpu.memory_space<hbm>> -> memref<128xi32, #tpu.memory_space<hbm>>
    %dma_start3A_42 = arith.constant 0 : i32
    %dma_start3A_43 = tpu.memref_slice %arg6[%dma_start3A, %dma_start3A_42] : memref<3x128xi32, #tpu.memory_space<vmem>> -> memref<1x128xi32, #tpu.memory_space<vmem>>
    %dma_start3A_44 = tpu.memref_squeeze %dma_start3A_43 : memref<1x128xi32, #tpu.memory_space<vmem>> -> memref<128xi32, #tpu.memory_space<vmem>>
    %dma_start3A_45 = arith.constant 0 : i32
    %dma_start3A_46 = tpu.memref_slice %arg3[%add3A_35, %dma_start3A_45] : memref<2568x128xi32, #tpu.memory_space<hbm>> -> memref<1x128xi32, #tpu.memory_space<hbm>>
    %dma_start3A_47 = tpu.memref_squeeze %dma_start3A_46 : memref<1x128xi32, #tpu.memory_space<hbm>> -> memref<128xi32, #tpu.memory_space<hbm>>
    tpu.enqueue_dma source(%dma_start3A_47 : memref<128xi32, #tpu.memory_space<hbm>>) target(%dma_start3A_44 : memref<128xi32, #tpu.memory_space<vmem>>) target_semaphore(%arg10 : memref<!tpu.dma_semaphore, #tpu.memory_space<semaphore_mem>>)
    %add3A_48 = arith.constant 1 : i32
    %add3A_49 = arith.addi %mul3A_2, %add3A_48 : i32
    %dma_start3A_50 = arith.constant 1 : i32
    %dma_start3A_51 = arith.constant 0 : i32
    %dma_start3A_52 = tpu.memref_slice %arg6[%dma_start3A_50, %dma_start3A_51] : memref<3x128xi32, #tpu.memory_space<vmem>> -> memref<1x128xi32, #tpu.memory_space<vmem>>
    %dma_start3A_53 = tpu.memref_squeeze %dma_start3A_52 : memref<1x128xi32, #tpu.memory_space<vmem>> -> memref<128xi32, #tpu.memory_space<vmem>>
    %dma_start3A_54 = arith.constant 0 : i32
    %dma_start3A_55 = tpu.memref_slice %arg3[%add3A_49, %dma_start3A_54] : memref<2568x128xi32, #tpu.memory_space<hbm>> -> memref<1x128xi32, #tpu.memory_space<hbm>>
    %dma_start3A_56 = tpu.memref_squeeze %dma_start3A_55 : memref<1x128xi32, #tpu.memory_space<hbm>> -> memref<128xi32, #tpu.memory_space<hbm>>
    %dma_start3A_57 = arith.constant 0 : i32
    %dma_start3A_58 = tpu.memref_slice %arg6[%dma_start3A_50, %dma_start3A_57] : memref<3x128xi32, #tpu.memory_space<vmem>> -> memref<1x128xi32, #tpu.memory_space<vmem>>
    %dma_start3A_59 = tpu.memref_squeeze %dma_start3A_58 : memref<1x128xi32, #tpu.memory_space<vmem>> -> memref<128xi32, #tpu.memory_space<vmem>>
    %dma_start3A_60 = arith.constant 0 : i32
    %dma_start3A_61 = tpu.memref_slice %arg3[%add3A_49, %dma_start3A_60] : memref<2568x128xi32, #tpu.memory_space<hbm>> -> memref<1x128xi32, #tpu.memory_space<hbm>>
    %dma_start3A_62 = tpu.memref_squeeze %dma_start3A_61 : memref<1x128xi32, #tpu.memory_space<hbm>> -> memref<128xi32, #tpu.memory_space<hbm>>
    tpu.enqueue_dma source(%dma_start3A_62 : memref<128xi32, #tpu.memory_space<hbm>>) target(%dma_start3A_59 : memref<128xi32, #tpu.memory_space<vmem>>) target_semaphore(%arg11 : memref<!tpu.dma_semaphore, #tpu.memory_space<semaphore_mem>>)
    %add3A_63 = arith.constant 2 : i32
    %add3A_64 = arith.addi %mul3A_2, %add3A_63 : i32
    %dma_start3A_65 = arith.constant 2 : i32
    %dma_start3A_66 = arith.constant 0 : i32
    %dma_start3A_67 = tpu.memref_slice %arg6[%dma_start3A_65, %dma_start3A_66] : memref<3x128xi32, #tpu.memory_space<vmem>> -> memref<1x128xi32, #tpu.memory_space<vmem>>
    %dma_start3A_68 = tpu.memref_squeeze %dma_start3A_67 : memref<1x128xi32, #tpu.memory_space<vmem>> -> memref<128xi32, #tpu.memory_space<vmem>>
    %dma_start3A_69 = arith.constant 0 : i32
    %dma_start3A_70 = tpu.memref_slice %arg3[%add3A_64, %dma_start3A_69] : memref<2568x128xi32, #tpu.memory_space<hbm>> -> memref<1x128xi32, #tpu.memory_space<hbm>>
    %dma_start3A_71 = tpu.memref_squeeze %dma_start3A_70 : memref<1x128xi32, #tpu.memory_space<hbm>> -> memref<128xi32, #tpu.memory_space<hbm>>
    %dma_start3A_72 = arith.constant 0 : i32
    %dma_start3A_73 = tpu.memref_slice %arg6[%dma_start3A_65, %dma_start3A_72] : memref<3x128xi32, #tpu.memory_space<vmem>> -> memref<1x128xi32, #tpu.memory_space<vmem>>
    %dma_start3A_74 = tpu.memref_squeeze %dma_start3A_73 : memref<1x128xi32, #tpu.memory_space<vmem>> -> memref<128xi32, #tpu.memory_space<vmem>>
    %dma_start3A_75 = arith.constant 0 : i32
    %dma_start3A_76 = tpu.memref_slice %arg3[%add3A_64, %dma_start3A_75] : memref<2568x128xi32, #tpu.memory_space<hbm>> -> memref<1x128xi32, #tpu.memory_space<hbm>>
    %dma_start3A_77 = tpu.memref_squeeze %dma_start3A_76 : memref<1x128xi32, #tpu.memory_space<hbm>> -> memref<128xi32, #tpu.memory_space<hbm>>
    tpu.enqueue_dma source(%dma_start3A_77 : memref<128xi32, #tpu.memory_space<hbm>>) target(%dma_start3A_74 : memref<128xi32, #tpu.memory_space<vmem>>) target_semaphore(%arg12 : memref<!tpu.dma_semaphore, #tpu.memory_space<semaphore_mem>>)
    %add3A_78 = arith.constant 0 : i32
    %add3A_79 = arith.addi %mul3A_2, %add3A_78 : i32
    %dma_start3A_80 = arith.constant 0 : i32
    %dma_start3A_81 = arith.constant 0 : i32
    %dma_start3A_82 = tpu.memref_slice %arg7[%dma_start3A_80, %dma_start3A_81] : memref<3x128xi32, #tpu.memory_space<vmem>> -> memref<1x128xi32, #tpu.memory_space<vmem>>
    %dma_start3A_83 = tpu.memref_squeeze %dma_start3A_82 : memref<1x128xi32, #tpu.memory_space<vmem>> -> memref<128xi32, #tpu.memory_space<vmem>>
    %dma_start3A_84 = arith.constant 0 : i32
    %dma_start3A_85 = tpu.memref_slice %arg4[%add3A_79, %dma_start3A_84] : memref<2560x128xi32, #tpu.memory_space<hbm>> -> memref<1x128xi32, #tpu.memory_space<hbm>>
    %dma_start3A_86 = tpu.memref_squeeze %dma_start3A_85 : memref<1x128xi32, #tpu.memory_space<hbm>> -> memref<128xi32, #tpu.memory_space<hbm>>
    %dma_start3A_87 = arith.constant 0 : i32
    %dma_start3A_88 = tpu.memref_slice %arg7[%dma_start3A_80, %dma_start3A_87] : memref<3x128xi32, #tpu.memory_space<vmem>> -> memref<1x128xi32, #tpu.memory_space<vmem>>
    %dma_start3A_89 = tpu.memref_squeeze %dma_start3A_88 : memref<1x128xi32, #tpu.memory_space<vmem>> -> memref<128xi32, #tpu.memory_space<vmem>>
    %dma_start3A_90 = arith.constant 0 : i32
    %dma_start3A_91 = tpu.memref_slice %arg4[%add3A_79, %dma_start3A_90] : memref<2560x128xi32, #tpu.memory_space<hbm>> -> memref<1x128xi32, #tpu.memory_space<hbm>>
    %dma_start3A_92 = tpu.memref_squeeze %dma_start3A_91 : memref<1x128xi32, #tpu.memory_space<hbm>> -> memref<128xi32, #tpu.memory_space<hbm>>
    tpu.enqueue_dma source(%dma_start3A_92 : memref<128xi32, #tpu.memory_space<hbm>>) target(%dma_start3A_89 : memref<128xi32, #tpu.memory_space<vmem>>) target_semaphore(%arg13 : memref<!tpu.dma_semaphore, #tpu.memory_space<semaphore_mem>>)
    %add3A_93 = arith.constant 1 : i32
    %add3A_94 = arith.addi %mul3A_2, %add3A_93 : i32
    %dma_start3A_95 = arith.constant 1 : i32
    %dma_start3A_96 = arith.constant 0 : i32
    %dma_start3A_97 = tpu.memref_slice %arg7[%dma_start3A_95, %dma_start3A_96] : memref<3x128xi32, #tpu.memory_space<vmem>> -> memref<1x128xi32, #tpu.memory_space<vmem>>
    %dma_start3A_98 = tpu.memref_squeeze %dma_start3A_97 : memref<1x128xi32, #tpu.memory_space<vmem>> -> memref<128xi32, #tpu.memory_space<vmem>>
    %dma_start3A_99 = arith.constant 0 : i32
    %dma_start3A_100 = tpu.memref_slice %arg4[%add3A_94, %dma_start3A_99] : memref<2560x128xi32, #tpu.memory_space<hbm>> -> memref<1x128xi32, #tpu.memory_space<hbm>>
    %dma_start3A_101 = tpu.memref_squeeze %dma_start3A_100 : memref<1x128xi32, #tpu.memory_space<hbm>> -> memref<128xi32, #tpu.memory_space<hbm>>
    %dma_start3A_102 = arith.constant 0 : i32
    %dma_start3A_103 = tpu.memref_slice %arg7[%dma_start3A_95, %dma_start3A_102] : memref<3x128xi32, #tpu.memory_space<vmem>> -> memref<1x128xi32, #tpu.memory_space<vmem>>
    %dma_start3A_104 = tpu.memref_squeeze %dma_start3A_103 : memref<1x128xi32, #tpu.memory_space<vmem>> -> memref<128xi32, #tpu.memory_space<vmem>>
    %dma_start3A_105 = arith.constant 0 : i32
    %dma_start3A_106 = tpu.memref_slice %arg4[%add3A_94, %dma_start3A_105] : memref<2560x128xi32, #tpu.memory_space<hbm>> -> memref<1x128xi32, #tpu.memory_space<hbm>>
    %dma_start3A_107 = tpu.memref_squeeze %dma_start3A_106 : memref<1x128xi32, #tpu.memory_space<hbm>> -> memref<128xi32, #tpu.memory_space<hbm>>
    tpu.enqueue_dma source(%dma_start3A_107 : memref<128xi32, #tpu.memory_space<hbm>>) target(%dma_start3A_104 : memref<128xi32, #tpu.memory_space<vmem>>) target_semaphore(%arg14 : memref<!tpu.dma_semaphore, #tpu.memory_space<semaphore_mem>>)
    %dma_wait3A = arith.constant 0 : i32
    %dma_wait3A_108 = arith.constant 0 : i32
    %dma_wait3A_109 = arith.constant 0 : i32
    %dma_wait3A_110 = tpu.memref_slice %arg6[%dma_wait3A_108, %dma_wait3A_109] : memref<3x128xi32, #tpu.memory_space<vmem>> -> memref<1x128xi32, #tpu.memory_space<vmem>>
    %dma_wait3A_111 = tpu.memref_squeeze %dma_wait3A_110 : memref<1x128xi32, #tpu.memory_space<vmem>> -> memref<128xi32, #tpu.memory_space<vmem>>
    %dma_wait3A_112 = arith.constant 0 : i32
    %dma_wait3A_113 = tpu.memref_slice %arg3[%dma_wait3A, %dma_wait3A_112] : memref<2568x128xi32, #tpu.memory_space<hbm>> -> memref<1x128xi32, #tpu.memory_space<hbm>>
    %dma_wait3A_114 = tpu.memref_squeeze %dma_wait3A_113 : memref<1x128xi32, #tpu.memory_space<hbm>> -> memref<128xi32, #tpu.memory_space<hbm>>
    %dma_wait3A_115 = arith.constant 0 : i32
    %dma_wait3A_116 = tpu.memref_slice %arg6[%dma_wait3A_108, %dma_wait3A_115] : memref<3x128xi32, #tpu.memory_space<vmem>> -> memref<1x128xi32, #tpu.memory_space<vmem>>
    %dma_wait3A_117 = tpu.memref_squeeze %dma_wait3A_116 : memref<1x128xi32, #tpu.memory_space<vmem>> -> memref<128xi32, #tpu.memory_space<vmem>>
    %dma_wait3A_118 = arith.constant 0 : i32
    %dma_wait3A_119 = tpu.memref_slice %arg3[%dma_wait3A, %dma_wait3A_118] : memref<2568x128xi32, #tpu.memory_space<hbm>> -> memref<1x128xi32, #tpu.memory_space<hbm>>
    %dma_wait3A_120 = tpu.memref_squeeze %dma_wait3A_119 : memref<1x128xi32, #tpu.memory_space<hbm>> -> memref<128xi32, #tpu.memory_space<hbm>>
    tpu.wait_dma2 semaphore(%arg10 : memref<!tpu.dma_semaphore, #tpu.memory_space<semaphore_mem>>) src(%dma_wait3A_120 : memref<128xi32, #tpu.memory_space<hbm>>) dst(%dma_wait3A_117 : memref<128xi32, #tpu.memory_space<vmem>>)
    %dma_start3A_121 = arith.constant 0 : i32
    %dma_start3A_122 = arith.constant 0 : i32
    %dma_start3A_123 = arith.constant 0 : i32
    %dma_start3A_124 = arith.constant 0 : i32
    %dma_start3A_125 = tpu.memref_slice %arg8[%dma_start3A_122, %dma_start3A_123, %dma_start3A_124] : memref<3x128x128xf32, #tpu.memory_space<vmem>> -> memref<1x128x128xf32, #tpu.memory_space<vmem>>
    %dma_start3A_126 = tpu.memref_squeeze %dma_start3A_125 : memref<1x128x128xf32, #tpu.memory_space<vmem>> -> memref<128x128xf32, #tpu.memory_space<vmem>>
    %dma_start3A_127 = arith.constant 0 : i32
    %dma_start3A_128 = tpu.memref_slice %arg6[%dma_start3A_121, %dma_start3A_127] : memref<3x128xi32, #tpu.memory_space<vmem>> -> memref<1x128xi32, #tpu.memory_space<vmem>>
    %dma_start3A_129 = tpu.memref_squeeze %dma_start3A_128 : memref<1x128xi32, #tpu.memory_space<vmem>> -> memref<128xi32, #tpu.memory_space<vmem>>
    %dma_start3A_130 = arith.constant 0 : i32
    %dma_start3A_131 = arith.constant 0 : i32
    %dma_start3A_132 = tpu.memref_slice %arg2[%dma_start3A_130, %dma_start3A_131] : memref<10000x128xf32, #tpu.memory_space<hbm>> -> memref<10000x128xf32, #tpu.memory_space<hbm>>
    tpu.enqueue_indirect_dma source(%dma_start3A_132 : memref<10000x128xf32, #tpu.memory_space<hbm>>) target(%dma_start3A_126 : memref<128x128xf32, #tpu.memory_space<vmem>>) offsets(%dma_start3A_129 : memref<128xi32, #tpu.memory_space<vmem>>) semaphore(%arg16 : memref<!tpu.dma_semaphore, #tpu.memory_space<semaphore_mem>>)
    %dma_wait3A_133 = arith.constant 0 : i32
    %dma_wait3A_134 = arith.constant 1 : i32
    %dma_wait3A_135 = arith.constant 0 : i32
    %dma_wait3A_136 = tpu.memref_slice %arg6[%dma_wait3A_134, %dma_wait3A_135] : memref<3x128xi32, #tpu.memory_space<vmem>> -> memref<1x128xi32, #tpu.memory_space<vmem>>
    %dma_wait3A_137 = tpu.memref_squeeze %dma_wait3A_136 : memref<1x128xi32, #tpu.memory_space<vmem>> -> memref<128xi32, #tpu.memory_space<vmem>>
    %dma_wait3A_138 = arith.constant 0 : i32
    %dma_wait3A_139 = tpu.memref_slice %arg3[%dma_wait3A_133, %dma_wait3A_138] : memref<2568x128xi32, #tpu.memory_space<hbm>> -> memref<1x128xi32, #tpu.memory_space<hbm>>
    %dma_wait3A_140 = tpu.memref_squeeze %dma_wait3A_139 : memref<1x128xi32, #tpu.memory_space<hbm>> -> memref<128xi32, #tpu.memory_space<hbm>>
    %dma_wait3A_141 = arith.constant 0 : i32
    %dma_wait3A_142 = tpu.memref_slice %arg6[%dma_wait3A_134, %dma_wait3A_141] : memref<3x128xi32, #tpu.memory_space<vmem>> -> memref<1x128xi32, #tpu.memory_space<vmem>>
    %dma_wait3A_143 = tpu.memref_squeeze %dma_wait3A_142 : memref<1x128xi32, #tpu.memory_space<vmem>> -> memref<128xi32, #tpu.memory_space<vmem>>
    %dma_wait3A_144 = arith.constant 0 : i32
    %dma_wait3A_145 = tpu.memref_slice %arg3[%dma_wait3A_133, %dma_wait3A_144] : memref<2568x128xi32, #tpu.memory_space<hbm>> -> memref<1x128xi32, #tpu.memory_space<hbm>>
    %dma_wait3A_146 = tpu.memref_squeeze %dma_wait3A_145 : memref<1x128xi32, #tpu.memory_space<hbm>> -> memref<128xi32, #tpu.memory_space<hbm>>
    tpu.wait_dma2 semaphore(%arg11 : memref<!tpu.dma_semaphore, #tpu.memory_space<semaphore_mem>>) src(%dma_wait3A_146 : memref<128xi32, #tpu.memory_space<hbm>>) dst(%dma_wait3A_143 : memref<128xi32, #tpu.memory_space<vmem>>)
    %dma_start3A_147 = arith.constant 1 : i32
    %dma_start3A_148 = arith.constant 1 : i32
    %dma_start3A_149 = arith.constant 0 : i32
    %dma_start3A_150 = arith.constant 0 : i32
    %dma_start3A_151 = tpu.memref_slice %arg8[%dma_start3A_148, %dma_start3A_149, %dma_start3A_150] : memref<3x128x128xf32, #tpu.memory_space<vmem>> -> memref<1x128x128xf32, #tpu.memory_space<vmem>>
    %dma_start3A_152 = tpu.memref_squeeze %dma_start3A_151 : memref<1x128x128xf32, #tpu.memory_space<vmem>> -> memref<128x128xf32, #tpu.memory_space<vmem>>
    %dma_start3A_153 = arith.constant 0 : i32
    %dma_start3A_154 = tpu.memref_slice %arg6[%dma_start3A_147, %dma_start3A_153] : memref<3x128xi32, #tpu.memory_space<vmem>> -> memref<1x128xi32, #tpu.memory_space<vmem>>
    %dma_start3A_155 = tpu.memref_squeeze %dma_start3A_154 : memref<1x128xi32, #tpu.memory_space<vmem>> -> memref<128xi32, #tpu.memory_space<vmem>>
    %dma_start3A_156 = arith.constant 0 : i32
    %dma_start3A_157 = arith.constant 0 : i32
    %dma_start3A_158 = tpu.memref_slice %arg2[%dma_start3A_156, %dma_start3A_157] : memref<10000x128xf32, #tpu.memory_space<hbm>> -> memref<10000x128xf32, #tpu.memory_space<hbm>>
    tpu.enqueue_indirect_dma source(%dma_start3A_158 : memref<10000x128xf32, #tpu.memory_space<hbm>>) target(%dma_start3A_152 : memref<128x128xf32, #tpu.memory_space<vmem>>) offsets(%dma_start3A_155 : memref<128xi32, #tpu.memory_space<vmem>>) semaphore(%arg17 : memref<!tpu.dma_semaphore, #tpu.memory_space<semaphore_mem>>)
    %dma_wait3A_159 = arith.constant 0 : i32
    %dma_wait3A_160 = arith.constant 0 : i32
    %dma_wait3A_161 = arith.constant 0 : i32
    %dma_wait3A_162 = arith.constant 0 : i32
    %dma_wait3A_163 = tpu.memref_slice %arg8[%dma_wait3A_160, %dma_wait3A_161, %dma_wait3A_162] : memref<3x128x128xf32, #tpu.memory_space<vmem>> -> memref<1x128x128xf32, #tpu.memory_space<vmem>>
    %dma_wait3A_164 = tpu.memref_squeeze %dma_wait3A_163 : memref<1x128x128xf32, #tpu.memory_space<vmem>> -> memref<128x128xf32, #tpu.memory_space<vmem>>
    %dma_wait3A_165 = arith.constant 0 : i32
    %dma_wait3A_166 = tpu.memref_slice %arg6[%dma_wait3A_159, %dma_wait3A_165] : memref<3x128xi32, #tpu.memory_space<vmem>> -> memref<1x128xi32, #tpu.memory_space<vmem>>
    %dma_wait3A_167 = tpu.memref_squeeze %dma_wait3A_166 : memref<1x128xi32, #tpu.memory_space<vmem>> -> memref<128xi32, #tpu.memory_space<vmem>>
    %dma_wait3A_168 = arith.constant 0 : i32
    %dma_wait3A_169 = arith.constant 0 : i32
    %dma_wait3A_170 = tpu.memref_slice %arg2[%dma_wait3A_168, %dma_wait3A_169] : memref<10000x128xf32, #tpu.memory_space<hbm>> -> memref<10000x128xf32, #tpu.memory_space<hbm>>
    tpu.wait_indirect_dma semaphore(%arg16 : memref<!tpu.dma_semaphore, #tpu.memory_space<semaphore_mem>>) src(%dma_wait3A_170 : memref<10000x128xf32, #tpu.memory_space<hbm>>) dst(%dma_wait3A_164 : memref<128x128xf32, #tpu.memory_space<vmem>>)
    %dma_wait3A_171 = arith.constant 0 : i32
    %dma_wait3A_172 = arith.constant 0 : i32
    %dma_wait3A_173 = arith.constant 0 : i32
    %dma_wait3A_174 = tpu.memref_slice %arg7[%dma_wait3A_172, %dma_wait3A_173] : memref<3x128xi32, #tpu.memory_space<vmem>> -> memref<1x128xi32, #tpu.memory_space<vmem>>
    %dma_wait3A_175 = tpu.memref_squeeze %dma_wait3A_174 : memref<1x128xi32, #tpu.memory_space<vmem>> -> memref<128xi32, #tpu.memory_space<vmem>>
    %dma_wait3A_176 = arith.constant 0 : i32
    %dma_wait3A_177 = tpu.memref_slice %arg4[%dma_wait3A_171, %dma_wait3A_176] : memref<2560x128xi32, #tpu.memory_space<hbm>> -> memref<1x128xi32, #tpu.memory_space<hbm>>
    %dma_wait3A_178 = tpu.memref_squeeze %dma_wait3A_177 : memref<1x128xi32, #tpu.memory_space<hbm>> -> memref<128xi32, #tpu.memory_space<hbm>>
    %dma_wait3A_179 = arith.constant 0 : i32
    %dma_wait3A_180 = tpu.memref_slice %arg7[%dma_wait3A_172, %dma_wait3A_179] : memref<3x128xi32, #tpu.memory_space<vmem>> -> memref<1x128xi32, #tpu.memory_space<vmem>>
    %dma_wait3A_181 = tpu.memref_squeeze %dma_wait3A_180 : memref<1x128xi32, #tpu.memory_space<vmem>> -> memref<128xi32, #tpu.memory_space<vmem>>
    %dma_wait3A_182 = arith.constant 0 : i32
    %dma_wait3A_183 = tpu.memref_slice %arg4[%dma_wait3A_171, %dma_wait3A_182] : memref<2560x128xi32, #tpu.memory_space<hbm>> -> memref<1x128xi32, #tpu.memory_space<hbm>>
    %dma_wait3A_184 = tpu.memref_squeeze %dma_wait3A_183 : memref<1x128xi32, #tpu.memory_space<hbm>> -> memref<128xi32, #tpu.memory_space<hbm>>
    tpu.wait_dma2 semaphore(%arg13 : memref<!tpu.dma_semaphore, #tpu.memory_space<semaphore_mem>>) src(%dma_wait3A_184 : memref<128xi32, #tpu.memory_space<hbm>>) dst(%dma_wait3A_181 : memref<128xi32, #tpu.memory_space<vmem>>)
    %dma_start3A_185 = arith.constant 0 : i32
    %dma_start3A_186 = arith.constant 0 : i32
    %dma_start3A_187 = arith.constant 0 : i32
    %dma_start3A_188 = arith.constant 0 : i32
    %dma_start3A_189 = tpu.memref_slice %arg8[%dma_start3A_185, %dma_start3A_187, %dma_start3A_188] : memref<3x128x128xf32, #tpu.memory_space<vmem>> -> memref<1x128x128xf32, #tpu.memory_space<vmem>>
    %dma_start3A_190 = tpu.memref_squeeze %dma_start3A_189 : memref<1x128x128xf32, #tpu.memory_space<vmem>> -> memref<128x128xf32, #tpu.memory_space<vmem>>
    %dma_start3A_191 = arith.constant 0 : i32
    %dma_start3A_192 = tpu.memref_slice %arg7[%dma_start3A_186, %dma_start3A_191] : memref<3x128xi32, #tpu.memory_space<vmem>> -> memref<1x128xi32, #tpu.memory_space<vmem>>
    %dma_start3A_193 = tpu.memref_squeeze %dma_start3A_192 : memref<1x128xi32, #tpu.memory_space<vmem>> -> memref<128xi32, #tpu.memory_space<vmem>>
    %dma_start3A_194 = arith.constant 0 : i32
    %dma_start3A_195 = arith.constant 0 : i32
    %dma_start3A_196 = tpu.memref_slice %arg9[%dma_start3A_194, %dma_start3A_195] : memref<10112x128xf32, #tpu.memory_space<vmem_shared>> -> memref<10112x128xf32, #tpu.memory_space<vmem_shared>>
    tpu.enqueue_indirect_dma source(%dma_start3A_190 : memref<128x128xf32, #tpu.memory_space<vmem>>) target(%dma_start3A_196 : memref<10112x128xf32, #tpu.memory_space<vmem_shared>>) offsets(%dma_start3A_193 : memref<128xi32, #tpu.memory_space<vmem>>) semaphore(%arg19 : memref<!tpu.dma_semaphore, #tpu.memory_space<semaphore_mem>>) {add = true}
    %dma_wait3A_197 = arith.constant 0 : i32
    %dma_wait3A_198 = arith.constant 2 : i32
    %dma_wait3A_199 = arith.constant 0 : i32
    %dma_wait3A_200 = tpu.memref_slice %arg6[%dma_wait3A_198, %dma_wait3A_199] : memref<3x128xi32, #tpu.memory_space<vmem>> -> memref<1x128xi32, #tpu.memory_space<vmem>>
    %dma_wait3A_201 = tpu.memref_squeeze %dma_wait3A_200 : memref<1x128xi32, #tpu.memory_space<vmem>> -> memref<128xi32, #tpu.memory_space<vmem>>
    %dma_wait3A_202 = arith.constant 0 : i32
    %dma_wait3A_203 = tpu.memref_slice %arg3[%dma_wait3A_197, %dma_wait3A_202] : memref<2568x128xi32, #tpu.memory_space<hbm>> -> memref<1x128xi32, #tpu.memory_space<hbm>>
    %dma_wait3A_204 = tpu.memref_squeeze %dma_wait3A_203 : memref<1x128xi32, #tpu.memory_space<hbm>> -> memref<128xi32, #tpu.memory_space<hbm>>
    %dma_wait3A_205 = arith.constant 0 : i32
    %dma_wait3A_206 = tpu.memref_slice %arg6[%dma_wait3A_198, %dma_wait3A_205] : memref<3x128xi32, #tpu.memory_space<vmem>> -> memref<1x128xi32, #tpu.memory_space<vmem>>
    %dma_wait3A_207 = tpu.memref_squeeze %dma_wait3A_206 : memref<1x128xi32, #tpu.memory_space<vmem>> -> memref<128xi32, #tpu.memory_space<vmem>>
    %dma_wait3A_208 = arith.constant 0 : i32
    %dma_wait3A_209 = tpu.memref_slice %arg3[%dma_wait3A_197, %dma_wait3A_208] : memref<2568x128xi32, #tpu.memory_space<hbm>> -> memref<1x128xi32, #tpu.memory_space<hbm>>
    %dma_wait3A_210 = tpu.memref_squeeze %dma_wait3A_209 : memref<1x128xi32, #tpu.memory_space<hbm>> -> memref<128xi32, #tpu.memory_space<hbm>>
    tpu.wait_dma2 semaphore(%arg12 : memref<!tpu.dma_semaphore, #tpu.memory_space<semaphore_mem>>) src(%dma_wait3A_210 : memref<128xi32, #tpu.memory_space<hbm>>) dst(%dma_wait3A_207 : memref<128xi32, #tpu.memory_space<vmem>>)
    %dma_start3A_211 = arith.constant 2 : i32
    %dma_start3A_212 = arith.constant 2 : i32
    %dma_start3A_213 = arith.constant 0 : i32
    %dma_start3A_214 = arith.constant 0 : i32
    %dma_start3A_215 = tpu.memref_slice %arg8[%dma_start3A_212, %dma_start3A_213, %dma_start3A_214] : memref<3x128x128xf32, #tpu.memory_space<vmem>> -> memref<1x128x128xf32, #tpu.memory_space<vmem>>
    %dma_start3A_216 = tpu.memref_squeeze %dma_start3A_215 : memref<1x128x128xf32, #tpu.memory_space<vmem>> -> memref<128x128xf32, #tpu.memory_space<vmem>>
    %dma_start3A_217 = arith.constant 0 : i32
    %dma_start3A_218 = tpu.memref_slice %arg6[%dma_start3A_211, %dma_start3A_217] : memref<3x128xi32, #tpu.memory_space<vmem>> -> memref<1x128xi32, #tpu.memory_space<vmem>>
    %dma_start3A_219 = tpu.memref_squeeze %dma_start3A_218 : memref<1x128xi32, #tpu.memory_space<vmem>> -> memref<128xi32, #tpu.memory_space<vmem>>
    %dma_start3A_220 = arith.constant 0 : i32
    %dma_start3A_221 = arith.constant 0 : i32
    %dma_start3A_222 = tpu.memref_slice %arg2[%dma_start3A_220, %dma_start3A_221] : memref<10000x128xf32, #tpu.memory_space<hbm>> -> memref<10000x128xf32, #tpu.memory_space<hbm>>
    tpu.enqueue_indirect_dma source(%dma_start3A_222 : memref<10000x128xf32, #tpu.memory_space<hbm>>) target(%dma_start3A_216 : memref<128x128xf32, #tpu.memory_space<vmem>>) offsets(%dma_start3A_219 : memref<128xi32, #tpu.memory_space<vmem>>) semaphore(%arg18 : memref<!tpu.dma_semaphore, #tpu.memory_space<semaphore_mem>>)
    %add3A_223 = arith.constant 3 : i32
    %add3A_224 = arith.addi %mul3A_2, %add3A_223 : i32
    %dma_start3A_225 = arith.constant 0 : i32
    %dma_start3A_226 = arith.constant 0 : i32
    %dma_start3A_227 = tpu.memref_slice %arg6[%dma_start3A_225, %dma_start3A_226] : memref<3x128xi32, #tpu.memory_space<vmem>> -> memref<1x128xi32, #tpu.memory_space<vmem>>
    %dma_start3A_228 = tpu.memref_squeeze %dma_start3A_227 : memref<1x128xi32, #tpu.memory_space<vmem>> -> memref<128xi32, #tpu.memory_space<vmem>>
    %dma_start3A_229 = arith.constant 0 : i32
    %dma_start3A_230 = tpu.memref_slice %arg3[%add3A_224, %dma_start3A_229] : memref<2568x128xi32, #tpu.memory_space<hbm>> -> memref<1x128xi32, #tpu.memory_space<hbm>>
    %dma_start3A_231 = tpu.memref_squeeze %dma_start3A_230 : memref<1x128xi32, #tpu.memory_space<hbm>> -> memref<128xi32, #tpu.memory_space<hbm>>
    %dma_start3A_232 = arith.constant 0 : i32
    %dma_start3A_233 = tpu.memref_slice %arg6[%dma_start3A_225, %dma_start3A_232] : memref<3x128xi32, #tpu.memory_space<vmem>> -> memref<1x128xi32, #tpu.memory_space<vmem>>
    %dma_start3A_234 = tpu.memref_squeeze %dma_start3A_233 : memref<1x128xi32, #tpu.memory_space<vmem>> -> memref<128xi32, #tpu.memory_space<vmem>>
    %dma_start3A_235 = arith.constant 0 : i32
    %dma_start3A_236 = tpu.memref_slice %arg3[%add3A_224, %dma_start3A_235] : memref<2568x128xi32, #tpu.memory_space<hbm>> -> memref<1x128xi32, #tpu.memory_space<hbm>>
    %dma_start3A_237 = tpu.memref_squeeze %dma_start3A_236 : memref<1x128xi32, #tpu.memory_space<hbm>> -> memref<128xi32, #tpu.memory_space<hbm>>
    tpu.enqueue_dma source(%dma_start3A_237 : memref<128xi32, #tpu.memory_space<hbm>>) target(%dma_start3A_234 : memref<128xi32, #tpu.memory_space<vmem>>) target_semaphore(%arg10 : memref<!tpu.dma_semaphore, #tpu.memory_space<semaphore_mem>>)
    %add3A_238 = arith.constant 2 : i32
    %add3A_239 = arith.addi %mul3A_2, %add3A_238 : i32
    %dma_start3A_240 = arith.constant 2 : i32
    %dma_start3A_241 = arith.constant 0 : i32
    %dma_start3A_242 = tpu.memref_slice %arg7[%dma_start3A_240, %dma_start3A_241] : memref<3x128xi32, #tpu.memory_space<vmem>> -> memref<1x128xi32, #tpu.memory_space<vmem>>
    %dma_start3A_243 = tpu.memref_squeeze %dma_start3A_242 : memref<1x128xi32, #tpu.memory_space<vmem>> -> memref<128xi32, #tpu.memory_space<vmem>>
    %dma_start3A_244 = arith.constant 0 : i32
    %dma_start3A_245 = tpu.memref_slice %arg4[%add3A_239, %dma_start3A_244] : memref<2560x128xi32, #tpu.memory_space<hbm>> -> memref<1x128xi32, #tpu.memory_space<hbm>>
    %dma_start3A_246 = tpu.memref_squeeze %dma_start3A_245 : memref<1x128xi32, #tpu.memory_space<hbm>> -> memref<128xi32, #tpu.memory_space<hbm>>
    %dma_start3A_247 = arith.constant 0 : i32
    %dma_start3A_248 = tpu.memref_slice %arg7[%dma_start3A_240, %dma_start3A_247] : memref<3x128xi32, #tpu.memory_space<vmem>> -> memref<1x128xi32, #tpu.memory_space<vmem>>
    %dma_start3A_249 = tpu.memref_squeeze %dma_start3A_248 : memref<1x128xi32, #tpu.memory_space<vmem>> -> memref<128xi32, #tpu.memory_space<vmem>>
    %dma_start3A_250 = arith.constant 0 : i32
    %dma_start3A_251 = tpu.memref_slice %arg4[%add3A_239, %dma_start3A_250] : memref<2560x128xi32, #tpu.memory_space<hbm>> -> memref<1x128xi32, #tpu.memory_space<hbm>>
    %dma_start3A_252 = tpu.memref_squeeze %dma_start3A_251 : memref<1x128xi32, #tpu.memory_space<hbm>> -> memref<128xi32, #tpu.memory_space<hbm>>
    tpu.enqueue_dma source(%dma_start3A_252 : memref<128xi32, #tpu.memory_space<hbm>>) target(%dma_start3A_249 : memref<128xi32, #tpu.memory_space<vmem>>) target_semaphore(%arg15 : memref<!tpu.dma_semaphore, #tpu.memory_space<semaphore_mem>>)
    %scan3A_253 = arith.constant 0 : i32
    %scan3A_254 = arith.constant 0 : i32
    %scan3A_255 = arith.constant 25 : i32
    %scan3A_256 = arith.addi %scan3A_254, %scan3A_255 : i32
    %scan3A_257 = arith.constant 1 : i32
    %scan3A_258 = scf.for %scan3A_669 = %scan3A_254 to %scan3A_256 step %scan3A_257 iter_args(%scan3A_670 = %scan3A_253) -> (i32)  : i32 {
      %mul3A_671 = arith.constant 3 : i32
      %mul3A_672 = arith.muli %mul3A_671, %scan3A_669 : i32
      %add3A_673 = arith.constant 1 : i32
      %add3A_674 = arith.addi %mul3A_672, %add3A_673 : i32
      %dma_wait3A_675 = arith.constant 1 : i32
      %dma_wait3A_676 = arith.constant 1 : i32
      %dma_wait3A_677 = arith.constant 0 : i32
      %dma_wait3A_678 = arith.constant 0 : i32
      %dma_wait3A_679 = tpu.memref_slice %arg8[%dma_wait3A_676, %dma_wait3A_677, %dma_wait3A_678] : memref<3x128x128xf32, #tpu.memory_space<vmem>> -> memref<1x128x128xf32, #tpu.memory_space<vmem>>
      %dma_wait3A_680 = tpu.memref_squeeze %dma_wait3A_679 : memref<1x128x128xf32, #tpu.memory_space<vmem>> -> memref<128x128xf32, #tpu.memory_space<vmem>>
      %dma_wait3A_681 = arith.constant 0 : i32
      %dma_wait3A_682 = tpu.memref_slice %arg6[%dma_wait3A_675, %dma_wait3A_681] : memref<3x128xi32, #tpu.memory_space<vmem>> -> memref<1x128xi32, #tpu.memory_space<vmem>>
      %dma_wait3A_683 = tpu.memref_squeeze %dma_wait3A_682 : memref<1x128xi32, #tpu.memory_space<vmem>> -> memref<128xi32, #tpu.memory_space<vmem>>
      %dma_wait3A_684 = arith.constant 0 : i32
      %dma_wait3A_685 = arith.constant 0 : i32
      %dma_wait3A_686 = tpu.memref_slice %arg2[%dma_wait3A_684, %dma_wait3A_685] : memref<10000x128xf32, #tpu.memory_space<hbm>> -> memref<10000x128xf32, #tpu.memory_space<hbm>>
      tpu.wait_indirect_dma semaphore(%arg17 : memref<!tpu.dma_semaphore, #tpu.memory_space<semaphore_mem>>) src(%dma_wait3A_686 : memref<10000x128xf32, #tpu.memory_space<hbm>>) dst(%dma_wait3A_680 : memref<128x128xf32, #tpu.memory_space<vmem>>)
      %dma_wait3A_687 = arith.constant 0 : i32
      %dma_wait3A_688 = arith.constant 1 : i32
      %dma_wait3A_689 = arith.constant 0 : i32
      %dma_wait3A_690 = tpu.memref_slice %arg7[%dma_wait3A_688, %dma_wait3A_689] : memref<3x128xi32, #tpu.memory_space<vmem>> -> memref<1x128xi32, #tpu.memory_space<vmem>>
      %dma_wait3A_691 = tpu.memref_squeeze %dma_wait3A_690 : memref<1x128xi32, #tpu.memory_space<vmem>> -> memref<128xi32, #tpu.memory_space<vmem>>
      %dma_wait3A_692 = arith.constant 0 : i32
      %dma_wait3A_693 = tpu.memref_slice %arg4[%dma_wait3A_687, %dma_wait3A_692] : memref<2560x128xi32, #tpu.memory_space<hbm>> -> memref<1x128xi32, #tpu.memory_space<hbm>>
      %dma_wait3A_694 = tpu.memref_squeeze %dma_wait3A_693 : memref<1x128xi32, #tpu.memory_space<hbm>> -> memref<128xi32, #tpu.memory_space<hbm>>
      %dma_wait3A_695 = arith.constant 0 : i32
      %dma_wait3A_696 = tpu.memref_slice %arg7[%dma_wait3A_688, %dma_wait3A_695] : memref<3x128xi32, #tpu.memory_space<vmem>> -> memref<1x128xi32, #tpu.memory_space<vmem>>
      %dma_wait3A_697 = tpu.memref_squeeze %dma_wait3A_696 : memref<1x128xi32, #tpu.memory_space<vmem>> -> memref<128xi32, #tpu.memory_space<vmem>>
      %dma_wait3A_698 = arith.constant 0 : i32
      %dma_wait3A_699 = tpu.memref_slice %arg4[%dma_wait3A_687, %dma_wait3A_698] : memref<2560x128xi32, #tpu.memory_space<hbm>> -> memref<1x128xi32, #tpu.memory_space<hbm>>
      %dma_wait3A_700 = tpu.memref_squeeze %dma_wait3A_699 : memref<1x128xi32, #tpu.memory_space<hbm>> -> memref<128xi32, #tpu.memory_space<hbm>>
      tpu.wait_dma2 semaphore(%arg14 : memref<!tpu.dma_semaphore, #tpu.memory_space<semaphore_mem>>) src(%dma_wait3A_700 : memref<128xi32, #tpu.memory_space<hbm>>) dst(%dma_wait3A_697 : memref<128xi32, #tpu.memory_space<vmem>>)
      %dma_start3A_701 = arith.constant 1 : i32
      %dma_start3A_702 = arith.constant 1 : i32
      %dma_start3A_703 = arith.constant 0 : i32
      %dma_start3A_704 = arith.constant 0 : i32
      %dma_start3A_705 = tpu.memref_slice %arg8[%dma_start3A_701, %dma_start3A_703, %dma_start3A_704] : memref<3x128x128xf32, #tpu.memory_space<vmem>> -> memref<1x128x128xf32, #tpu.memory_space<vmem>>
      %dma_start3A_706 = tpu.memref_squeeze %dma_start3A_705 : memref<1x128x128xf32, #tpu.memory_space<vmem>> -> memref<128x128xf32, #tpu.memory_space<vmem>>
      %dma_start3A_707 = arith.constant 0 : i32
      %dma_start3A_708 = tpu.memref_slice %arg7[%dma_start3A_702, %dma_start3A_707] : memref<3x128xi32, #tpu.memory_space<vmem>> -> memref<1x128xi32, #tpu.memory_space<vmem>>
      %dma_start3A_709 = tpu.memref_squeeze %dma_start3A_708 : memref<1x128xi32, #tpu.memory_space<vmem>> -> memref<128xi32, #tpu.memory_space<vmem>>
      %dma_start3A_710 = arith.constant 0 : i32
      %dma_start3A_711 = arith.constant 0 : i32
      %dma_start3A_712 = tpu.memref_slice %arg9[%dma_start3A_710, %dma_start3A_711] : memref<10112x128xf32, #tpu.memory_space<vmem_shared>> -> memref<10112x128xf32, #tpu.memory_space<vmem_shared>>
      tpu.enqueue_indirect_dma source(%dma_start3A_706 : memref<128x128xf32, #tpu.memory_space<vmem>>) target(%dma_start3A_712 : memref<10112x128xf32, #tpu.memory_space<vmem_shared>>) offsets(%dma_start3A_709 : memref<128xi32, #tpu.memory_space<vmem>>) semaphore(%arg20 : memref<!tpu.dma_semaphore, #tpu.memory_space<semaphore_mem>>) {add = true}
      %dma_wait3A_713 = arith.constant 0 : i32
      %dma_wait3A_714 = arith.constant 0 : i32
      %dma_wait3A_715 = arith.constant 0 : i32
      %dma_wait3A_716 = tpu.memref_slice %arg6[%dma_wait3A_714, %dma_wait3A_715] : memref<3x128xi32, #tpu.memory_space<vmem>> -> memref<1x128xi32, #tpu.memory_space<vmem>>
      %dma_wait3A_717 = tpu.memref_squeeze %dma_wait3A_716 : memref<1x128xi32, #tpu.memory_space<vmem>> -> memref<128xi32, #tpu.memory_space<vmem>>
      %dma_wait3A_718 = arith.constant 0 : i32
      %dma_wait3A_719 = tpu.memref_slice %arg3[%dma_wait3A_713, %dma_wait3A_718] : memref<2568x128xi32, #tpu.memory_space<hbm>> -> memref<1x128xi32, #tpu.memory_space<hbm>>
      %dma_wait3A_720 = tpu.memref_squeeze %dma_wait3A_719 : memref<1x128xi32, #tpu.memory_space<hbm>> -> memref<128xi32, #tpu.memory_space<hbm>>
      %dma_wait3A_721 = arith.constant 0 : i32
      %dma_wait3A_722 = tpu.memref_slice %arg6[%dma_wait3A_714, %dma_wait3A_721] : memref<3x128xi32, #tpu.memory_space<vmem>> -> memref<1x128xi32, #tpu.memory_space<vmem>>
      %dma_wait3A_723 = tpu.memref_squeeze %dma_wait3A_722 : memref<1x128xi32, #tpu.memory_space<vmem>> -> memref<128xi32, #tpu.memory_space<vmem>>
      %dma_wait3A_724 = arith.constant 0 : i32
      %dma_wait3A_725 = tpu.memref_slice %arg3[%dma_wait3A_713, %dma_wait3A_724] : memref<2568x128xi32, #tpu.memory_space<hbm>> -> memref<1x128xi32, #tpu.memory_space<hbm>>
      %dma_wait3A_726 = tpu.memref_squeeze %dma_wait3A_725 : memref<1x128xi32, #tpu.memory_space<hbm>> -> memref<128xi32, #tpu.memory_space<hbm>>
      tpu.wait_dma2 semaphore(%arg10 : memref<!tpu.dma_semaphore, #tpu.memory_space<semaphore_mem>>) src(%dma_wait3A_726 : memref<128xi32, #tpu.memory_space<hbm>>) dst(%dma_wait3A_723 : memref<128xi32, #tpu.memory_space<vmem>>)
      %dma_wait3A_727 = arith.constant 0 : i32
      %dma_wait3A_728 = arith.constant 0 : i32
      %dma_wait3A_729 = arith.constant 0 : i32
      %dma_wait3A_730 = tpu.memref_slice %arg8[%dma_wait3A_727, %dma_wait3A_728, %dma_wait3A_729] : memref<3x128x128xf32, #tpu.memory_space<vmem>> -> memref<1x128x128xf32, #tpu.memory_space<vmem>>
      %dma_wait3A_731 = tpu.memref_squeeze %dma_wait3A_730 : memref<1x128x128xf32, #tpu.memory_space<vmem>> -> memref<128x128xf32, #tpu.memory_space<vmem>>
      %dma_wait3A_732 = arith.constant 0 : i32
      %dma_wait3A_733 = arith.constant 0 : i32
      %dma_wait3A_734 = tpu.memref_slice %arg9[%dma_wait3A_732, %dma_wait3A_733] : memref<10112x128xf32, #tpu.memory_space<vmem_shared>> -> memref<128x128xf32, #tpu.memory_space<vmem_shared>>
      %dma_wait3A_735 = arith.constant 0 : i32
      %dma_wait3A_736 = arith.constant 0 : i32
      %dma_wait3A_737 = tpu.memref_slice %arg9[%dma_wait3A_735, %dma_wait3A_736] : memref<10112x128xf32, #tpu.memory_space<vmem_shared>> -> memref<128x128xf32, #tpu.memory_space<vmem_shared>>
      %dma_wait3A_738 = arith.constant 0 : i32
      %dma_wait3A_739 = arith.constant 0 : i32
      %dma_wait3A_740 = tpu.memref_slice %arg8[%dma_wait3A_727, %dma_wait3A_738, %dma_wait3A_739] : memref<3x128x128xf32, #tpu.memory_space<vmem>> -> memref<1x128x128xf32, #tpu.memory_space<vmem>>
      %dma_wait3A_741 = tpu.memref_squeeze %dma_wait3A_740 : memref<1x128x128xf32, #tpu.memory_space<vmem>> -> memref<128x128xf32, #tpu.memory_space<vmem>>
      tpu.wait_dma2 semaphore(%arg19 : memref<!tpu.dma_semaphore, #tpu.memory_space<semaphore_mem>>) src(%dma_wait3A_741 : memref<128x128xf32, #tpu.memory_space<vmem>>) dst(%dma_wait3A_737 : memref<128x128xf32, #tpu.memory_space<vmem_shared>>)
      %add3A_742 = arith.constant 2 : i32
      %add3A_743 = arith.addi %add3A_674, %add3A_742 : i32
      %dma_start3A_744 = arith.constant 0 : i32
      %dma_start3A_745 = arith.constant 0 : i32
      %dma_start3A_746 = arith.constant 0 : i32
      %dma_start3A_747 = arith.constant 0 : i32
      %dma_start3A_748 = tpu.memref_slice %arg8[%dma_start3A_745, %dma_start3A_746, %dma_start3A_747] : memref<3x128x128xf32, #tpu.memory_space<vmem>> -> memref<1x128x128xf32, #tpu.memory_space<vmem>>
      %dma_start3A_749 = tpu.memref_squeeze %dma_start3A_748 : memref<1x128x128xf32, #tpu.memory_space<vmem>> -> memref<128x128xf32, #tpu.memory_space<vmem>>
      %dma_start3A_750 = arith.constant 0 : i32
      %dma_start3A_751 = tpu.memref_slice %arg6[%dma_start3A_744, %dma_start3A_750] : memref<3x128xi32, #tpu.memory_space<vmem>> -> memref<1x128xi32, #tpu.memory_space<vmem>>
      %dma_start3A_752 = tpu.memref_squeeze %dma_start3A_751 : memref<1x128xi32, #tpu.memory_space<vmem>> -> memref<128xi32, #tpu.memory_space<vmem>>
      %dma_start3A_753 = arith.constant 0 : i32
      %dma_start3A_754 = arith.constant 0 : i32
      %dma_start3A_755 = tpu.memref_slice %arg2[%dma_start3A_753, %dma_start3A_754] : memref<10000x128xf32, #tpu.memory_space<hbm>> -> memref<10000x128xf32, #tpu.memory_space<hbm>>
      tpu.enqueue_indirect_dma source(%dma_start3A_755 : memref<10000x128xf32, #tpu.memory_space<hbm>>) target(%dma_start3A_749 : memref<128x128xf32, #tpu.memory_space<vmem>>) offsets(%dma_start3A_752 : memref<128xi32, #tpu.memory_space<vmem>>) semaphore(%arg16 : memref<!tpu.dma_semaphore, #tpu.memory_space<semaphore_mem>>)
      %add3A_756 = arith.constant 3 : i32
      %add3A_757 = arith.addi %add3A_674, %add3A_756 : i32
      %add3A_758 = arith.addi %mul3A_2, %add3A_757 : i32
      %dma_start3A_759 = arith.constant 1 : i32
      %dma_start3A_760 = arith.constant 0 : i32
      %dma_start3A_761 = tpu.memref_slice %arg6[%dma_start3A_759, %dma_start3A_760] : memref<3x128xi32, #tpu.memory_space<vmem>> -> memref<1x128xi32, #tpu.memory_space<vmem>>
      %dma_start3A_762 = tpu.memref_squeeze %dma_start3A_761 : memref<1x128xi32, #tpu.memory_space<vmem>> -> memref<128xi32, #tpu.memory_space<vmem>>
      %dma_start3A_763 = arith.constant 0 : i32
      %dma_start3A_764 = tpu.memref_slice %arg3[%add3A_758, %dma_start3A_763] : memref<2568x128xi32, #tpu.memory_space<hbm>> -> memref<1x128xi32, #tpu.memory_space<hbm>>
      %dma_start3A_765 = tpu.memref_squeeze %dma_start3A_764 : memref<1x128xi32, #tpu.memory_space<hbm>> -> memref<128xi32, #tpu.memory_space<hbm>>
      %dma_start3A_766 = arith.constant 0 : i32
      %dma_start3A_767 = tpu.memref_slice %arg6[%dma_start3A_759, %dma_start3A_766] : memref<3x128xi32, #tpu.memory_space<vmem>> -> memref<1x128xi32, #tpu.memory_space<vmem>>
      %dma_start3A_768 = tpu.memref_squeeze %dma_start3A_767 : memref<1x128xi32, #tpu.memory_space<vmem>> -> memref<128xi32, #tpu.memory_space<vmem>>
      %dma_start3A_769 = arith.constant 0 : i32
      %dma_start3A_770 = tpu.memref_slice %arg3[%add3A_758, %dma_start3A_769] : memref<2568x128xi32, #tpu.memory_space<hbm>> -> memref<1x128xi32, #tpu.memory_space<hbm>>
      %dma_start3A_771 = tpu.memref_squeeze %dma_start3A_770 : memref<1x128xi32, #tpu.memory_space<hbm>> -> memref<128xi32, #tpu.memory_space<hbm>>
      tpu.enqueue_dma source(%dma_start3A_771 : memref<128xi32, #tpu.memory_space<hbm>>) target(%dma_start3A_768 : memref<128xi32, #tpu.memory_space<vmem>>) target_semaphore(%arg11 : memref<!tpu.dma_semaphore, #tpu.memory_space<semaphore_mem>>)
      %add3A_772 = arith.constant 2 : i32
      %add3A_773 = arith.addi %add3A_674, %add3A_772 : i32
      %add3A_774 = arith.addi %mul3A_2, %add3A_773 : i32
      %dma_start3A_775 = arith.constant 0 : i32
      %dma_start3A_776 = arith.constant 0 : i32
      %dma_start3A_777 = tpu.memref_slice %arg7[%dma_start3A_775, %dma_start3A_776] : memref<3x128xi32, #tpu.memory_space<vmem>> -> memref<1x128xi32, #tpu.memory_space<vmem>>
      %dma_start3A_778 = tpu.memref_squeeze %dma_start3A_777 : memref<1x128xi32, #tpu.memory_space<vmem>> -> memref<128xi32, #tpu.memory_space<vmem>>
      %dma_start3A_779 = arith.constant 0 : i32
      %dma_start3A_780 = tpu.memref_slice %arg4[%add3A_774, %dma_start3A_779] : memref<2560x128xi32, #tpu.memory_space<hbm>> -> memref<1x128xi32, #tpu.memory_space<hbm>>
      %dma_start3A_781 = tpu.memref_squeeze %dma_start3A_780 : memref<1x128xi32, #tpu.memory_space<hbm>> -> memref<128xi32, #tpu.memory_space<hbm>>
      %dma_start3A_782 = arith.constant 0 : i32
      %dma_start3A_783 = tpu.memref_slice %arg7[%dma_start3A_775, %dma_start3A_782] : memref<3x128xi32, #tpu.memory_space<vmem>> -> memref<1x128xi32, #tpu.memory_space<vmem>>
      %dma_start3A_784 = tpu.memref_squeeze %dma_start3A_783 : memref<1x128xi32, #tpu.memory_space<vmem>> -> memref<128xi32, #tpu.memory_space<vmem>>
      %dma_start3A_785 = arith.constant 0 : i32
      %dma_start3A_786 = tpu.memref_slice %arg4[%add3A_774, %dma_start3A_785] : memref<2560x128xi32, #tpu.memory_space<hbm>> -> memref<1x128xi32, #tpu.memory_space<hbm>>
      %dma_start3A_787 = tpu.memref_squeeze %dma_start3A_786 : memref<1x128xi32, #tpu.memory_space<hbm>> -> memref<128xi32, #tpu.memory_space<hbm>>
      tpu.enqueue_dma source(%dma_start3A_787 : memref<128xi32, #tpu.memory_space<hbm>>) target(%dma_start3A_784 : memref<128xi32, #tpu.memory_space<vmem>>) target_semaphore(%arg13 : memref<!tpu.dma_semaphore, #tpu.memory_space<semaphore_mem>>)
      %mul3A_788 = arith.constant 3 : i32
      %mul3A_789 = arith.muli %mul3A_788, %scan3A_669 : i32
      %add3A_790 = arith.constant 2 : i32
      %add3A_791 = arith.addi %mul3A_789, %add3A_790 : i32
      %dma_wait3A_792 = arith.constant 2 : i32
      %dma_wait3A_793 = arith.constant 2 : i32
      %dma_wait3A_794 = arith.constant 0 : i32
      %dma_wait3A_795 = arith.constant 0 : i32
      %dma_wait3A_796 = tpu.memref_slice %arg8[%dma_wait3A_793, %dma_wait3A_794, %dma_wait3A_795] : memref<3x128x128xf32, #tpu.memory_space<vmem>> -> memref<1x128x128xf32, #tpu.memory_space<vmem>>
      %dma_wait3A_797 = tpu.memref_squeeze %dma_wait3A_796 : memref<1x128x128xf32, #tpu.memory_space<vmem>> -> memref<128x128xf32, #tpu.memory_space<vmem>>
      %dma_wait3A_798 = arith.constant 0 : i32
      %dma_wait3A_799 = tpu.memref_slice %arg6[%dma_wait3A_792, %dma_wait3A_798] : memref<3x128xi32, #tpu.memory_space<vmem>> -> memref<1x128xi32, #tpu.memory_space<vmem>>
      %dma_wait3A_800 = tpu.memref_squeeze %dma_wait3A_799 : memref<1x128xi32, #tpu.memory_space<vmem>> -> memref<128xi32, #tpu.memory_space<vmem>>
      %dma_wait3A_801 = arith.constant 0 : i32
      %dma_wait3A_802 = arith.constant 0 : i32
      %dma_wait3A_803 = tpu.memref_slice %arg2[%dma_wait3A_801, %dma_wait3A_802] : memref<10000x128xf32, #tpu.memory_space<hbm>> -> memref<10000x128xf32, #tpu.memory_space<hbm>>
      tpu.wait_indirect_dma semaphore(%arg18 : memref<!tpu.dma_semaphore, #tpu.memory_space<semaphore_mem>>) src(%dma_wait3A_803 : memref<10000x128xf32, #tpu.memory_space<hbm>>) dst(%dma_wait3A_797 : memref<128x128xf32, #tpu.memory_space<vmem>>)
      %dma_wait3A_804 = arith.constant 0 : i32
      %dma_wait3A_805 = arith.constant 2 : i32
      %dma_wait3A_806 = arith.constant 0 : i32
      %dma_wait3A_807 = tpu.memref_slice %arg7[%dma_wait3A_805, %dma_wait3A_806] : memref<3x128xi32, #tpu.memory_space<vmem>> -> memref<1x128xi32, #tpu.memory_space<vmem>>
      %dma_wait3A_808 = tpu.memref_squeeze %dma_wait3A_807 : memref<1x128xi32, #tpu.memory_space<vmem>> -> memref<128xi32, #tpu.memory_space<vmem>>
      %dma_wait3A_809 = arith.constant 0 : i32
      %dma_wait3A_810 = tpu.memref_slice %arg4[%dma_wait3A_804, %dma_wait3A_809] : memref<2560x128xi32, #tpu.memory_space<hbm>> -> memref<1x128xi32, #tpu.memory_space<hbm>>
      %dma_wait3A_811 = tpu.memref_squeeze %dma_wait3A_810 : memref<1x128xi32, #tpu.memory_space<hbm>> -> memref<128xi32, #tpu.memory_space<hbm>>
      %dma_wait3A_812 = arith.constant 0 : i32
      %dma_wait3A_813 = tpu.memref_slice %arg7[%dma_wait3A_805, %dma_wait3A_812] : memref<3x128xi32, #tpu.memory_space<vmem>> -> memref<1x128xi32, #tpu.memory_space<vmem>>
      %dma_wait3A_814 = tpu.memref_squeeze %dma_wait3A_813 : memref<1x128xi32, #tpu.memory_space<vmem>> -> memref<128xi32, #tpu.memory_space<vmem>>
      %dma_wait3A_815 = arith.constant 0 : i32
      %dma_wait3A_816 = tpu.memref_slice %arg4[%dma_wait3A_804, %dma_wait3A_815] : memref<2560x128xi32, #tpu.memory_space<hbm>> -> memref<1x128xi32, #tpu.memory_space<hbm>>
      %dma_wait3A_817 = tpu.memref_squeeze %dma_wait3A_816 : memref<1x128xi32, #tpu.memory_space<hbm>> -> memref<128xi32, #tpu.memory_space<hbm>>
      tpu.wait_dma2 semaphore(%arg15 : memref<!tpu.dma_semaphore, #tpu.memory_space<semaphore_mem>>) src(%dma_wait3A_817 : memref<128xi32, #tpu.memory_space<hbm>>) dst(%dma_wait3A_814 : memref<128xi32, #tpu.memory_space<vmem>>)
      %dma_start3A_818 = arith.constant 2 : i32
      %dma_start3A_819 = arith.constant 2 : i32
      %dma_start3A_820 = arith.constant 0 : i32
      %dma_start3A_821 = arith.constant 0 : i32
      %dma_start3A_822 = tpu.memref_slice %arg8[%dma_start3A_818, %dma_start3A_820, %dma_start3A_821] : memref<3x128x128xf32, #tpu.memory_space<vmem>> -> memref<1x128x128xf32, #tpu.memory_space<vmem>>
      %dma_start3A_823 = tpu.memref_squeeze %dma_start3A_822 : memref<1x128x128xf32, #tpu.memory_space<vmem>> -> memref<128x128xf32, #tpu.memory_space<vmem>>
      %dma_start3A_824 = arith.constant 0 : i32
      %dma_start3A_825 = tpu.memref_slice %arg7[%dma_start3A_819, %dma_start3A_824] : memref<3x128xi32, #tpu.memory_space<vmem>> -> memref<1x128xi32, #tpu.memory_space<vmem>>
      %dma_start3A_826 = tpu.memref_squeeze %dma_start3A_825 : memref<1x128xi32, #tpu.memory_space<vmem>> -> memref<128xi32, #tpu.memory_space<vmem>>
      %dma_start3A_827 = arith.constant 0 : i32
      %dma_start3A_828 = arith.constant 0 : i32
      %dma_start3A_829 = tpu.memref_slice %arg9[%dma_start3A_827, %dma_start3A_828] : memref<10112x128xf32, #tpu.memory_space<vmem_shared>> -> memref<10112x128xf32, #tpu.memory_space<vmem_shared>>
      tpu.enqueue_indirect_dma source(%dma_start3A_823 : memref<128x128xf32, #tpu.memory_space<vmem>>) target(%dma_start3A_829 : memref<10112x128xf32, #tpu.memory_space<vmem_shared>>) offsets(%dma_start3A_826 : memref<128xi32, #tpu.memory_space<vmem>>) semaphore(%arg21 : memref<!tpu.dma_semaphore, #tpu.memory_space<semaphore_mem>>) {add = true}
      %dma_wait3A_830 = arith.constant 0 : i32
      %dma_wait3A_831 = arith.constant 1 : i32
      %dma_wait3A_832 = arith.constant 0 : i32
      %dma_wait3A_833 = tpu.memref_slice %arg6[%dma_wait3A_831, %dma_wait3A_832] : memref<3x128xi32, #tpu.memory_space<vmem>> -> memref<1x128xi32, #tpu.memory_space<vmem>>
      %dma_wait3A_834 = tpu.memref_squeeze %dma_wait3A_833 : memref<1x128xi32, #tpu.memory_space<vmem>> -> memref<128xi32, #tpu.memory_space<vmem>>
      %dma_wait3A_835 = arith.constant 0 : i32
      %dma_wait3A_836 = tpu.memref_slice %arg3[%dma_wait3A_830, %dma_wait3A_835] : memref<2568x128xi32, #tpu.memory_space<hbm>> -> memref<1x128xi32, #tpu.memory_space<hbm>>
      %dma_wait3A_837 = tpu.memref_squeeze %dma_wait3A_836 : memref<1x128xi32, #tpu.memory_space<hbm>> -> memref<128xi32, #tpu.memory_space<hbm>>
      %dma_wait3A_838 = arith.constant 0 : i32
      %dma_wait3A_839 = tpu.memref_slice %arg6[%dma_wait3A_831, %dma_wait3A_838] : memref<3x128xi32, #tpu.memory_space<vmem>> -> memref<1x128xi32, #tpu.memory_space<vmem>>
      %dma_wait3A_840 = tpu.memref_squeeze %dma_wait3A_839 : memref<1x128xi32, #tpu.memory_space<vmem>> -> memref<128xi32, #tpu.memory_space<vmem>>
      %dma_wait3A_841 = arith.constant 0 : i32
      %dma_wait3A_842 = tpu.memref_slice %arg3[%dma_wait3A_830, %dma_wait3A_841] : memref<2568x128xi32, #tpu.memory_space<hbm>> -> memref<1x128xi32, #tpu.memory_space<hbm>>
      %dma_wait3A_843 = tpu.memref_squeeze %dma_wait3A_842 : memref<1x128xi32, #tpu.memory_space<hbm>> -> memref<128xi32, #tpu.memory_space<hbm>>
      tpu.wait_dma2 semaphore(%arg11 : memref<!tpu.dma_semaphore, #tpu.memory_space<semaphore_mem>>) src(%dma_wait3A_843 : memref<128xi32, #tpu.memory_space<hbm>>) dst(%dma_wait3A_840 : memref<128xi32, #tpu.memory_space<vmem>>)
      %dma_wait3A_844 = arith.constant 1 : i32
      %dma_wait3A_845 = arith.constant 0 : i32
      %dma_wait3A_846 = arith.constant 0 : i32
      %dma_wait3A_847 = tpu.memref_slice %arg8[%dma_wait3A_844, %dma_wait3A_845, %dma_wait3A_846] : memref<3x128x128xf32, #tpu.memory_space<vmem>> -> memref<1x128x128xf32, #tpu.memory_space<vmem>>
      %dma_wait3A_848 = tpu.memref_squeeze %dma_wait3A_847 : memref<1x128x128xf32, #tpu.memory_space<vmem>> -> memref<128x128xf32, #tpu.memory_space<vmem>>
      %dma_wait3A_849 = arith.constant 0 : i32
      %dma_wait3A_850 = arith.constant 0 : i32
      %dma_wait3A_851 = tpu.memref_slice %arg9[%dma_wait3A_849, %dma_wait3A_850] : memref<10112x128xf32, #tpu.memory_space<vmem_shared>> -> memref<128x128xf32, #tpu.memory_space<vmem_shared>>
      %dma_wait3A_852 = arith.constant 0 : i32
      %dma_wait3A_853 = arith.constant 0 : i32
      %dma_wait3A_854 = tpu.memref_slice %arg9[%dma_wait3A_852, %dma_wait3A_853] : memref<10112x128xf32, #tpu.memory_space<vmem_shared>> -> memref<128x128xf32, #tpu.memory_space<vmem_shared>>
      %dma_wait3A_855 = arith.constant 0 : i32
      %dma_wait3A_856 = arith.constant 0 : i32
      %dma_wait3A_857 = tpu.memref_slice %arg8[%dma_wait3A_844, %dma_wait3A_855, %dma_wait3A_856] : memref<3x128x128xf32, #tpu.memory_space<vmem>> -> memref<1x128x128xf32, #tpu.memory_space<vmem>>
      %dma_wait3A_858 = tpu.memref_squeeze %dma_wait3A_857 : memref<1x128x128xf32, #tpu.memory_space<vmem>> -> memref<128x128xf32, #tpu.memory_space<vmem>>
      tpu.wait_dma2 semaphore(%arg20 : memref<!tpu.dma_semaphore, #tpu.memory_space<semaphore_mem>>) src(%dma_wait3A_858 : memref<128x128xf32, #tpu.memory_space<vmem>>) dst(%dma_wait3A_854 : memref<128x128xf32, #tpu.memory_space<vmem_shared>>)
      %add3A_859 = arith.constant 2 : i32
      %add3A_860 = arith.addi %add3A_791, %add3A_859 : i32
      %dma_start3A_861 = arith.constant 1 : i32
      %dma_start3A_862 = arith.constant 1 : i32
      %dma_start3A_863 = arith.constant 0 : i32
      %dma_start3A_864 = arith.constant 0 : i32
      %dma_start3A_865 = tpu.memref_slice %arg8[%dma_start3A_862, %dma_start3A_863, %dma_start3A_864] : memref<3x128x128xf32, #tpu.memory_space<vmem>> -> memref<1x128x128xf32, #tpu.memory_space<vmem>>
      %dma_start3A_866 = tpu.memref_squeeze %dma_start3A_865 : memref<1x128x128xf32, #tpu.memory_space<vmem>> -> memref<128x128xf32, #tpu.memory_space<vmem>>
      %dma_start3A_867 = arith.constant 0 : i32
      %dma_start3A_868 = tpu.memref_slice %arg6[%dma_start3A_861, %dma_start3A_867] : memref<3x128xi32, #tpu.memory_space<vmem>> -> memref<1x128xi32, #tpu.memory_space<vmem>>
      %dma_start3A_869 = tpu.memref_squeeze %dma_start3A_868 : memref<1x128xi32, #tpu.memory_space<vmem>> -> memref<128xi32, #tpu.memory_space<vmem>>
      %dma_start3A_870 = arith.constant 0 : i32
      %dma_start3A_871 = arith.constant 0 : i32
      %dma_start3A_872 = tpu.memref_slice %arg2[%dma_start3A_870, %dma_start3A_871] : memref<10000x128xf32, #tpu.memory_space<hbm>> -> memref<10000x128xf32, #tpu.memory_space<hbm>>
      tpu.enqueue_indirect_dma source(%dma_start3A_872 : memref<10000x128xf32, #tpu.memory_space<hbm>>) target(%dma_start3A_866 : memref<128x128xf32, #tpu.memory_space<vmem>>) offsets(%dma_start3A_869 : memref<128xi32, #tpu.memory_space<vmem>>) semaphore(%arg17 : memref<!tpu.dma_semaphore, #tpu.memory_space<semaphore_mem>>)
      %add3A_873 = arith.constant 3 : i32
      %add3A_874 = arith.addi %add3A_791, %add3A_873 : i32
      %add3A_875 = arith.addi %mul3A_2, %add3A_874 : i32
      %dma_start3A_876 = arith.constant 2 : i32
      %dma_start3A_877 = arith.constant 0 : i32
      %dma_start3A_878 = tpu.memref_slice %arg6[%dma_start3A_876, %dma_start3A_877] : memref<3x128xi32, #tpu.memory_space<vmem>> -> memref<1x128xi32, #tpu.memory_space<vmem>>
      %dma_start3A_879 = tpu.memref_squeeze %dma_start3A_878 : memref<1x128xi32, #tpu.memory_space<vmem>> -> memref<128xi32, #tpu.memory_space<vmem>>
      %dma_start3A_880 = arith.constant 0 : i32
      %dma_start3A_881 = tpu.memref_slice %arg3[%add3A_875, %dma_start3A_880] : memref<2568x128xi32, #tpu.memory_space<hbm>> -> memref<1x128xi32, #tpu.memory_space<hbm>>
      %dma_start3A_882 = tpu.memref_squeeze %dma_start3A_881 : memref<1x128xi32, #tpu.memory_space<hbm>> -> memref<128xi32, #tpu.memory_space<hbm>>
      %dma_start3A_883 = arith.constant 0 : i32
      %dma_start3A_884 = tpu.memref_slice %arg6[%dma_start3A_876, %dma_start3A_883] : memref<3x128xi32, #tpu.memory_space<vmem>> -> memref<1x128xi32, #tpu.memory_space<vmem>>
      %dma_start3A_885 = tpu.memref_squeeze %dma_start3A_884 : memref<1x128xi32, #tpu.memory_space<vmem>> -> memref<128xi32, #tpu.memory_space<vmem>>
      %dma_start3A_886 = arith.constant 0 : i32
      %dma_start3A_887 = tpu.memref_slice %arg3[%add3A_875, %dma_start3A_886] : memref<2568x128xi32, #tpu.memory_space<hbm>> -> memref<1x128xi32, #tpu.memory_space<hbm>>
      %dma_start3A_888 = tpu.memref_squeeze %dma_start3A_887 : memref<1x128xi32, #tpu.memory_space<hbm>> -> memref<128xi32, #tpu.memory_space<hbm>>
      tpu.enqueue_dma source(%dma_start3A_888 : memref<128xi32, #tpu.memory_space<hbm>>) target(%dma_start3A_885 : memref<128xi32, #tpu.memory_space<vmem>>) target_semaphore(%arg12 : memref<!tpu.dma_semaphore, #tpu.memory_space<semaphore_mem>>)
      %add3A_889 = arith.constant 2 : i32
      %add3A_890 = arith.addi %add3A_791, %add3A_889 : i32
      %add3A_891 = arith.addi %mul3A_2, %add3A_890 : i32
      %dma_start3A_892 = arith.constant 1 : i32
      %dma_start3A_893 = arith.constant 0 : i32
      %dma_start3A_894 = tpu.memref_slice %arg7[%dma_start3A_892, %dma_start3A_893] : memref<3x128xi32, #tpu.memory_space<vmem>> -> memref<1x128xi32, #tpu.memory_space<vmem>>
      %dma_start3A_895 = tpu.memref_squeeze %dma_start3A_894 : memref<1x128xi32, #tpu.memory_space<vmem>> -> memref<128xi32, #tpu.memory_space<vmem>>
      %dma_start3A_896 = arith.constant 0 : i32
      %dma_start3A_897 = tpu.memref_slice %arg4[%add3A_891, %dma_start3A_896] : memref<2560x128xi32, #tpu.memory_space<hbm>> -> memref<1x128xi32, #tpu.memory_space<hbm>>
      %dma_start3A_898 = tpu.memref_squeeze %dma_start3A_897 : memref<1x128xi32, #tpu.memory_space<hbm>> -> memref<128xi32, #tpu.memory_space<hbm>>
      %dma_start3A_899 = arith.constant 0 : i32
      %dma_start3A_900 = tpu.memref_slice %arg7[%dma_start3A_892, %dma_start3A_899] : memref<3x128xi32, #tpu.memory_space<vmem>> -> memref<1x128xi32, #tpu.memory_space<vmem>>
      %dma_start3A_901 = tpu.memref_squeeze %dma_start3A_900 : memref<1x128xi32, #tpu.memory_space<vmem>> -> memref<128xi32, #tpu.memory_space<vmem>>
      %dma_start3A_902 = arith.constant 0 : i32
      %dma_start3A_903 = tpu.memref_slice %arg4[%add3A_891, %dma_start3A_902] : memref<2560x128xi32, #tpu.memory_space<hbm>> -> memref<1x128xi32, #tpu.memory_space<hbm>>
      %dma_start3A_904 = tpu.memref_squeeze %dma_start3A_903 : memref<1x128xi32, #tpu.memory_space<hbm>> -> memref<128xi32, #tpu.memory_space<hbm>>
      tpu.enqueue_dma source(%dma_start3A_904 : memref<128xi32, #tpu.memory_space<hbm>>) target(%dma_start3A_901 : memref<128xi32, #tpu.memory_space<vmem>>) target_semaphore(%arg14 : memref<!tpu.dma_semaphore, #tpu.memory_space<semaphore_mem>>)
      %mul3A_905 = arith.constant 3 : i32
      %mul3A_906 = arith.muli %mul3A_905, %scan3A_669 : i32
      %add3A_907 = arith.constant 3 : i32
      %add3A_908 = arith.addi %mul3A_906, %add3A_907 : i32
      %dma_wait3A_909 = arith.constant 0 : i32
      %dma_wait3A_910 = arith.constant 0 : i32
      %dma_wait3A_911 = arith.constant 0 : i32
      %dma_wait3A_912 = arith.constant 0 : i32
      %dma_wait3A_913 = tpu.memref_slice %arg8[%dma_wait3A_910, %dma_wait3A_911, %dma_wait3A_912] : memref<3x128x128xf32, #tpu.memory_space<vmem>> -> memref<1x128x128xf32, #tpu.memory_space<vmem>>
      %dma_wait3A_914 = tpu.memref_squeeze %dma_wait3A_913 : memref<1x128x128xf32, #tpu.memory_space<vmem>> -> memref<128x128xf32, #tpu.memory_space<vmem>>
      %dma_wait3A_915 = arith.constant 0 : i32
      %dma_wait3A_916 = tpu.memref_slice %arg6[%dma_wait3A_909, %dma_wait3A_915] : memref<3x128xi32, #tpu.memory_space<vmem>> -> memref<1x128xi32, #tpu.memory_space<vmem>>
      %dma_wait3A_917 = tpu.memref_squeeze %dma_wait3A_916 : memref<1x128xi32, #tpu.memory_space<vmem>> -> memref<128xi32, #tpu.memory_space<vmem>>
      %dma_wait3A_918 = arith.constant 0 : i32
      %dma_wait3A_919 = arith.constant 0 : i32
      %dma_wait3A_920 = tpu.memref_slice %arg2[%dma_wait3A_918, %dma_wait3A_919] : memref<10000x128xf32, #tpu.memory_space<hbm>> -> memref<10000x128xf32, #tpu.memory_space<hbm>>
      tpu.wait_indirect_dma semaphore(%arg16 : memref<!tpu.dma_semaphore, #tpu.memory_space<semaphore_mem>>) src(%dma_wait3A_920 : memref<10000x128xf32, #tpu.memory_space<hbm>>) dst(%dma_wait3A_914 : memref<128x128xf32, #tpu.memory_space<vmem>>)
      %dma_wait3A_921 = arith.constant 0 : i32
      %dma_wait3A_922 = arith.constant 0 : i32
      %dma_wait3A_923 = arith.constant 0 : i32
      %dma_wait3A_924 = tpu.memref_slice %arg7[%dma_wait3A_922, %dma_wait3A_923] : memref<3x128xi32, #tpu.memory_space<vmem>> -> memref<1x128xi32, #tpu.memory_space<vmem>>
      %dma_wait3A_925 = tpu.memref_squeeze %dma_wait3A_924 : memref<1x128xi32, #tpu.memory_space<vmem>> -> memref<128xi32, #tpu.memory_space<vmem>>
      %dma_wait3A_926 = arith.constant 0 : i32
      %dma_wait3A_927 = tpu.memref_slice %arg4[%dma_wait3A_921, %dma_wait3A_926] : memref<2560x128xi32, #tpu.memory_space<hbm>> -> memref<1x128xi32, #tpu.memory_space<hbm>>
      %dma_wait3A_928 = tpu.memref_squeeze %dma_wait3A_927 : memref<1x128xi32, #tpu.memory_space<hbm>> -> memref<128xi32, #tpu.memory_space<hbm>>
      %dma_wait3A_929 = arith.constant 0 : i32
      %dma_wait3A_930 = tpu.memref_slice %arg7[%dma_wait3A_922, %dma_wait3A_929] : memref<3x128xi32, #tpu.memory_space<vmem>> -> memref<1x128xi32, #tpu.memory_space<vmem>>
      %dma_wait3A_931 = tpu.memref_squeeze %dma_wait3A_930 : memref<1x128xi32, #tpu.memory_space<vmem>> -> memref<128xi32, #tpu.memory_space<vmem>>
      %dma_wait3A_932 = arith.constant 0 : i32
      %dma_wait3A_933 = tpu.memref_slice %arg4[%dma_wait3A_921, %dma_wait3A_932] : memref<2560x128xi32, #tpu.memory_space<hbm>> -> memref<1x128xi32, #tpu.memory_space<hbm>>
      %dma_wait3A_934 = tpu.memref_squeeze %dma_wait3A_933 : memref<1x128xi32, #tpu.memory_space<hbm>> -> memref<128xi32, #tpu.memory_space<hbm>>
      tpu.wait_dma2 semaphore(%arg13 : memref<!tpu.dma_semaphore, #tpu.memory_space<semaphore_mem>>) src(%dma_wait3A_934 : memref<128xi32, #tpu.memory_space<hbm>>) dst(%dma_wait3A_931 : memref<128xi32, #tpu.memory_space<vmem>>)
      %dma_start3A_935 = arith.constant 0 : i32
      %dma_start3A_936 = arith.constant 0 : i32
      %dma_start3A_937 = arith.constant 0 : i32
      %dma_start3A_938 = arith.constant 0 : i32
      %dma_start3A_939 = tpu.memref_slice %arg8[%dma_start3A_935, %dma_start3A_937, %dma_start3A_938] : memref<3x128x128xf32, #tpu.memory_space<vmem>> -> memref<1x128x128xf32, #tpu.memory_space<vmem>>
      %dma_start3A_940 = tpu.memref_squeeze %dma_start3A_939 : memref<1x128x128xf32, #tpu.memory_space<vmem>> -> memref<128x128xf32, #tpu.memory_space<vmem>>
      %dma_start3A_941 = arith.constant 0 : i32
      %dma_start3A_942 = tpu.memref_slice %arg7[%dma_start3A_936, %dma_start3A_941] : memref<3x128xi32, #tpu.memory_space<vmem>> -> memref<1x128xi32, #tpu.memory_space<vmem>>
      %dma_start3A_943 = tpu.memref_squeeze %dma_start3A_942 : memref<1x128xi32, #tpu.memory_space<vmem>> -> memref<128xi32, #tpu.memory_space<vmem>>
      %dma_start3A_944 = arith.constant 0 : i32
      %dma_start3A_945 = arith.constant 0 : i32
      %dma_start3A_946 = tpu.memref_slice %arg9[%dma_start3A_944, %dma_start3A_945] : memref<10112x128xf32, #tpu.memory_space<vmem_shared>> -> memref<10112x128xf32, #tpu.memory_space<vmem_shared>>
      tpu.enqueue_indirect_dma source(%dma_start3A_940 : memref<128x128xf32, #tpu.memory_space<vmem>>) target(%dma_start3A_946 : memref<10112x128xf32, #tpu.memory_space<vmem_shared>>) offsets(%dma_start3A_943 : memref<128xi32, #tpu.memory_space<vmem>>) semaphore(%arg19 : memref<!tpu.dma_semaphore, #tpu.memory_space<semaphore_mem>>) {add = true}
      %dma_wait3A_947 = arith.constant 0 : i32
      %dma_wait3A_948 = arith.constant 2 : i32
      %dma_wait3A_949 = arith.constant 0 : i32
      %dma_wait3A_950 = tpu.memref_slice %arg6[%dma_wait3A_948, %dma_wait3A_949] : memref<3x128xi32, #tpu.memory_space<vmem>> -> memref<1x128xi32, #tpu.memory_space<vmem>>
      %dma_wait3A_951 = tpu.memref_squeeze %dma_wait3A_950 : memref<1x128xi32, #tpu.memory_space<vmem>> -> memref<128xi32, #tpu.memory_space<vmem>>
      %dma_wait3A_952 = arith.constant 0 : i32
      %dma_wait3A_953 = tpu.memref_slice %arg3[%dma_wait3A_947, %dma_wait3A_952] : memref<2568x128xi32, #tpu.memory_space<hbm>> -> memref<1x128xi32, #tpu.memory_space<hbm>>
      %dma_wait3A_954 = tpu.memref_squeeze %dma_wait3A_953 : memref<1x128xi32, #tpu.memory_space<hbm>> -> memref<128xi32, #tpu.memory_space<hbm>>
      %dma_wait3A_955 = arith.constant 0 : i32
      %dma_wait3A_956 = tpu.memref_slice %arg6[%dma_wait3A_948, %dma_wait3A_955] : memref<3x128xi32, #tpu.memory_space<vmem>> -> memref<1x128xi32, #tpu.memory_space<vmem>>
      %dma_wait3A_957 = tpu.memref_squeeze %dma_wait3A_956 : memref<1x128xi32, #tpu.memory_space<vmem>> -> memref<128xi32, #tpu.memory_space<vmem>>
      %dma_wait3A_958 = arith.constant 0 : i32
      %dma_wait3A_959 = tpu.memref_slice %arg3[%dma_wait3A_947, %dma_wait3A_958] : memref<2568x128xi32, #tpu.memory_space<hbm>> -> memref<1x128xi32, #tpu.memory_space<hbm>>
      %dma_wait3A_960 = tpu.memref_squeeze %dma_wait3A_959 : memref<1x128xi32, #tpu.memory_space<hbm>> -> memref<128xi32, #tpu.memory_space<hbm>>
      tpu.wait_dma2 semaphore(%arg12 : memref<!tpu.dma_semaphore, #tpu.memory_space<semaphore_mem>>) src(%dma_wait3A_960 : memref<128xi32, #tpu.memory_space<hbm>>) dst(%dma_wait3A_957 : memref<128xi32, #tpu.memory_space<vmem>>)
      %dma_wait3A_961 = arith.constant 2 : i32
      %dma_wait3A_962 = arith.constant 0 : i32
      %dma_wait3A_963 = arith.constant 0 : i32
      %dma_wait3A_964 = tpu.memref_slice %arg8[%dma_wait3A_961, %dma_wait3A_962, %dma_wait3A_963] : memref<3x128x128xf32, #tpu.memory_space<vmem>> -> memref<1x128x128xf32, #tpu.memory_space<vmem>>
      %dma_wait3A_965 = tpu.memref_squeeze %dma_wait3A_964 : memref<1x128x128xf32, #tpu.memory_space<vmem>> -> memref<128x128xf32, #tpu.memory_space<vmem>>
      %dma_wait3A_966 = arith.constant 0 : i32
      %dma_wait3A_967 = arith.constant 0 : i32
      %dma_wait3A_968 = tpu.memref_slice %arg9[%dma_wait3A_966, %dma_wait3A_967] : memref<10112x128xf32, #tpu.memory_space<vmem_shared>> -> memref<128x128xf32, #tpu.memory_space<vmem_shared>>
      %dma_wait3A_969 = arith.constant 0 : i32
      %dma_wait3A_970 = arith.constant 0 : i32
      %dma_wait3A_971 = tpu.memref_slice %arg9[%dma_wait3A_969, %dma_wait3A_970] : memref<10112x128xf32, #tpu.memory_space<vmem_shared>> -> memref<128x128xf32, #tpu.memory_space<vmem_shared>>
      %dma_wait3A_972 = arith.constant 0 : i32
      %dma_wait3A_973 = arith.constant 0 : i32
      %dma_wait3A_974 = tpu.memref_slice %arg8[%dma_wait3A_961, %dma_wait3A_972, %dma_wait3A_973] : memref<3x128x128xf32, #tpu.memory_space<vmem>> -> memref<1x128x128xf32, #tpu.memory_space<vmem>>
      %dma_wait3A_975 = tpu.memref_squeeze %dma_wait3A_974 : memref<1x128x128xf32, #tpu.memory_space<vmem>> -> memref<128x128xf32, #tpu.memory_space<vmem>>
      tpu.wait_dma2 semaphore(%arg21 : memref<!tpu.dma_semaphore, #tpu.memory_space<semaphore_mem>>) src(%dma_wait3A_975 : memref<128x128xf32, #tpu.memory_space<vmem>>) dst(%dma_wait3A_971 : memref<128x128xf32, #tpu.memory_space<vmem_shared>>)
      %add3A_976 = arith.constant 2 : i32
      %add3A_977 = arith.addi %add3A_908, %add3A_976 : i32
      %dma_start3A_978 = arith.constant 2 : i32
      %dma_start3A_979 = arith.constant 2 : i32
      %dma_start3A_980 = arith.constant 0 : i32
      %dma_start3A_981 = arith.constant 0 : i32
      %dma_start3A_982 = tpu.memref_slice %arg8[%dma_start3A_979, %dma_start3A_980, %dma_start3A_981] : memref<3x128x128xf32, #tpu.memory_space<vmem>> -> memref<1x128x128xf32, #tpu.memory_space<vmem>>
      %dma_start3A_983 = tpu.memref_squeeze %dma_start3A_982 : memref<1x128x128xf32, #tpu.memory_space<vmem>> -> memref<128x128xf32, #tpu.memory_space<vmem>>
      %dma_start3A_984 = arith.constant 0 : i32
      %dma_start3A_985 = tpu.memref_slice %arg6[%dma_start3A_978, %dma_start3A_984] : memref<3x128xi32, #tpu.memory_space<vmem>> -> memref<1x128xi32, #tpu.memory_space<vmem>>
      %dma_start3A_986 = tpu.memref_squeeze %dma_start3A_985 : memref<1x128xi32, #tpu.memory_space<vmem>> -> memref<128xi32, #tpu.memory_space<vmem>>
      %dma_start3A_987 = arith.constant 0 : i32
      %dma_start3A_988 = arith.constant 0 : i32
      %dma_start3A_989 = tpu.memref_slice %arg2[%dma_start3A_987, %dma_start3A_988] : memref<10000x128xf32, #tpu.memory_space<hbm>> -> memref<10000x128xf32, #tpu.memory_space<hbm>>
      tpu.enqueue_indirect_dma source(%dma_start3A_989 : memref<10000x128xf32, #tpu.memory_space<hbm>>) target(%dma_start3A_983 : memref<128x128xf32, #tpu.memory_space<vmem>>) offsets(%dma_start3A_986 : memref<128xi32, #tpu.memory_space<vmem>>) semaphore(%arg18 : memref<!tpu.dma_semaphore, #tpu.memory_space<semaphore_mem>>)
      %add3A_990 = arith.constant 3 : i32
      %add3A_991 = arith.addi %add3A_908, %add3A_990 : i32
      %add3A_992 = arith.addi %mul3A_2, %add3A_991 : i32
      %dma_start3A_993 = arith.constant 0 : i32
      %dma_start3A_994 = arith.constant 0 : i32
      %dma_start3A_995 = tpu.memref_slice %arg6[%dma_start3A_993, %dma_start3A_994] : memref<3x128xi32, #tpu.memory_space<vmem>> -> memref<1x128xi32, #tpu.memory_space<vmem>>
      %dma_start3A_996 = tpu.memref_squeeze %dma_start3A_995 : memref<1x128xi32, #tpu.memory_space<vmem>> -> memref<128xi32, #tpu.memory_space<vmem>>
      %dma_start3A_997 = arith.constant 0 : i32
      %dma_start3A_998 = tpu.memref_slice %arg3[%add3A_992, %dma_start3A_997] : memref<2568x128xi32, #tpu.memory_space<hbm>> -> memref<1x128xi32, #tpu.memory_space<hbm>>
      %dma_start3A_999 = tpu.memref_squeeze %dma_start3A_998 : memref<1x128xi32, #tpu.memory_space<hbm>> -> memref<128xi32, #tpu.memory_space<hbm>>
      %dma_start3A_1000 = arith.constant 0 : i32
      %dma_start3A_1001 = tpu.memref_slice %arg6[%dma_start3A_993, %dma_start3A_1000] : memref<3x128xi32, #tpu.memory_space<vmem>> -> memref<1x128xi32, #tpu.memory_space<vmem>>
      %dma_start3A_1002 = tpu.memref_squeeze %dma_start3A_1001 : memref<1x128xi32, #tpu.memory_space<vmem>> -> memref<128xi32, #tpu.memory_space<vmem>>
      %dma_start3A_1003 = arith.constant 0 : i32
      %dma_start3A_1004 = tpu.memref_slice %arg3[%add3A_992, %dma_start3A_1003] : memref<2568x128xi32, #tpu.memory_space<hbm>> -> memref<1x128xi32, #tpu.memory_space<hbm>>
      %dma_start3A_1005 = tpu.memref_squeeze %dma_start3A_1004 : memref<1x128xi32, #tpu.memory_space<hbm>> -> memref<128xi32, #tpu.memory_space<hbm>>
      tpu.enqueue_dma source(%dma_start3A_1005 : memref<128xi32, #tpu.memory_space<hbm>>) target(%dma_start3A_1002 : memref<128xi32, #tpu.memory_space<vmem>>) target_semaphore(%arg10 : memref<!tpu.dma_semaphore, #tpu.memory_space<semaphore_mem>>)
      %add3A_1006 = arith.constant 2 : i32
      %add3A_1007 = arith.addi %add3A_908, %add3A_1006 : i32
      %add3A_1008 = arith.addi %mul3A_2, %add3A_1007 : i32
      %dma_start3A_1009 = arith.constant 2 : i32
      %dma_start3A_1010 = arith.constant 0 : i32
      %dma_start3A_1011 = tpu.memref_slice %arg7[%dma_start3A_1009, %dma_start3A_1010] : memref<3x128xi32, #tpu.memory_space<vmem>> -> memref<1x128xi32, #tpu.memory_space<vmem>>
      %dma_start3A_1012 = tpu.memref_squeeze %dma_start3A_1011 : memref<1x128xi32, #tpu.memory_space<vmem>> -> memref<128xi32, #tpu.memory_space<vmem>>
      %dma_start3A_1013 = arith.constant 0 : i32
      %dma_start3A_1014 = tpu.memref_slice %arg4[%add3A_1008, %dma_start3A_1013] : memref<2560x128xi32, #tpu.memory_space<hbm>> -> memref<1x128xi32, #tpu.memory_space<hbm>>
      %dma_start3A_1015 = tpu.memref_squeeze %dma_start3A_1014 : memref<1x128xi32, #tpu.memory_space<hbm>> -> memref<128xi32, #tpu.memory_space<hbm>>
      %dma_start3A_1016 = arith.constant 0 : i32
      %dma_start3A_1017 = tpu.memref_slice %arg7[%dma_start3A_1009, %dma_start3A_1016] : memref<3x128xi32, #tpu.memory_space<vmem>> -> memref<1x128xi32, #tpu.memory_space<vmem>>
      %dma_start3A_1018 = tpu.memref_squeeze %dma_start3A_1017 : memref<1x128xi32, #tpu.memory_space<vmem>> -> memref<128xi32, #tpu.memory_space<vmem>>
      %dma_start3A_1019 = arith.constant 0 : i32
      %dma_start3A_1020 = tpu.memref_slice %arg4[%add3A_1008, %dma_start3A_1019] : memref<2560x128xi32, #tpu.memory_space<hbm>> -> memref<1x128xi32, #tpu.memory_space<hbm>>
      %dma_start3A_1021 = tpu.memref_squeeze %dma_start3A_1020 : memref<1x128xi32, #tpu.memory_space<hbm>> -> memref<128xi32, #tpu.memory_space<hbm>>
      tpu.enqueue_dma source(%dma_start3A_1021 : memref<128xi32, #tpu.memory_space<hbm>>) target(%dma_start3A_1018 : memref<128xi32, #tpu.memory_space<vmem>>) target_semaphore(%arg15 : memref<!tpu.dma_semaphore, #tpu.memory_space<semaphore_mem>>)
      %scan3A_1022 = arith.constant 0 : i32
      scf.yield %scan3A_1022 : i32
    }
    %scan3A_259 = arith.constant 25 : i32
    %dma_wait3A_260 = arith.constant 1 : i32
    %dma_wait3A_261 = arith.constant 1 : i32
    %dma_wait3A_262 = arith.constant 0 : i32
    %dma_wait3A_263 = arith.constant 0 : i32
    %dma_wait3A_264 = tpu.memref_slice %arg8[%dma_wait3A_261, %dma_wait3A_262, %dma_wait3A_263] : memref<3x128x128xf32, #tpu.memory_space<vmem>> -> memref<1x128x128xf32, #tpu.memory_space<vmem>>
    %dma_wait3A_265 = tpu.memref_squeeze %dma_wait3A_264 : memref<1x128x128xf32, #tpu.memory_space<vmem>> -> memref<128x128xf32, #tpu.memory_space<vmem>>
    %dma_wait3A_266 = arith.constant 0 : i32
    %dma_wait3A_267 = tpu.memref_slice %arg6[%dma_wait3A_260, %dma_wait3A_266] : memref<3x128xi32, #tpu.memory_space<vmem>> -> memref<1x128xi32, #tpu.memory_space<vmem>>
    %dma_wait3A_268 = tpu.memref_squeeze %dma_wait3A_267 : memref<1x128xi32, #tpu.memory_space<vmem>> -> memref<128xi32, #tpu.memory_space<vmem>>
    %dma_wait3A_269 = arith.constant 0 : i32
    %dma_wait3A_270 = arith.constant 0 : i32
    %dma_wait3A_271 = tpu.memref_slice %arg2[%dma_wait3A_269, %dma_wait3A_270] : memref<10000x128xf32, #tpu.memory_space<hbm>> -> memref<10000x128xf32, #tpu.memory_space<hbm>>
    tpu.wait_indirect_dma semaphore(%arg17 : memref<!tpu.dma_semaphore, #tpu.memory_space<semaphore_mem>>) src(%dma_wait3A_271 : memref<10000x128xf32, #tpu.memory_space<hbm>>) dst(%dma_wait3A_265 : memref<128x128xf32, #tpu.memory_space<vmem>>)
    %dma_wait3A_272 = arith.constant 0 : i32
    %dma_wait3A_273 = arith.constant 1 : i32
    %dma_wait3A_274 = arith.constant 0 : i32
    %dma_wait3A_275 = tpu.memref_slice %arg7[%dma_wait3A_273, %dma_wait3A_274] : memref<3x128xi32, #tpu.memory_space<vmem>> -> memref<1x128xi32, #tpu.memory_space<vmem>>
    %dma_wait3A_276 = tpu.memref_squeeze %dma_wait3A_275 : memref<1x128xi32, #tpu.memory_space<vmem>> -> memref<128xi32, #tpu.memory_space<vmem>>
    %dma_wait3A_277 = arith.constant 0 : i32
    %dma_wait3A_278 = tpu.memref_slice %arg4[%dma_wait3A_272, %dma_wait3A_277] : memref<2560x128xi32, #tpu.memory_space<hbm>> -> memref<1x128xi32, #tpu.memory_space<hbm>>
    %dma_wait3A_279 = tpu.memref_squeeze %dma_wait3A_278 : memref<1x128xi32, #tpu.memory_space<hbm>> -> memref<128xi32, #tpu.memory_space<hbm>>
    %dma_wait3A_280 = arith.constant 0 : i32
    %dma_wait3A_281 = tpu.memref_slice %arg7[%dma_wait3A_273, %dma_wait3A_280] : memref<3x128xi32, #tpu.memory_space<vmem>> -> memref<1x128xi32, #tpu.memory_space<vmem>>
    %dma_wait3A_282 = tpu.memref_squeeze %dma_wait3A_281 : memref<1x128xi32, #tpu.memory_space<vmem>> -> memref<128xi32, #tpu.memory_space<vmem>>
    %dma_wait3A_283 = arith.constant 0 : i32
    %dma_wait3A_284 = tpu.memref_slice %arg4[%dma_wait3A_272, %dma_wait3A_283] : memref<2560x128xi32, #tpu.memory_space<hbm>> -> memref<1x128xi32, #tpu.memory_space<hbm>>
    %dma_wait3A_285 = tpu.memref_squeeze %dma_wait3A_284 : memref<1x128xi32, #tpu.memory_space<hbm>> -> memref<128xi32, #tpu.memory_space<hbm>>
    tpu.wait_dma2 semaphore(%arg14 : memref<!tpu.dma_semaphore, #tpu.memory_space<semaphore_mem>>) src(%dma_wait3A_285 : memref<128xi32, #tpu.memory_space<hbm>>) dst(%dma_wait3A_282 : memref<128xi32, #tpu.memory_space<vmem>>)
    %dma_start3A_286 = arith.constant 1 : i32
    %dma_start3A_287 = arith.constant 1 : i32
    %dma_start3A_288 = arith.constant 0 : i32
    %dma_start3A_289 = arith.constant 0 : i32
    %dma_start3A_290 = tpu.memref_slice %arg8[%dma_start3A_286, %dma_start3A_288, %dma_start3A_289] : memref<3x128x128xf32, #tpu.memory_space<vmem>> -> memref<1x128x128xf32, #tpu.memory_space<vmem>>
    %dma_start3A_291 = tpu.memref_squeeze %dma_start3A_290 : memref<1x128x128xf32, #tpu.memory_space<vmem>> -> memref<128x128xf32, #tpu.memory_space<vmem>>
    %dma_start3A_292 = arith.constant 0 : i32
    %dma_start3A_293 = tpu.memref_slice %arg7[%dma_start3A_287, %dma_start3A_292] : memref<3x128xi32, #tpu.memory_space<vmem>> -> memref<1x128xi32, #tpu.memory_space<vmem>>
    %dma_start3A_294 = tpu.memref_squeeze %dma_start3A_293 : memref<1x128xi32, #tpu.memory_space<vmem>> -> memref<128xi32, #tpu.memory_space<vmem>>
    %dma_start3A_295 = arith.constant 0 : i32
    %dma_start3A_296 = arith.constant 0 : i32
    %dma_start3A_297 = tpu.memref_slice %arg9[%dma_start3A_295, %dma_start3A_296] : memref<10112x128xf32, #tpu.memory_space<vmem_shared>> -> memref<10112x128xf32, #tpu.memory_space<vmem_shared>>
    tpu.enqueue_indirect_dma source(%dma_start3A_291 : memref<128x128xf32, #tpu.memory_space<vmem>>) target(%dma_start3A_297 : memref<10112x128xf32, #tpu.memory_space<vmem_shared>>) offsets(%dma_start3A_294 : memref<128xi32, #tpu.memory_space<vmem>>) semaphore(%arg20 : memref<!tpu.dma_semaphore, #tpu.memory_space<semaphore_mem>>) {add = true}
    %dma_wait3A_298 = arith.constant 0 : i32
    %dma_wait3A_299 = arith.constant 0 : i32
    %dma_wait3A_300 = arith.constant 0 : i32
    %dma_wait3A_301 = tpu.memref_slice %arg6[%dma_wait3A_299, %dma_wait3A_300] : memref<3x128xi32, #tpu.memory_space<vmem>> -> memref<1x128xi32, #tpu.memory_space<vmem>>
    %dma_wait3A_302 = tpu.memref_squeeze %dma_wait3A_301 : memref<1x128xi32, #tpu.memory_space<vmem>> -> memref<128xi32, #tpu.memory_space<vmem>>
    %dma_wait3A_303 = arith.constant 0 : i32
    %dma_wait3A_304 = tpu.memref_slice %arg3[%dma_wait3A_298, %dma_wait3A_303] : memref<2568x128xi32, #tpu.memory_space<hbm>> -> memref<1x128xi32, #tpu.memory_space<hbm>>
    %dma_wait3A_305 = tpu.memref_squeeze %dma_wait3A_304 : memref<1x128xi32, #tpu.memory_space<hbm>> -> memref<128xi32, #tpu.memory_space<hbm>>
    %dma_wait3A_306 = arith.constant 0 : i32
    %dma_wait3A_307 = tpu.memref_slice %arg6[%dma_wait3A_299, %dma_wait3A_306] : memref<3x128xi32, #tpu.memory_space<vmem>> -> memref<1x128xi32, #tpu.memory_space<vmem>>
    %dma_wait3A_308 = tpu.memref_squeeze %dma_wait3A_307 : memref<1x128xi32, #tpu.memory_space<vmem>> -> memref<128xi32, #tpu.memory_space<vmem>>
    %dma_wait3A_309 = arith.constant 0 : i32
    %dma_wait3A_310 = tpu.memref_slice %arg3[%dma_wait3A_298, %dma_wait3A_309] : memref<2568x128xi32, #tpu.memory_space<hbm>> -> memref<1x128xi32, #tpu.memory_space<hbm>>
    %dma_wait3A_311 = tpu.memref_squeeze %dma_wait3A_310 : memref<1x128xi32, #tpu.memory_space<hbm>> -> memref<128xi32, #tpu.memory_space<hbm>>
    tpu.wait_dma2 semaphore(%arg10 : memref<!tpu.dma_semaphore, #tpu.memory_space<semaphore_mem>>) src(%dma_wait3A_311 : memref<128xi32, #tpu.memory_space<hbm>>) dst(%dma_wait3A_308 : memref<128xi32, #tpu.memory_space<vmem>>)
    %dma_wait3A_312 = arith.constant 0 : i32
    %dma_wait3A_313 = arith.constant 0 : i32
    %dma_wait3A_314 = arith.constant 0 : i32
    %dma_wait3A_315 = tpu.memref_slice %arg8[%dma_wait3A_312, %dma_wait3A_313, %dma_wait3A_314] : memref<3x128x128xf32, #tpu.memory_space<vmem>> -> memref<1x128x128xf32, #tpu.memory_space<vmem>>
    %dma_wait3A_316 = tpu.memref_squeeze %dma_wait3A_315 : memref<1x128x128xf32, #tpu.memory_space<vmem>> -> memref<128x128xf32, #tpu.memory_space<vmem>>
    %dma_wait3A_317 = arith.constant 0 : i32
    %dma_wait3A_318 = arith.constant 0 : i32
    %dma_wait3A_319 = tpu.memref_slice %arg9[%dma_wait3A_317, %dma_wait3A_318] : memref<10112x128xf32, #tpu.memory_space<vmem_shared>> -> memref<128x128xf32, #tpu.memory_space<vmem_shared>>
    %dma_wait3A_320 = arith.constant 0 : i32
    %dma_wait3A_321 = arith.constant 0 : i32
    %dma_wait3A_322 = tpu.memref_slice %arg9[%dma_wait3A_320, %dma_wait3A_321] : memref<10112x128xf32, #tpu.memory_space<vmem_shared>> -> memref<128x128xf32, #tpu.memory_space<vmem_shared>>
    %dma_wait3A_323 = arith.constant 0 : i32
    %dma_wait3A_324 = arith.constant 0 : i32
    %dma_wait3A_325 = tpu.memref_slice %arg8[%dma_wait3A_312, %dma_wait3A_323, %dma_wait3A_324] : memref<3x128x128xf32, #tpu.memory_space<vmem>> -> memref<1x128x128xf32, #tpu.memory_space<vmem>>
    %dma_wait3A_326 = tpu.memref_squeeze %dma_wait3A_325 : memref<1x128x128xf32, #tpu.memory_space<vmem>> -> memref<128x128xf32, #tpu.memory_space<vmem>>
    tpu.wait_dma2 semaphore(%arg19 : memref<!tpu.dma_semaphore, #tpu.memory_space<semaphore_mem>>) src(%dma_wait3A_326 : memref<128x128xf32, #tpu.memory_space<vmem>>) dst(%dma_wait3A_322 : memref<128x128xf32, #tpu.memory_space<vmem_shared>>)
    %dma_start3A_327 = arith.constant 0 : i32
    %dma_start3A_328 = arith.constant 0 : i32
    %dma_start3A_329 = arith.constant 0 : i32
    %dma_start3A_330 = arith.constant 0 : i32
    %dma_start3A_331 = tpu.memref_slice %arg8[%dma_start3A_328, %dma_start3A_329, %dma_start3A_330] : memref<3x128x128xf32, #tpu.memory_space<vmem>> -> memref<1x128x128xf32, #tpu.memory_space<vmem>>
    %dma_start3A_332 = tpu.memref_squeeze %dma_start3A_331 : memref<1x128x128xf32, #tpu.memory_space<vmem>> -> memref<128x128xf32, #tpu.memory_space<vmem>>
    %dma_start3A_333 = arith.constant 0 : i32
    %dma_start3A_334 = tpu.memref_slice %arg6[%dma_start3A_327, %dma_start3A_333] : memref<3x128xi32, #tpu.memory_space<vmem>> -> memref<1x128xi32, #tpu.memory_space<vmem>>
    %dma_start3A_335 = tpu.memref_squeeze %dma_start3A_334 : memref<1x128xi32, #tpu.memory_space<vmem>> -> memref<128xi32, #tpu.memory_space<vmem>>
    %dma_start3A_336 = arith.constant 0 : i32
    %dma_start3A_337 = arith.constant 0 : i32
    %dma_start3A_338 = tpu.memref_slice %arg2[%dma_start3A_336, %dma_start3A_337] : memref<10000x128xf32, #tpu.memory_space<hbm>> -> memref<10000x128xf32, #tpu.memory_space<hbm>>
    tpu.enqueue_indirect_dma source(%dma_start3A_338 : memref<10000x128xf32, #tpu.memory_space<hbm>>) target(%dma_start3A_332 : memref<128x128xf32, #tpu.memory_space<vmem>>) offsets(%dma_start3A_335 : memref<128xi32, #tpu.memory_space<vmem>>) semaphore(%arg16 : memref<!tpu.dma_semaphore, #tpu.memory_space<semaphore_mem>>)
    %add3A_339 = arith.constant 79 : i32
    %add3A_340 = arith.addi %mul3A_2, %add3A_339 : i32
    %dma_start3A_341 = arith.constant 1 : i32
    %dma_start3A_342 = arith.constant 0 : i32
    %dma_start3A_343 = tpu.memref_slice %arg6[%dma_start3A_341, %dma_start3A_342] : memref<3x128xi32, #tpu.memory_space<vmem>> -> memref<1x128xi32, #tpu.memory_space<vmem>>
    %dma_start3A_344 = tpu.memref_squeeze %dma_start3A_343 : memref<1x128xi32, #tpu.memory_space<vmem>> -> memref<128xi32, #tpu.memory_space<vmem>>
    %dma_start3A_345 = arith.constant 0 : i32
    %dma_start3A_346 = tpu.memref_slice %arg3[%add3A_340, %dma_start3A_345] : memref<2568x128xi32, #tpu.memory_space<hbm>> -> memref<1x128xi32, #tpu.memory_space<hbm>>
    %dma_start3A_347 = tpu.memref_squeeze %dma_start3A_346 : memref<1x128xi32, #tpu.memory_space<hbm>> -> memref<128xi32, #tpu.memory_space<hbm>>
    %dma_start3A_348 = arith.constant 0 : i32
    %dma_start3A_349 = tpu.memref_slice %arg6[%dma_start3A_341, %dma_start3A_348] : memref<3x128xi32, #tpu.memory_space<vmem>> -> memref<1x128xi32, #tpu.memory_space<vmem>>
    %dma_start3A_350 = tpu.memref_squeeze %dma_start3A_349 : memref<1x128xi32, #tpu.memory_space<vmem>> -> memref<128xi32, #tpu.memory_space<vmem>>
    %dma_start3A_351 = arith.constant 0 : i32
    %dma_start3A_352 = tpu.memref_slice %arg3[%add3A_340, %dma_start3A_351] : memref<2568x128xi32, #tpu.memory_space<hbm>> -> memref<1x128xi32, #tpu.memory_space<hbm>>
    %dma_start3A_353 = tpu.memref_squeeze %dma_start3A_352 : memref<1x128xi32, #tpu.memory_space<hbm>> -> memref<128xi32, #tpu.memory_space<hbm>>
    tpu.enqueue_dma source(%dma_start3A_353 : memref<128xi32, #tpu.memory_space<hbm>>) target(%dma_start3A_350 : memref<128xi32, #tpu.memory_space<vmem>>) target_semaphore(%arg11 : memref<!tpu.dma_semaphore, #tpu.memory_space<semaphore_mem>>)
    %add3A_354 = arith.constant 78 : i32
    %add3A_355 = arith.addi %mul3A_2, %add3A_354 : i32
    %dma_start3A_356 = arith.constant 0 : i32
    %dma_start3A_357 = arith.constant 0 : i32
    %dma_start3A_358 = tpu.memref_slice %arg7[%dma_start3A_356, %dma_start3A_357] : memref<3x128xi32, #tpu.memory_space<vmem>> -> memref<1x128xi32, #tpu.memory_space<vmem>>
    %dma_start3A_359 = tpu.memref_squeeze %dma_start3A_358 : memref<1x128xi32, #tpu.memory_space<vmem>> -> memref<128xi32, #tpu.memory_space<vmem>>
    %dma_start3A_360 = arith.constant 0 : i32
    %dma_start3A_361 = tpu.memref_slice %arg4[%add3A_355, %dma_start3A_360] : memref<2560x128xi32, #tpu.memory_space<hbm>> -> memref<1x128xi32, #tpu.memory_space<hbm>>
    %dma_start3A_362 = tpu.memref_squeeze %dma_start3A_361 : memref<1x128xi32, #tpu.memory_space<hbm>> -> memref<128xi32, #tpu.memory_space<hbm>>
    %dma_start3A_363 = arith.constant 0 : i32
    %dma_start3A_364 = tpu.memref_slice %arg7[%dma_start3A_356, %dma_start3A_363] : memref<3x128xi32, #tpu.memory_space<vmem>> -> memref<1x128xi32, #tpu.memory_space<vmem>>
    %dma_start3A_365 = tpu.memref_squeeze %dma_start3A_364 : memref<1x128xi32, #tpu.memory_space<vmem>> -> memref<128xi32, #tpu.memory_space<vmem>>
    %dma_start3A_366 = arith.constant 0 : i32
    %dma_start3A_367 = tpu.memref_slice %arg4[%add3A_355, %dma_start3A_366] : memref<2560x128xi32, #tpu.memory_space<hbm>> -> memref<1x128xi32, #tpu.memory_space<hbm>>
    %dma_start3A_368 = tpu.memref_squeeze %dma_start3A_367 : memref<1x128xi32, #tpu.memory_space<hbm>> -> memref<128xi32, #tpu.memory_space<hbm>>
    tpu.enqueue_dma source(%dma_start3A_368 : memref<128xi32, #tpu.memory_space<hbm>>) target(%dma_start3A_365 : memref<128xi32, #tpu.memory_space<vmem>>) target_semaphore(%arg13 : memref<!tpu.dma_semaphore, #tpu.memory_space<semaphore_mem>>)
    %dma_wait3A_369 = arith.constant 2 : i32
    %dma_wait3A_370 = arith.constant 2 : i32
    %dma_wait3A_371 = arith.constant 0 : i32
    %dma_wait3A_372 = arith.constant 0 : i32
    %dma_wait3A_373 = tpu.memref_slice %arg8[%dma_wait3A_370, %dma_wait3A_371, %dma_wait3A_372] : memref<3x128x128xf32, #tpu.memory_space<vmem>> -> memref<1x128x128xf32, #tpu.memory_space<vmem>>
    %dma_wait3A_374 = tpu.memref_squeeze %dma_wait3A_373 : memref<1x128x128xf32, #tpu.memory_space<vmem>> -> memref<128x128xf32, #tpu.memory_space<vmem>>
    %dma_wait3A_375 = arith.constant 0 : i32
    %dma_wait3A_376 = tpu.memref_slice %arg6[%dma_wait3A_369, %dma_wait3A_375] : memref<3x128xi32, #tpu.memory_space<vmem>> -> memref<1x128xi32, #tpu.memory_space<vmem>>
    %dma_wait3A_377 = tpu.memref_squeeze %dma_wait3A_376 : memref<1x128xi32, #tpu.memory_space<vmem>> -> memref<128xi32, #tpu.memory_space<vmem>>
    %dma_wait3A_378 = arith.constant 0 : i32
    %dma_wait3A_379 = arith.constant 0 : i32
    %dma_wait3A_380 = tpu.memref_slice %arg2[%dma_wait3A_378, %dma_wait3A_379] : memref<10000x128xf32, #tpu.memory_space<hbm>> -> memref<10000x128xf32, #tpu.memory_space<hbm>>
    tpu.wait_indirect_dma semaphore(%arg18 : memref<!tpu.dma_semaphore, #tpu.memory_space<semaphore_mem>>) src(%dma_wait3A_380 : memref<10000x128xf32, #tpu.memory_space<hbm>>) dst(%dma_wait3A_374 : memref<128x128xf32, #tpu.memory_space<vmem>>)
    %dma_wait3A_381 = arith.constant 0 : i32
    %dma_wait3A_382 = arith.constant 2 : i32
    %dma_wait3A_383 = arith.constant 0 : i32
    %dma_wait3A_384 = tpu.memref_slice %arg7[%dma_wait3A_382, %dma_wait3A_383] : memref<3x128xi32, #tpu.memory_space<vmem>> -> memref<1x128xi32, #tpu.memory_space<vmem>>
    %dma_wait3A_385 = tpu.memref_squeeze %dma_wait3A_384 : memref<1x128xi32, #tpu.memory_space<vmem>> -> memref<128xi32, #tpu.memory_space<vmem>>
    %dma_wait3A_386 = arith.constant 0 : i32
    %dma_wait3A_387 = tpu.memref_slice %arg4[%dma_wait3A_381, %dma_wait3A_386] : memref<2560x128xi32, #tpu.memory_space<hbm>> -> memref<1x128xi32, #tpu.memory_space<hbm>>
    %dma_wait3A_388 = tpu.memref_squeeze %dma_wait3A_387 : memref<1x128xi32, #tpu.memory_space<hbm>> -> memref<128xi32, #tpu.memory_space<hbm>>
    %dma_wait3A_389 = arith.constant 0 : i32
    %dma_wait3A_390 = tpu.memref_slice %arg7[%dma_wait3A_382, %dma_wait3A_389] : memref<3x128xi32, #tpu.memory_space<vmem>> -> memref<1x128xi32, #tpu.memory_space<vmem>>
    %dma_wait3A_391 = tpu.memref_squeeze %dma_wait3A_390 : memref<1x128xi32, #tpu.memory_space<vmem>> -> memref<128xi32, #tpu.memory_space<vmem>>
    %dma_wait3A_392 = arith.constant 0 : i32
    %dma_wait3A_393 = tpu.memref_slice %arg4[%dma_wait3A_381, %dma_wait3A_392] : memref<2560x128xi32, #tpu.memory_space<hbm>> -> memref<1x128xi32, #tpu.memory_space<hbm>>
    %dma_wait3A_394 = tpu.memref_squeeze %dma_wait3A_393 : memref<1x128xi32, #tpu.memory_space<hbm>> -> memref<128xi32, #tpu.memory_space<hbm>>
    tpu.wait_dma2 semaphore(%arg15 : memref<!tpu.dma_semaphore, #tpu.memory_space<semaphore_mem>>) src(%dma_wait3A_394 : memref<128xi32, #tpu.memory_space<hbm>>) dst(%dma_wait3A_391 : memref<128xi32, #tpu.memory_space<vmem>>)
    %dma_start3A_395 = arith.constant 2 : i32
    %dma_start3A_396 = arith.constant 2 : i32
    %dma_start3A_397 = arith.constant 0 : i32
    %dma_start3A_398 = arith.constant 0 : i32
    %dma_start3A_399 = tpu.memref_slice %arg8[%dma_start3A_395, %dma_start3A_397, %dma_start3A_398] : memref<3x128x128xf32, #tpu.memory_space<vmem>> -> memref<1x128x128xf32, #tpu.memory_space<vmem>>
    %dma_start3A_400 = tpu.memref_squeeze %dma_start3A_399 : memref<1x128x128xf32, #tpu.memory_space<vmem>> -> memref<128x128xf32, #tpu.memory_space<vmem>>
    %dma_start3A_401 = arith.constant 0 : i32
    %dma_start3A_402 = tpu.memref_slice %arg7[%dma_start3A_396, %dma_start3A_401] : memref<3x128xi32, #tpu.memory_space<vmem>> -> memref<1x128xi32, #tpu.memory_space<vmem>>
    %dma_start3A_403 = tpu.memref_squeeze %dma_start3A_402 : memref<1x128xi32, #tpu.memory_space<vmem>> -> memref<128xi32, #tpu.memory_space<vmem>>
    %dma_start3A_404 = arith.constant 0 : i32
    %dma_start3A_405 = arith.constant 0 : i32
    %dma_start3A_406 = tpu.memref_slice %arg9[%dma_start3A_404, %dma_start3A_405] : memref<10112x128xf32, #tpu.memory_space<vmem_shared>> -> memref<10112x128xf32, #tpu.memory_space<vmem_shared>>
    tpu.enqueue_indirect_dma source(%dma_start3A_400 : memref<128x128xf32, #tpu.memory_space<vmem>>) target(%dma_start3A_406 : memref<10112x128xf32, #tpu.memory_space<vmem_shared>>) offsets(%dma_start3A_403 : memref<128xi32, #tpu.memory_space<vmem>>) semaphore(%arg21 : memref<!tpu.dma_semaphore, #tpu.memory_space<semaphore_mem>>) {add = true}
    %dma_wait3A_407 = arith.constant 0 : i32
    %dma_wait3A_408 = arith.constant 1 : i32
    %dma_wait3A_409 = arith.constant 0 : i32
    %dma_wait3A_410 = tpu.memref_slice %arg6[%dma_wait3A_408, %dma_wait3A_409] : memref<3x128xi32, #tpu.memory_space<vmem>> -> memref<1x128xi32, #tpu.memory_space<vmem>>
    %dma_wait3A_411 = tpu.memref_squeeze %dma_wait3A_410 : memref<1x128xi32, #tpu.memory_space<vmem>> -> memref<128xi32, #tpu.memory_space<vmem>>
    %dma_wait3A_412 = arith.constant 0 : i32
    %dma_wait3A_413 = tpu.memref_slice %arg3[%dma_wait3A_407, %dma_wait3A_412] : memref<2568x128xi32, #tpu.memory_space<hbm>> -> memref<1x128xi32, #tpu.memory_space<hbm>>
    %dma_wait3A_414 = tpu.memref_squeeze %dma_wait3A_413 : memref<1x128xi32, #tpu.memory_space<hbm>> -> memref<128xi32, #tpu.memory_space<hbm>>
    %dma_wait3A_415 = arith.constant 0 : i32
    %dma_wait3A_416 = tpu.memref_slice %arg6[%dma_wait3A_408, %dma_wait3A_415] : memref<3x128xi32, #tpu.memory_space<vmem>> -> memref<1x128xi32, #tpu.memory_space<vmem>>
    %dma_wait3A_417 = tpu.memref_squeeze %dma_wait3A_416 : memref<1x128xi32, #tpu.memory_space<vmem>> -> memref<128xi32, #tpu.memory_space<vmem>>
    %dma_wait3A_418 = arith.constant 0 : i32
    %dma_wait3A_419 = tpu.memref_slice %arg3[%dma_wait3A_407, %dma_wait3A_418] : memref<2568x128xi32, #tpu.memory_space<hbm>> -> memref<1x128xi32, #tpu.memory_space<hbm>>
    %dma_wait3A_420 = tpu.memref_squeeze %dma_wait3A_419 : memref<1x128xi32, #tpu.memory_space<hbm>> -> memref<128xi32, #tpu.memory_space<hbm>>
    tpu.wait_dma2 semaphore(%arg11 : memref<!tpu.dma_semaphore, #tpu.memory_space<semaphore_mem>>) src(%dma_wait3A_420 : memref<128xi32, #tpu.memory_space<hbm>>) dst(%dma_wait3A_417 : memref<128xi32, #tpu.memory_space<vmem>>)
    %dma_wait3A_421 = arith.constant 1 : i32
    %dma_wait3A_422 = arith.constant 0 : i32
    %dma_wait3A_423 = arith.constant 0 : i32
    %dma_wait3A_424 = tpu.memref_slice %arg8[%dma_wait3A_421, %dma_wait3A_422, %dma_wait3A_423] : memref<3x128x128xf32, #tpu.memory_space<vmem>> -> memref<1x128x128xf32, #tpu.memory_space<vmem>>
    %dma_wait3A_425 = tpu.memref_squeeze %dma_wait3A_424 : memref<1x128x128xf32, #tpu.memory_space<vmem>> -> memref<128x128xf32, #tpu.memory_space<vmem>>
    %dma_wait3A_426 = arith.constant 0 : i32
    %dma_wait3A_427 = arith.constant 0 : i32
    %dma_wait3A_428 = tpu.memref_slice %arg9[%dma_wait3A_426, %dma_wait3A_427] : memref<10112x128xf32, #tpu.memory_space<vmem_shared>> -> memref<128x128xf32, #tpu.memory_space<vmem_shared>>
    %dma_wait3A_429 = arith.constant 0 : i32
    %dma_wait3A_430 = arith.constant 0 : i32
    %dma_wait3A_431 = tpu.memref_slice %arg9[%dma_wait3A_429, %dma_wait3A_430] : memref<10112x128xf32, #tpu.memory_space<vmem_shared>> -> memref<128x128xf32, #tpu.memory_space<vmem_shared>>
    %dma_wait3A_432 = arith.constant 0 : i32
    %dma_wait3A_433 = arith.constant 0 : i32
    %dma_wait3A_434 = tpu.memref_slice %arg8[%dma_wait3A_421, %dma_wait3A_432, %dma_wait3A_433] : memref<3x128x128xf32, #tpu.memory_space<vmem>> -> memref<1x128x128xf32, #tpu.memory_space<vmem>>
    %dma_wait3A_435 = tpu.memref_squeeze %dma_wait3A_434 : memref<1x128x128xf32, #tpu.memory_space<vmem>> -> memref<128x128xf32, #tpu.memory_space<vmem>>
    tpu.wait_dma2 semaphore(%arg20 : memref<!tpu.dma_semaphore, #tpu.memory_space<semaphore_mem>>) src(%dma_wait3A_435 : memref<128x128xf32, #tpu.memory_space<vmem>>) dst(%dma_wait3A_431 : memref<128x128xf32, #tpu.memory_space<vmem_shared>>)
    %dma_start3A_436 = arith.constant 1 : i32
    %dma_start3A_437 = arith.constant 1 : i32
    %dma_start3A_438 = arith.constant 0 : i32
    %dma_start3A_439 = arith.constant 0 : i32
    %dma_start3A_440 = tpu.memref_slice %arg8[%dma_start3A_437, %dma_start3A_438, %dma_start3A_439] : memref<3x128x128xf32, #tpu.memory_space<vmem>> -> memref<1x128x128xf32, #tpu.memory_space<vmem>>
    %dma_start3A_441 = tpu.memref_squeeze %dma_start3A_440 : memref<1x128x128xf32, #tpu.memory_space<vmem>> -> memref<128x128xf32, #tpu.memory_space<vmem>>
    %dma_start3A_442 = arith.constant 0 : i32
    %dma_start3A_443 = tpu.memref_slice %arg6[%dma_start3A_436, %dma_start3A_442] : memref<3x128xi32, #tpu.memory_space<vmem>> -> memref<1x128xi32, #tpu.memory_space<vmem>>
    %dma_start3A_444 = tpu.memref_squeeze %dma_start3A_443 : memref<1x128xi32, #tpu.memory_space<vmem>> -> memref<128xi32, #tpu.memory_space<vmem>>
    %dma_start3A_445 = arith.constant 0 : i32
    %dma_start3A_446 = arith.constant 0 : i32
    %dma_start3A_447 = tpu.memref_slice %arg2[%dma_start3A_445, %dma_start3A_446] : memref<10000x128xf32, #tpu.memory_space<hbm>> -> memref<10000x128xf32, #tpu.memory_space<hbm>>
    tpu.enqueue_indirect_dma source(%dma_start3A_447 : memref<10000x128xf32, #tpu.memory_space<hbm>>) target(%dma_start3A_441 : memref<128x128xf32, #tpu.memory_space<vmem>>) offsets(%dma_start3A_444 : memref<128xi32, #tpu.memory_space<vmem>>) semaphore(%arg17 : memref<!tpu.dma_semaphore, #tpu.memory_space<semaphore_mem>>)
    %add3A_448 = arith.constant 80 : i32
    %add3A_449 = arith.addi %mul3A_2, %add3A_448 : i32
    %dma_start3A_450 = arith.constant 2 : i32
    %dma_start3A_451 = arith.constant 0 : i32
    %dma_start3A_452 = tpu.memref_slice %arg6[%dma_start3A_450, %dma_start3A_451] : memref<3x128xi32, #tpu.memory_space<vmem>> -> memref<1x128xi32, #tpu.memory_space<vmem>>
    %dma_start3A_453 = tpu.memref_squeeze %dma_start3A_452 : memref<1x128xi32, #tpu.memory_space<vmem>> -> memref<128xi32, #tpu.memory_space<vmem>>
    %dma_start3A_454 = arith.constant 0 : i32
    %dma_start3A_455 = tpu.memref_slice %arg3[%add3A_449, %dma_start3A_454] : memref<2568x128xi32, #tpu.memory_space<hbm>> -> memref<1x128xi32, #tpu.memory_space<hbm>>
    %dma_start3A_456 = tpu.memref_squeeze %dma_start3A_455 : memref<1x128xi32, #tpu.memory_space<hbm>> -> memref<128xi32, #tpu.memory_space<hbm>>
    %dma_start3A_457 = arith.constant 0 : i32
    %dma_start3A_458 = tpu.memref_slice %arg6[%dma_start3A_450, %dma_start3A_457] : memref<3x128xi32, #tpu.memory_space<vmem>> -> memref<1x128xi32, #tpu.memory_space<vmem>>
    %dma_start3A_459 = tpu.memref_squeeze %dma_start3A_458 : memref<1x128xi32, #tpu.memory_space<vmem>> -> memref<128xi32, #tpu.memory_space<vmem>>
    %dma_start3A_460 = arith.constant 0 : i32
    %dma_start3A_461 = tpu.memref_slice %arg3[%add3A_449, %dma_start3A_460] : memref<2568x128xi32, #tpu.memory_space<hbm>> -> memref<1x128xi32, #tpu.memory_space<hbm>>
    %dma_start3A_462 = tpu.memref_squeeze %dma_start3A_461 : memref<1x128xi32, #tpu.memory_space<hbm>> -> memref<128xi32, #tpu.memory_space<hbm>>
    tpu.enqueue_dma source(%dma_start3A_462 : memref<128xi32, #tpu.memory_space<hbm>>) target(%dma_start3A_459 : memref<128xi32, #tpu.memory_space<vmem>>) target_semaphore(%arg12 : memref<!tpu.dma_semaphore, #tpu.memory_space<semaphore_mem>>)
    %add3A_463 = arith.constant 79 : i32
    %add3A_464 = arith.addi %mul3A_2, %add3A_463 : i32
    %dma_start3A_465 = arith.constant 1 : i32
    %dma_start3A_466 = arith.constant 0 : i32
    %dma_start3A_467 = tpu.memref_slice %arg7[%dma_start3A_465, %dma_start3A_466] : memref<3x128xi32, #tpu.memory_space<vmem>> -> memref<1x128xi32, #tpu.memory_space<vmem>>
    %dma_start3A_468 = tpu.memref_squeeze %dma_start3A_467 : memref<1x128xi32, #tpu.memory_space<vmem>> -> memref<128xi32, #tpu.memory_space<vmem>>
    %dma_start3A_469 = arith.constant 0 : i32
    %dma_start3A_470 = tpu.memref_slice %arg4[%add3A_464, %dma_start3A_469] : memref<2560x128xi32, #tpu.memory_space<hbm>> -> memref<1x128xi32, #tpu.memory_space<hbm>>
    %dma_start3A_471 = tpu.memref_squeeze %dma_start3A_470 : memref<1x128xi32, #tpu.memory_space<hbm>> -> memref<128xi32, #tpu.memory_space<hbm>>
    %dma_start3A_472 = arith.constant 0 : i32
    %dma_start3A_473 = tpu.memref_slice %arg7[%dma_start3A_465, %dma_start3A_472] : memref<3x128xi32, #tpu.memory_space<vmem>> -> memref<1x128xi32, #tpu.memory_space<vmem>>
    %dma_start3A_474 = tpu.memref_squeeze %dma_start3A_473 : memref<1x128xi32, #tpu.memory_space<vmem>> -> memref<128xi32, #tpu.memory_space<vmem>>
    %dma_start3A_475 = arith.constant 0 : i32
    %dma_start3A_476 = tpu.memref_slice %arg4[%add3A_464, %dma_start3A_475] : memref<2560x128xi32, #tpu.memory_space<hbm>> -> memref<1x128xi32, #tpu.memory_space<hbm>>
    %dma_start3A_477 = tpu.memref_squeeze %dma_start3A_476 : memref<1x128xi32, #tpu.memory_space<hbm>> -> memref<128xi32, #tpu.memory_space<hbm>>
    tpu.enqueue_dma source(%dma_start3A_477 : memref<128xi32, #tpu.memory_space<hbm>>) target(%dma_start3A_474 : memref<128xi32, #tpu.memory_space<vmem>>) target_semaphore(%arg14 : memref<!tpu.dma_semaphore, #tpu.memory_space<semaphore_mem>>)
    %dma_wait3A_478 = arith.constant 0 : i32
    %dma_wait3A_479 = arith.constant 0 : i32
    %dma_wait3A_480 = arith.constant 0 : i32
    %dma_wait3A_481 = arith.constant 0 : i32
    %dma_wait3A_482 = tpu.memref_slice %arg8[%dma_wait3A_479, %dma_wait3A_480, %dma_wait3A_481] : memref<3x128x128xf32, #tpu.memory_space<vmem>> -> memref<1x128x128xf32, #tpu.memory_space<vmem>>
    %dma_wait3A_483 = tpu.memref_squeeze %dma_wait3A_482 : memref<1x128x128xf32, #tpu.memory_space<vmem>> -> memref<128x128xf32, #tpu.memory_space<vmem>>
    %dma_wait3A_484 = arith.constant 0 : i32
    %dma_wait3A_485 = tpu.memref_slice %arg6[%dma_wait3A_478, %dma_wait3A_484] : memref<3x128xi32, #tpu.memory_space<vmem>> -> memref<1x128xi32, #tpu.memory_space<vmem>>
    %dma_wait3A_486 = tpu.memref_squeeze %dma_wait3A_485 : memref<1x128xi32, #tpu.memory_space<vmem>> -> memref<128xi32, #tpu.memory_space<vmem>>
    %dma_wait3A_487 = arith.constant 0 : i32
    %dma_wait3A_488 = arith.constant 0 : i32
    %dma_wait3A_489 = tpu.memref_slice %arg2[%dma_wait3A_487, %dma_wait3A_488] : memref<10000x128xf32, #tpu.memory_space<hbm>> -> memref<10000x128xf32, #tpu.memory_space<hbm>>
    tpu.wait_indirect_dma semaphore(%arg16 : memref<!tpu.dma_semaphore, #tpu.memory_space<semaphore_mem>>) src(%dma_wait3A_489 : memref<10000x128xf32, #tpu.memory_space<hbm>>) dst(%dma_wait3A_483 : memref<128x128xf32, #tpu.memory_space<vmem>>)
    %dma_wait3A_490 = arith.constant 0 : i32
    %dma_wait3A_491 = arith.constant 0 : i32
    %dma_wait3A_492 = arith.constant 0 : i32
    %dma_wait3A_493 = tpu.memref_slice %arg7[%dma_wait3A_491, %dma_wait3A_492] : memref<3x128xi32, #tpu.memory_space<vmem>> -> memref<1x128xi32, #tpu.memory_space<vmem>>
    %dma_wait3A_494 = tpu.memref_squeeze %dma_wait3A_493 : memref<1x128xi32, #tpu.memory_space<vmem>> -> memref<128xi32, #tpu.memory_space<vmem>>
    %dma_wait3A_495 = arith.constant 0 : i32
    %dma_wait3A_496 = tpu.memref_slice %arg4[%dma_wait3A_490, %dma_wait3A_495] : memref<2560x128xi32, #tpu.memory_space<hbm>> -> memref<1x128xi32, #tpu.memory_space<hbm>>
    %dma_wait3A_497 = tpu.memref_squeeze %dma_wait3A_496 : memref<1x128xi32, #tpu.memory_space<hbm>> -> memref<128xi32, #tpu.memory_space<hbm>>
    %dma_wait3A_498 = arith.constant 0 : i32
    %dma_wait3A_499 = tpu.memref_slice %arg7[%dma_wait3A_491, %dma_wait3A_498] : memref<3x128xi32, #tpu.memory_space<vmem>> -> memref<1x128xi32, #tpu.memory_space<vmem>>
    %dma_wait3A_500 = tpu.memref_squeeze %dma_wait3A_499 : memref<1x128xi32, #tpu.memory_space<vmem>> -> memref<128xi32, #tpu.memory_space<vmem>>
    %dma_wait3A_501 = arith.constant 0 : i32
    %dma_wait3A_502 = tpu.memref_slice %arg4[%dma_wait3A_490, %dma_wait3A_501] : memref<2560x128xi32, #tpu.memory_space<hbm>> -> memref<1x128xi32, #tpu.memory_space<hbm>>
    %dma_wait3A_503 = tpu.memref_squeeze %dma_wait3A_502 : memref<1x128xi32, #tpu.memory_space<hbm>> -> memref<128xi32, #tpu.memory_space<hbm>>
    tpu.wait_dma2 semaphore(%arg13 : memref<!tpu.dma_semaphore, #tpu.memory_space<semaphore_mem>>) src(%dma_wait3A_503 : memref<128xi32, #tpu.memory_space<hbm>>) dst(%dma_wait3A_500 : memref<128xi32, #tpu.memory_space<vmem>>)
    %dma_start3A_504 = arith.constant 0 : i32
    %dma_start3A_505 = arith.constant 0 : i32
    %dma_start3A_506 = arith.constant 0 : i32
    %dma_start3A_507 = arith.constant 0 : i32
    %dma_start3A_508 = tpu.memref_slice %arg8[%dma_start3A_504, %dma_start3A_506, %dma_start3A_507] : memref<3x128x128xf32, #tpu.memory_space<vmem>> -> memref<1x128x128xf32, #tpu.memory_space<vmem>>
    %dma_start3A_509 = tpu.memref_squeeze %dma_start3A_508 : memref<1x128x128xf32, #tpu.memory_space<vmem>> -> memref<128x128xf32, #tpu.memory_space<vmem>>
    %dma_start3A_510 = arith.constant 0 : i32
    %dma_start3A_511 = tpu.memref_slice %arg7[%dma_start3A_505, %dma_start3A_510] : memref<3x128xi32, #tpu.memory_space<vmem>> -> memref<1x128xi32, #tpu.memory_space<vmem>>
    %dma_start3A_512 = tpu.memref_squeeze %dma_start3A_511 : memref<1x128xi32, #tpu.memory_space<vmem>> -> memref<128xi32, #tpu.memory_space<vmem>>
    %dma_start3A_513 = arith.constant 0 : i32
    %dma_start3A_514 = arith.constant 0 : i32
    %dma_start3A_515 = tpu.memref_slice %arg9[%dma_start3A_513, %dma_start3A_514] : memref<10112x128xf32, #tpu.memory_space<vmem_shared>> -> memref<10112x128xf32, #tpu.memory_space<vmem_shared>>
    tpu.enqueue_indirect_dma source(%dma_start3A_509 : memref<128x128xf32, #tpu.memory_space<vmem>>) target(%dma_start3A_515 : memref<10112x128xf32, #tpu.memory_space<vmem_shared>>) offsets(%dma_start3A_512 : memref<128xi32, #tpu.memory_space<vmem>>) semaphore(%arg19 : memref<!tpu.dma_semaphore, #tpu.memory_space<semaphore_mem>>) {add = true}
    %dma_wait3A_516 = arith.constant 2 : i32
    %dma_wait3A_517 = arith.constant 0 : i32
    %dma_wait3A_518 = arith.constant 0 : i32
    %dma_wait3A_519 = tpu.memref_slice %arg8[%dma_wait3A_516, %dma_wait3A_517, %dma_wait3A_518] : memref<3x128x128xf32, #tpu.memory_space<vmem>> -> memref<1x128x128xf32, #tpu.memory_space<vmem>>
    %dma_wait3A_520 = tpu.memref_squeeze %dma_wait3A_519 : memref<1x128x128xf32, #tpu.memory_space<vmem>> -> memref<128x128xf32, #tpu.memory_space<vmem>>
    %dma_wait3A_521 = arith.constant 0 : i32
    %dma_wait3A_522 = arith.constant 0 : i32
    %dma_wait3A_523 = tpu.memref_slice %arg9[%dma_wait3A_521, %dma_wait3A_522] : memref<10112x128xf32, #tpu.memory_space<vmem_shared>> -> memref<128x128xf32, #tpu.memory_space<vmem_shared>>
    %dma_wait3A_524 = arith.constant 0 : i32
    %dma_wait3A_525 = arith.constant 0 : i32
    %dma_wait3A_526 = tpu.memref_slice %arg9[%dma_wait3A_524, %dma_wait3A_525] : memref<10112x128xf32, #tpu.memory_space<vmem_shared>> -> memref<128x128xf32, #tpu.memory_space<vmem_shared>>
    %dma_wait3A_527 = arith.constant 0 : i32
    %dma_wait3A_528 = arith.constant 0 : i32
    %dma_wait3A_529 = tpu.memref_slice %arg8[%dma_wait3A_516, %dma_wait3A_527, %dma_wait3A_528] : memref<3x128x128xf32, #tpu.memory_space<vmem>> -> memref<1x128x128xf32, #tpu.memory_space<vmem>>
    %dma_wait3A_530 = tpu.memref_squeeze %dma_wait3A_529 : memref<1x128x128xf32, #tpu.memory_space<vmem>> -> memref<128x128xf32, #tpu.memory_space<vmem>>
    tpu.wait_dma2 semaphore(%arg21 : memref<!tpu.dma_semaphore, #tpu.memory_space<semaphore_mem>>) src(%dma_wait3A_530 : memref<128x128xf32, #tpu.memory_space<vmem>>) dst(%dma_wait3A_526 : memref<128x128xf32, #tpu.memory_space<vmem_shared>>)
    %dma_wait3A_531 = arith.constant 1 : i32
    %dma_wait3A_532 = arith.constant 1 : i32
    %dma_wait3A_533 = arith.constant 0 : i32
    %dma_wait3A_534 = arith.constant 0 : i32
    %dma_wait3A_535 = tpu.memref_slice %arg8[%dma_wait3A_532, %dma_wait3A_533, %dma_wait3A_534] : memref<3x128x128xf32, #tpu.memory_space<vmem>> -> memref<1x128x128xf32, #tpu.memory_space<vmem>>
    %dma_wait3A_536 = tpu.memref_squeeze %dma_wait3A_535 : memref<1x128x128xf32, #tpu.memory_space<vmem>> -> memref<128x128xf32, #tpu.memory_space<vmem>>
    %dma_wait3A_537 = arith.constant 0 : i32
    %dma_wait3A_538 = tpu.memref_slice %arg6[%dma_wait3A_531, %dma_wait3A_537] : memref<3x128xi32, #tpu.memory_space<vmem>> -> memref<1x128xi32, #tpu.memory_space<vmem>>
    %dma_wait3A_539 = tpu.memref_squeeze %dma_wait3A_538 : memref<1x128xi32, #tpu.memory_space<vmem>> -> memref<128xi32, #tpu.memory_space<vmem>>
    %dma_wait3A_540 = arith.constant 0 : i32
    %dma_wait3A_541 = arith.constant 0 : i32
    %dma_wait3A_542 = tpu.memref_slice %arg2[%dma_wait3A_540, %dma_wait3A_541] : memref<10000x128xf32, #tpu.memory_space<hbm>> -> memref<10000x128xf32, #tpu.memory_space<hbm>>
    tpu.wait_indirect_dma semaphore(%arg17 : memref<!tpu.dma_semaphore, #tpu.memory_space<semaphore_mem>>) src(%dma_wait3A_542 : memref<10000x128xf32, #tpu.memory_space<hbm>>) dst(%dma_wait3A_536 : memref<128x128xf32, #tpu.memory_space<vmem>>)
    %dma_wait3A_543 = arith.constant 0 : i32
    %dma_wait3A_544 = arith.constant 1 : i32
    %dma_wait3A_545 = arith.constant 0 : i32
    %dma_wait3A_546 = tpu.memref_slice %arg7[%dma_wait3A_544, %dma_wait3A_545] : memref<3x128xi32, #tpu.memory_space<vmem>> -> memref<1x128xi32, #tpu.memory_space<vmem>>
    %dma_wait3A_547 = tpu.memref_squeeze %dma_wait3A_546 : memref<1x128xi32, #tpu.memory_space<vmem>> -> memref<128xi32, #tpu.memory_space<vmem>>
    %dma_wait3A_548 = arith.constant 0 : i32
    %dma_wait3A_549 = tpu.memref_slice %arg4[%dma_wait3A_543, %dma_wait3A_548] : memref<2560x128xi32, #tpu.memory_space<hbm>> -> memref<1x128xi32, #tpu.memory_space<hbm>>
    %dma_wait3A_550 = tpu.memref_squeeze %dma_wait3A_549 : memref<1x128xi32, #tpu.memory_space<hbm>> -> memref<128xi32, #tpu.memory_space<hbm>>
    %dma_wait3A_551 = arith.constant 0 : i32
    %dma_wait3A_552 = tpu.memref_slice %arg7[%dma_wait3A_544, %dma_wait3A_551] : memref<3x128xi32, #tpu.memory_space<vmem>> -> memref<1x128xi32, #tpu.memory_space<vmem>>
    %dma_wait3A_553 = tpu.memref_squeeze %dma_wait3A_552 : memref<1x128xi32, #tpu.memory_space<vmem>> -> memref<128xi32, #tpu.memory_space<vmem>>
    %dma_wait3A_554 = arith.constant 0 : i32
    %dma_wait3A_555 = tpu.memref_slice %arg4[%dma_wait3A_543, %dma_wait3A_554] : memref<2560x128xi32, #tpu.memory_space<hbm>> -> memref<1x128xi32, #tpu.memory_space<hbm>>
    %dma_wait3A_556 = tpu.memref_squeeze %dma_wait3A_555 : memref<1x128xi32, #tpu.memory_space<hbm>> -> memref<128xi32, #tpu.memory_space<hbm>>
    tpu.wait_dma2 semaphore(%arg14 : memref<!tpu.dma_semaphore, #tpu.memory_space<semaphore_mem>>) src(%dma_wait3A_556 : memref<128xi32, #tpu.memory_space<hbm>>) dst(%dma_wait3A_553 : memref<128xi32, #tpu.memory_space<vmem>>)
    %dma_start3A_557 = arith.constant 1 : i32
    %dma_start3A_558 = arith.constant 1 : i32
    %dma_start3A_559 = arith.constant 0 : i32
    %dma_start3A_560 = arith.constant 0 : i32
    %dma_start3A_561 = tpu.memref_slice %arg8[%dma_start3A_557, %dma_start3A_559, %dma_start3A_560] : memref<3x128x128xf32, #tpu.memory_space<vmem>> -> memref<1x128x128xf32, #tpu.memory_space<vmem>>
    %dma_start3A_562 = tpu.memref_squeeze %dma_start3A_561 : memref<1x128x128xf32, #tpu.memory_space<vmem>> -> memref<128x128xf32, #tpu.memory_space<vmem>>
    %dma_start3A_563 = arith.constant 0 : i32
    %dma_start3A_564 = tpu.memref_slice %arg7[%dma_start3A_558, %dma_start3A_563] : memref<3x128xi32, #tpu.memory_space<vmem>> -> memref<1x128xi32, #tpu.memory_space<vmem>>
    %dma_start3A_565 = tpu.memref_squeeze %dma_start3A_564 : memref<1x128xi32, #tpu.memory_space<vmem>> -> memref<128xi32, #tpu.memory_space<vmem>>
    %dma_start3A_566 = arith.constant 0 : i32
    %dma_start3A_567 = arith.constant 0 : i32
    %dma_start3A_568 = tpu.memref_slice %arg9[%dma_start3A_566, %dma_start3A_567] : memref<10112x128xf32, #tpu.memory_space<vmem_shared>> -> memref<10112x128xf32, #tpu.memory_space<vmem_shared>>
    tpu.enqueue_indirect_dma source(%dma_start3A_562 : memref<128x128xf32, #tpu.memory_space<vmem>>) target(%dma_start3A_568 : memref<10112x128xf32, #tpu.memory_space<vmem_shared>>) offsets(%dma_start3A_565 : memref<128xi32, #tpu.memory_space<vmem>>) semaphore(%arg20 : memref<!tpu.dma_semaphore, #tpu.memory_space<semaphore_mem>>) {add = true}
    %dma_wait3A_569 = arith.constant 0 : i32
    %dma_wait3A_570 = arith.constant 0 : i32
    %dma_wait3A_571 = arith.constant 0 : i32
    %dma_wait3A_572 = tpu.memref_slice %arg8[%dma_wait3A_569, %dma_wait3A_570, %dma_wait3A_571] : memref<3x128x128xf32, #tpu.memory_space<vmem>> -> memref<1x128x128xf32, #tpu.memory_space<vmem>>
    %dma_wait3A_573 = tpu.memref_squeeze %dma_wait3A_572 : memref<1x128x128xf32, #tpu.memory_space<vmem>> -> memref<128x128xf32, #tpu.memory_space<vmem>>
    %dma_wait3A_574 = arith.constant 0 : i32
    %dma_wait3A_575 = arith.constant 0 : i32
    %dma_wait3A_576 = tpu.memref_slice %arg9[%dma_wait3A_574, %dma_wait3A_575] : memref<10112x128xf32, #tpu.memory_space<vmem_shared>> -> memref<128x128xf32, #tpu.memory_space<vmem_shared>>
    %dma_wait3A_577 = arith.constant 0 : i32
    %dma_wait3A_578 = arith.constant 0 : i32
    %dma_wait3A_579 = tpu.memref_slice %arg9[%dma_wait3A_577, %dma_wait3A_578] : memref<10112x128xf32, #tpu.memory_space<vmem_shared>> -> memref<128x128xf32, #tpu.memory_space<vmem_shared>>
    %dma_wait3A_580 = arith.constant 0 : i32
    %dma_wait3A_581 = arith.constant 0 : i32
    %dma_wait3A_582 = tpu.memref_slice %arg8[%dma_wait3A_569, %dma_wait3A_580, %dma_wait3A_581] : memref<3x128x128xf32, #tpu.memory_space<vmem>> -> memref<1x128x128xf32, #tpu.memory_space<vmem>>
    %dma_wait3A_583 = tpu.memref_squeeze %dma_wait3A_582 : memref<1x128x128xf32, #tpu.memory_space<vmem>> -> memref<128x128xf32, #tpu.memory_space<vmem>>
    tpu.wait_dma2 semaphore(%arg19 : memref<!tpu.dma_semaphore, #tpu.memory_space<semaphore_mem>>) src(%dma_wait3A_583 : memref<128x128xf32, #tpu.memory_space<vmem>>) dst(%dma_wait3A_579 : memref<128x128xf32, #tpu.memory_space<vmem_shared>>)
    %dma_wait3A_584 = arith.constant 1 : i32
    %dma_wait3A_585 = arith.constant 0 : i32
    %dma_wait3A_586 = arith.constant 0 : i32
    %dma_wait3A_587 = tpu.memref_slice %arg8[%dma_wait3A_584, %dma_wait3A_585, %dma_wait3A_586] : memref<3x128x128xf32, #tpu.memory_space<vmem>> -> memref<1x128x128xf32, #tpu.memory_space<vmem>>
    %dma_wait3A_588 = tpu.memref_squeeze %dma_wait3A_587 : memref<1x128x128xf32, #tpu.memory_space<vmem>> -> memref<128x128xf32, #tpu.memory_space<vmem>>
    %dma_wait3A_589 = arith.constant 0 : i32
    %dma_wait3A_590 = arith.constant 0 : i32
    %dma_wait3A_591 = tpu.memref_slice %arg9[%dma_wait3A_589, %dma_wait3A_590] : memref<10112x128xf32, #tpu.memory_space<vmem_shared>> -> memref<128x128xf32, #tpu.memory_space<vmem_shared>>
    %dma_wait3A_592 = arith.constant 0 : i32
    %dma_wait3A_593 = arith.constant 0 : i32
    %dma_wait3A_594 = tpu.memref_slice %arg9[%dma_wait3A_592, %dma_wait3A_593] : memref<10112x128xf32, #tpu.memory_space<vmem_shared>> -> memref<128x128xf32, #tpu.memory_space<vmem_shared>>
    %dma_wait3A_595 = arith.constant 0 : i32
    %dma_wait3A_596 = arith.constant 0 : i32
    %dma_wait3A_597 = tpu.memref_slice %arg8[%dma_wait3A_584, %dma_wait3A_595, %dma_wait3A_596] : memref<3x128x128xf32, #tpu.memory_space<vmem>> -> memref<1x128x128xf32, #tpu.memory_space<vmem>>
    %dma_wait3A_598 = tpu.memref_squeeze %dma_wait3A_597 : memref<1x128x128xf32, #tpu.memory_space<vmem>> -> memref<128x128xf32, #tpu.memory_space<vmem>>
    tpu.wait_dma2 semaphore(%arg20 : memref<!tpu.dma_semaphore, #tpu.memory_space<semaphore_mem>>) src(%dma_wait3A_598 : memref<128x128xf32, #tpu.memory_space<vmem>>) dst(%dma_wait3A_594 : memref<128x128xf32, #tpu.memory_space<vmem_shared>>)
    %dma_wait3A_599 = arith.constant 0 : i32
    %dma_wait3A_600 = arith.constant 2 : i32
    %dma_wait3A_601 = arith.constant 0 : i32
    %dma_wait3A_602 = tpu.memref_slice %arg6[%dma_wait3A_600, %dma_wait3A_601] : memref<3x128xi32, #tpu.memory_space<vmem>> -> memref<1x128xi32, #tpu.memory_space<vmem>>
    %dma_wait3A_603 = tpu.memref_squeeze %dma_wait3A_602 : memref<1x128xi32, #tpu.memory_space<vmem>> -> memref<128xi32, #tpu.memory_space<vmem>>
    %dma_wait3A_604 = arith.constant 0 : i32
    %dma_wait3A_605 = tpu.memref_slice %arg3[%dma_wait3A_599, %dma_wait3A_604] : memref<2568x128xi32, #tpu.memory_space<hbm>> -> memref<1x128xi32, #tpu.memory_space<hbm>>
    %dma_wait3A_606 = tpu.memref_squeeze %dma_wait3A_605 : memref<1x128xi32, #tpu.memory_space<hbm>> -> memref<128xi32, #tpu.memory_space<hbm>>
    %dma_wait3A_607 = arith.constant 0 : i32
    %dma_wait3A_608 = tpu.memref_slice %arg6[%dma_wait3A_600, %dma_wait3A_607] : memref<3x128xi32, #tpu.memory_space<vmem>> -> memref<1x128xi32, #tpu.memory_space<vmem>>
    %dma_wait3A_609 = tpu.memref_squeeze %dma_wait3A_608 : memref<1x128xi32, #tpu.memory_space<vmem>> -> memref<128xi32, #tpu.memory_space<vmem>>
    %dma_wait3A_610 = arith.constant 0 : i32
    %dma_wait3A_611 = tpu.memref_slice %arg3[%dma_wait3A_599, %dma_wait3A_610] : memref<2568x128xi32, #tpu.memory_space<hbm>> -> memref<1x128xi32, #tpu.memory_space<hbm>>
    %dma_wait3A_612 = tpu.memref_squeeze %dma_wait3A_611 : memref<1x128xi32, #tpu.memory_space<hbm>> -> memref<128xi32, #tpu.memory_space<hbm>>
    tpu.wait_dma2 semaphore(%arg12 : memref<!tpu.dma_semaphore, #tpu.memory_space<semaphore_mem>>) src(%dma_wait3A_612 : memref<128xi32, #tpu.memory_space<hbm>>) dst(%dma_wait3A_609 : memref<128xi32, #tpu.memory_space<vmem>>)
    %barrier3A_613 = arith.constant 0 : index
    tpu.barrier barrier_id(%barrier3A_613)
    %mul3A_614 = arith.constant 632 : i32
    %mul3A_615 = arith.muli %arg1, %mul3A_614 : i32
    %add3A_616 = arith.constant 0 : i32
    %add3A_617 = arith.addi %mul3A_615, %add3A_616 : i32
    %mul3A_618 = arith.constant 10112 : i32
    %mul3A_619 = arith.muli %arg0, %mul3A_618 : i32
    %mul3A_620 = arith.constant 632 : i32
    %mul3A_621 = arith.muli %arg1, %mul3A_620 : i32
    %add3A_622 = arith.addi %mul3A_619, %mul3A_621 : i32
    %add3A_623 = arith.constant 0 : i32
    %add3A_624 = arith.addi %add3A_622, %add3A_623 : i32
    "tpu.region"() ({
      %run_scoped3A_669 = tpu.sem_alloc : memref<!tpu.dma_semaphore, #tpu.memory_space<semaphore_mem>>
      %dma_start3A_670 = arith.constant 0 : i32
      %dma_start3A_671 = tpu.memref_slice %arg5[%add3A_624, %dma_start3A_670] : memref<20224x128xf32, #tpu.memory_space<hbm>> -> memref<128x128xf32, #tpu.memory_space<hbm>>
      %dma_start3A_672 = arith.constant 0 : i32
      %dma_start3A_673 = tpu.memref_slice %arg9[%add3A_617, %dma_start3A_672] : memref<10112x128xf32, #tpu.memory_space<vmem_shared>> -> memref<128x128xf32, #tpu.memory_space<vmem_shared>>
      tpu.enqueue_dma source(%dma_start3A_673 : memref<128x128xf32, #tpu.memory_space<vmem_shared>>) target(%dma_start3A_671 : memref<128x128xf32, #tpu.memory_space<hbm>>) target_semaphore(%run_scoped3A_669 : memref<!tpu.dma_semaphore, #tpu.memory_space<semaphore_mem>>)
      %dma_wait3A_674 = arith.constant 0 : i32
      %dma_wait3A_675 = tpu.memref_slice %arg5[%add3A_624, %dma_wait3A_674] : memref<20224x128xf32, #tpu.memory_space<hbm>> -> memref<128x128xf32, #tpu.memory_space<hbm>>
      %dma_wait3A_676 = arith.constant 0 : i32
      %dma_wait3A_677 = tpu.memref_slice %arg9[%add3A_617, %dma_wait3A_676] : memref<10112x128xf32, #tpu.memory_space<vmem_shared>> -> memref<128x128xf32, #tpu.memory_space<vmem_shared>>
      tpu.wait_dma2 semaphore(%run_scoped3A_669 : memref<!tpu.dma_semaphore, #tpu.memory_space<semaphore_mem>>) src(%dma_wait3A_677 : memref<128x128xf32, #tpu.memory_space<vmem_shared>>) dst(%dma_wait3A_675 : memref<128x128xf32, #tpu.memory_space<hbm>>)
      tpu.yield
    }) : () -> ()
    %mul3A_625 = arith.constant 632 : i32
    %mul3A_626 = arith.muli %arg1, %mul3A_625 : i32
    %add3A_627 = arith.constant 128 : i32
    %add3A_628 = arith.addi %mul3A_626, %add3A_627 : i32
    %mul3A_629 = arith.constant 10112 : i32
    %mul3A_630 = arith.muli %arg0, %mul3A_629 : i32
    %mul3A_631 = arith.constant 632 : i32
    %mul3A_632 = arith.muli %arg1, %mul3A_631 : i32
    %add3A_633 = arith.addi %mul3A_630, %mul3A_632 : i32
    %add3A_634 = arith.constant 128 : i32
    %add3A_635 = arith.addi %add3A_633, %add3A_634 : i32
    "tpu.region"() ({
      %run_scoped3A_669 = tpu.sem_alloc : memref<!tpu.dma_semaphore, #tpu.memory_space<semaphore_mem>>
      %dma_start3A_670 = arith.constant 0 : i32
      %dma_start3A_671 = tpu.memref_slice %arg5[%add3A_635, %dma_start3A_670] : memref<20224x128xf32, #tpu.memory_space<hbm>> -> memref<128x128xf32, #tpu.memory_space<hbm>>
      %dma_start3A_672 = arith.constant 0 : i32
      %dma_start3A_673 = tpu.memref_slice %arg9[%add3A_628, %dma_start3A_672] : memref<10112x128xf32, #tpu.memory_space<vmem_shared>> -> memref<128x128xf32, #tpu.memory_space<vmem_shared>>
      tpu.enqueue_dma source(%dma_start3A_673 : memref<128x128xf32, #tpu.memory_space<vmem_shared>>) target(%dma_start3A_671 : memref<128x128xf32, #tpu.memory_space<hbm>>) target_semaphore(%run_scoped3A_669 : memref<!tpu.dma_semaphore, #tpu.memory_space<semaphore_mem>>)
      %dma_wait3A_674 = arith.constant 0 : i32
      %dma_wait3A_675 = tpu.memref_slice %arg5[%add3A_635, %dma_wait3A_674] : memref<20224x128xf32, #tpu.memory_space<hbm>> -> memref<128x128xf32, #tpu.memory_space<hbm>>
      %dma_wait3A_676 = arith.constant 0 : i32
      %dma_wait3A_677 = tpu.memref_slice %arg9[%add3A_628, %dma_wait3A_676] : memref<10112x128xf32, #tpu.memory_space<vmem_shared>> -> memref<128x128xf32, #tpu.memory_space<vmem_shared>>
      tpu.wait_dma2 semaphore(%run_scoped3A_669 : memref<!tpu.dma_semaphore, #tpu.memory_space<semaphore_mem>>) src(%dma_wait3A_677 : memref<128x128xf32, #tpu.memory_space<vmem_shared>>) dst(%dma_wait3A_675 : memref<128x128xf32, #tpu.memory_space<hbm>>)
      tpu.yield
    }) : () -> ()
    %mul3A_636 = arith.constant 632 : i32
    %mul3A_637 = arith.muli %arg1, %mul3A_636 : i32
    %add3A_638 = arith.constant 256 : i32
    %add3A_639 = arith.addi %mul3A_637, %add3A_638 : i32
    %mul3A_640 = arith.constant 10112 : i32
    %mul3A_641 = arith.muli %arg0, %mul3A_640 : i32
    %mul3A_642 = arith.constant 632 : i32
    %mul3A_643 = arith.muli %arg1, %mul3A_642 : i32
    %add3A_644 = arith.addi %mul3A_641, %mul3A_643 : i32
    %add3A_645 = arith.constant 256 : i32
    %add3A_646 = arith.addi %add3A_644, %add3A_645 : i32
    "tpu.region"() ({
      %run_scoped3A_669 = tpu.sem_alloc : memref<!tpu.dma_semaphore, #tpu.memory_space<semaphore_mem>>
      %dma_start3A_670 = arith.constant 0 : i32
      %dma_start3A_671 = tpu.memref_slice %arg5[%add3A_646, %dma_start3A_670] : memref<20224x128xf32, #tpu.memory_space<hbm>> -> memref<128x128xf32, #tpu.memory_space<hbm>>
      %dma_start3A_672 = arith.constant 0 : i32
      %dma_start3A_673 = tpu.memref_slice %arg9[%add3A_639, %dma_start3A_672] : memref<10112x128xf32, #tpu.memory_space<vmem_shared>> -> memref<128x128xf32, #tpu.memory_space<vmem_shared>>
      tpu.enqueue_dma source(%dma_start3A_673 : memref<128x128xf32, #tpu.memory_space<vmem_shared>>) target(%dma_start3A_671 : memref<128x128xf32, #tpu.memory_space<hbm>>) target_semaphore(%run_scoped3A_669 : memref<!tpu.dma_semaphore, #tpu.memory_space<semaphore_mem>>)
      %dma_wait3A_674 = arith.constant 0 : i32
      %dma_wait3A_675 = tpu.memref_slice %arg5[%add3A_646, %dma_wait3A_674] : memref<20224x128xf32, #tpu.memory_space<hbm>> -> memref<128x128xf32, #tpu.memory_space<hbm>>
      %dma_wait3A_676 = arith.constant 0 : i32
      %dma_wait3A_677 = tpu.memref_slice %arg9[%add3A_639, %dma_wait3A_676] : memref<10112x128xf32, #tpu.memory_space<vmem_shared>> -> memref<128x128xf32, #tpu.memory_space<vmem_shared>>
      tpu.wait_dma2 semaphore(%run_scoped3A_669 : memref<!tpu.dma_semaphore, #tpu.memory_space<semaphore_mem>>) src(%dma_wait3A_677 : memref<128x128xf32, #tpu.memory_space<vmem_shared>>) dst(%dma_wait3A_675 : memref<128x128xf32, #tpu.memory_space<hbm>>)
      tpu.yield
    }) : () -> ()
    %mul3A_647 = arith.constant 632 : i32
    %mul3A_648 = arith.muli %arg1, %mul3A_647 : i32
    %add3A_649 = arith.constant 384 : i32
    %add3A_650 = arith.addi %mul3A_648, %add3A_649 : i32
    %mul3A_651 = arith.constant 10112 : i32
    %mul3A_652 = arith.muli %arg0, %mul3A_651 : i32
    %mul3A_653 = arith.constant 632 : i32
    %mul3A_654 = arith.muli %arg1, %mul3A_653 : i32
    %add3A_655 = arith.addi %mul3A_652, %mul3A_654 : i32
    %add3A_656 = arith.constant 384 : i32
    %add3A_657 = arith.addi %add3A_655, %add3A_656 : i32
    "tpu.region"() ({
      %run_scoped3A_669 = tpu.sem_alloc : memref<!tpu.dma_semaphore, #tpu.memory_space<semaphore_mem>>
      %dma_start3A_670 = arith.constant 0 : i32
      %dma_start3A_671 = tpu.memref_slice %arg5[%add3A_657, %dma_start3A_670] : memref<20224x128xf32, #tpu.memory_space<hbm>> -> memref<128x128xf32, #tpu.memory_space<hbm>>
      %dma_start3A_672 = arith.constant 0 : i32
      %dma_start3A_673 = tpu.memref_slice %arg9[%add3A_650, %dma_start3A_672] : memref<10112x128xf32, #tpu.memory_space<vmem_shared>> -> memref<128x128xf32, #tpu.memory_space<vmem_shared>>
      tpu.enqueue_dma source(%dma_start3A_673 : memref<128x128xf32, #tpu.memory_space<vmem_shared>>) target(%dma_start3A_671 : memref<128x128xf32, #tpu.memory_space<hbm>>) target_semaphore(%run_scoped3A_669 : memref<!tpu.dma_semaphore, #tpu.memory_space<semaphore_mem>>)
      %dma_wait3A_674 = arith.constant 0 : i32
      %dma_wait3A_675 = tpu.memref_slice %arg5[%add3A_657, %dma_wait3A_674] : memref<20224x128xf32, #tpu.memory_space<hbm>> -> memref<128x128xf32, #tpu.memory_space<hbm>>
      %dma_wait3A_676 = arith.constant 0 : i32
      %dma_wait3A_677 = tpu.memref_slice %arg9[%add3A_650, %dma_wait3A_676] : memref<10112x128xf32, #tpu.memory_space<vmem_shared>> -> memref<128x128xf32, #tpu.memory_space<vmem_shared>>
      tpu.wait_dma2 semaphore(%run_scoped3A_669 : memref<!tpu.dma_semaphore, #tpu.memory_space<semaphore_mem>>) src(%dma_wait3A_677 : memref<128x128xf32, #tpu.memory_space<vmem_shared>>) dst(%dma_wait3A_675 : memref<128x128xf32, #tpu.memory_space<hbm>>)
      tpu.yield
    }) : () -> ()
    %mul3A_658 = arith.constant 632 : i32
    %mul3A_659 = arith.muli %arg1, %mul3A_658 : i32
    %add3A_660 = arith.constant 512 : i32
    %add3A_661 = arith.addi %mul3A_659, %add3A_660 : i32
    %mul3A_662 = arith.constant 10112 : i32
    %mul3A_663 = arith.muli %arg0, %mul3A_662 : i32
    %mul3A_664 = arith.constant 632 : i32
    %mul3A_665 = arith.muli %arg1, %mul3A_664 : i32
    %add3A_666 = arith.addi %mul3A_663, %mul3A_665 : i32
    %add3A_667 = arith.constant 512 : i32
    %add3A_668 = arith.addi %add3A_666, %add3A_667 : i32
    "tpu.region"() ({
      %run_scoped3A_669 = tpu.sem_alloc : memref<!tpu.dma_semaphore, #tpu.memory_space<semaphore_mem>>
      %dma_start3A_670 = arith.constant 0 : i32
      %dma_start3A_671 = tpu.memref_slice %arg5[%add3A_668, %dma_start3A_670] : memref<20224x128xf32, #tpu.memory_space<hbm>> -> memref<120x128xf32, #tpu.memory_space<hbm>>
      %dma_start3A_672 = arith.constant 0 : i32
      %dma_start3A_673 = tpu.memref_slice %arg9[%add3A_661, %dma_start3A_672] : memref<10112x128xf32, #tpu.memory_space<vmem_shared>> -> memref<120x128xf32, #tpu.memory_space<vmem_shared>>
      tpu.enqueue_dma source(%dma_start3A_673 : memref<120x128xf32, #tpu.memory_space<vmem_shared>>) target(%dma_start3A_671 : memref<120x128xf32, #tpu.memory_space<hbm>>) target_semaphore(%run_scoped3A_669 : memref<!tpu.dma_semaphore, #tpu.memory_space<semaphore_mem>>)
      %dma_wait3A_674 = arith.constant 0 : i32
      %dma_wait3A_675 = tpu.memref_slice %arg5[%add3A_668, %dma_wait3A_674] : memref<20224x128xf32, #tpu.memory_space<hbm>> -> memref<120x128xf32, #tpu.memory_space<hbm>>
      %dma_wait3A_676 = arith.constant 0 : i32
      %dma_wait3A_677 = tpu.memref_slice %arg9[%add3A_661, %dma_wait3A_676] : memref<10112x128xf32, #tpu.memory_space<vmem_shared>> -> memref<120x128xf32, #tpu.memory_space<vmem_shared>>
      tpu.wait_dma2 semaphore(%run_scoped3A_669 : memref<!tpu.dma_semaphore, #tpu.memory_space<semaphore_mem>>) src(%dma_wait3A_677 : memref<120x128xf32, #tpu.memory_space<vmem_shared>>) dst(%dma_wait3A_675 : memref<120x128xf32, #tpu.memory_space<hbm>>)
      tpu.yield
    }) : () -> ()
    return
  }
}

#map = affine_map<(d0, d1) -> (0, 0)>
module attributes {stable_mosaic.version = 14 : i64} {
  func.func @_agg_body(%arg0: i32, %arg1: i32, %arg2: memref<10000x128xf32, #tpu.memory_space<hbm>>, %arg3: memref<2568x128xi32, #tpu.memory_space<hbm>>, %arg4: memref<2560x128xi32, #tpu.memory_space<hbm>>, %arg5: memref<20224x128xf32, #tpu.memory_space<hbm>>, %arg6: memref<3x128xi32, #tpu.memory_space<vmem>>, %arg7: memref<3x128xi32, #tpu.memory_space<vmem>>, %arg8: memref<3x128x128xf32, #tpu.memory_space<vmem>>, %arg9: memref<10112x128xf32, #tpu.memory_space<vmem_shared>>, %arg10: memref<!tpu.dma_semaphore, #tpu.memory_space<semaphore_mem>>, %arg11: memref<!tpu.dma_semaphore, #tpu.memory_space<semaphore_mem>>, %arg12: memref<!tpu.dma_semaphore, #tpu.memory_space<semaphore_mem>>, %arg13: memref<!tpu.dma_semaphore, #tpu.memory_space<semaphore_mem>>, %arg14: memref<!tpu.dma_semaphore, #tpu.memory_space<semaphore_mem>>, %arg15: memref<!tpu.dma_semaphore, #tpu.memory_space<semaphore_mem>>, %arg16: memref<!tpu.dma_semaphore, #tpu.memory_space<semaphore_mem>>, %arg17: memref<!tpu.dma_semaphore, #tpu.memory_space<semaphore_mem>>, %arg18: memref<!tpu.dma_semaphore, #tpu.memory_space<semaphore_mem>>, %arg19: memref<!tpu.dma_semaphore, #tpu.memory_space<semaphore_mem>>, %arg20: memref<!tpu.dma_semaphore, #tpu.memory_space<semaphore_mem>>, %arg21: memref<!tpu.dma_semaphore, #tpu.memory_space<semaphore_mem>>) attributes {dimension_semantics = [#tpu.dimension_semantics<core_parallel>, #tpu.dimension_semantics<subcore_parallel>], iteration_bounds = array<i64: 2, 16>, scalar_prefetch = 0 : i64, scratch_operands = 16 : i64, tpu.core_type = #tpu.core_type<sc_vector_subcore>, window_params = [{transform_indices = #map}, {transform_indices = #map}, {transform_indices = #map}, {transform_indices = #map}]} {
    %mul3A = arith.constant 16 : i32
    %mul3A_0 = arith.muli %arg0, %mul3A : i32
    %add3A = arith.addi %mul3A_0, %arg1 : i32
    %mul3A_1 = arith.constant 80 : i32
    %mul3A_2 = arith.muli %add3A, %mul3A_1 : i32
    %broadcast_in_dim3A = arith.constant 0.000000e+00 : f32
    %broadcast_in_dim3A_3 = vector.broadcast %broadcast_in_dim3A : f32 to vector<16xf32>
    %scan3A = arith.constant 0 : i32
    %scan3A_4 = arith.constant 0 : i32
    %scan3A_5 = arith.constant 128 : i32
    %scan3A_6 = arith.addi %scan3A_4, %scan3A_5 : i32
    %scan3A_7 = arith.constant 1 : i32
    %scan3A_8 = scf.for %scan3A_669 = %scan3A_4 to %scan3A_6 step %scan3A_7 iter_args(%scan3A_670 = %scan3A) -> (i32)  : i32 {
      %scan3A_671 = arith.constant 0 : i32
      %scan3A_672 = arith.constant 0 : i32
      %scan3A_673 = arith.constant 8 : i32
      %scan3A_674 = arith.addi %scan3A_672, %scan3A_673 : i32
      %scan3A_675 = arith.constant 1 : i32
      %scan3A_676 = scf.for %scan3A_679 = %scan3A_672 to %scan3A_674 step %scan3A_675 iter_args(%scan3A_680 = %scan3A_671) -> (i32)  : i32 {
        %mul3A_681 = arith.constant 16 : i32
        %mul3A_682 = arith.muli %scan3A_679, %mul3A_681 : i32
        %swap3A = arith.constant 0 : i32
        %swap3A_683 = arith.index_cast %swap3A : i32 to index
        %swap3A_684 = arith.index_cast %scan3A_669 : i32 to index
        %swap3A_685 = arith.index_cast %mul3A_682 : i32 to index
        %swap3A_686 = tpu.vector_load %arg8[%swap3A_683, %swap3A_684, %swap3A_685] {strides = array<i32>} : memref<3x128x128xf32, #tpu.memory_space<vmem>>, vector<1x1x16xf32>,
        %swap3A_687 = vector.shape_cast %swap3A_686 : vector<1x1x16xf32> to vector<16xf32>
        %swap3A_688 = vector.shape_cast %broadcast_in_dim3A_3 : vector<16xf32> to vector<1x1x16xf32>
        tpu.vector_store %arg8[%swap3A_683, %swap3A_684, %swap3A_685], %swap3A_688 {strides = array<i32>} : memref<3x128x128xf32, #tpu.memory_space<vmem>>, vector<1x1x16xf32>,
        %scan3A_689 = arith.constant 0 : i32
        scf.yield %scan3A_689 : i32
      }
      %scan3A_677 = arith.constant 8 : i32
      %scan3A_678 = arith.constant 0 : i32
      scf.yield %scan3A_678 : i32
    }
    %scan3A_9 = arith.constant 128 : i32
    %mul3A_10 = arith.constant 632 : i32
    %mul3A_11 = arith.muli %arg1, %mul3A_10 : i32
    %add3A_12 = arith.constant 0 : i32
    %add3A_13 = arith.addi %mul3A_11, %add3A_12 : i32
    %run_scoped3A = arith.constant 0 : i32
    "tpu.region"() ({
      %run_scoped3A_669 = tpu.sem_alloc : memref<!tpu.dma_semaphore, #tpu.memory_space<semaphore_mem>>
      %dma_start3A_670 = arith.constant 0 : i32
      %dma_start3A_671 = arith.constant 0 : i32
      %dma_start3A_672 = tpu.memref_slice %arg8[%run_scoped3A, %dma_start3A_670, %dma_start3A_671] : memref<3x128x128xf32, #tpu.memory_space<vmem>> -> memref<1x128x128xf32, #tpu.memory_space<vmem>>
      %dma_start3A_673 = tpu.memref_squeeze %dma_start3A_672 : memref<1x128x128xf32, #tpu.memory_space<vmem>> -> memref<128x128xf32, #tpu.memory_space<vmem>>
      %dma_start3A_674 = arith.constant 0 : i32
      %dma_start3A_675 = tpu.memref_slice %arg9[%add3A_13, %dma_start3A_674] : memref<10112x128xf32, #tpu.memory_space<vmem_shared>> -> memref<128x128xf32, #tpu.memory_space<vmem_shared>>
      %dma_start3A_676 = arith.constant 0 : i32
      %dma_start3A_677 = tpu.memref_slice %arg9[%add3A_13, %dma_start3A_676] : memref<10112x128xf32, #tpu.memory_space<vmem_shared>> -> memref<128x128xf32, #tpu.memory_space<vmem_shared>>
      %dma_start3A_678 = arith.constant 0 : i32
      %dma_start3A_679 = arith.constant 0 : i32
      %dma_start3A_680 = tpu.memref_slice %arg8[%run_scoped3A, %dma_start3A_678, %dma_start3A_679] : memref<3x128x128xf32, #tpu.memory_space<vmem>> -> memref<1x128x128xf32, #tpu.memory_space<vmem>>
      %dma_start3A_681 = tpu.memref_squeeze %dma_start3A_680 : memref<1x128x128xf32, #tpu.memory_space<vmem>> -> memref<128x128xf32, #tpu.memory_space<vmem>>
      tpu.enqueue_dma source(%dma_start3A_681 : memref<128x128xf32, #tpu.memory_space<vmem>>) target(%dma_start3A_677 : memref<128x128xf32, #tpu.memory_space<vmem_shared>>) target_semaphore(%run_scoped3A_669 : memref<!tpu.dma_semaphore, #tpu.memory_space<semaphore_mem>>)
      %dma_wait3A_682 = arith.constant 0 : i32
      %dma_wait3A_683 = arith.constant 0 : i32
      %dma_wait3A_684 = tpu.memref_slice %arg8[%run_scoped3A, %dma_wait3A_682, %dma_wait3A_683] : memref<3x128x128xf32, #tpu.memory_space<vmem>> -> memref<1x128x128xf32, #tpu.memory_space<vmem>>
      %dma_wait3A_685 = tpu.memref_squeeze %dma_wait3A_684 : memref<1x128x128xf32, #tpu.memory_space<vmem>> -> memref<128x128xf32, #tpu.memory_space<vmem>>
      %dma_wait3A_686 = arith.constant 0 : i32
      %dma_wait3A_687 = tpu.memref_slice %arg9[%add3A_13, %dma_wait3A_686] : memref<10112x128xf32, #tpu.memory_space<vmem_shared>> -> memref<128x128xf32, #tpu.memory_space<vmem_shared>>
      %dma_wait3A_688 = arith.constant 0 : i32
      %dma_wait3A_689 = tpu.memref_slice %arg9[%add3A_13, %dma_wait3A_688] : memref<10112x128xf32, #tpu.memory_space<vmem_shared>> -> memref<128x128xf32, #tpu.memory_space<vmem_shared>>
      %dma_wait3A_690 = arith.constant 0 : i32
      %dma_wait3A_691 = arith.constant 0 : i32
      %dma_wait3A_692 = tpu.memref_slice %arg8[%run_scoped3A, %dma_wait3A_690, %dma_wait3A_691] : memref<3x128x128xf32, #tpu.memory_space<vmem>> -> memref<1x128x128xf32, #tpu.memory_space<vmem>>
      %dma_wait3A_693 = tpu.memref_squeeze %dma_wait3A_692 : memref<1x128x128xf32, #tpu.memory_space<vmem>> -> memref<128x128xf32, #tpu.memory_space<vmem>>
      tpu.wait_dma2 semaphore(%run_scoped3A_669 : memref<!tpu.dma_semaphore, #tpu.memory_space<semaphore_mem>>) src(%dma_wait3A_693 : memref<128x128xf32, #tpu.memory_space<vmem>>) dst(%dma_wait3A_689 : memref<128x128xf32, #tpu.memory_space<vmem_shared>>)
      tpu.yield
    }) : () -> ()
    %mul3A_14 = arith.constant 632 : i32
    %mul3A_15 = arith.muli %arg1, %mul3A_14 : i32
    %add3A_16 = arith.constant 128 : i32
    %add3A_17 = arith.addi %mul3A_15, %add3A_16 : i32
    %run_scoped3A_18 = arith.constant 0 : i32
    "tpu.region"() ({
      %run_scoped3A_669 = tpu.sem_alloc : memref<!tpu.dma_semaphore, #tpu.memory_space<semaphore_mem>>
      %dma_start3A_670 = arith.constant 0 : i32
      %dma_start3A_671 = arith.constant 0 : i32
      %dma_start3A_672 = tpu.memref_slice %arg8[%run_scoped3A_18, %dma_start3A_670, %dma_start3A_671] : memref<3x128x128xf32, #tpu.memory_space<vmem>> -> memref<1x128x128xf32, #tpu.memory_space<vmem>>
      %dma_start3A_673 = tpu.memref_squeeze %dma_start3A_672 : memref<1x128x128xf32, #tpu.memory_space<vmem>> -> memref<128x128xf32, #tpu.memory_space<vmem>>
      %dma_start3A_674 = arith.constant 0 : i32
      %dma_start3A_675 = tpu.memref_slice %arg9[%add3A_17, %dma_start3A_674] : memref<10112x128xf32, #tpu.memory_space<vmem_shared>> -> memref<128x128xf32, #tpu.memory_space<vmem_shared>>
      %dma_start3A_676 = arith.constant 0 : i32
      %dma_start3A_677 = tpu.memref_slice %arg9[%add3A_17, %dma_start3A_676] : memref<10112x128xf32, #tpu.memory_space<vmem_shared>> -> memref<128x128xf32, #tpu.memory_space<vmem_shared>>
      %dma_start3A_678 = arith.constant 0 : i32
      %dma_start3A_679 = arith.constant 0 : i32
      %dma_start3A_680 = tpu.memref_slice %arg8[%run_scoped3A_18, %dma_start3A_678, %dma_start3A_679] : memref<3x128x128xf32, #tpu.memory_space<vmem>> -> memref<1x128x128xf32, #tpu.memory_space<vmem>>
      %dma_start3A_681 = tpu.memref_squeeze %dma_start3A_680 : memref<1x128x128xf32, #tpu.memory_space<vmem>> -> memref<128x128xf32, #tpu.memory_space<vmem>>
      tpu.enqueue_dma source(%dma_start3A_681 : memref<128x128xf32, #tpu.memory_space<vmem>>) target(%dma_start3A_677 : memref<128x128xf32, #tpu.memory_space<vmem_shared>>) target_semaphore(%run_scoped3A_669 : memref<!tpu.dma_semaphore, #tpu.memory_space<semaphore_mem>>)
      %dma_wait3A_682 = arith.constant 0 : i32
      %dma_wait3A_683 = arith.constant 0 : i32
      %dma_wait3A_684 = tpu.memref_slice %arg8[%run_scoped3A_18, %dma_wait3A_682, %dma_wait3A_683] : memref<3x128x128xf32, #tpu.memory_space<vmem>> -> memref<1x128x128xf32, #tpu.memory_space<vmem>>
      %dma_wait3A_685 = tpu.memref_squeeze %dma_wait3A_684 : memref<1x128x128xf32, #tpu.memory_space<vmem>> -> memref<128x128xf32, #tpu.memory_space<vmem>>
      %dma_wait3A_686 = arith.constant 0 : i32
      %dma_wait3A_687 = tpu.memref_slice %arg9[%add3A_17, %dma_wait3A_686] : memref<10112x128xf32, #tpu.memory_space<vmem_shared>> -> memref<128x128xf32, #tpu.memory_space<vmem_shared>>
      %dma_wait3A_688 = arith.constant 0 : i32
      %dma_wait3A_689 = tpu.memref_slice %arg9[%add3A_17, %dma_wait3A_688] : memref<10112x128xf32, #tpu.memory_space<vmem_shared>> -> memref<128x128xf32, #tpu.memory_space<vmem_shared>>
      %dma_wait3A_690 = arith.constant 0 : i32
      %dma_wait3A_691 = arith.constant 0 : i32
      %dma_wait3A_692 = tpu.memref_slice %arg8[%run_scoped3A_18, %dma_wait3A_690, %dma_wait3A_691] : memref<3x128x128xf32, #tpu.memory_space<vmem>> -> memref<1x128x128xf32, #tpu.memory_space<vmem>>
      %dma_wait3A_693 = tpu.memref_squeeze %dma_wait3A_692 : memref<1x128x128xf32, #tpu.memory_space<vmem>> -> memref<128x128xf32, #tpu.memory_space<vmem>>
      tpu.wait_dma2 semaphore(%run_scoped3A_669 : memref<!tpu.dma_semaphore, #tpu.memory_space<semaphore_mem>>) src(%dma_wait3A_693 : memref<128x128xf32, #tpu.memory_space<vmem>>) dst(%dma_wait3A_689 : memref<128x128xf32, #tpu.memory_space<vmem_shared>>)
      tpu.yield
    }) : () -> ()
    %mul3A_19 = arith.constant 632 : i32
    %mul3A_20 = arith.muli %arg1, %mul3A_19 : i32
    %add3A_21 = arith.constant 256 : i32
    %add3A_22 = arith.addi %mul3A_20, %add3A_21 : i32
    %run_scoped3A_23 = arith.constant 0 : i32
    "tpu.region"() ({
      %run_scoped3A_669 = tpu.sem_alloc : memref<!tpu.dma_semaphore, #tpu.memory_space<semaphore_mem>>
      %dma_start3A_670 = arith.constant 0 : i32
      %dma_start3A_671 = arith.constant 0 : i32
      %dma_start3A_672 = tpu.memref_slice %arg8[%run_scoped3A_23, %dma_start3A_670, %dma_start3A_671] : memref<3x128x128xf32, #tpu.memory_space<vmem>> -> memref<1x128x128xf32, #tpu.memory_space<vmem>>
      %dma_start3A_673 = tpu.memref_squeeze %dma_start3A_672 : memref<1x128x128xf32, #tpu.memory_space<vmem>> -> memref<128x128xf32, #tpu.memory_space<vmem>>
      %dma_start3A_674 = arith.constant 0 : i32
      %dma_start3A_675 = tpu.memref_slice %arg9[%add3A_22, %dma_start3A_674] : memref<10112x128xf32, #tpu.memory_space<vmem_shared>> -> memref<128x128xf32, #tpu.memory_space<vmem_shared>>
      %dma_start3A_676 = arith.constant 0 : i32
      %dma_start3A_677 = tpu.memref_slice %arg9[%add3A_22, %dma_start3A_676] : memref<10112x128xf32, #tpu.memory_space<vmem_shared>> -> memref<128x128xf32, #tpu.memory_space<vmem_shared>>
      %dma_start3A_678 = arith.constant 0 : i32
      %dma_start3A_679 = arith.constant 0 : i32
      %dma_start3A_680 = tpu.memref_slice %arg8[%run_scoped3A_23, %dma_start3A_678, %dma_start3A_679] : memref<3x128x128xf32, #tpu.memory_space<vmem>> -> memref<1x128x128xf32, #tpu.memory_space<vmem>>
      %dma_start3A_681 = tpu.memref_squeeze %dma_start3A_680 : memref<1x128x128xf32, #tpu.memory_space<vmem>> -> memref<128x128xf32, #tpu.memory_space<vmem>>
      tpu.enqueue_dma source(%dma_start3A_681 : memref<128x128xf32, #tpu.memory_space<vmem>>) target(%dma_start3A_677 : memref<128x128xf32, #tpu.memory_space<vmem_shared>>) target_semaphore(%run_scoped3A_669 : memref<!tpu.dma_semaphore, #tpu.memory_space<semaphore_mem>>)
      %dma_wait3A_682 = arith.constant 0 : i32
      %dma_wait3A_683 = arith.constant 0 : i32
      %dma_wait3A_684 = tpu.memref_slice %arg8[%run_scoped3A_23, %dma_wait3A_682, %dma_wait3A_683] : memref<3x128x128xf32, #tpu.memory_space<vmem>> -> memref<1x128x128xf32, #tpu.memory_space<vmem>>
      %dma_wait3A_685 = tpu.memref_squeeze %dma_wait3A_684 : memref<1x128x128xf32, #tpu.memory_space<vmem>> -> memref<128x128xf32, #tpu.memory_space<vmem>>
      %dma_wait3A_686 = arith.constant 0 : i32
      %dma_wait3A_687 = tpu.memref_slice %arg9[%add3A_22, %dma_wait3A_686] : memref<10112x128xf32, #tpu.memory_space<vmem_shared>> -> memref<128x128xf32, #tpu.memory_space<vmem_shared>>
      %dma_wait3A_688 = arith.constant 0 : i32
      %dma_wait3A_689 = tpu.memref_slice %arg9[%add3A_22, %dma_wait3A_688] : memref<10112x128xf32, #tpu.memory_space<vmem_shared>> -> memref<128x128xf32, #tpu.memory_space<vmem_shared>>
      %dma_wait3A_690 = arith.constant 0 : i32
      %dma_wait3A_691 = arith.constant 0 : i32
      %dma_wait3A_692 = tpu.memref_slice %arg8[%run_scoped3A_23, %dma_wait3A_690, %dma_wait3A_691] : memref<3x128x128xf32, #tpu.memory_space<vmem>> -> memref<1x128x128xf32, #tpu.memory_space<vmem>>
      %dma_wait3A_693 = tpu.memref_squeeze %dma_wait3A_692 : memref<1x128x128xf32, #tpu.memory_space<vmem>> -> memref<128x128xf32, #tpu.memory_space<vmem>>
      tpu.wait_dma2 semaphore(%run_scoped3A_669 : memref<!tpu.dma_semaphore, #tpu.memory_space<semaphore_mem>>) src(%dma_wait3A_693 : memref<128x128xf32, #tpu.memory_space<vmem>>) dst(%dma_wait3A_689 : memref<128x128xf32, #tpu.memory_space<vmem_shared>>)
      tpu.yield
    }) : () -> ()
    %mul3A_24 = arith.constant 632 : i32
    %mul3A_25 = arith.muli %arg1, %mul3A_24 : i32
    %add3A_26 = arith.constant 384 : i32
    %add3A_27 = arith.addi %mul3A_25, %add3A_26 : i32
    %run_scoped3A_28 = arith.constant 0 : i32
    "tpu.region"() ({
      %run_scoped3A_669 = tpu.sem_alloc : memref<!tpu.dma_semaphore, #tpu.memory_space<semaphore_mem>>
      %dma_start3A_670 = arith.constant 0 : i32
      %dma_start3A_671 = arith.constant 0 : i32
      %dma_start3A_672 = tpu.memref_slice %arg8[%run_scoped3A_28, %dma_start3A_670, %dma_start3A_671] : memref<3x128x128xf32, #tpu.memory_space<vmem>> -> memref<1x128x128xf32, #tpu.memory_space<vmem>>
      %dma_start3A_673 = tpu.memref_squeeze %dma_start3A_672 : memref<1x128x128xf32, #tpu.memory_space<vmem>> -> memref<128x128xf32, #tpu.memory_space<vmem>>
      %dma_start3A_674 = arith.constant 0 : i32
      %dma_start3A_675 = tpu.memref_slice %arg9[%add3A_27, %dma_start3A_674] : memref<10112x128xf32, #tpu.memory_space<vmem_shared>> -> memref<128x128xf32, #tpu.memory_space<vmem_shared>>
      %dma_start3A_676 = arith.constant 0 : i32
      %dma_start3A_677 = tpu.memref_slice %arg9[%add3A_27, %dma_start3A_676] : memref<10112x128xf32, #tpu.memory_space<vmem_shared>> -> memref<128x128xf32, #tpu.memory_space<vmem_shared>>
      %dma_start3A_678 = arith.constant 0 : i32
      %dma_start3A_679 = arith.constant 0 : i32
      %dma_start3A_680 = tpu.memref_slice %arg8[%run_scoped3A_28, %dma_start3A_678, %dma_start3A_679] : memref<3x128x128xf32, #tpu.memory_space<vmem>> -> memref<1x128x128xf32, #tpu.memory_space<vmem>>
      %dma_start3A_681 = tpu.memref_squeeze %dma_start3A_680 : memref<1x128x128xf32, #tpu.memory_space<vmem>> -> memref<128x128xf32, #tpu.memory_space<vmem>>
      tpu.enqueue_dma source(%dma_start3A_681 : memref<128x128xf32, #tpu.memory_space<vmem>>) target(%dma_start3A_677 : memref<128x128xf32, #tpu.memory_space<vmem_shared>>) target_semaphore(%run_scoped3A_669 : memref<!tpu.dma_semaphore, #tpu.memory_space<semaphore_mem>>)
      %dma_wait3A_682 = arith.constant 0 : i32
      %dma_wait3A_683 = arith.constant 0 : i32
      %dma_wait3A_684 = tpu.memref_slice %arg8[%run_scoped3A_28, %dma_wait3A_682, %dma_wait3A_683] : memref<3x128x128xf32, #tpu.memory_space<vmem>> -> memref<1x128x128xf32, #tpu.memory_space<vmem>>
      %dma_wait3A_685 = tpu.memref_squeeze %dma_wait3A_684 : memref<1x128x128xf32, #tpu.memory_space<vmem>> -> memref<128x128xf32, #tpu.memory_space<vmem>>
      %dma_wait3A_686 = arith.constant 0 : i32
      %dma_wait3A_687 = tpu.memref_slice %arg9[%add3A_27, %dma_wait3A_686] : memref<10112x128xf32, #tpu.memory_space<vmem_shared>> -> memref<128x128xf32, #tpu.memory_space<vmem_shared>>
      %dma_wait3A_688 = arith.constant 0 : i32
      %dma_wait3A_689 = tpu.memref_slice %arg9[%add3A_27, %dma_wait3A_688] : memref<10112x128xf32, #tpu.memory_space<vmem_shared>> -> memref<128x128xf32, #tpu.memory_space<vmem_shared>>
      %dma_wait3A_690 = arith.constant 0 : i32
      %dma_wait3A_691 = arith.constant 0 : i32
      %dma_wait3A_692 = tpu.memref_slice %arg8[%run_scoped3A_28, %dma_wait3A_690, %dma_wait3A_691] : memref<3x128x128xf32, #tpu.memory_space<vmem>> -> memref<1x128x128xf32, #tpu.memory_space<vmem>>
      %dma_wait3A_693 = tpu.memref_squeeze %dma_wait3A_692 : memref<1x128x128xf32, #tpu.memory_space<vmem>> -> memref<128x128xf32, #tpu.memory_space<vmem>>
      tpu.wait_dma2 semaphore(%run_scoped3A_669 : memref<!tpu.dma_semaphore, #tpu.memory_space<semaphore_mem>>) src(%dma_wait3A_693 : memref<128x128xf32, #tpu.memory_space<vmem>>) dst(%dma_wait3A_689 : memref<128x128xf32, #tpu.memory_space<vmem_shared>>)
      tpu.yield
    }) : () -> ()
    %mul3A_29 = arith.constant 632 : i32
    %mul3A_30 = arith.muli %arg1, %mul3A_29 : i32
    %add3A_31 = arith.constant 512 : i32
    %add3A_32 = arith.addi %mul3A_30, %add3A_31 : i32
    %run_scoped3A_33 = arith.constant 0 : i32
    "tpu.region"() ({
      %run_scoped3A_669 = tpu.sem_alloc : memref<!tpu.dma_semaphore, #tpu.memory_space<semaphore_mem>>
      %dma_start3A_670 = arith.constant 0 : i32
      %dma_start3A_671 = arith.constant 0 : i32
      %dma_start3A_672 = tpu.memref_slice %arg8[%run_scoped3A_33, %dma_start3A_670, %dma_start3A_671] : memref<3x128x128xf32, #tpu.memory_space<vmem>> -> memref<1x120x128xf32, #tpu.memory_space<vmem>>
      %dma_start3A_673 = tpu.memref_squeeze %dma_start3A_672 : memref<1x120x128xf32, #tpu.memory_space<vmem>> -> memref<120x128xf32, #tpu.memory_space<vmem>>
      %dma_start3A_674 = arith.constant 0 : i32
      %dma_start3A_675 = tpu.memref_slice %arg9[%add3A_32, %dma_start3A_674] : memref<10112x128xf32, #tpu.memory_space<vmem_shared>> -> memref<120x128xf32, #tpu.memory_space<vmem_shared>>
      %dma_start3A_676 = arith.constant 0 : i32
      %dma_start3A_677 = tpu.memref_slice %arg9[%add3A_32, %dma_start3A_676] : memref<10112x128xf32, #tpu.memory_space<vmem_shared>> -> memref<120x128xf32, #tpu.memory_space<vmem_shared>>
      %dma_start3A_678 = arith.constant 0 : i32
      %dma_start3A_679 = arith.constant 0 : i32
      %dma_start3A_680 = tpu.memref_slice %arg8[%run_scoped3A_33, %dma_start3A_678, %dma_start3A_679] : memref<3x128x128xf32, #tpu.memory_space<vmem>> -> memref<1x120x128xf32, #tpu.memory_space<vmem>>
      %dma_start3A_681 = tpu.memref_squeeze %dma_start3A_680 : memref<1x120x128xf32, #tpu.memory_space<vmem>> -> memref<120x128xf32, #tpu.memory_space<vmem>>
      tpu.enqueue_dma source(%dma_start3A_681 : memref<120x128xf32, #tpu.memory_space<vmem>>) target(%dma_start3A_677 : memref<120x128xf32, #tpu.memory_space<vmem_shared>>) target_semaphore(%run_scoped3A_669 : memref<!tpu.dma_semaphore, #tpu.memory_space<semaphore_mem>>)
      %dma_wait3A_682 = arith.constant 0 : i32
      %dma_wait3A_683 = arith.constant 0 : i32
      %dma_wait3A_684 = tpu.memref_slice %arg8[%run_scoped3A_33, %dma_wait3A_682, %dma_wait3A_683] : memref<3x128x128xf32, #tpu.memory_space<vmem>> -> memref<1x120x128xf32, #tpu.memory_space<vmem>>
      %dma_wait3A_685 = tpu.memref_squeeze %dma_wait3A_684 : memref<1x120x128xf32, #tpu.memory_space<vmem>> -> memref<120x128xf32, #tpu.memory_space<vmem>>
      %dma_wait3A_686 = arith.constant 0 : i32
      %dma_wait3A_687 = tpu.memref_slice %arg9[%add3A_32, %dma_wait3A_686] : memref<10112x128xf32, #tpu.memory_space<vmem_shared>> -> memref<120x128xf32, #tpu.memory_space<vmem_shared>>
      %dma_wait3A_688 = arith.constant 0 : i32
      %dma_wait3A_689 = tpu.memref_slice %arg9[%add3A_32, %dma_wait3A_688] : memref<10112x128xf32, #tpu.memory_space<vmem_shared>> -> memref<120x128xf32, #tpu.memory_space<vmem_shared>>
      %dma_wait3A_690 = arith.constant 0 : i32
      %dma_wait3A_691 = arith.constant 0 : i32
      %dma_wait3A_692 = tpu.memref_slice %arg8[%run_scoped3A_33, %dma_wait3A_690, %dma_wait3A_691] : memref<3x128x128xf32, #tpu.memory_space<vmem>> -> memref<1x120x128xf32, #tpu.memory_space<vmem>>
      %dma_wait3A_693 = tpu.memref_squeeze %dma_wait3A_692 : memref<1x120x128xf32, #tpu.memory_space<vmem>> -> memref<120x128xf32, #tpu.memory_space<vmem>>
      tpu.wait_dma2 semaphore(%run_scoped3A_669 : memref<!tpu.dma_semaphore, #tpu.memory_space<semaphore_mem>>) src(%dma_wait3A_693 : memref<120x128xf32, #tpu.memory_space<vmem>>) dst(%dma_wait3A_689 : memref<120x128xf32, #tpu.memory_space<vmem_shared>>)
      tpu.yield
    }) : () -> ()
    %barrier3A = arith.constant 0 : index
    tpu.barrier barrier_id(%barrier3A)
    %add3A_34 = arith.constant 0 : i32
    %add3A_35 = arith.addi %mul3A_2, %add3A_34 : i32
    %dma_start3A = arith.constant 0 : i32
    %dma_start3A_36 = arith.constant 0 : i32
    %dma_start3A_37 = tpu.memref_slice %arg6[%dma_start3A, %dma_start3A_36] : memref<3x128xi32, #tpu.memory_space<vmem>> -> memref<1x128xi32, #tpu.memory_space<vmem>>
    %dma_start3A_38 = tpu.memref_squeeze %dma_start3A_37 : memref<1x128xi32, #tpu.memory_space<vmem>> -> memref<128xi32, #tpu.memory_space<vmem>>
    %dma_start3A_39 = arith.constant 0 : i32
    %dma_start3A_40 = tpu.memref_slice %arg3[%add3A_35, %dma_start3A_39] : memref<2568x128xi32, #tpu.memory_space<hbm>> -> memref<1x128xi32, #tpu.memory_space<hbm>>
    %dma_start3A_41 = tpu.memref_squeeze %dma_start3A_40 : memref<1x128xi32, #tpu.memory_space<hbm>> -> memref<128xi32, #tpu.memory_space<hbm>>
    %dma_start3A_42 = arith.constant 0 : i32
    %dma_start3A_43 = tpu.memref_slice %arg6[%dma_start3A, %dma_start3A_42] : memref<3x128xi32, #tpu.memory_space<vmem>> -> memref<1x128xi32, #tpu.memory_space<vmem>>
    %dma_start3A_44 = tpu.memref_squeeze %dma_start3A_43 : memref<1x128xi32, #tpu.memory_space<vmem>> -> memref<128xi32, #tpu.memory_space<vmem>>
    %dma_start3A_45 = arith.constant 0 : i32
    %dma_start3A_46 = tpu.memref_slice %arg3[%add3A_35, %dma_start3A_45] : memref<2568x128xi32, #tpu.memory_space<hbm>> -> memref<1x128xi32, #tpu.memory_space<hbm>>
    %dma_start3A_47 = tpu.memref_squeeze %dma_start3A_46 : memref<1x128xi32, #tpu.memory_space<hbm>> -> memref<128xi32, #tpu.memory_space<hbm>>
    tpu.enqueue_dma source(%dma_start3A_47 : memref<128xi32, #tpu.memory_space<hbm>>) target(%dma_start3A_44 : memref<128xi32, #tpu.memory_space<vmem>>) target_semaphore(%arg10 : memref<!tpu.dma_semaphore, #tpu.memory_space<semaphore_mem>>)
    %add3A_48 = arith.constant 1 : i32
    %add3A_49 = arith.addi %mul3A_2, %add3A_48 : i32
    %dma_start3A_50 = arith.constant 1 : i32
    %dma_start3A_51 = arith.constant 0 : i32
    %dma_start3A_52 = tpu.memref_slice %arg6[%dma_start3A_50, %dma_start3A_51] : memref<3x128xi32, #tpu.memory_space<vmem>> -> memref<1x128xi32, #tpu.memory_space<vmem>>
    %dma_start3A_53 = tpu.memref_squeeze %dma_start3A_52 : memref<1x128xi32, #tpu.memory_space<vmem>> -> memref<128xi32, #tpu.memory_space<vmem>>
    %dma_start3A_54 = arith.constant 0 : i32
    %dma_start3A_55 = tpu.memref_slice %arg3[%add3A_49, %dma_start3A_54] : memref<2568x128xi32, #tpu.memory_space<hbm>> -> memref<1x128xi32, #tpu.memory_space<hbm>>
    %dma_start3A_56 = tpu.memref_squeeze %dma_start3A_55 : memref<1x128xi32, #tpu.memory_space<hbm>> -> memref<128xi32, #tpu.memory_space<hbm>>
    %dma_start3A_57 = arith.constant 0 : i32
    %dma_start3A_58 = tpu.memref_slice %arg6[%dma_start3A_50, %dma_start3A_57] : memref<3x128xi32, #tpu.memory_space<vmem>> -> memref<1x128xi32, #tpu.memory_space<vmem>>
    %dma_start3A_59 = tpu.memref_squeeze %dma_start3A_58 : memref<1x128xi32, #tpu.memory_space<vmem>> -> memref<128xi32, #tpu.memory_space<vmem>>
    %dma_start3A_60 = arith.constant 0 : i32
    %dma_start3A_61 = tpu.memref_slice %arg3[%add3A_49, %dma_start3A_60] : memref<2568x128xi32, #tpu.memory_space<hbm>> -> memref<1x128xi32, #tpu.memory_space<hbm>>
    %dma_start3A_62 = tpu.memref_squeeze %dma_start3A_61 : memref<1x128xi32, #tpu.memory_space<hbm>> -> memref<128xi32, #tpu.memory_space<hbm>>
    tpu.enqueue_dma source(%dma_start3A_62 : memref<128xi32, #tpu.memory_space<hbm>>) target(%dma_start3A_59 : memref<128xi32, #tpu.memory_space<vmem>>) target_semaphore(%arg11 : memref<!tpu.dma_semaphore, #tpu.memory_space<semaphore_mem>>)
    %add3A_63 = arith.constant 2 : i32
    %add3A_64 = arith.addi %mul3A_2, %add3A_63 : i32
    %dma_start3A_65 = arith.constant 2 : i32
    %dma_start3A_66 = arith.constant 0 : i32
    %dma_start3A_67 = tpu.memref_slice %arg6[%dma_start3A_65, %dma_start3A_66] : memref<3x128xi32, #tpu.memory_space<vmem>> -> memref<1x128xi32, #tpu.memory_space<vmem>>
    %dma_start3A_68 = tpu.memref_squeeze %dma_start3A_67 : memref<1x128xi32, #tpu.memory_space<vmem>> -> memref<128xi32, #tpu.memory_space<vmem>>
    %dma_start3A_69 = arith.constant 0 : i32
    %dma_start3A_70 = tpu.memref_slice %arg3[%add3A_64, %dma_start3A_69] : memref<2568x128xi32, #tpu.memory_space<hbm>> -> memref<1x128xi32, #tpu.memory_space<hbm>>
    %dma_start3A_71 = tpu.memref_squeeze %dma_start3A_70 : memref<1x128xi32, #tpu.memory_space<hbm>> -> memref<128xi32, #tpu.memory_space<hbm>>
    %dma_start3A_72 = arith.constant 0 : i32
    %dma_start3A_73 = tpu.memref_slice %arg6[%dma_start3A_65, %dma_start3A_72] : memref<3x128xi32, #tpu.memory_space<vmem>> -> memref<1x128xi32, #tpu.memory_space<vmem>>
    %dma_start3A_74 = tpu.memref_squeeze %dma_start3A_73 : memref<1x128xi32, #tpu.memory_space<vmem>> -> memref<128xi32, #tpu.memory_space<vmem>>
    %dma_start3A_75 = arith.constant 0 : i32
    %dma_start3A_76 = tpu.memref_slice %arg3[%add3A_64, %dma_start3A_75] : memref<2568x128xi32, #tpu.memory_space<hbm>> -> memref<1x128xi32, #tpu.memory_space<hbm>>
    %dma_start3A_77 = tpu.memref_squeeze %dma_start3A_76 : memref<1x128xi32, #tpu.memory_space<hbm>> -> memref<128xi32, #tpu.memory_space<hbm>>
    tpu.enqueue_dma source(%dma_start3A_77 : memref<128xi32, #tpu.memory_space<hbm>>) target(%dma_start3A_74 : memref<128xi32, #tpu.memory_space<vmem>>) target_semaphore(%arg12 : memref<!tpu.dma_semaphore, #tpu.memory_space<semaphore_mem>>)
    %add3A_78 = arith.constant 0 : i32
    %add3A_79 = arith.addi %mul3A_2, %add3A_78 : i32
    %dma_start3A_80 = arith.constant 0 : i32
    %dma_start3A_81 = arith.constant 0 : i32
    %dma_start3A_82 = tpu.memref_slice %arg7[%dma_start3A_80, %dma_start3A_81] : memref<3x128xi32, #tpu.memory_space<vmem>> -> memref<1x128xi32, #tpu.memory_space<vmem>>
    %dma_start3A_83 = tpu.memref_squeeze %dma_start3A_82 : memref<1x128xi32, #tpu.memory_space<vmem>> -> memref<128xi32, #tpu.memory_space<vmem>>
    %dma_start3A_84 = arith.constant 0 : i32
    %dma_start3A_85 = tpu.memref_slice %arg4[%add3A_79, %dma_start3A_84] : memref<2560x128xi32, #tpu.memory_space<hbm>> -> memref<1x128xi32, #tpu.memory_space<hbm>>
    %dma_start3A_86 = tpu.memref_squeeze %dma_start3A_85 : memref<1x128xi32, #tpu.memory_space<hbm>> -> memref<128xi32, #tpu.memory_space<hbm>>
    %dma_start3A_87 = arith.constant 0 : i32
    %dma_start3A_88 = tpu.memref_slice %arg7[%dma_start3A_80, %dma_start3A_87] : memref<3x128xi32, #tpu.memory_space<vmem>> -> memref<1x128xi32, #tpu.memory_space<vmem>>
    %dma_start3A_89 = tpu.memref_squeeze %dma_start3A_88 : memref<1x128xi32, #tpu.memory_space<vmem>> -> memref<128xi32, #tpu.memory_space<vmem>>
    %dma_start3A_90 = arith.constant 0 : i32
    %dma_start3A_91 = tpu.memref_slice %arg4[%add3A_79, %dma_start3A_90] : memref<2560x128xi32, #tpu.memory_space<hbm>> -> memref<1x128xi32, #tpu.memory_space<hbm>>
    %dma_start3A_92 = tpu.memref_squeeze %dma_start3A_91 : memref<1x128xi32, #tpu.memory_space<hbm>> -> memref<128xi32, #tpu.memory_space<hbm>>
    tpu.enqueue_dma source(%dma_start3A_92 : memref<128xi32, #tpu.memory_space<hbm>>) target(%dma_start3A_89 : memref<128xi32, #tpu.memory_space<vmem>>) target_semaphore(%arg13 : memref<!tpu.dma_semaphore, #tpu.memory_space<semaphore_mem>>)
    %add3A_93 = arith.constant 1 : i32
    %add3A_94 = arith.addi %mul3A_2, %add3A_93 : i32
    %dma_start3A_95 = arith.constant 1 : i32
    %dma_start3A_96 = arith.constant 0 : i32
    %dma_start3A_97 = tpu.memref_slice %arg7[%dma_start3A_95, %dma_start3A_96] : memref<3x128xi32, #tpu.memory_space<vmem>> -> memref<1x128xi32, #tpu.memory_space<vmem>>
    %dma_start3A_98 = tpu.memref_squeeze %dma_start3A_97 : memref<1x128xi32, #tpu.memory_space<vmem>> -> memref<128xi32, #tpu.memory_space<vmem>>
    %dma_start3A_99 = arith.constant 0 : i32
    %dma_start3A_100 = tpu.memref_slice %arg4[%add3A_94, %dma_start3A_99] : memref<2560x128xi32, #tpu.memory_space<hbm>> -> memref<1x128xi32, #tpu.memory_space<hbm>>
    %dma_start3A_101 = tpu.memref_squeeze %dma_start3A_100 : memref<1x128xi32, #tpu.memory_space<hbm>> -> memref<128xi32, #tpu.memory_space<hbm>>
    %dma_start3A_102 = arith.constant 0 : i32
    %dma_start3A_103 = tpu.memref_slice %arg7[%dma_start3A_95, %dma_start3A_102] : memref<3x128xi32, #tpu.memory_space<vmem>> -> memref<1x128xi32, #tpu.memory_space<vmem>>
    %dma_start3A_104 = tpu.memref_squeeze %dma_start3A_103 : memref<1x128xi32, #tpu.memory_space<vmem>> -> memref<128xi32, #tpu.memory_space<vmem>>
    %dma_start3A_105 = arith.constant 0 : i32
    %dma_start3A_106 = tpu.memref_slice %arg4[%add3A_94, %dma_start3A_105] : memref<2560x128xi32, #tpu.memory_space<hbm>> -> memref<1x128xi32, #tpu.memory_space<hbm>>
    %dma_start3A_107 = tpu.memref_squeeze %dma_start3A_106 : memref<1x128xi32, #tpu.memory_space<hbm>> -> memref<128xi32, #tpu.memory_space<hbm>>
    tpu.enqueue_dma source(%dma_start3A_107 : memref<128xi32, #tpu.memory_space<hbm>>) target(%dma_start3A_104 : memref<128xi32, #tpu.memory_space<vmem>>) target_semaphore(%arg14 : memref<!tpu.dma_semaphore, #tpu.memory_space<semaphore_mem>>)
    %dma_wait3A = arith.constant 0 : i32
    %dma_wait3A_108 = arith.constant 0 : i32
    %dma_wait3A_109 = arith.constant 0 : i32
    %dma_wait3A_110 = tpu.memref_slice %arg6[%dma_wait3A_108, %dma_wait3A_109] : memref<3x128xi32, #tpu.memory_space<vmem>> -> memref<1x128xi32, #tpu.memory_space<vmem>>
    %dma_wait3A_111 = tpu.memref_squeeze %dma_wait3A_110 : memref<1x128xi32, #tpu.memory_space<vmem>> -> memref<128xi32, #tpu.memory_space<vmem>>
    %dma_wait3A_112 = arith.constant 0 : i32
    %dma_wait3A_113 = tpu.memref_slice %arg3[%dma_wait3A, %dma_wait3A_112] : memref<2568x128xi32, #tpu.memory_space<hbm>> -> memref<1x128xi32, #tpu.memory_space<hbm>>
    %dma_wait3A_114 = tpu.memref_squeeze %dma_wait3A_113 : memref<1x128xi32, #tpu.memory_space<hbm>> -> memref<128xi32, #tpu.memory_space<hbm>>
    %dma_wait3A_115 = arith.constant 0 : i32
    %dma_wait3A_116 = tpu.memref_slice %arg6[%dma_wait3A_108, %dma_wait3A_115] : memref<3x128xi32, #tpu.memory_space<vmem>> -> memref<1x128xi32, #tpu.memory_space<vmem>>
    %dma_wait3A_117 = tpu.memref_squeeze %dma_wait3A_116 : memref<1x128xi32, #tpu.memory_space<vmem>> -> memref<128xi32, #tpu.memory_space<vmem>>
    %dma_wait3A_118 = arith.constant 0 : i32
    %dma_wait3A_119 = tpu.memref_slice %arg3[%dma_wait3A, %dma_wait3A_118] : memref<2568x128xi32, #tpu.memory_space<hbm>> -> memref<1x128xi32, #tpu.memory_space<hbm>>
    %dma_wait3A_120 = tpu.memref_squeeze %dma_wait3A_119 : memref<1x128xi32, #tpu.memory_space<hbm>> -> memref<128xi32, #tpu.memory_space<hbm>>
    tpu.wait_dma2 semaphore(%arg10 : memref<!tpu.dma_semaphore, #tpu.memory_space<semaphore_mem>>) src(%dma_wait3A_120 : memref<128xi32, #tpu.memory_space<hbm>>) dst(%dma_wait3A_117 : memref<128xi32, #tpu.memory_space<vmem>>)
    %dma_start3A_121 = arith.constant 0 : i32
    %dma_start3A_122 = arith.constant 0 : i32
    %dma_start3A_123 = arith.constant 0 : i32
    %dma_start3A_124 = arith.constant 0 : i32
    %dma_start3A_125 = tpu.memref_slice %arg8[%dma_start3A_122, %dma_start3A_123, %dma_start3A_124] : memref<3x128x128xf32, #tpu.memory_space<vmem>> -> memref<1x128x128xf32, #tpu.memory_space<vmem>>
    %dma_start3A_126 = tpu.memref_squeeze %dma_start3A_125 : memref<1x128x128xf32, #tpu.memory_space<vmem>> -> memref<128x128xf32, #tpu.memory_space<vmem>>
    %dma_start3A_127 = arith.constant 0 : i32
    %dma_start3A_128 = tpu.memref_slice %arg6[%dma_start3A_121, %dma_start3A_127] : memref<3x128xi32, #tpu.memory_space<vmem>> -> memref<1x128xi32, #tpu.memory_space<vmem>>
    %dma_start3A_129 = tpu.memref_squeeze %dma_start3A_128 : memref<1x128xi32, #tpu.memory_space<vmem>> -> memref<128xi32, #tpu.memory_space<vmem>>
    %dma_start3A_130 = arith.constant 0 : i32
    %dma_start3A_131 = arith.constant 0 : i32
    %dma_start3A_132 = tpu.memref_slice %arg2[%dma_start3A_130, %dma_start3A_131] : memref<10000x128xf32, #tpu.memory_space<hbm>> -> memref<10000x128xf32, #tpu.memory_space<hbm>>
    tpu.enqueue_indirect_dma source(%dma_start3A_132 : memref<10000x128xf32, #tpu.memory_space<hbm>>) target(%dma_start3A_126 : memref<128x128xf32, #tpu.memory_space<vmem>>) offsets(%dma_start3A_129 : memref<128xi32, #tpu.memory_space<vmem>>) semaphore(%arg16 : memref<!tpu.dma_semaphore, #tpu.memory_space<semaphore_mem>>)
    %dma_wait3A_133 = arith.constant 0 : i32
    %dma_wait3A_134 = arith.constant 1 : i32
    %dma_wait3A_135 = arith.constant 0 : i32
    %dma_wait3A_136 = tpu.memref_slice %arg6[%dma_wait3A_134, %dma_wait3A_135] : memref<3x128xi32, #tpu.memory_space<vmem>> -> memref<1x128xi32, #tpu.memory_space<vmem>>
    %dma_wait3A_137 = tpu.memref_squeeze %dma_wait3A_136 : memref<1x128xi32, #tpu.memory_space<vmem>> -> memref<128xi32, #tpu.memory_space<vmem>>
    %dma_wait3A_138 = arith.constant 0 : i32
    %dma_wait3A_139 = tpu.memref_slice %arg3[%dma_wait3A_133, %dma_wait3A_138] : memref<2568x128xi32, #tpu.memory_space<hbm>> -> memref<1x128xi32, #tpu.memory_space<hbm>>
    %dma_wait3A_140 = tpu.memref_squeeze %dma_wait3A_139 : memref<1x128xi32, #tpu.memory_space<hbm>> -> memref<128xi32, #tpu.memory_space<hbm>>
    %dma_wait3A_141 = arith.constant 0 : i32
    %dma_wait3A_142 = tpu.memref_slice %arg6[%dma_wait3A_134, %dma_wait3A_141] : memref<3x128xi32, #tpu.memory_space<vmem>> -> memref<1x128xi32, #tpu.memory_space<vmem>>
    %dma_wait3A_143 = tpu.memref_squeeze %dma_wait3A_142 : memref<1x128xi32, #tpu.memory_space<vmem>> -> memref<128xi32, #tpu.memory_space<vmem>>
    %dma_wait3A_144 = arith.constant 0 : i32
    %dma_wait3A_145 = tpu.memref_slice %arg3[%dma_wait3A_133, %dma_wait3A_144] : memref<2568x128xi32, #tpu.memory_space<hbm>> -> memref<1x128xi32, #tpu.memory_space<hbm>>
    %dma_wait3A_146 = tpu.memref_squeeze %dma_wait3A_145 : memref<1x128xi32, #tpu.memory_space<hbm>> -> memref<128xi32, #tpu.memory_space<hbm>>
    tpu.wait_dma2 semaphore(%arg11 : memref<!tpu.dma_semaphore, #tpu.memory_space<semaphore_mem>>) src(%dma_wait3A_146 : memref<128xi32, #tpu.memory_space<hbm>>) dst(%dma_wait3A_143 : memref<128xi32, #tpu.memory_space<vmem>>)
    %dma_start3A_147 = arith.constant 1 : i32
    %dma_start3A_148 = arith.constant 1 : i32
    %dma_start3A_149 = arith.constant 0 : i32
    %dma_start3A_150 = arith.constant 0 : i32
    %dma_start3A_151 = tpu.memref_slice %arg8[%dma_start3A_148, %dma_start3A_149, %dma_start3A_150] : memref<3x128x128xf32, #tpu.memory_space<vmem>> -> memref<1x128x128xf32, #tpu.memory_space<vmem>>
    %dma_start3A_152 = tpu.memref_squeeze %dma_start3A_151 : memref<1x128x128xf32, #tpu.memory_space<vmem>> -> memref<128x128xf32, #tpu.memory_space<vmem>>
    %dma_start3A_153 = arith.constant 0 : i32
    %dma_start3A_154 = tpu.memref_slice %arg6[%dma_start3A_147, %dma_start3A_153] : memref<3x128xi32, #tpu.memory_space<vmem>> -> memref<1x128xi32, #tpu.memory_space<vmem>>
    %dma_start3A_155 = tpu.memref_squeeze %dma_start3A_154 : memref<1x128xi32, #tpu.memory_space<vmem>> -> memref<128xi32, #tpu.memory_space<vmem>>
    %dma_start3A_156 = arith.constant 0 : i32
    %dma_start3A_157 = arith.constant 0 : i32
    %dma_start3A_158 = tpu.memref_slice %arg2[%dma_start3A_156, %dma_start3A_157] : memref<10000x128xf32, #tpu.memory_space<hbm>> -> memref<10000x128xf32, #tpu.memory_space<hbm>>
    tpu.enqueue_indirect_dma source(%dma_start3A_158 : memref<10000x128xf32, #tpu.memory_space<hbm>>) target(%dma_start3A_152 : memref<128x128xf32, #tpu.memory_space<vmem>>) offsets(%dma_start3A_155 : memref<128xi32, #tpu.memory_space<vmem>>) semaphore(%arg17 : memref<!tpu.dma_semaphore, #tpu.memory_space<semaphore_mem>>)
    %dma_wait3A_159 = arith.constant 0 : i32
    %dma_wait3A_160 = arith.constant 0 : i32
    %dma_wait3A_161 = arith.constant 0 : i32
    %dma_wait3A_162 = arith.constant 0 : i32
    %dma_wait3A_163 = tpu.memref_slice %arg8[%dma_wait3A_160, %dma_wait3A_161, %dma_wait3A_162] : memref<3x128x128xf32, #tpu.memory_space<vmem>> -> memref<1x128x128xf32, #tpu.memory_space<vmem>>
    %dma_wait3A_164 = tpu.memref_squeeze %dma_wait3A_163 : memref<1x128x128xf32, #tpu.memory_space<vmem>> -> memref<128x128xf32, #tpu.memory_space<vmem>>
    %dma_wait3A_165 = arith.constant 0 : i32
    %dma_wait3A_166 = tpu.memref_slice %arg6[%dma_wait3A_159, %dma_wait3A_165] : memref<3x128xi32, #tpu.memory_space<vmem>> -> memref<1x128xi32, #tpu.memory_space<vmem>>
    %dma_wait3A_167 = tpu.memref_squeeze %dma_wait3A_166 : memref<1x128xi32, #tpu.memory_space<vmem>> -> memref<128xi32, #tpu.memory_space<vmem>>
    %dma_wait3A_168 = arith.constant 0 : i32
    %dma_wait3A_169 = arith.constant 0 : i32
    %dma_wait3A_170 = tpu.memref_slice %arg2[%dma_wait3A_168, %dma_wait3A_169] : memref<10000x128xf32, #tpu.memory_space<hbm>> -> memref<10000x128xf32, #tpu.memory_space<hbm>>
    tpu.wait_indirect_dma semaphore(%arg16 : memref<!tpu.dma_semaphore, #tpu.memory_space<semaphore_mem>>) src(%dma_wait3A_170 : memref<10000x128xf32, #tpu.memory_space<hbm>>) dst(%dma_wait3A_164 : memref<128x128xf32, #tpu.memory_space<vmem>>)
    %dma_wait3A_171 = arith.constant 0 : i32
    %dma_wait3A_172 = arith.constant 0 : i32
    %dma_wait3A_173 = arith.constant 0 : i32
    %dma_wait3A_174 = tpu.memref_slice %arg7[%dma_wait3A_172, %dma_wait3A_173] : memref<3x128xi32, #tpu.memory_space<vmem>> -> memref<1x128xi32, #tpu.memory_space<vmem>>
    %dma_wait3A_175 = tpu.memref_squeeze %dma_wait3A_174 : memref<1x128xi32, #tpu.memory_space<vmem>> -> memref<128xi32, #tpu.memory_space<vmem>>
    %dma_wait3A_176 = arith.constant 0 : i32
    %dma_wait3A_177 = tpu.memref_slice %arg4[%dma_wait3A_171, %dma_wait3A_176] : memref<2560x128xi32, #tpu.memory_space<hbm>> -> memref<1x128xi32, #tpu.memory_space<hbm>>
    %dma_wait3A_178 = tpu.memref_squeeze %dma_wait3A_177 : memref<1x128xi32, #tpu.memory_space<hbm>> -> memref<128xi32, #tpu.memory_space<hbm>>
    %dma_wait3A_179 = arith.constant 0 : i32
    %dma_wait3A_180 = tpu.memref_slice %arg7[%dma_wait3A_172, %dma_wait3A_179] : memref<3x128xi32, #tpu.memory_space<vmem>> -> memref<1x128xi32, #tpu.memory_space<vmem>>
    %dma_wait3A_181 = tpu.memref_squeeze %dma_wait3A_180 : memref<1x128xi32, #tpu.memory_space<vmem>> -> memref<128xi32, #tpu.memory_space<vmem>>
    %dma_wait3A_182 = arith.constant 0 : i32
    %dma_wait3A_183 = tpu.memref_slice %arg4[%dma_wait3A_171, %dma_wait3A_182] : memref<2560x128xi32, #tpu.memory_space<hbm>> -> memref<1x128xi32, #tpu.memory_space<hbm>>
    %dma_wait3A_184 = tpu.memref_squeeze %dma_wait3A_183 : memref<1x128xi32, #tpu.memory_space<hbm>> -> memref<128xi32, #tpu.memory_space<hbm>>
    tpu.wait_dma2 semaphore(%arg13 : memref<!tpu.dma_semaphore, #tpu.memory_space<semaphore_mem>>) src(%dma_wait3A_184 : memref<128xi32, #tpu.memory_space<hbm>>) dst(%dma_wait3A_181 : memref<128xi32, #tpu.memory_space<vmem>>)
    %dma_start3A_185 = arith.constant 0 : i32
    %dma_start3A_186 = arith.constant 0 : i32
    %dma_start3A_187 = arith.constant 0 : i32
    %dma_start3A_188 = arith.constant 0 : i32
    %dma_start3A_189 = tpu.memref_slice %arg8[%dma_start3A_185, %dma_start3A_187, %dma_start3A_188] : memref<3x128x128xf32, #tpu.memory_space<vmem>> -> memref<1x128x128xf32, #tpu.memory_space<vmem>>
    %dma_start3A_190 = tpu.memref_squeeze %dma_start3A_189 : memref<1x128x128xf32, #tpu.memory_space<vmem>> -> memref<128x128xf32, #tpu.memory_space<vmem>>
    %dma_start3A_191 = arith.constant 0 : i32
    %dma_start3A_192 = tpu.memref_slice %arg7[%dma_start3A_186, %dma_start3A_191] : memref<3x128xi32, #tpu.memory_space<vmem>> -> memref<1x128xi32, #tpu.memory_space<vmem>>
    %dma_start3A_193 = tpu.memref_squeeze %dma_start3A_192 : memref<1x128xi32, #tpu.memory_space<vmem>> -> memref<128xi32, #tpu.memory_space<vmem>>
    %dma_start3A_194 = arith.constant 0 : i32
    %dma_start3A_195 = arith.constant 0 : i32
    %dma_start3A_196 = tpu.memref_slice %arg9[%dma_start3A_194, %dma_start3A_195] : memref<10112x128xf32, #tpu.memory_space<vmem_shared>> -> memref<10112x128xf32, #tpu.memory_space<vmem_shared>>
    tpu.enqueue_indirect_dma source(%dma_start3A_190 : memref<128x128xf32, #tpu.memory_space<vmem>>) target(%dma_start3A_196 : memref<10112x128xf32, #tpu.memory_space<vmem_shared>>) offsets(%dma_start3A_193 : memref<128xi32, #tpu.memory_space<vmem>>) semaphore(%arg19 : memref<!tpu.dma_semaphore, #tpu.memory_space<semaphore_mem>>) {add = true}
    %dma_wait3A_197 = arith.constant 0 : i32
    %dma_wait3A_198 = arith.constant 2 : i32
    %dma_wait3A_199 = arith.constant 0 : i32
    %dma_wait3A_200 = tpu.memref_slice %arg6[%dma_wait3A_198, %dma_wait3A_199] : memref<3x128xi32, #tpu.memory_space<vmem>> -> memref<1x128xi32, #tpu.memory_space<vmem>>
    %dma_wait3A_201 = tpu.memref_squeeze %dma_wait3A_200 : memref<1x128xi32, #tpu.memory_space<vmem>> -> memref<128xi32, #tpu.memory_space<vmem>>
    %dma_wait3A_202 = arith.constant 0 : i32
    %dma_wait3A_203 = tpu.memref_slice %arg3[%dma_wait3A_197, %dma_wait3A_202] : memref<2568x128xi32, #tpu.memory_space<hbm>> -> memref<1x128xi32, #tpu.memory_space<hbm>>
    %dma_wait3A_204 = tpu.memref_squeeze %dma_wait3A_203 : memref<1x128xi32, #tpu.memory_space<hbm>> -> memref<128xi32, #tpu.memory_space<hbm>>
    %dma_wait3A_205 = arith.constant 0 : i32
    %dma_wait3A_206 = tpu.memref_slice %arg6[%dma_wait3A_198, %dma_wait3A_205] : memref<3x128xi32, #tpu.memory_space<vmem>> -> memref<1x128xi32, #tpu.memory_space<vmem>>
    %dma_wait3A_207 = tpu.memref_squeeze %dma_wait3A_206 : memref<1x128xi32, #tpu.memory_space<vmem>> -> memref<128xi32, #tpu.memory_space<vmem>>
    %dma_wait3A_208 = arith.constant 0 : i32
    %dma_wait3A_209 = tpu.memref_slice %arg3[%dma_wait3A_197, %dma_wait3A_208] : memref<2568x128xi32, #tpu.memory_space<hbm>> -> memref<1x128xi32, #tpu.memory_space<hbm>>
    %dma_wait3A_210 = tpu.memref_squeeze %dma_wait3A_209 : memref<1x128xi32, #tpu.memory_space<hbm>> -> memref<128xi32, #tpu.memory_space<hbm>>
    tpu.wait_dma2 semaphore(%arg12 : memref<!tpu.dma_semaphore, #tpu.memory_space<semaphore_mem>>) src(%dma_wait3A_210 : memref<128xi32, #tpu.memory_space<hbm>>) dst(%dma_wait3A_207 : memref<128xi32, #tpu.memory_space<vmem>>)
    %dma_start3A_211 = arith.constant 2 : i32
    %dma_start3A_212 = arith.constant 2 : i32
    %dma_start3A_213 = arith.constant 0 : i32
    %dma_start3A_214 = arith.constant 0 : i32
    %dma_start3A_215 = tpu.memref_slice %arg8[%dma_start3A_212, %dma_start3A_213, %dma_start3A_214] : memref<3x128x128xf32, #tpu.memory_space<vmem>> -> memref<1x128x128xf32, #tpu.memory_space<vmem>>
    %dma_start3A_216 = tpu.memref_squeeze %dma_start3A_215 : memref<1x128x128xf32, #tpu.memory_space<vmem>> -> memref<128x128xf32, #tpu.memory_space<vmem>>
    %dma_start3A_217 = arith.constant 0 : i32
    %dma_start3A_218 = tpu.memref_slice %arg6[%dma_start3A_211, %dma_start3A_217] : memref<3x128xi32, #tpu.memory_space<vmem>> -> memref<1x128xi32, #tpu.memory_space<vmem>>
    %dma_start3A_219 = tpu.memref_squeeze %dma_start3A_218 : memref<1x128xi32, #tpu.memory_space<vmem>> -> memref<128xi32, #tpu.memory_space<vmem>>
    %dma_start3A_220 = arith.constant 0 : i32
    %dma_start3A_221 = arith.constant 0 : i32
    %dma_start3A_222 = tpu.memref_slice %arg2[%dma_start3A_220, %dma_start3A_221] : memref<10000x128xf32, #tpu.memory_space<hbm>> -> memref<10000x128xf32, #tpu.memory_space<hbm>>
    tpu.enqueue_indirect_dma source(%dma_start3A_222 : memref<10000x128xf32, #tpu.memory_space<hbm>>) target(%dma_start3A_216 : memref<128x128xf32, #tpu.memory_space<vmem>>) offsets(%dma_start3A_219 : memref<128xi32, #tpu.memory_space<vmem>>) semaphore(%arg18 : memref<!tpu.dma_semaphore, #tpu.memory_space<semaphore_mem>>)
    %add3A_223 = arith.constant 3 : i32
    %add3A_224 = arith.addi %mul3A_2, %add3A_223 : i32
    %dma_start3A_225 = arith.constant 0 : i32
    %dma_start3A_226 = arith.constant 0 : i32
    %dma_start3A_227 = tpu.memref_slice %arg6[%dma_start3A_225, %dma_start3A_226] : memref<3x128xi32, #tpu.memory_space<vmem>> -> memref<1x128xi32, #tpu.memory_space<vmem>>
    %dma_start3A_228 = tpu.memref_squeeze %dma_start3A_227 : memref<1x128xi32, #tpu.memory_space<vmem>> -> memref<128xi32, #tpu.memory_space<vmem>>
    %dma_start3A_229 = arith.constant 0 : i32
    %dma_start3A_230 = tpu.memref_slice %arg3[%add3A_224, %dma_start3A_229] : memref<2568x128xi32, #tpu.memory_space<hbm>> -> memref<1x128xi32, #tpu.memory_space<hbm>>
    %dma_start3A_231 = tpu.memref_squeeze %dma_start3A_230 : memref<1x128xi32, #tpu.memory_space<hbm>> -> memref<128xi32, #tpu.memory_space<hbm>>
    %dma_start3A_232 = arith.constant 0 : i32
    %dma_start3A_233 = tpu.memref_slice %arg6[%dma_start3A_225, %dma_start3A_232] : memref<3x128xi32, #tpu.memory_space<vmem>> -> memref<1x128xi32, #tpu.memory_space<vmem>>
    %dma_start3A_234 = tpu.memref_squeeze %dma_start3A_233 : memref<1x128xi32, #tpu.memory_space<vmem>> -> memref<128xi32, #tpu.memory_space<vmem>>
    %dma_start3A_235 = arith.constant 0 : i32
    %dma_start3A_236 = tpu.memref_slice %arg3[%add3A_224, %dma_start3A_235] : memref<2568x128xi32, #tpu.memory_space<hbm>> -> memref<1x128xi32, #tpu.memory_space<hbm>>
    %dma_start3A_237 = tpu.memref_squeeze %dma_start3A_236 : memref<1x128xi32, #tpu.memory_space<hbm>> -> memref<128xi32, #tpu.memory_space<hbm>>
    tpu.enqueue_dma source(%dma_start3A_237 : memref<128xi32, #tpu.memory_space<hbm>>) target(%dma_start3A_234 : memref<128xi32, #tpu.memory_space<vmem>>) target_semaphore(%arg10 : memref<!tpu.dma_semaphore, #tpu.memory_space<semaphore_mem>>)
    %add3A_238 = arith.constant 2 : i32
    %add3A_239 = arith.addi %mul3A_2, %add3A_238 : i32
    %dma_start3A_240 = arith.constant 2 : i32
    %dma_start3A_241 = arith.constant 0 : i32
    %dma_start3A_242 = tpu.memref_slice %arg7[%dma_start3A_240, %dma_start3A_241] : memref<3x128xi32, #tpu.memory_space<vmem>> -> memref<1x128xi32, #tpu.memory_space<vmem>>
    %dma_start3A_243 = tpu.memref_squeeze %dma_start3A_242 : memref<1x128xi32, #tpu.memory_space<vmem>> -> memref<128xi32, #tpu.memory_space<vmem>>
    %dma_start3A_244 = arith.constant 0 : i32
    %dma_start3A_245 = tpu.memref_slice %arg4[%add3A_239, %dma_start3A_244] : memref<2560x128xi32, #tpu.memory_space<hbm>> -> memref<1x128xi32, #tpu.memory_space<hbm>>
    %dma_start3A_246 = tpu.memref_squeeze %dma_start3A_245 : memref<1x128xi32, #tpu.memory_space<hbm>> -> memref<128xi32, #tpu.memory_space<hbm>>
    %dma_start3A_247 = arith.constant 0 : i32
    %dma_start3A_248 = tpu.memref_slice %arg7[%dma_start3A_240, %dma_start3A_247] : memref<3x128xi32, #tpu.memory_space<vmem>> -> memref<1x128xi32, #tpu.memory_space<vmem>>
    %dma_start3A_249 = tpu.memref_squeeze %dma_start3A_248 : memref<1x128xi32, #tpu.memory_space<vmem>> -> memref<128xi32, #tpu.memory_space<vmem>>
    %dma_start3A_250 = arith.constant 0 : i32
    %dma_start3A_251 = tpu.memref_slice %arg4[%add3A_239, %dma_start3A_250] : memref<2560x128xi32, #tpu.memory_space<hbm>> -> memref<1x128xi32, #tpu.memory_space<hbm>>
    %dma_start3A_252 = tpu.memref_squeeze %dma_start3A_251 : memref<1x128xi32, #tpu.memory_space<hbm>> -> memref<128xi32, #tpu.memory_space<hbm>>
    tpu.enqueue_dma source(%dma_start3A_252 : memref<128xi32, #tpu.memory_space<hbm>>) target(%dma_start3A_249 : memref<128xi32, #tpu.memory_space<vmem>>) target_semaphore(%arg15 : memref<!tpu.dma_semaphore, #tpu.memory_space<semaphore_mem>>)
    %scan3A_253 = arith.constant 0 : i32
    %scan3A_254 = arith.constant 0 : i32
    %scan3A_255 = arith.constant 25 : i32
    %scan3A_256 = arith.addi %scan3A_254, %scan3A_255 : i32
    %scan3A_257 = arith.constant 1 : i32
    %scan3A_258 = scf.for %scan3A_669 = %scan3A_254 to %scan3A_256 step %scan3A_257 iter_args(%scan3A_670 = %scan3A_253) -> (i32)  : i32 {
      %mul3A_671 = arith.constant 3 : i32
      %mul3A_672 = arith.muli %mul3A_671, %scan3A_669 : i32
      %add3A_673 = arith.constant 1 : i32
      %add3A_674 = arith.addi %mul3A_672, %add3A_673 : i32
      %dma_wait3A_675 = arith.constant 1 : i32
      %dma_wait3A_676 = arith.constant 1 : i32
      %dma_wait3A_677 = arith.constant 0 : i32
      %dma_wait3A_678 = arith.constant 0 : i32
      %dma_wait3A_679 = tpu.memref_slice %arg8[%dma_wait3A_676, %dma_wait3A_677, %dma_wait3A_678] : memref<3x128x128xf32, #tpu.memory_space<vmem>> -> memref<1x128x128xf32, #tpu.memory_space<vmem>>
      %dma_wait3A_680 = tpu.memref_squeeze %dma_wait3A_679 : memref<1x128x128xf32, #tpu.memory_space<vmem>> -> memref<128x128xf32, #tpu.memory_space<vmem>>
      %dma_wait3A_681 = arith.constant 0 : i32
      %dma_wait3A_682 = tpu.memref_slice %arg6[%dma_wait3A_675, %dma_wait3A_681] : memref<3x128xi32, #tpu.memory_space<vmem>> -> memref<1x128xi32, #tpu.memory_space<vmem>>
      %dma_wait3A_683 = tpu.memref_squeeze %dma_wait3A_682 : memref<1x128xi32, #tpu.memory_space<vmem>> -> memref<128xi32, #tpu.memory_space<vmem>>
      %dma_wait3A_684 = arith.constant 0 : i32
      %dma_wait3A_685 = arith.constant 0 : i32
      %dma_wait3A_686 = tpu.memref_slice %arg2[%dma_wait3A_684, %dma_wait3A_685] : memref<10000x128xf32, #tpu.memory_space<hbm>> -> memref<10000x128xf32, #tpu.memory_space<hbm>>
      tpu.wait_indirect_dma semaphore(%arg17 : memref<!tpu.dma_semaphore, #tpu.memory_space<semaphore_mem>>) src(%dma_wait3A_686 : memref<10000x128xf32, #tpu.memory_space<hbm>>) dst(%dma_wait3A_680 : memref<128x128xf32, #tpu.memory_space<vmem>>)
      %dma_wait3A_687 = arith.constant 0 : i32
      %dma_wait3A_688 = arith.constant 1 : i32
      %dma_wait3A_689 = arith.constant 0 : i32
      %dma_wait3A_690 = tpu.memref_slice %arg7[%dma_wait3A_688, %dma_wait3A_689] : memref<3x128xi32, #tpu.memory_space<vmem>> -> memref<1x128xi32, #tpu.memory_space<vmem>>
      %dma_wait3A_691 = tpu.memref_squeeze %dma_wait3A_690 : memref<1x128xi32, #tpu.memory_space<vmem>> -> memref<128xi32, #tpu.memory_space<vmem>>
      %dma_wait3A_692 = arith.constant 0 : i32
      %dma_wait3A_693 = tpu.memref_slice %arg4[%dma_wait3A_687, %dma_wait3A_692] : memref<2560x128xi32, #tpu.memory_space<hbm>> -> memref<1x128xi32, #tpu.memory_space<hbm>>
      %dma_wait3A_694 = tpu.memref_squeeze %dma_wait3A_693 : memref<1x128xi32, #tpu.memory_space<hbm>> -> memref<128xi32, #tpu.memory_space<hbm>>
      %dma_wait3A_695 = arith.constant 0 : i32
      %dma_wait3A_696 = tpu.memref_slice %arg7[%dma_wait3A_688, %dma_wait3A_695] : memref<3x128xi32, #tpu.memory_space<vmem>> -> memref<1x128xi32, #tpu.memory_space<vmem>>
      %dma_wait3A_697 = tpu.memref_squeeze %dma_wait3A_696 : memref<1x128xi32, #tpu.memory_space<vmem>> -> memref<128xi32, #tpu.memory_space<vmem>>
      %dma_wait3A_698 = arith.constant 0 : i32
      %dma_wait3A_699 = tpu.memref_slice %arg4[%dma_wait3A_687, %dma_wait3A_698] : memref<2560x128xi32, #tpu.memory_space<hbm>> -> memref<1x128xi32, #tpu.memory_space<hbm>>
      %dma_wait3A_700 = tpu.memref_squeeze %dma_wait3A_699 : memref<1x128xi32, #tpu.memory_space<hbm>> -> memref<128xi32, #tpu.memory_space<hbm>>
      tpu.wait_dma2 semaphore(%arg14 : memref<!tpu.dma_semaphore, #tpu.memory_space<semaphore_mem>>) src(%dma_wait3A_700 : memref<128xi32, #tpu.memory_space<hbm>>) dst(%dma_wait3A_697 : memref<128xi32, #tpu.memory_space<vmem>>)
      %dma_start3A_701 = arith.constant 1 : i32
      %dma_start3A_702 = arith.constant 1 : i32
      %dma_start3A_703 = arith.constant 0 : i32
      %dma_start3A_704 = arith.constant 0 : i32
      %dma_start3A_705 = tpu.memref_slice %arg8[%dma_start3A_701, %dma_start3A_703, %dma_start3A_704] : memref<3x128x128xf32, #tpu.memory_space<vmem>> -> memref<1x128x128xf32, #tpu.memory_space<vmem>>
      %dma_start3A_706 = tpu.memref_squeeze %dma_start3A_705 : memref<1x128x128xf32, #tpu.memory_space<vmem>> -> memref<128x128xf32, #tpu.memory_space<vmem>>
      %dma_start3A_707 = arith.constant 0 : i32
      %dma_start3A_708 = tpu.memref_slice %arg7[%dma_start3A_702, %dma_start3A_707] : memref<3x128xi32, #tpu.memory_space<vmem>> -> memref<1x128xi32, #tpu.memory_space<vmem>>
      %dma_start3A_709 = tpu.memref_squeeze %dma_start3A_708 : memref<1x128xi32, #tpu.memory_space<vmem>> -> memref<128xi32, #tpu.memory_space<vmem>>
      %dma_start3A_710 = arith.constant 0 : i32
      %dma_start3A_711 = arith.constant 0 : i32
      %dma_start3A_712 = tpu.memref_slice %arg9[%dma_start3A_710, %dma_start3A_711] : memref<10112x128xf32, #tpu.memory_space<vmem_shared>> -> memref<10112x128xf32, #tpu.memory_space<vmem_shared>>
      tpu.enqueue_indirect_dma source(%dma_start3A_706 : memref<128x128xf32, #tpu.memory_space<vmem>>) target(%dma_start3A_712 : memref<10112x128xf32, #tpu.memory_space<vmem_shared>>) offsets(%dma_start3A_709 : memref<128xi32, #tpu.memory_space<vmem>>) semaphore(%arg20 : memref<!tpu.dma_semaphore, #tpu.memory_space<semaphore_mem>>) {add = true}
      %dma_wait3A_713 = arith.constant 0 : i32
      %dma_wait3A_714 = arith.constant 0 : i32
      %dma_wait3A_715 = arith.constant 0 : i32
      %dma_wait3A_716 = tpu.memref_slice %arg6[%dma_wait3A_714, %dma_wait3A_715] : memref<3x128xi32, #tpu.memory_space<vmem>> -> memref<1x128xi32, #tpu.memory_space<vmem>>
      %dma_wait3A_717 = tpu.memref_squeeze %dma_wait3A_716 : memref<1x128xi32, #tpu.memory_space<vmem>> -> memref<128xi32, #tpu.memory_space<vmem>>
      %dma_wait3A_718 = arith.constant 0 : i32
      %dma_wait3A_719 = tpu.memref_slice %arg3[%dma_wait3A_713, %dma_wait3A_718] : memref<2568x128xi32, #tpu.memory_space<hbm>> -> memref<1x128xi32, #tpu.memory_space<hbm>>
      %dma_wait3A_720 = tpu.memref_squeeze %dma_wait3A_719 : memref<1x128xi32, #tpu.memory_space<hbm>> -> memref<128xi32, #tpu.memory_space<hbm>>
      %dma_wait3A_721 = arith.constant 0 : i32
      %dma_wait3A_722 = tpu.memref_slice %arg6[%dma_wait3A_714, %dma_wait3A_721] : memref<3x128xi32, #tpu.memory_space<vmem>> -> memref<1x128xi32, #tpu.memory_space<vmem>>
      %dma_wait3A_723 = tpu.memref_squeeze %dma_wait3A_722 : memref<1x128xi32, #tpu.memory_space<vmem>> -> memref<128xi32, #tpu.memory_space<vmem>>
      %dma_wait3A_724 = arith.constant 0 : i32
      %dma_wait3A_725 = tpu.memref_slice %arg3[%dma_wait3A_713, %dma_wait3A_724] : memref<2568x128xi32, #tpu.memory_space<hbm>> -> memref<1x128xi32, #tpu.memory_space<hbm>>
      %dma_wait3A_726 = tpu.memref_squeeze %dma_wait3A_725 : memref<1x128xi32, #tpu.memory_space<hbm>> -> memref<128xi32, #tpu.memory_space<hbm>>
      tpu.wait_dma2 semaphore(%arg10 : memref<!tpu.dma_semaphore, #tpu.memory_space<semaphore_mem>>) src(%dma_wait3A_726 : memref<128xi32, #tpu.memory_space<hbm>>) dst(%dma_wait3A_723 : memref<128xi32, #tpu.memory_space<vmem>>)
      %dma_wait3A_727 = arith.constant 0 : i32
      %dma_wait3A_728 = arith.constant 0 : i32
      %dma_wait3A_729 = arith.constant 0 : i32
      %dma_wait3A_730 = tpu.memref_slice %arg8[%dma_wait3A_727, %dma_wait3A_728, %dma_wait3A_729] : memref<3x128x128xf32, #tpu.memory_space<vmem>> -> memref<1x128x128xf32, #tpu.memory_space<vmem>>
      %dma_wait3A_731 = tpu.memref_squeeze %dma_wait3A_730 : memref<1x128x128xf32, #tpu.memory_space<vmem>> -> memref<128x128xf32, #tpu.memory_space<vmem>>
      %dma_wait3A_732 = arith.constant 0 : i32
      %dma_wait3A_733 = arith.constant 0 : i32
      %dma_wait3A_734 = tpu.memref_slice %arg9[%dma_wait3A_732, %dma_wait3A_733] : memref<10112x128xf32, #tpu.memory_space<vmem_shared>> -> memref<128x128xf32, #tpu.memory_space<vmem_shared>>
      %dma_wait3A_735 = arith.constant 0 : i32
      %dma_wait3A_736 = arith.constant 0 : i32
      %dma_wait3A_737 = tpu.memref_slice %arg9[%dma_wait3A_735, %dma_wait3A_736] : memref<10112x128xf32, #tpu.memory_space<vmem_shared>> -> memref<128x128xf32, #tpu.memory_space<vmem_shared>>
      %dma_wait3A_738 = arith.constant 0 : i32
      %dma_wait3A_739 = arith.constant 0 : i32
      %dma_wait3A_740 = tpu.memref_slice %arg8[%dma_wait3A_727, %dma_wait3A_738, %dma_wait3A_739] : memref<3x128x128xf32, #tpu.memory_space<vmem>> -> memref<1x128x128xf32, #tpu.memory_space<vmem>>
      %dma_wait3A_741 = tpu.memref_squeeze %dma_wait3A_740 : memref<1x128x128xf32, #tpu.memory_space<vmem>> -> memref<128x128xf32, #tpu.memory_space<vmem>>
      tpu.wait_dma2 semaphore(%arg19 : memref<!tpu.dma_semaphore, #tpu.memory_space<semaphore_mem>>) src(%dma_wait3A_741 : memref<128x128xf32, #tpu.memory_space<vmem>>) dst(%dma_wait3A_737 : memref<128x128xf32, #tpu.memory_space<vmem_shared>>)
      %add3A_742 = arith.constant 2 : i32
      %add3A_743 = arith.addi %add3A_674, %add3A_742 : i32
      %dma_start3A_744 = arith.constant 0 : i32
      %dma_start3A_745 = arith.constant 0 : i32
      %dma_start3A_746 = arith.constant 0 : i32
      %dma_start3A_747 = arith.constant 0 : i32
      %dma_start3A_748 = tpu.memref_slice %arg8[%dma_start3A_745, %dma_start3A_746, %dma_start3A_747] : memref<3x128x128xf32, #tpu.memory_space<vmem>> -> memref<1x128x128xf32, #tpu.memory_space<vmem>>
      %dma_start3A_749 = tpu.memref_squeeze %dma_start3A_748 : memref<1x128x128xf32, #tpu.memory_space<vmem>> -> memref<128x128xf32, #tpu.memory_space<vmem>>
      %dma_start3A_750 = arith.constant 0 : i32
      %dma_start3A_751 = tpu.memref_slice %arg6[%dma_start3A_744, %dma_start3A_750] : memref<3x128xi32, #tpu.memory_space<vmem>> -> memref<1x128xi32, #tpu.memory_space<vmem>>
      %dma_start3A_752 = tpu.memref_squeeze %dma_start3A_751 : memref<1x128xi32, #tpu.memory_space<vmem>> -> memref<128xi32, #tpu.memory_space<vmem>>
      %dma_start3A_753 = arith.constant 0 : i32
      %dma_start3A_754 = arith.constant 0 : i32
      %dma_start3A_755 = tpu.memref_slice %arg2[%dma_start3A_753, %dma_start3A_754] : memref<10000x128xf32, #tpu.memory_space<hbm>> -> memref<10000x128xf32, #tpu.memory_space<hbm>>
      tpu.enqueue_indirect_dma source(%dma_start3A_755 : memref<10000x128xf32, #tpu.memory_space<hbm>>) target(%dma_start3A_749 : memref<128x128xf32, #tpu.memory_space<vmem>>) offsets(%dma_start3A_752 : memref<128xi32, #tpu.memory_space<vmem>>) semaphore(%arg16 : memref<!tpu.dma_semaphore, #tpu.memory_space<semaphore_mem>>)
      %add3A_756 = arith.constant 3 : i32
      %add3A_757 = arith.addi %add3A_674, %add3A_756 : i32
      %add3A_758 = arith.addi %mul3A_2, %add3A_757 : i32
      %dma_start3A_759 = arith.constant 1 : i32
      %dma_start3A_760 = arith.constant 0 : i32
      %dma_start3A_761 = tpu.memref_slice %arg6[%dma_start3A_759, %dma_start3A_760] : memref<3x128xi32, #tpu.memory_space<vmem>> -> memref<1x128xi32, #tpu.memory_space<vmem>>
      %dma_start3A_762 = tpu.memref_squeeze %dma_start3A_761 : memref<1x128xi32, #tpu.memory_space<vmem>> -> memref<128xi32, #tpu.memory_space<vmem>>
      %dma_start3A_763 = arith.constant 0 : i32
      %dma_start3A_764 = tpu.memref_slice %arg3[%add3A_758, %dma_start3A_763] : memref<2568x128xi32, #tpu.memory_space<hbm>> -> memref<1x128xi32, #tpu.memory_space<hbm>>
      %dma_start3A_765 = tpu.memref_squeeze %dma_start3A_764 : memref<1x128xi32, #tpu.memory_space<hbm>> -> memref<128xi32, #tpu.memory_space<hbm>>
      %dma_start3A_766 = arith.constant 0 : i32
      %dma_start3A_767 = tpu.memref_slice %arg6[%dma_start3A_759, %dma_start3A_766] : memref<3x128xi32, #tpu.memory_space<vmem>> -> memref<1x128xi32, #tpu.memory_space<vmem>>
      %dma_start3A_768 = tpu.memref_squeeze %dma_start3A_767 : memref<1x128xi32, #tpu.memory_space<vmem>> -> memref<128xi32, #tpu.memory_space<vmem>>
      %dma_start3A_769 = arith.constant 0 : i32
      %dma_start3A_770 = tpu.memref_slice %arg3[%add3A_758, %dma_start3A_769] : memref<2568x128xi32, #tpu.memory_space<hbm>> -> memref<1x128xi32, #tpu.memory_space<hbm>>
      %dma_start3A_771 = tpu.memref_squeeze %dma_start3A_770 : memref<1x128xi32, #tpu.memory_space<hbm>> -> memref<128xi32, #tpu.memory_space<hbm>>
      tpu.enqueue_dma source(%dma_start3A_771 : memref<128xi32, #tpu.memory_space<hbm>>) target(%dma_start3A_768 : memref<128xi32, #tpu.memory_space<vmem>>) target_semaphore(%arg11 : memref<!tpu.dma_semaphore, #tpu.memory_space<semaphore_mem>>)
      %add3A_772 = arith.constant 2 : i32
      %add3A_773 = arith.addi %add3A_674, %add3A_772 : i32
      %add3A_774 = arith.addi %mul3A_2, %add3A_773 : i32
      %dma_start3A_775 = arith.constant 0 : i32
      %dma_start3A_776 = arith.constant 0 : i32
      %dma_start3A_777 = tpu.memref_slice %arg7[%dma_start3A_775, %dma_start3A_776] : memref<3x128xi32, #tpu.memory_space<vmem>> -> memref<1x128xi32, #tpu.memory_space<vmem>>
      %dma_start3A_778 = tpu.memref_squeeze %dma_start3A_777 : memref<1x128xi32, #tpu.memory_space<vmem>> -> memref<128xi32, #tpu.memory_space<vmem>>
      %dma_start3A_779 = arith.constant 0 : i32
      %dma_start3A_780 = tpu.memref_slice %arg4[%add3A_774, %dma_start3A_779] : memref<2560x128xi32, #tpu.memory_space<hbm>> -> memref<1x128xi32, #tpu.memory_space<hbm>>
      %dma_start3A_781 = tpu.memref_squeeze %dma_start3A_780 : memref<1x128xi32, #tpu.memory_space<hbm>> -> memref<128xi32, #tpu.memory_space<hbm>>
      %dma_start3A_782 = arith.constant 0 : i32
      %dma_start3A_783 = tpu.memref_slice %arg7[%dma_start3A_775, %dma_start3A_782] : memref<3x128xi32, #tpu.memory_space<vmem>> -> memref<1x128xi32, #tpu.memory_space<vmem>>
      %dma_start3A_784 = tpu.memref_squeeze %dma_start3A_783 : memref<1x128xi32, #tpu.memory_space<vmem>> -> memref<128xi32, #tpu.memory_space<vmem>>
      %dma_start3A_785 = arith.constant 0 : i32
      %dma_start3A_786 = tpu.memref_slice %arg4[%add3A_774, %dma_start3A_785] : memref<2560x128xi32, #tpu.memory_space<hbm>> -> memref<1x128xi32, #tpu.memory_space<hbm>>
      %dma_start3A_787 = tpu.memref_squeeze %dma_start3A_786 : memref<1x128xi32, #tpu.memory_space<hbm>> -> memref<128xi32, #tpu.memory_space<hbm>>
      tpu.enqueue_dma source(%dma_start3A_787 : memref<128xi32, #tpu.memory_space<hbm>>) target(%dma_start3A_784 : memref<128xi32, #tpu.memory_space<vmem>>) target_semaphore(%arg13 : memref<!tpu.dma_semaphore, #tpu.memory_space<semaphore_mem>>)
      %mul3A_788 = arith.constant 3 : i32
      %mul3A_789 = arith.muli %mul3A_788, %scan3A_669 : i32
      %add3A_790 = arith.constant 2 : i32
      %add3A_791 = arith.addi %mul3A_789, %add3A_790 : i32
      %dma_wait3A_792 = arith.constant 2 : i32
      %dma_wait3A_793 = arith.constant 2 : i32
      %dma_wait3A_794 = arith.constant 0 : i32
      %dma_wait3A_795 = arith.constant 0 : i32
      %dma_wait3A_796 = tpu.memref_slice %arg8[%dma_wait3A_793, %dma_wait3A_794, %dma_wait3A_795] : memref<3x128x128xf32, #tpu.memory_space<vmem>> -> memref<1x128x128xf32, #tpu.memory_space<vmem>>
      %dma_wait3A_797 = tpu.memref_squeeze %dma_wait3A_796 : memref<1x128x128xf32, #tpu.memory_space<vmem>> -> memref<128x128xf32, #tpu.memory_space<vmem>>
      %dma_wait3A_798 = arith.constant 0 : i32
      %dma_wait3A_799 = tpu.memref_slice %arg6[%dma_wait3A_792, %dma_wait3A_798] : memref<3x128xi32, #tpu.memory_space<vmem>> -> memref<1x128xi32, #tpu.memory_space<vmem>>
      %dma_wait3A_800 = tpu.memref_squeeze %dma_wait3A_799 : memref<1x128xi32, #tpu.memory_space<vmem>> -> memref<128xi32, #tpu.memory_space<vmem>>
      %dma_wait3A_801 = arith.constant 0 : i32
      %dma_wait3A_802 = arith.constant 0 : i32
      %dma_wait3A_803 = tpu.memref_slice %arg2[%dma_wait3A_801, %dma_wait3A_802] : memref<10000x128xf32, #tpu.memory_space<hbm>> -> memref<10000x128xf32, #tpu.memory_space<hbm>>
      tpu.wait_indirect_dma semaphore(%arg18 : memref<!tpu.dma_semaphore, #tpu.memory_space<semaphore_mem>>) src(%dma_wait3A_803 : memref<10000x128xf32, #tpu.memory_space<hbm>>) dst(%dma_wait3A_797 : memref<128x128xf32, #tpu.memory_space<vmem>>)
      %dma_wait3A_804 = arith.constant 0 : i32
      %dma_wait3A_805 = arith.constant 2 : i32
      %dma_wait3A_806 = arith.constant 0 : i32
      %dma_wait3A_807 = tpu.memref_slice %arg7[%dma_wait3A_805, %dma_wait3A_806] : memref<3x128xi32, #tpu.memory_space<vmem>> -> memref<1x128xi32, #tpu.memory_space<vmem>>
      %dma_wait3A_808 = tpu.memref_squeeze %dma_wait3A_807 : memref<1x128xi32, #tpu.memory_space<vmem>> -> memref<128xi32, #tpu.memory_space<vmem>>
      %dma_wait3A_809 = arith.constant 0 : i32
      %dma_wait3A_810 = tpu.memref_slice %arg4[%dma_wait3A_804, %dma_wait3A_809] : memref<2560x128xi32, #tpu.memory_space<hbm>> -> memref<1x128xi32, #tpu.memory_space<hbm>>
      %dma_wait3A_811 = tpu.memref_squeeze %dma_wait3A_810 : memref<1x128xi32, #tpu.memory_space<hbm>> -> memref<128xi32, #tpu.memory_space<hbm>>
      %dma_wait3A_812 = arith.constant 0 : i32
      %dma_wait3A_813 = tpu.memref_slice %arg7[%dma_wait3A_805, %dma_wait3A_812] : memref<3x128xi32, #tpu.memory_space<vmem>> -> memref<1x128xi32, #tpu.memory_space<vmem>>
      %dma_wait3A_814 = tpu.memref_squeeze %dma_wait3A_813 : memref<1x128xi32, #tpu.memory_space<vmem>> -> memref<128xi32, #tpu.memory_space<vmem>>
      %dma_wait3A_815 = arith.constant 0 : i32
      %dma_wait3A_816 = tpu.memref_slice %arg4[%dma_wait3A_804, %dma_wait3A_815] : memref<2560x128xi32, #tpu.memory_space<hbm>> -> memref<1x128xi32, #tpu.memory_space<hbm>>
      %dma_wait3A_817 = tpu.memref_squeeze %dma_wait3A_816 : memref<1x128xi32, #tpu.memory_space<hbm>> -> memref<128xi32, #tpu.memory_space<hbm>>
      tpu.wait_dma2 semaphore(%arg15 : memref<!tpu.dma_semaphore, #tpu.memory_space<semaphore_mem>>) src(%dma_wait3A_817 : memref<128xi32, #tpu.memory_space<hbm>>) dst(%dma_wait3A_814 : memref<128xi32, #tpu.memory_space<vmem>>)
      %dma_start3A_818 = arith.constant 2 : i32
      %dma_start3A_819 = arith.constant 2 : i32
      %dma_start3A_820 = arith.constant 0 : i32
      %dma_start3A_821 = arith.constant 0 : i32
      %dma_start3A_822 = tpu.memref_slice %arg8[%dma_start3A_818, %dma_start3A_820, %dma_start3A_821] : memref<3x128x128xf32, #tpu.memory_space<vmem>> -> memref<1x128x128xf32, #tpu.memory_space<vmem>>
      %dma_start3A_823 = tpu.memref_squeeze %dma_start3A_822 : memref<1x128x128xf32, #tpu.memory_space<vmem>> -> memref<128x128xf32, #tpu.memory_space<vmem>>
      %dma_start3A_824 = arith.constant 0 : i32
      %dma_start3A_825 = tpu.memref_slice %arg7[%dma_start3A_819, %dma_start3A_824] : memref<3x128xi32, #tpu.memory_space<vmem>> -> memref<1x128xi32, #tpu.memory_space<vmem>>
      %dma_start3A_826 = tpu.memref_squeeze %dma_start3A_825 : memref<1x128xi32, #tpu.memory_space<vmem>> -> memref<128xi32, #tpu.memory_space<vmem>>
      %dma_start3A_827 = arith.constant 0 : i32
      %dma_start3A_828 = arith.constant 0 : i32
      %dma_start3A_829 = tpu.memref_slice %arg9[%dma_start3A_827, %dma_start3A_828] : memref<10112x128xf32, #tpu.memory_space<vmem_shared>> -> memref<10112x128xf32, #tpu.memory_space<vmem_shared>>
      tpu.enqueue_indirect_dma source(%dma_start3A_823 : memref<128x128xf32, #tpu.memory_space<vmem>>) target(%dma_start3A_829 : memref<10112x128xf32, #tpu.memory_space<vmem_shared>>) offsets(%dma_start3A_826 : memref<128xi32, #tpu.memory_space<vmem>>) semaphore(%arg21 : memref<!tpu.dma_semaphore, #tpu.memory_space<semaphore_mem>>) {add = true}
      %dma_wait3A_830 = arith.constant 0 : i32
      %dma_wait3A_831 = arith.constant 1 : i32
      %dma_wait3A_832 = arith.constant 0 : i32
      %dma_wait3A_833 = tpu.memref_slice %arg6[%dma_wait3A_831, %dma_wait3A_832] : memref<3x128xi32, #tpu.memory_space<vmem>> -> memref<1x128xi32, #tpu.memory_space<vmem>>
      %dma_wait3A_834 = tpu.memref_squeeze %dma_wait3A_833 : memref<1x128xi32, #tpu.memory_space<vmem>> -> memref<128xi32, #tpu.memory_space<vmem>>
      %dma_wait3A_835 = arith.constant 0 : i32
      %dma_wait3A_836 = tpu.memref_slice %arg3[%dma_wait3A_830, %dma_wait3A_835] : memref<2568x128xi32, #tpu.memory_space<hbm>> -> memref<1x128xi32, #tpu.memory_space<hbm>>
      %dma_wait3A_837 = tpu.memref_squeeze %dma_wait3A_836 : memref<1x128xi32, #tpu.memory_space<hbm>> -> memref<128xi32, #tpu.memory_space<hbm>>
      %dma_wait3A_838 = arith.constant 0 : i32
      %dma_wait3A_839 = tpu.memref_slice %arg6[%dma_wait3A_831, %dma_wait3A_838] : memref<3x128xi32, #tpu.memory_space<vmem>> -> memref<1x128xi32, #tpu.memory_space<vmem>>
      %dma_wait3A_840 = tpu.memref_squeeze %dma_wait3A_839 : memref<1x128xi32, #tpu.memory_space<vmem>> -> memref<128xi32, #tpu.memory_space<vmem>>
      %dma_wait3A_841 = arith.constant 0 : i32
      %dma_wait3A_842 = tpu.memref_slice %arg3[%dma_wait3A_830, %dma_wait3A_841] : memref<2568x128xi32, #tpu.memory_space<hbm>> -> memref<1x128xi32, #tpu.memory_space<hbm>>
      %dma_wait3A_843 = tpu.memref_squeeze %dma_wait3A_842 : memref<1x128xi32, #tpu.memory_space<hbm>> -> memref<128xi32, #tpu.memory_space<hbm>>
      tpu.wait_dma2 semaphore(%arg11 : memref<!tpu.dma_semaphore, #tpu.memory_space<semaphore_mem>>) src(%dma_wait3A_843 : memref<128xi32, #tpu.memory_space<hbm>>) dst(%dma_wait3A_840 : memref<128xi32, #tpu.memory_space<vmem>>)
      %dma_wait3A_844 = arith.constant 1 : i32
      %dma_wait3A_845 = arith.constant 0 : i32
      %dma_wait3A_846 = arith.constant 0 : i32
      %dma_wait3A_847 = tpu.memref_slice %arg8[%dma_wait3A_844, %dma_wait3A_845, %dma_wait3A_846] : memref<3x128x128xf32, #tpu.memory_space<vmem>> -> memref<1x128x128xf32, #tpu.memory_space<vmem>>
      %dma_wait3A_848 = tpu.memref_squeeze %dma_wait3A_847 : memref<1x128x128xf32, #tpu.memory_space<vmem>> -> memref<128x128xf32, #tpu.memory_space<vmem>>
      %dma_wait3A_849 = arith.constant 0 : i32
      %dma_wait3A_850 = arith.constant 0 : i32
      %dma_wait3A_851 = tpu.memref_slice %arg9[%dma_wait3A_849, %dma_wait3A_850] : memref<10112x128xf32, #tpu.memory_space<vmem_shared>> -> memref<128x128xf32, #tpu.memory_space<vmem_shared>>
      %dma_wait3A_852 = arith.constant 0 : i32
      %dma_wait3A_853 = arith.constant 0 : i32
      %dma_wait3A_854 = tpu.memref_slice %arg9[%dma_wait3A_852, %dma_wait3A_853] : memref<10112x128xf32, #tpu.memory_space<vmem_shared>> -> memref<128x128xf32, #tpu.memory_space<vmem_shared>>
      %dma_wait3A_855 = arith.constant 0 : i32
      %dma_wait3A_856 = arith.constant 0 : i32
      %dma_wait3A_857 = tpu.memref_slice %arg8[%dma_wait3A_844, %dma_wait3A_855, %dma_wait3A_856] : memref<3x128x128xf32, #tpu.memory_space<vmem>> -> memref<1x128x128xf32, #tpu.memory_space<vmem>>
      %dma_wait3A_858 = tpu.memref_squeeze %dma_wait3A_857 : memref<1x128x128xf32, #tpu.memory_space<vmem>> -> memref<128x128xf32, #tpu.memory_space<vmem>>
      tpu.wait_dma2 semaphore(%arg20 : memref<!tpu.dma_semaphore, #tpu.memory_space<semaphore_mem>>) src(%dma_wait3A_858 : memref<128x128xf32, #tpu.memory_space<vmem>>) dst(%dma_wait3A_854 : memref<128x128xf32, #tpu.memory_space<vmem_shared>>)
      %add3A_859 = arith.constant 2 : i32
      %add3A_860 = arith.addi %add3A_791, %add3A_859 : i32
      %dma_start3A_861 = arith.constant 1 : i32
      %dma_start3A_862 = arith.constant 1 : i32
      %dma_start3A_863 = arith.constant 0 : i32
      %dma_start3A_864 = arith.constant 0 : i32
      %dma_start3A_865 = tpu.memref_slice %arg8[%dma_start3A_862, %dma_start3A_863, %dma_start3A_864] : memref<3x128x128xf32, #tpu.memory_space<vmem>> -> memref<1x128x128xf32, #tpu.memory_space<vmem>>
      %dma_start3A_866 = tpu.memref_squeeze %dma_start3A_865 : memref<1x128x128xf32, #tpu.memory_space<vmem>> -> memref<128x128xf32, #tpu.memory_space<vmem>>
      %dma_start3A_867 = arith.constant 0 : i32
      %dma_start3A_868 = tpu.memref_slice %arg6[%dma_start3A_861, %dma_start3A_867] : memref<3x128xi32, #tpu.memory_space<vmem>> -> memref<1x128xi32, #tpu.memory_space<vmem>>
      %dma_start3A_869 = tpu.memref_squeeze %dma_start3A_868 : memref<1x128xi32, #tpu.memory_space<vmem>> -> memref<128xi32, #tpu.memory_space<vmem>>
      %dma_start3A_870 = arith.constant 0 : i32
      %dma_start3A_871 = arith.constant 0 : i32
      %dma_start3A_872 = tpu.memref_slice %arg2[%dma_start3A_870, %dma_start3A_871] : memref<10000x128xf32, #tpu.memory_space<hbm>> -> memref<10000x128xf32, #tpu.memory_space<hbm>>
      tpu.enqueue_indirect_dma source(%dma_start3A_872 : memref<10000x128xf32, #tpu.memory_space<hbm>>) target(%dma_start3A_866 : memref<128x128xf32, #tpu.memory_space<vmem>>) offsets(%dma_start3A_869 : memref<128xi32, #tpu.memory_space<vmem>>) semaphore(%arg17 : memref<!tpu.dma_semaphore, #tpu.memory_space<semaphore_mem>>)
      %add3A_873 = arith.constant 3 : i32
      %add3A_874 = arith.addi %add3A_791, %add3A_873 : i32
      %add3A_875 = arith.addi %mul3A_2, %add3A_874 : i32
      %dma_start3A_876 = arith.constant 2 : i32
      %dma_start3A_877 = arith.constant 0 : i32
      %dma_start3A_878 = tpu.memref_slice %arg6[%dma_start3A_876, %dma_start3A_877] : memref<3x128xi32, #tpu.memory_space<vmem>> -> memref<1x128xi32, #tpu.memory_space<vmem>>
      %dma_start3A_879 = tpu.memref_squeeze %dma_start3A_878 : memref<1x128xi32, #tpu.memory_space<vmem>> -> memref<128xi32, #tpu.memory_space<vmem>>
      %dma_start3A_880 = arith.constant 0 : i32
      %dma_start3A_881 = tpu.memref_slice %arg3[%add3A_875, %dma_start3A_880] : memref<2568x128xi32, #tpu.memory_space<hbm>> -> memref<1x128xi32, #tpu.memory_space<hbm>>
      %dma_start3A_882 = tpu.memref_squeeze %dma_start3A_881 : memref<1x128xi32, #tpu.memory_space<hbm>> -> memref<128xi32, #tpu.memory_space<hbm>>
      %dma_start3A_883 = arith.constant 0 : i32
      %dma_start3A_884 = tpu.memref_slice %arg6[%dma_start3A_876, %dma_start3A_883] : memref<3x128xi32, #tpu.memory_space<vmem>> -> memref<1x128xi32, #tpu.memory_space<vmem>>
      %dma_start3A_885 = tpu.memref_squeeze %dma_start3A_884 : memref<1x128xi32, #tpu.memory_space<vmem>> -> memref<128xi32, #tpu.memory_space<vmem>>
      %dma_start3A_886 = arith.constant 0 : i32
      %dma_start3A_887 = tpu.memref_slice %arg3[%add3A_875, %dma_start3A_886] : memref<2568x128xi32, #tpu.memory_space<hbm>> -> memref<1x128xi32, #tpu.memory_space<hbm>>
      %dma_start3A_888 = tpu.memref_squeeze %dma_start3A_887 : memref<1x128xi32, #tpu.memory_space<hbm>> -> memref<128xi32, #tpu.memory_space<hbm>>
      tpu.enqueue_dma source(%dma_start3A_888 : memref<128xi32, #tpu.memory_space<hbm>>) target(%dma_start3A_885 : memref<128xi32, #tpu.memory_space<vmem>>) target_semaphore(%arg12 : memref<!tpu.dma_semaphore, #tpu.memory_space<semaphore_mem>>)
      %add3A_889 = arith.constant 2 : i32
      %add3A_890 = arith.addi %add3A_791, %add3A_889 : i32
      %add3A_891 = arith.addi %mul3A_2, %add3A_890 : i32
      %dma_start3A_892 = arith.constant 1 : i32
      %dma_start3A_893 = arith.constant 0 : i32
      %dma_start3A_894 = tpu.memref_slice %arg7[%dma_start3A_892, %dma_start3A_893] : memref<3x128xi32, #tpu.memory_space<vmem>> -> memref<1x128xi32, #tpu.memory_space<vmem>>
      %dma_start3A_895 = tpu.memref_squeeze %dma_start3A_894 : memref<1x128xi32, #tpu.memory_space<vmem>> -> memref<128xi32, #tpu.memory_space<vmem>>
      %dma_start3A_896 = arith.constant 0 : i32
      %dma_start3A_897 = tpu.memref_slice %arg4[%add3A_891, %dma_start3A_896] : memref<2560x128xi32, #tpu.memory_space<hbm>> -> memref<1x128xi32, #tpu.memory_space<hbm>>
      %dma_start3A_898 = tpu.memref_squeeze %dma_start3A_897 : memref<1x128xi32, #tpu.memory_space<hbm>> -> memref<128xi32, #tpu.memory_space<hbm>>
      %dma_start3A_899 = arith.constant 0 : i32
      %dma_start3A_900 = tpu.memref_slice %arg7[%dma_start3A_892, %dma_start3A_899] : memref<3x128xi32, #tpu.memory_space<vmem>> -> memref<1x128xi32, #tpu.memory_space<vmem>>
      %dma_start3A_901 = tpu.memref_squeeze %dma_start3A_900 : memref<1x128xi32, #tpu.memory_space<vmem>> -> memref<128xi32, #tpu.memory_space<vmem>>
      %dma_start3A_902 = arith.constant 0 : i32
      %dma_start3A_903 = tpu.memref_slice %arg4[%add3A_891, %dma_start3A_902] : memref<2560x128xi32, #tpu.memory_space<hbm>> -> memref<1x128xi32, #tpu.memory_space<hbm>>
      %dma_start3A_904 = tpu.memref_squeeze %dma_start3A_903 : memref<1x128xi32, #tpu.memory_space<hbm>> -> memref<128xi32, #tpu.memory_space<hbm>>
      tpu.enqueue_dma source(%dma_start3A_904 : memref<128xi32, #tpu.memory_space<hbm>>) target(%dma_start3A_901 : memref<128xi32, #tpu.memory_space<vmem>>) target_semaphore(%arg14 : memref<!tpu.dma_semaphore, #tpu.memory_space<semaphore_mem>>)
      %mul3A_905 = arith.constant 3 : i32
      %mul3A_906 = arith.muli %mul3A_905, %scan3A_669 : i32
      %add3A_907 = arith.constant 3 : i32
      %add3A_908 = arith.addi %mul3A_906, %add3A_907 : i32
      %dma_wait3A_909 = arith.constant 0 : i32
      %dma_wait3A_910 = arith.constant 0 : i32
      %dma_wait3A_911 = arith.constant 0 : i32
      %dma_wait3A_912 = arith.constant 0 : i32
      %dma_wait3A_913 = tpu.memref_slice %arg8[%dma_wait3A_910, %dma_wait3A_911, %dma_wait3A_912] : memref<3x128x128xf32, #tpu.memory_space<vmem>> -> memref<1x128x128xf32, #tpu.memory_space<vmem>>
      %dma_wait3A_914 = tpu.memref_squeeze %dma_wait3A_913 : memref<1x128x128xf32, #tpu.memory_space<vmem>> -> memref<128x128xf32, #tpu.memory_space<vmem>>
      %dma_wait3A_915 = arith.constant 0 : i32
      %dma_wait3A_916 = tpu.memref_slice %arg6[%dma_wait3A_909, %dma_wait3A_915] : memref<3x128xi32, #tpu.memory_space<vmem>> -> memref<1x128xi32, #tpu.memory_space<vmem>>
      %dma_wait3A_917 = tpu.memref_squeeze %dma_wait3A_916 : memref<1x128xi32, #tpu.memory_space<vmem>> -> memref<128xi32, #tpu.memory_space<vmem>>
      %dma_wait3A_918 = arith.constant 0 : i32
      %dma_wait3A_919 = arith.constant 0 : i32
      %dma_wait3A_920 = tpu.memref_slice %arg2[%dma_wait3A_918, %dma_wait3A_919] : memref<10000x128xf32, #tpu.memory_space<hbm>> -> memref<10000x128xf32, #tpu.memory_space<hbm>>
      tpu.wait_indirect_dma semaphore(%arg16 : memref<!tpu.dma_semaphore, #tpu.memory_space<semaphore_mem>>) src(%dma_wait3A_920 : memref<10000x128xf32, #tpu.memory_space<hbm>>) dst(%dma_wait3A_914 : memref<128x128xf32, #tpu.memory_space<vmem>>)
      %dma_wait3A_921 = arith.constant 0 : i32
      %dma_wait3A_922 = arith.constant 0 : i32
      %dma_wait3A_923 = arith.constant 0 : i32
      %dma_wait3A_924 = tpu.memref_slice %arg7[%dma_wait3A_922, %dma_wait3A_923] : memref<3x128xi32, #tpu.memory_space<vmem>> -> memref<1x128xi32, #tpu.memory_space<vmem>>
      %dma_wait3A_925 = tpu.memref_squeeze %dma_wait3A_924 : memref<1x128xi32, #tpu.memory_space<vmem>> -> memref<128xi32, #tpu.memory_space<vmem>>
      %dma_wait3A_926 = arith.constant 0 : i32
      %dma_wait3A_927 = tpu.memref_slice %arg4[%dma_wait3A_921, %dma_wait3A_926] : memref<2560x128xi32, #tpu.memory_space<hbm>> -> memref<1x128xi32, #tpu.memory_space<hbm>>
      %dma_wait3A_928 = tpu.memref_squeeze %dma_wait3A_927 : memref<1x128xi32, #tpu.memory_space<hbm>> -> memref<128xi32, #tpu.memory_space<hbm>>
      %dma_wait3A_929 = arith.constant 0 : i32
      %dma_wait3A_930 = tpu.memref_slice %arg7[%dma_wait3A_922, %dma_wait3A_929] : memref<3x128xi32, #tpu.memory_space<vmem>> -> memref<1x128xi32, #tpu.memory_space<vmem>>
      %dma_wait3A_931 = tpu.memref_squeeze %dma_wait3A_930 : memref<1x128xi32, #tpu.memory_space<vmem>> -> memref<128xi32, #tpu.memory_space<vmem>>
      %dma_wait3A_932 = arith.constant 0 : i32
      %dma_wait3A_933 = tpu.memref_slice %arg4[%dma_wait3A_921, %dma_wait3A_932] : memref<2560x128xi32, #tpu.memory_space<hbm>> -> memref<1x128xi32, #tpu.memory_space<hbm>>
      %dma_wait3A_934 = tpu.memref_squeeze %dma_wait3A_933 : memref<1x128xi32, #tpu.memory_space<hbm>> -> memref<128xi32, #tpu.memory_space<hbm>>
      tpu.wait_dma2 semaphore(%arg13 : memref<!tpu.dma_semaphore, #tpu.memory_space<semaphore_mem>>) src(%dma_wait3A_934 : memref<128xi32, #tpu.memory_space<hbm>>) dst(%dma_wait3A_931 : memref<128xi32, #tpu.memory_space<vmem>>)
      %dma_start3A_935 = arith.constant 0 : i32
      %dma_start3A_936 = arith.constant 0 : i32
      %dma_start3A_937 = arith.constant 0 : i32
      %dma_start3A_938 = arith.constant 0 : i32
      %dma_start3A_939 = tpu.memref_slice %arg8[%dma_start3A_935, %dma_start3A_937, %dma_start3A_938] : memref<3x128x128xf32, #tpu.memory_space<vmem>> -> memref<1x128x128xf32, #tpu.memory_space<vmem>>
      %dma_start3A_940 = tpu.memref_squeeze %dma_start3A_939 : memref<1x128x128xf32, #tpu.memory_space<vmem>> -> memref<128x128xf32, #tpu.memory_space<vmem>>
      %dma_start3A_941 = arith.constant 0 : i32
      %dma_start3A_942 = tpu.memref_slice %arg7[%dma_start3A_936, %dma_start3A_941] : memref<3x128xi32, #tpu.memory_space<vmem>> -> memref<1x128xi32, #tpu.memory_space<vmem>>
      %dma_start3A_943 = tpu.memref_squeeze %dma_start3A_942 : memref<1x128xi32, #tpu.memory_space<vmem>> -> memref<128xi32, #tpu.memory_space<vmem>>
      %dma_start3A_944 = arith.constant 0 : i32
      %dma_start3A_945 = arith.constant 0 : i32
      %dma_start3A_946 = tpu.memref_slice %arg9[%dma_start3A_944, %dma_start3A_945] : memref<10112x128xf32, #tpu.memory_space<vmem_shared>> -> memref<10112x128xf32, #tpu.memory_space<vmem_shared>>
      tpu.enqueue_indirect_dma source(%dma_start3A_940 : memref<128x128xf32, #tpu.memory_space<vmem>>) target(%dma_start3A_946 : memref<10112x128xf32, #tpu.memory_space<vmem_shared>>) offsets(%dma_start3A_943 : memref<128xi32, #tpu.memory_space<vmem>>) semaphore(%arg19 : memref<!tpu.dma_semaphore, #tpu.memory_space<semaphore_mem>>) {add = true}
      %dma_wait3A_947 = arith.constant 0 : i32
      %dma_wait3A_948 = arith.constant 2 : i32
      %dma_wait3A_949 = arith.constant 0 : i32
      %dma_wait3A_950 = tpu.memref_slice %arg6[%dma_wait3A_948, %dma_wait3A_949] : memref<3x128xi32, #tpu.memory_space<vmem>> -> memref<1x128xi32, #tpu.memory_space<vmem>>
      %dma_wait3A_951 = tpu.memref_squeeze %dma_wait3A_950 : memref<1x128xi32, #tpu.memory_space<vmem>> -> memref<128xi32, #tpu.memory_space<vmem>>
      %dma_wait3A_952 = arith.constant 0 : i32
      %dma_wait3A_953 = tpu.memref_slice %arg3[%dma_wait3A_947, %dma_wait3A_952] : memref<2568x128xi32, #tpu.memory_space<hbm>> -> memref<1x128xi32, #tpu.memory_space<hbm>>
      %dma_wait3A_954 = tpu.memref_squeeze %dma_wait3A_953 : memref<1x128xi32, #tpu.memory_space<hbm>> -> memref<128xi32, #tpu.memory_space<hbm>>
      %dma_wait3A_955 = arith.constant 0 : i32
      %dma_wait3A_956 = tpu.memref_slice %arg6[%dma_wait3A_948, %dma_wait3A_955] : memref<3x128xi32, #tpu.memory_space<vmem>> -> memref<1x128xi32, #tpu.memory_space<vmem>>
      %dma_wait3A_957 = tpu.memref_squeeze %dma_wait3A_956 : memref<1x128xi32, #tpu.memory_space<vmem>> -> memref<128xi32, #tpu.memory_space<vmem>>
      %dma_wait3A_958 = arith.constant 0 : i32
      %dma_wait3A_959 = tpu.memref_slice %arg3[%dma_wait3A_947, %dma_wait3A_958] : memref<2568x128xi32, #tpu.memory_space<hbm>> -> memref<1x128xi32, #tpu.memory_space<hbm>>
      %dma_wait3A_960 = tpu.memref_squeeze %dma_wait3A_959 : memref<1x128xi32, #tpu.memory_space<hbm>> -> memref<128xi32, #tpu.memory_space<hbm>>
      tpu.wait_dma2 semaphore(%arg12 : memref<!tpu.dma_semaphore, #tpu.memory_space<semaphore_mem>>) src(%dma_wait3A_960 : memref<128xi32, #tpu.memory_space<hbm>>) dst(%dma_wait3A_957 : memref<128xi32, #tpu.memory_space<vmem>>)
      %dma_wait3A_961 = arith.constant 2 : i32
      %dma_wait3A_962 = arith.constant 0 : i32
      %dma_wait3A_963 = arith.constant 0 : i32
      %dma_wait3A_964 = tpu.memref_slice %arg8[%dma_wait3A_961, %dma_wait3A_962, %dma_wait3A_963] : memref<3x128x128xf32, #tpu.memory_space<vmem>> -> memref<1x128x128xf32, #tpu.memory_space<vmem>>
      %dma_wait3A_965 = tpu.memref_squeeze %dma_wait3A_964 : memref<1x128x128xf32, #tpu.memory_space<vmem>> -> memref<128x128xf32, #tpu.memory_space<vmem>>
      %dma_wait3A_966 = arith.constant 0 : i32
      %dma_wait3A_967 = arith.constant 0 : i32
      %dma_wait3A_968 = tpu.memref_slice %arg9[%dma_wait3A_966, %dma_wait3A_967] : memref<10112x128xf32, #tpu.memory_space<vmem_shared>> -> memref<128x128xf32, #tpu.memory_space<vmem_shared>>
      %dma_wait3A_969 = arith.constant 0 : i32
      %dma_wait3A_970 = arith.constant 0 : i32
      %dma_wait3A_971 = tpu.memref_slice %arg9[%dma_wait3A_969, %dma_wait3A_970] : memref<10112x128xf32, #tpu.memory_space<vmem_shared>> -> memref<128x128xf32, #tpu.memory_space<vmem_shared>>
      %dma_wait3A_972 = arith.constant 0 : i32
      %dma_wait3A_973 = arith.constant 0 : i32
      %dma_wait3A_974 = tpu.memref_slice %arg8[%dma_wait3A_961, %dma_wait3A_972, %dma_wait3A_973] : memref<3x128x128xf32, #tpu.memory_space<vmem>> -> memref<1x128x128xf32, #tpu.memory_space<vmem>>
      %dma_wait3A_975 = tpu.memref_squeeze %dma_wait3A_974 : memref<1x128x128xf32, #tpu.memory_space<vmem>> -> memref<128x128xf32, #tpu.memory_space<vmem>>
      tpu.wait_dma2 semaphore(%arg21 : memref<!tpu.dma_semaphore, #tpu.memory_space<semaphore_mem>>) src(%dma_wait3A_975 : memref<128x128xf32, #tpu.memory_space<vmem>>) dst(%dma_wait3A_971 : memref<128x128xf32, #tpu.memory_space<vmem_shared>>)
      %add3A_976 = arith.constant 2 : i32
      %add3A_977 = arith.addi %add3A_908, %add3A_976 : i32
      %dma_start3A_978 = arith.constant 2 : i32
      %dma_start3A_979 = arith.constant 2 : i32
      %dma_start3A_980 = arith.constant 0 : i32
      %dma_start3A_981 = arith.constant 0 : i32
      %dma_start3A_982 = tpu.memref_slice %arg8[%dma_start3A_979, %dma_start3A_980, %dma_start3A_981] : memref<3x128x128xf32, #tpu.memory_space<vmem>> -> memref<1x128x128xf32, #tpu.memory_space<vmem>>
      %dma_start3A_983 = tpu.memref_squeeze %dma_start3A_982 : memref<1x128x128xf32, #tpu.memory_space<vmem>> -> memref<128x128xf32, #tpu.memory_space<vmem>>
      %dma_start3A_984 = arith.constant 0 : i32
      %dma_start3A_985 = tpu.memref_slice %arg6[%dma_start3A_978, %dma_start3A_984] : memref<3x128xi32, #tpu.memory_space<vmem>> -> memref<1x128xi32, #tpu.memory_space<vmem>>
      %dma_start3A_986 = tpu.memref_squeeze %dma_start3A_985 : memref<1x128xi32, #tpu.memory_space<vmem>> -> memref<128xi32, #tpu.memory_space<vmem>>
      %dma_start3A_987 = arith.constant 0 : i32
      %dma_start3A_988 = arith.constant 0 : i32
      %dma_start3A_989 = tpu.memref_slice %arg2[%dma_start3A_987, %dma_start3A_988] : memref<10000x128xf32, #tpu.memory_space<hbm>> -> memref<10000x128xf32, #tpu.memory_space<hbm>>
      tpu.enqueue_indirect_dma source(%dma_start3A_989 : memref<10000x128xf32, #tpu.memory_space<hbm>>) target(%dma_start3A_983 : memref<128x128xf32, #tpu.memory_space<vmem>>) offsets(%dma_start3A_986 : memref<128xi32, #tpu.memory_space<vmem>>) semaphore(%arg18 : memref<!tpu.dma_semaphore, #tpu.memory_space<semaphore_mem>>)
      %add3A_990 = arith.constant 3 : i32
      %add3A_991 = arith.addi %add3A_908, %add3A_990 : i32
      %add3A_992 = arith.addi %mul3A_2, %add3A_991 : i32
      %dma_start3A_993 = arith.constant 0 : i32
      %dma_start3A_994 = arith.constant 0 : i32
      %dma_start3A_995 = tpu.memref_slice %arg6[%dma_start3A_993, %dma_start3A_994] : memref<3x128xi32, #tpu.memory_space<vmem>> -> memref<1x128xi32, #tpu.memory_space<vmem>>
      %dma_start3A_996 = tpu.memref_squeeze %dma_start3A_995 : memref<1x128xi32, #tpu.memory_space<vmem>> -> memref<128xi32, #tpu.memory_space<vmem>>
      %dma_start3A_997 = arith.constant 0 : i32
      %dma_start3A_998 = tpu.memref_slice %arg3[%add3A_992, %dma_start3A_997] : memref<2568x128xi32, #tpu.memory_space<hbm>> -> memref<1x128xi32, #tpu.memory_space<hbm>>
      %dma_start3A_999 = tpu.memref_squeeze %dma_start3A_998 : memref<1x128xi32, #tpu.memory_space<hbm>> -> memref<128xi32, #tpu.memory_space<hbm>>
      %dma_start3A_1000 = arith.constant 0 : i32
      %dma_start3A_1001 = tpu.memref_slice %arg6[%dma_start3A_993, %dma_start3A_1000] : memref<3x128xi32, #tpu.memory_space<vmem>> -> memref<1x128xi32, #tpu.memory_space<vmem>>
      %dma_start3A_1002 = tpu.memref_squeeze %dma_start3A_1001 : memref<1x128xi32, #tpu.memory_space<vmem>> -> memref<128xi32, #tpu.memory_space<vmem>>
      %dma_start3A_1003 = arith.constant 0 : i32
      %dma_start3A_1004 = tpu.memref_slice %arg3[%add3A_992, %dma_start3A_1003] : memref<2568x128xi32, #tpu.memory_space<hbm>> -> memref<1x128xi32, #tpu.memory_space<hbm>>
      %dma_start3A_1005 = tpu.memref_squeeze %dma_start3A_1004 : memref<1x128xi32, #tpu.memory_space<hbm>> -> memref<128xi32, #tpu.memory_space<hbm>>
      tpu.enqueue_dma source(%dma_start3A_1005 : memref<128xi32, #tpu.memory_space<hbm>>) target(%dma_start3A_1002 : memref<128xi32, #tpu.memory_space<vmem>>) target_semaphore(%arg10 : memref<!tpu.dma_semaphore, #tpu.memory_space<semaphore_mem>>)
      %add3A_1006 = arith.constant 2 : i32
      %add3A_1007 = arith.addi %add3A_908, %add3A_1006 : i32
      %add3A_1008 = arith.addi %mul3A_2, %add3A_1007 : i32
      %dma_start3A_1009 = arith.constant 2 : i32
      %dma_start3A_1010 = arith.constant 0 : i32
      %dma_start3A_1011 = tpu.memref_slice %arg7[%dma_start3A_1009, %dma_start3A_1010] : memref<3x128xi32, #tpu.memory_space<vmem>> -> memref<1x128xi32, #tpu.memory_space<vmem>>
      %dma_start3A_1012 = tpu.memref_squeeze %dma_start3A_1011 : memref<1x128xi32, #tpu.memory_space<vmem>> -> memref<128xi32, #tpu.memory_space<vmem>>
      %dma_start3A_1013 = arith.constant 0 : i32
      %dma_start3A_1014 = tpu.memref_slice %arg4[%add3A_1008, %dma_start3A_1013] : memref<2560x128xi32, #tpu.memory_space<hbm>> -> memref<1x128xi32, #tpu.memory_space<hbm>>
      %dma_start3A_1015 = tpu.memref_squeeze %dma_start3A_1014 : memref<1x128xi32, #tpu.memory_space<hbm>> -> memref<128xi32, #tpu.memory_space<hbm>>
      %dma_start3A_1016 = arith.constant 0 : i32
      %dma_start3A_1017 = tpu.memref_slice %arg7[%dma_start3A_1009, %dma_start3A_1016] : memref<3x128xi32, #tpu.memory_space<vmem>> -> memref<1x128xi32, #tpu.memory_space<vmem>>
      %dma_start3A_1018 = tpu.memref_squeeze %dma_start3A_1017 : memref<1x128xi32, #tpu.memory_space<vmem>> -> memref<128xi32, #tpu.memory_space<vmem>>
      %dma_start3A_1019 = arith.constant 0 : i32
      %dma_start3A_1020 = tpu.memref_slice %arg4[%add3A_1008, %dma_start3A_1019] : memref<2560x128xi32, #tpu.memory_space<hbm>> -> memref<1x128xi32, #tpu.memory_space<hbm>>
      %dma_start3A_1021 = tpu.memref_squeeze %dma_start3A_1020 : memref<1x128xi32, #tpu.memory_space<hbm>> -> memref<128xi32, #tpu.memory_space<hbm>>
      tpu.enqueue_dma source(%dma_start3A_1021 : memref<128xi32, #tpu.memory_space<hbm>>) target(%dma_start3A_1018 : memref<128xi32, #tpu.memory_space<vmem>>) target_semaphore(%arg15 : memref<!tpu.dma_semaphore, #tpu.memory_space<semaphore_mem>>)
      %scan3A_1022 = arith.constant 0 : i32
      scf.yield %scan3A_1022 : i32
    }
    %scan3A_259 = arith.constant 25 : i32
    %dma_wait3A_260 = arith.constant 1 : i32
    %dma_wait3A_261 = arith.constant 1 : i32
    %dma_wait3A_262 = arith.constant 0 : i32
    %dma_wait3A_263 = arith.constant 0 : i32
    %dma_wait3A_264 = tpu.memref_slice %arg8[%dma_wait3A_261, %dma_wait3A_262, %dma_wait3A_263] : memref<3x128x128xf32, #tpu.memory_space<vmem>> -> memref<1x128x128xf32, #tpu.memory_space<vmem>>
    %dma_wait3A_265 = tpu.memref_squeeze %dma_wait3A_264 : memref<1x128x128xf32, #tpu.memory_space<vmem>> -> memref<128x128xf32, #tpu.memory_space<vmem>>
    %dma_wait3A_266 = arith.constant 0 : i32
    %dma_wait3A_267 = tpu.memref_slice %arg6[%dma_wait3A_260, %dma_wait3A_266] : memref<3x128xi32, #tpu.memory_space<vmem>> -> memref<1x128xi32, #tpu.memory_space<vmem>>
    %dma_wait3A_268 = tpu.memref_squeeze %dma_wait3A_267 : memref<1x128xi32, #tpu.memory_space<vmem>> -> memref<128xi32, #tpu.memory_space<vmem>>
    %dma_wait3A_269 = arith.constant 0 : i32
    %dma_wait3A_270 = arith.constant 0 : i32
    %dma_wait3A_271 = tpu.memref_slice %arg2[%dma_wait3A_269, %dma_wait3A_270] : memref<10000x128xf32, #tpu.memory_space<hbm>> -> memref<10000x128xf32, #tpu.memory_space<hbm>>
    tpu.wait_indirect_dma semaphore(%arg17 : memref<!tpu.dma_semaphore, #tpu.memory_space<semaphore_mem>>) src(%dma_wait3A_271 : memref<10000x128xf32, #tpu.memory_space<hbm>>) dst(%dma_wait3A_265 : memref<128x128xf32, #tpu.memory_space<vmem>>)
    %dma_wait3A_272 = arith.constant 0 : i32
    %dma_wait3A_273 = arith.constant 1 : i32
    %dma_wait3A_274 = arith.constant 0 : i32
    %dma_wait3A_275 = tpu.memref_slice %arg7[%dma_wait3A_273, %dma_wait3A_274] : memref<3x128xi32, #tpu.memory_space<vmem>> -> memref<1x128xi32, #tpu.memory_space<vmem>>
    %dma_wait3A_276 = tpu.memref_squeeze %dma_wait3A_275 : memref<1x128xi32, #tpu.memory_space<vmem>> -> memref<128xi32, #tpu.memory_space<vmem>>
    %dma_wait3A_277 = arith.constant 0 : i32
    %dma_wait3A_278 = tpu.memref_slice %arg4[%dma_wait3A_272, %dma_wait3A_277] : memref<2560x128xi32, #tpu.memory_space<hbm>> -> memref<1x128xi32, #tpu.memory_space<hbm>>
    %dma_wait3A_279 = tpu.memref_squeeze %dma_wait3A_278 : memref<1x128xi32, #tpu.memory_space<hbm>> -> memref<128xi32, #tpu.memory_space<hbm>>
    %dma_wait3A_280 = arith.constant 0 : i32
    %dma_wait3A_281 = tpu.memref_slice %arg7[%dma_wait3A_273, %dma_wait3A_280] : memref<3x128xi32, #tpu.memory_space<vmem>> -> memref<1x128xi32, #tpu.memory_space<vmem>>
    %dma_wait3A_282 = tpu.memref_squeeze %dma_wait3A_281 : memref<1x128xi32, #tpu.memory_space<vmem>> -> memref<128xi32, #tpu.memory_space<vmem>>
    %dma_wait3A_283 = arith.constant 0 : i32
    %dma_wait3A_284 = tpu.memref_slice %arg4[%dma_wait3A_272, %dma_wait3A_283] : memref<2560x128xi32, #tpu.memory_space<hbm>> -> memref<1x128xi32, #tpu.memory_space<hbm>>
    %dma_wait3A_285 = tpu.memref_squeeze %dma_wait3A_284 : memref<1x128xi32, #tpu.memory_space<hbm>> -> memref<128xi32, #tpu.memory_space<hbm>>
    tpu.wait_dma2 semaphore(%arg14 : memref<!tpu.dma_semaphore, #tpu.memory_space<semaphore_mem>>) src(%dma_wait3A_285 : memref<128xi32, #tpu.memory_space<hbm>>) dst(%dma_wait3A_282 : memref<128xi32, #tpu.memory_space<vmem>>)
    %dma_start3A_286 = arith.constant 1 : i32
    %dma_start3A_287 = arith.constant 1 : i32
    %dma_start3A_288 = arith.constant 0 : i32
    %dma_start3A_289 = arith.constant 0 : i32
    %dma_start3A_290 = tpu.memref_slice %arg8[%dma_start3A_286, %dma_start3A_288, %dma_start3A_289] : memref<3x128x128xf32, #tpu.memory_space<vmem>> -> memref<1x128x128xf32, #tpu.memory_space<vmem>>
    %dma_start3A_291 = tpu.memref_squeeze %dma_start3A_290 : memref<1x128x128xf32, #tpu.memory_space<vmem>> -> memref<128x128xf32, #tpu.memory_space<vmem>>
    %dma_start3A_292 = arith.constant 0 : i32
    %dma_start3A_293 = tpu.memref_slice %arg7[%dma_start3A_287, %dma_start3A_292] : memref<3x128xi32, #tpu.memory_space<vmem>> -> memref<1x128xi32, #tpu.memory_space<vmem>>
    %dma_start3A_294 = tpu.memref_squeeze %dma_start3A_293 : memref<1x128xi32, #tpu.memory_space<vmem>> -> memref<128xi32, #tpu.memory_space<vmem>>
    %dma_start3A_295 = arith.constant 0 : i32
    %dma_start3A_296 = arith.constant 0 : i32
    %dma_start3A_297 = tpu.memref_slice %arg9[%dma_start3A_295, %dma_start3A_296] : memref<10112x128xf32, #tpu.memory_space<vmem_shared>> -> memref<10112x128xf32, #tpu.memory_space<vmem_shared>>
    tpu.enqueue_indirect_dma source(%dma_start3A_291 : memref<128x128xf32, #tpu.memory_space<vmem>>) target(%dma_start3A_297 : memref<10112x128xf32, #tpu.memory_space<vmem_shared>>) offsets(%dma_start3A_294 : memref<128xi32, #tpu.memory_space<vmem>>) semaphore(%arg20 : memref<!tpu.dma_semaphore, #tpu.memory_space<semaphore_mem>>) {add = true}
    %dma_wait3A_298 = arith.constant 0 : i32
    %dma_wait3A_299 = arith.constant 0 : i32
    %dma_wait3A_300 = arith.constant 0 : i32
    %dma_wait3A_301 = tpu.memref_slice %arg6[%dma_wait3A_299, %dma_wait3A_300] : memref<3x128xi32, #tpu.memory_space<vmem>> -> memref<1x128xi32, #tpu.memory_space<vmem>>
    %dma_wait3A_302 = tpu.memref_squeeze %dma_wait3A_301 : memref<1x128xi32, #tpu.memory_space<vmem>> -> memref<128xi32, #tpu.memory_space<vmem>>
    %dma_wait3A_303 = arith.constant 0 : i32
    %dma_wait3A_304 = tpu.memref_slice %arg3[%dma_wait3A_298, %dma_wait3A_303] : memref<2568x128xi32, #tpu.memory_space<hbm>> -> memref<1x128xi32, #tpu.memory_space<hbm>>
    %dma_wait3A_305 = tpu.memref_squeeze %dma_wait3A_304 : memref<1x128xi32, #tpu.memory_space<hbm>> -> memref<128xi32, #tpu.memory_space<hbm>>
    %dma_wait3A_306 = arith.constant 0 : i32
    %dma_wait3A_307 = tpu.memref_slice %arg6[%dma_wait3A_299, %dma_wait3A_306] : memref<3x128xi32, #tpu.memory_space<vmem>> -> memref<1x128xi32, #tpu.memory_space<vmem>>
    %dma_wait3A_308 = tpu.memref_squeeze %dma_wait3A_307 : memref<1x128xi32, #tpu.memory_space<vmem>> -> memref<128xi32, #tpu.memory_space<vmem>>
    %dma_wait3A_309 = arith.constant 0 : i32
    %dma_wait3A_310 = tpu.memref_slice %arg3[%dma_wait3A_298, %dma_wait3A_309] : memref<2568x128xi32, #tpu.memory_space<hbm>> -> memref<1x128xi32, #tpu.memory_space<hbm>>
    %dma_wait3A_311 = tpu.memref_squeeze %dma_wait3A_310 : memref<1x128xi32, #tpu.memory_space<hbm>> -> memref<128xi32, #tpu.memory_space<hbm>>
    tpu.wait_dma2 semaphore(%arg10 : memref<!tpu.dma_semaphore, #tpu.memory_space<semaphore_mem>>) src(%dma_wait3A_311 : memref<128xi32, #tpu.memory_space<hbm>>) dst(%dma_wait3A_308 : memref<128xi32, #tpu.memory_space<vmem>>)
    %dma_wait3A_312 = arith.constant 0 : i32
    %dma_wait3A_313 = arith.constant 0 : i32
    %dma_wait3A_314 = arith.constant 0 : i32
    %dma_wait3A_315 = tpu.memref_slice %arg8[%dma_wait3A_312, %dma_wait3A_313, %dma_wait3A_314] : memref<3x128x128xf32, #tpu.memory_space<vmem>> -> memref<1x128x128xf32, #tpu.memory_space<vmem>>
    %dma_wait3A_316 = tpu.memref_squeeze %dma_wait3A_315 : memref<1x128x128xf32, #tpu.memory_space<vmem>> -> memref<128x128xf32, #tpu.memory_space<vmem>>
    %dma_wait3A_317 = arith.constant 0 : i32
    %dma_wait3A_318 = arith.constant 0 : i32
    %dma_wait3A_319 = tpu.memref_slice %arg9[%dma_wait3A_317, %dma_wait3A_318] : memref<10112x128xf32, #tpu.memory_space<vmem_shared>> -> memref<128x128xf32, #tpu.memory_space<vmem_shared>>
    %dma_wait3A_320 = arith.constant 0 : i32
    %dma_wait3A_321 = arith.constant 0 : i32
    %dma_wait3A_322 = tpu.memref_slice %arg9[%dma_wait3A_320, %dma_wait3A_321] : memref<10112x128xf32, #tpu.memory_space<vmem_shared>> -> memref<128x128xf32, #tpu.memory_space<vmem_shared>>
    %dma_wait3A_323 = arith.constant 0 : i32
    %dma_wait3A_324 = arith.constant 0 : i32
    %dma_wait3A_325 = tpu.memref_slice %arg8[%dma_wait3A_312, %dma_wait3A_323, %dma_wait3A_324] : memref<3x128x128xf32, #tpu.memory_space<vmem>> -> memref<1x128x128xf32, #tpu.memory_space<vmem>>
    %dma_wait3A_326 = tpu.memref_squeeze %dma_wait3A_325 : memref<1x128x128xf32, #tpu.memory_space<vmem>> -> memref<128x128xf32, #tpu.memory_space<vmem>>
    tpu.wait_dma2 semaphore(%arg19 : memref<!tpu.dma_semaphore, #tpu.memory_space<semaphore_mem>>) src(%dma_wait3A_326 : memref<128x128xf32, #tpu.memory_space<vmem>>) dst(%dma_wait3A_322 : memref<128x128xf32, #tpu.memory_space<vmem_shared>>)
    %dma_start3A_327 = arith.constant 0 : i32
    %dma_start3A_328 = arith.constant 0 : i32
    %dma_start3A_329 = arith.constant 0 : i32
    %dma_start3A_330 = arith.constant 0 : i32
    %dma_start3A_331 = tpu.memref_slice %arg8[%dma_start3A_328, %dma_start3A_329, %dma_start3A_330] : memref<3x128x128xf32, #tpu.memory_space<vmem>> -> memref<1x128x128xf32, #tpu.memory_space<vmem>>
    %dma_start3A_332 = tpu.memref_squeeze %dma_start3A_331 : memref<1x128x128xf32, #tpu.memory_space<vmem>> -> memref<128x128xf32, #tpu.memory_space<vmem>>
    %dma_start3A_333 = arith.constant 0 : i32
    %dma_start3A_334 = tpu.memref_slice %arg6[%dma_start3A_327, %dma_start3A_333] : memref<3x128xi32, #tpu.memory_space<vmem>> -> memref<1x128xi32, #tpu.memory_space<vmem>>
    %dma_start3A_335 = tpu.memref_squeeze %dma_start3A_334 : memref<1x128xi32, #tpu.memory_space<vmem>> -> memref<128xi32, #tpu.memory_space<vmem>>
    %dma_start3A_336 = arith.constant 0 : i32
    %dma_start3A_337 = arith.constant 0 : i32
    %dma_start3A_338 = tpu.memref_slice %arg2[%dma_start3A_336, %dma_start3A_337] : memref<10000x128xf32, #tpu.memory_space<hbm>> -> memref<10000x128xf32, #tpu.memory_space<hbm>>
    tpu.enqueue_indirect_dma source(%dma_start3A_338 : memref<10000x128xf32, #tpu.memory_space<hbm>>) target(%dma_start3A_332 : memref<128x128xf32, #tpu.memory_space<vmem>>) offsets(%dma_start3A_335 : memref<128xi32, #tpu.memory_space<vmem>>) semaphore(%arg16 : memref<!tpu.dma_semaphore, #tpu.memory_space<semaphore_mem>>)
    %add3A_339 = arith.constant 79 : i32
    %add3A_340 = arith.addi %mul3A_2, %add3A_339 : i32
    %dma_start3A_341 = arith.constant 1 : i32
    %dma_start3A_342 = arith.constant 0 : i32
    %dma_start3A_343 = tpu.memref_slice %arg6[%dma_start3A_341, %dma_start3A_342] : memref<3x128xi32, #tpu.memory_space<vmem>> -> memref<1x128xi32, #tpu.memory_space<vmem>>
    %dma_start3A_344 = tpu.memref_squeeze %dma_start3A_343 : memref<1x128xi32, #tpu.memory_space<vmem>> -> memref<128xi32, #tpu.memory_space<vmem>>
    %dma_start3A_345 = arith.constant 0 : i32
    %dma_start3A_346 = tpu.memref_slice %arg3[%add3A_340, %dma_start3A_345] : memref<2568x128xi32, #tpu.memory_space<hbm>> -> memref<1x128xi32, #tpu.memory_space<hbm>>
    %dma_start3A_347 = tpu.memref_squeeze %dma_start3A_346 : memref<1x128xi32, #tpu.memory_space<hbm>> -> memref<128xi32, #tpu.memory_space<hbm>>
    %dma_start3A_348 = arith.constant 0 : i32
    %dma_start3A_349 = tpu.memref_slice %arg6[%dma_start3A_341, %dma_start3A_348] : memref<3x128xi32, #tpu.memory_space<vmem>> -> memref<1x128xi32, #tpu.memory_space<vmem>>
    %dma_start3A_350 = tpu.memref_squeeze %dma_start3A_349 : memref<1x128xi32, #tpu.memory_space<vmem>> -> memref<128xi32, #tpu.memory_space<vmem>>
    %dma_start3A_351 = arith.constant 0 : i32
    %dma_start3A_352 = tpu.memref_slice %arg3[%add3A_340, %dma_start3A_351] : memref<2568x128xi32, #tpu.memory_space<hbm>> -> memref<1x128xi32, #tpu.memory_space<hbm>>
    %dma_start3A_353 = tpu.memref_squeeze %dma_start3A_352 : memref<1x128xi32, #tpu.memory_space<hbm>> -> memref<128xi32, #tpu.memory_space<hbm>>
    tpu.enqueue_dma source(%dma_start3A_353 : memref<128xi32, #tpu.memory_space<hbm>>) target(%dma_start3A_350 : memref<128xi32, #tpu.memory_space<vmem>>) target_semaphore(%arg11 : memref<!tpu.dma_semaphore, #tpu.memory_space<semaphore_mem>>)
    %add3A_354 = arith.constant 78 : i32
    %add3A_355 = arith.addi %mul3A_2, %add3A_354 : i32
    %dma_start3A_356 = arith.constant 0 : i32
    %dma_start3A_357 = arith.constant 0 : i32
    %dma_start3A_358 = tpu.memref_slice %arg7[%dma_start3A_356, %dma_start3A_357] : memref<3x128xi32, #tpu.memory_space<vmem>> -> memref<1x128xi32, #tpu.memory_space<vmem>>
    %dma_start3A_359 = tpu.memref_squeeze %dma_start3A_358 : memref<1x128xi32, #tpu.memory_space<vmem>> -> memref<128xi32, #tpu.memory_space<vmem>>
    %dma_start3A_360 = arith.constant 0 : i32
    %dma_start3A_361 = tpu.memref_slice %arg4[%add3A_355, %dma_start3A_360] : memref<2560x128xi32, #tpu.memory_space<hbm>> -> memref<1x128xi32, #tpu.memory_space<hbm>>
    %dma_start3A_362 = tpu.memref_squeeze %dma_start3A_361 : memref<1x128xi32, #tpu.memory_space<hbm>> -> memref<128xi32, #tpu.memory_space<hbm>>
    %dma_start3A_363 = arith.constant 0 : i32
    %dma_start3A_364 = tpu.memref_slice %arg7[%dma_start3A_356, %dma_start3A_363] : memref<3x128xi32, #tpu.memory_space<vmem>> -> memref<1x128xi32, #tpu.memory_space<vmem>>
    %dma_start3A_365 = tpu.memref_squeeze %dma_start3A_364 : memref<1x128xi32, #tpu.memory_space<vmem>> -> memref<128xi32, #tpu.memory_space<vmem>>
    %dma_start3A_366 = arith.constant 0 : i32
    %dma_start3A_367 = tpu.memref_slice %arg4[%add3A_355, %dma_start3A_366] : memref<2560x128xi32, #tpu.memory_space<hbm>> -> memref<1x128xi32, #tpu.memory_space<hbm>>
    %dma_start3A_368 = tpu.memref_squeeze %dma_start3A_367 : memref<1x128xi32, #tpu.memory_space<hbm>> -> memref<128xi32, #tpu.memory_space<hbm>>
    tpu.enqueue_dma source(%dma_start3A_368 : memref<128xi32, #tpu.memory_space<hbm>>) target(%dma_start3A_365 : memref<128xi32, #tpu.memory_space<vmem>>) target_semaphore(%arg13 : memref<!tpu.dma_semaphore, #tpu.memory_space<semaphore_mem>>)
    %dma_wait3A_369 = arith.constant 2 : i32
    %dma_wait3A_370 = arith.constant 2 : i32
    %dma_wait3A_371 = arith.constant 0 : i32
    %dma_wait3A_372 = arith.constant 0 : i32
    %dma_wait3A_373 = tpu.memref_slice %arg8[%dma_wait3A_370, %dma_wait3A_371, %dma_wait3A_372] : memref<3x128x128xf32, #tpu.memory_space<vmem>> -> memref<1x128x128xf32, #tpu.memory_space<vmem>>
    %dma_wait3A_374 = tpu.memref_squeeze %dma_wait3A_373 : memref<1x128x128xf32, #tpu.memory_space<vmem>> -> memref<128x128xf32, #tpu.memory_space<vmem>>
    %dma_wait3A_375 = arith.constant 0 : i32
    %dma_wait3A_376 = tpu.memref_slice %arg6[%dma_wait3A_369, %dma_wait3A_375] : memref<3x128xi32, #tpu.memory_space<vmem>> -> memref<1x128xi32, #tpu.memory_space<vmem>>
    %dma_wait3A_377 = tpu.memref_squeeze %dma_wait3A_376 : memref<1x128xi32, #tpu.memory_space<vmem>> -> memref<128xi32, #tpu.memory_space<vmem>>
    %dma_wait3A_378 = arith.constant 0 : i32
    %dma_wait3A_379 = arith.constant 0 : i32
    %dma_wait3A_380 = tpu.memref_slice %arg2[%dma_wait3A_378, %dma_wait3A_379] : memref<10000x128xf32, #tpu.memory_space<hbm>> -> memref<10000x128xf32, #tpu.memory_space<hbm>>
    tpu.wait_indirect_dma semaphore(%arg18 : memref<!tpu.dma_semaphore, #tpu.memory_space<semaphore_mem>>) src(%dma_wait3A_380 : memref<10000x128xf32, #tpu.memory_space<hbm>>) dst(%dma_wait3A_374 : memref<128x128xf32, #tpu.memory_space<vmem>>)
    %dma_wait3A_381 = arith.constant 0 : i32
    %dma_wait3A_382 = arith.constant 2 : i32
    %dma_wait3A_383 = arith.constant 0 : i32
    %dma_wait3A_384 = tpu.memref_slice %arg7[%dma_wait3A_382, %dma_wait3A_383] : memref<3x128xi32, #tpu.memory_space<vmem>> -> memref<1x128xi32, #tpu.memory_space<vmem>>
    %dma_wait3A_385 = tpu.memref_squeeze %dma_wait3A_384 : memref<1x128xi32, #tpu.memory_space<vmem>> -> memref<128xi32, #tpu.memory_space<vmem>>
    %dma_wait3A_386 = arith.constant 0 : i32
    %dma_wait3A_387 = tpu.memref_slice %arg4[%dma_wait3A_381, %dma_wait3A_386] : memref<2560x128xi32, #tpu.memory_space<hbm>> -> memref<1x128xi32, #tpu.memory_space<hbm>>
    %dma_wait3A_388 = tpu.memref_squeeze %dma_wait3A_387 : memref<1x128xi32, #tpu.memory_space<hbm>> -> memref<128xi32, #tpu.memory_space<hbm>>
    %dma_wait3A_389 = arith.constant 0 : i32
    %dma_wait3A_390 = tpu.memref_slice %arg7[%dma_wait3A_382, %dma_wait3A_389] : memref<3x128xi32, #tpu.memory_space<vmem>> -> memref<1x128xi32, #tpu.memory_space<vmem>>
    %dma_wait3A_391 = tpu.memref_squeeze %dma_wait3A_390 : memref<1x128xi32, #tpu.memory_space<vmem>> -> memref<128xi32, #tpu.memory_space<vmem>>
    %dma_wait3A_392 = arith.constant 0 : i32
    %dma_wait3A_393 = tpu.memref_slice %arg4[%dma_wait3A_381, %dma_wait3A_392] : memref<2560x128xi32, #tpu.memory_space<hbm>> -> memref<1x128xi32, #tpu.memory_space<hbm>>
    %dma_wait3A_394 = tpu.memref_squeeze %dma_wait3A_393 : memref<1x128xi32, #tpu.memory_space<hbm>> -> memref<128xi32, #tpu.memory_space<hbm>>
    tpu.wait_dma2 semaphore(%arg15 : memref<!tpu.dma_semaphore, #tpu.memory_space<semaphore_mem>>) src(%dma_wait3A_394 : memref<128xi32, #tpu.memory_space<hbm>>) dst(%dma_wait3A_391 : memref<128xi32, #tpu.memory_space<vmem>>)
    %dma_start3A_395 = arith.constant 2 : i32
    %dma_start3A_396 = arith.constant 2 : i32
    %dma_start3A_397 = arith.constant 0 : i32
    %dma_start3A_398 = arith.constant 0 : i32
    %dma_start3A_399 = tpu.memref_slice %arg8[%dma_start3A_395, %dma_start3A_397, %dma_start3A_398] : memref<3x128x128xf32, #tpu.memory_space<vmem>> -> memref<1x128x128xf32, #tpu.memory_space<vmem>>
    %dma_start3A_400 = tpu.memref_squeeze %dma_start3A_399 : memref<1x128x128xf32, #tpu.memory_space<vmem>> -> memref<128x128xf32, #tpu.memory_space<vmem>>
    %dma_start3A_401 = arith.constant 0 : i32
    %dma_start3A_402 = tpu.memref_slice %arg7[%dma_start3A_396, %dma_start3A_401] : memref<3x128xi32, #tpu.memory_space<vmem>> -> memref<1x128xi32, #tpu.memory_space<vmem>>
    %dma_start3A_403 = tpu.memref_squeeze %dma_start3A_402 : memref<1x128xi32, #tpu.memory_space<vmem>> -> memref<128xi32, #tpu.memory_space<vmem>>
    %dma_start3A_404 = arith.constant 0 : i32
    %dma_start3A_405 = arith.constant 0 : i32
    %dma_start3A_406 = tpu.memref_slice %arg9[%dma_start3A_404, %dma_start3A_405] : memref<10112x128xf32, #tpu.memory_space<vmem_shared>> -> memref<10112x128xf32, #tpu.memory_space<vmem_shared>>
    tpu.enqueue_indirect_dma source(%dma_start3A_400 : memref<128x128xf32, #tpu.memory_space<vmem>>) target(%dma_start3A_406 : memref<10112x128xf32, #tpu.memory_space<vmem_shared>>) offsets(%dma_start3A_403 : memref<128xi32, #tpu.memory_space<vmem>>) semaphore(%arg21 : memref<!tpu.dma_semaphore, #tpu.memory_space<semaphore_mem>>) {add = true}
    %dma_wait3A_407 = arith.constant 0 : i32
    %dma_wait3A_408 = arith.constant 1 : i32
    %dma_wait3A_409 = arith.constant 0 : i32
    %dma_wait3A_410 = tpu.memref_slice %arg6[%dma_wait3A_408, %dma_wait3A_409] : memref<3x128xi32, #tpu.memory_space<vmem>> -> memref<1x128xi32, #tpu.memory_space<vmem>>
    %dma_wait3A_411 = tpu.memref_squeeze %dma_wait3A_410 : memref<1x128xi32, #tpu.memory_space<vmem>> -> memref<128xi32, #tpu.memory_space<vmem>>
    %dma_wait3A_412 = arith.constant 0 : i32
    %dma_wait3A_413 = tpu.memref_slice %arg3[%dma_wait3A_407, %dma_wait3A_412] : memref<2568x128xi32, #tpu.memory_space<hbm>> -> memref<1x128xi32, #tpu.memory_space<hbm>>
    %dma_wait3A_414 = tpu.memref_squeeze %dma_wait3A_413 : memref<1x128xi32, #tpu.memory_space<hbm>> -> memref<128xi32, #tpu.memory_space<hbm>>
    %dma_wait3A_415 = arith.constant 0 : i32
    %dma_wait3A_416 = tpu.memref_slice %arg6[%dma_wait3A_408, %dma_wait3A_415] : memref<3x128xi32, #tpu.memory_space<vmem>> -> memref<1x128xi32, #tpu.memory_space<vmem>>
    %dma_wait3A_417 = tpu.memref_squeeze %dma_wait3A_416 : memref<1x128xi32, #tpu.memory_space<vmem>> -> memref<128xi32, #tpu.memory_space<vmem>>
    %dma_wait3A_418 = arith.constant 0 : i32
    %dma_wait3A_419 = tpu.memref_slice %arg3[%dma_wait3A_407, %dma_wait3A_418] : memref<2568x128xi32, #tpu.memory_space<hbm>> -> memref<1x128xi32, #tpu.memory_space<hbm>>
    %dma_wait3A_420 = tpu.memref_squeeze %dma_wait3A_419 : memref<1x128xi32, #tpu.memory_space<hbm>> -> memref<128xi32, #tpu.memory_space<hbm>>
    tpu.wait_dma2 semaphore(%arg11 : memref<!tpu.dma_semaphore, #tpu.memory_space<semaphore_mem>>) src(%dma_wait3A_420 : memref<128xi32, #tpu.memory_space<hbm>>) dst(%dma_wait3A_417 : memref<128xi32, #tpu.memory_space<vmem>>)
    %dma_wait3A_421 = arith.constant 1 : i32
    %dma_wait3A_422 = arith.constant 0 : i32
    %dma_wait3A_423 = arith.constant 0 : i32
    %dma_wait3A_424 = tpu.memref_slice %arg8[%dma_wait3A_421, %dma_wait3A_422, %dma_wait3A_423] : memref<3x128x128xf32, #tpu.memory_space<vmem>> -> memref<1x128x128xf32, #tpu.memory_space<vmem>>
    %dma_wait3A_425 = tpu.memref_squeeze %dma_wait3A_424 : memref<1x128x128xf32, #tpu.memory_space<vmem>> -> memref<128x128xf32, #tpu.memory_space<vmem>>
    %dma_wait3A_426 = arith.constant 0 : i32
    %dma_wait3A_427 = arith.constant 0 : i32
    %dma_wait3A_428 = tpu.memref_slice %arg9[%dma_wait3A_426, %dma_wait3A_427] : memref<10112x128xf32, #tpu.memory_space<vmem_shared>> -> memref<128x128xf32, #tpu.memory_space<vmem_shared>>
    %dma_wait3A_429 = arith.constant 0 : i32
    %dma_wait3A_430 = arith.constant 0 : i32
    %dma_wait3A_431 = tpu.memref_slice %arg9[%dma_wait3A_429, %dma_wait3A_430] : memref<10112x128xf32, #tpu.memory_space<vmem_shared>> -> memref<128x128xf32, #tpu.memory_space<vmem_shared>>
    %dma_wait3A_432 = arith.constant 0 : i32
    %dma_wait3A_433 = arith.constant 0 : i32
    %dma_wait3A_434 = tpu.memref_slice %arg8[%dma_wait3A_421, %dma_wait3A_432, %dma_wait3A_433] : memref<3x128x128xf32, #tpu.memory_space<vmem>> -> memref<1x128x128xf32, #tpu.memory_space<vmem>>
    %dma_wait3A_435 = tpu.memref_squeeze %dma_wait3A_434 : memref<1x128x128xf32, #tpu.memory_space<vmem>> -> memref<128x128xf32, #tpu.memory_space<vmem>>
    tpu.wait_dma2 semaphore(%arg20 : memref<!tpu.dma_semaphore, #tpu.memory_space<semaphore_mem>>) src(%dma_wait3A_435 : memref<128x128xf32, #tpu.memory_space<vmem>>) dst(%dma_wait3A_431 : memref<128x128xf32, #tpu.memory_space<vmem_shared>>)
    %dma_start3A_436 = arith.constant 1 : i32
    %dma_start3A_437 = arith.constant 1 : i32
    %dma_start3A_438 = arith.constant 0 : i32
    %dma_start3A_439 = arith.constant 0 : i32
    %dma_start3A_440 = tpu.memref_slice %arg8[%dma_start3A_437, %dma_start3A_438, %dma_start3A_439] : memref<3x128x128xf32, #tpu.memory_space<vmem>> -> memref<1x128x128xf32, #tpu.memory_space<vmem>>
    %dma_start3A_441 = tpu.memref_squeeze %dma_start3A_440 : memref<1x128x128xf32, #tpu.memory_space<vmem>> -> memref<128x128xf32, #tpu.memory_space<vmem>>
    %dma_start3A_442 = arith.constant 0 : i32
    %dma_start3A_443 = tpu.memref_slice %arg6[%dma_start3A_436, %dma_start3A_442] : memref<3x128xi32, #tpu.memory_space<vmem>> -> memref<1x128xi32, #tpu.memory_space<vmem>>
    %dma_start3A_444 = tpu.memref_squeeze %dma_start3A_443 : memref<1x128xi32, #tpu.memory_space<vmem>> -> memref<128xi32, #tpu.memory_space<vmem>>
    %dma_start3A_445 = arith.constant 0 : i32
    %dma_start3A_446 = arith.constant 0 : i32
    %dma_start3A_447 = tpu.memref_slice %arg2[%dma_start3A_445, %dma_start3A_446] : memref<10000x128xf32, #tpu.memory_space<hbm>> -> memref<10000x128xf32, #tpu.memory_space<hbm>>
    tpu.enqueue_indirect_dma source(%dma_start3A_447 : memref<10000x128xf32, #tpu.memory_space<hbm>>) target(%dma_start3A_441 : memref<128x128xf32, #tpu.memory_space<vmem>>) offsets(%dma_start3A_444 : memref<128xi32, #tpu.memory_space<vmem>>) semaphore(%arg17 : memref<!tpu.dma_semaphore, #tpu.memory_space<semaphore_mem>>)
    %add3A_448 = arith.constant 80 : i32
    %add3A_449 = arith.addi %mul3A_2, %add3A_448 : i32
    %dma_start3A_450 = arith.constant 2 : i32
    %dma_start3A_451 = arith.constant 0 : i32
    %dma_start3A_452 = tpu.memref_slice %arg6[%dma_start3A_450, %dma_start3A_451] : memref<3x128xi32, #tpu.memory_space<vmem>> -> memref<1x128xi32, #tpu.memory_space<vmem>>
    %dma_start3A_453 = tpu.memref_squeeze %dma_start3A_452 : memref<1x128xi32, #tpu.memory_space<vmem>> -> memref<128xi32, #tpu.memory_space<vmem>>
    %dma_start3A_454 = arith.constant 0 : i32
    %dma_start3A_455 = tpu.memref_slice %arg3[%add3A_449, %dma_start3A_454] : memref<2568x128xi32, #tpu.memory_space<hbm>> -> memref<1x128xi32, #tpu.memory_space<hbm>>
    %dma_start3A_456 = tpu.memref_squeeze %dma_start3A_455 : memref<1x128xi32, #tpu.memory_space<hbm>> -> memref<128xi32, #tpu.memory_space<hbm>>
    %dma_start3A_457 = arith.constant 0 : i32
    %dma_start3A_458 = tpu.memref_slice %arg6[%dma_start3A_450, %dma_start3A_457] : memref<3x128xi32, #tpu.memory_space<vmem>> -> memref<1x128xi32, #tpu.memory_space<vmem>>
    %dma_start3A_459 = tpu.memref_squeeze %dma_start3A_458 : memref<1x128xi32, #tpu.memory_space<vmem>> -> memref<128xi32, #tpu.memory_space<vmem>>
    %dma_start3A_460 = arith.constant 0 : i32
    %dma_start3A_461 = tpu.memref_slice %arg3[%add3A_449, %dma_start3A_460] : memref<2568x128xi32, #tpu.memory_space<hbm>> -> memref<1x128xi32, #tpu.memory_space<hbm>>
    %dma_start3A_462 = tpu.memref_squeeze %dma_start3A_461 : memref<1x128xi32, #tpu.memory_space<hbm>> -> memref<128xi32, #tpu.memory_space<hbm>>
    tpu.enqueue_dma source(%dma_start3A_462 : memref<128xi32, #tpu.memory_space<hbm>>) target(%dma_start3A_459 : memref<128xi32, #tpu.memory_space<vmem>>) target_semaphore(%arg12 : memref<!tpu.dma_semaphore, #tpu.memory_space<semaphore_mem>>)
    %add3A_463 = arith.constant 79 : i32
    %add3A_464 = arith.addi %mul3A_2, %add3A_463 : i32
    %dma_start3A_465 = arith.constant 1 : i32
    %dma_start3A_466 = arith.constant 0 : i32
    %dma_start3A_467 = tpu.memref_slice %arg7[%dma_start3A_465, %dma_start3A_466] : memref<3x128xi32, #tpu.memory_space<vmem>> -> memref<1x128xi32, #tpu.memory_space<vmem>>
    %dma_start3A_468 = tpu.memref_squeeze %dma_start3A_467 : memref<1x128xi32, #tpu.memory_space<vmem>> -> memref<128xi32, #tpu.memory_space<vmem>>
    %dma_start3A_469 = arith.constant 0 : i32
    %dma_start3A_470 = tpu.memref_slice %arg4[%add3A_464, %dma_start3A_469] : memref<2560x128xi32, #tpu.memory_space<hbm>> -> memref<1x128xi32, #tpu.memory_space<hbm>>
    %dma_start3A_471 = tpu.memref_squeeze %dma_start3A_470 : memref<1x128xi32, #tpu.memory_space<hbm>> -> memref<128xi32, #tpu.memory_space<hbm>>
    %dma_start3A_472 = arith.constant 0 : i32
    %dma_start3A_473 = tpu.memref_slice %arg7[%dma_start3A_465, %dma_start3A_472] : memref<3x128xi32, #tpu.memory_space<vmem>> -> memref<1x128xi32, #tpu.memory_space<vmem>>
    %dma_start3A_474 = tpu.memref_squeeze %dma_start3A_473 : memref<1x128xi32, #tpu.memory_space<vmem>> -> memref<128xi32, #tpu.memory_space<vmem>>
    %dma_start3A_475 = arith.constant 0 : i32
    %dma_start3A_476 = tpu.memref_slice %arg4[%add3A_464, %dma_start3A_475] : memref<2560x128xi32, #tpu.memory_space<hbm>> -> memref<1x128xi32, #tpu.memory_space<hbm>>
    %dma_start3A_477 = tpu.memref_squeeze %dma_start3A_476 : memref<1x128xi32, #tpu.memory_space<hbm>> -> memref<128xi32, #tpu.memory_space<hbm>>
    tpu.enqueue_dma source(%dma_start3A_477 : memref<128xi32, #tpu.memory_space<hbm>>) target(%dma_start3A_474 : memref<128xi32, #tpu.memory_space<vmem>>) target_semaphore(%arg14 : memref<!tpu.dma_semaphore, #tpu.memory_space<semaphore_mem>>)
    %dma_wait3A_478 = arith.constant 0 : i32
    %dma_wait3A_479 = arith.constant 0 : i32
    %dma_wait3A_480 = arith.constant 0 : i32
    %dma_wait3A_481 = arith.constant 0 : i32
    %dma_wait3A_482 = tpu.memref_slice %arg8[%dma_wait3A_479, %dma_wait3A_480, %dma_wait3A_481] : memref<3x128x128xf32, #tpu.memory_space<vmem>> -> memref<1x128x128xf32, #tpu.memory_space<vmem>>
    %dma_wait3A_483 = tpu.memref_squeeze %dma_wait3A_482 : memref<1x128x128xf32, #tpu.memory_space<vmem>> -> memref<128x128xf32, #tpu.memory_space<vmem>>
    %dma_wait3A_484 = arith.constant 0 : i32
    %dma_wait3A_485 = tpu.memref_slice %arg6[%dma_wait3A_478, %dma_wait3A_484] : memref<3x128xi32, #tpu.memory_space<vmem>> -> memref<1x128xi32, #tpu.memory_space<vmem>>
    %dma_wait3A_486 = tpu.memref_squeeze %dma_wait3A_485 : memref<1x128xi32, #tpu.memory_space<vmem>> -> memref<128xi32, #tpu.memory_space<vmem>>
    %dma_wait3A_487 = arith.constant 0 : i32
    %dma_wait3A_488 = arith.constant 0 : i32
    %dma_wait3A_489 = tpu.memref_slice %arg2[%dma_wait3A_487, %dma_wait3A_488] : memref<10000x128xf32, #tpu.memory_space<hbm>> -> memref<10000x128xf32, #tpu.memory_space<hbm>>
    tpu.wait_indirect_dma semaphore(%arg16 : memref<!tpu.dma_semaphore, #tpu.memory_space<semaphore_mem>>) src(%dma_wait3A_489 : memref<10000x128xf32, #tpu.memory_space<hbm>>) dst(%dma_wait3A_483 : memref<128x128xf32, #tpu.memory_space<vmem>>)
    %dma_wait3A_490 = arith.constant 0 : i32
    %dma_wait3A_491 = arith.constant 0 : i32
    %dma_wait3A_492 = arith.constant 0 : i32
    %dma_wait3A_493 = tpu.memref_slice %arg7[%dma_wait3A_491, %dma_wait3A_492] : memref<3x128xi32, #tpu.memory_space<vmem>> -> memref<1x128xi32, #tpu.memory_space<vmem>>
    %dma_wait3A_494 = tpu.memref_squeeze %dma_wait3A_493 : memref<1x128xi32, #tpu.memory_space<vmem>> -> memref<128xi32, #tpu.memory_space<vmem>>
    %dma_wait3A_495 = arith.constant 0 : i32
    %dma_wait3A_496 = tpu.memref_slice %arg4[%dma_wait3A_490, %dma_wait3A_495] : memref<2560x128xi32, #tpu.memory_space<hbm>> -> memref<1x128xi32, #tpu.memory_space<hbm>>
    %dma_wait3A_497 = tpu.memref_squeeze %dma_wait3A_496 : memref<1x128xi32, #tpu.memory_space<hbm>> -> memref<128xi32, #tpu.memory_space<hbm>>
    %dma_wait3A_498 = arith.constant 0 : i32
    %dma_wait3A_499 = tpu.memref_slice %arg7[%dma_wait3A_491, %dma_wait3A_498] : memref<3x128xi32, #tpu.memory_space<vmem>> -> memref<1x128xi32, #tpu.memory_space<vmem>>
    %dma_wait3A_500 = tpu.memref_squeeze %dma_wait3A_499 : memref<1x128xi32, #tpu.memory_space<vmem>> -> memref<128xi32, #tpu.memory_space<vmem>>
    %dma_wait3A_501 = arith.constant 0 : i32
    %dma_wait3A_502 = tpu.memref_slice %arg4[%dma_wait3A_490, %dma_wait3A_501] : memref<2560x128xi32, #tpu.memory_space<hbm>> -> memref<1x128xi32, #tpu.memory_space<hbm>>
    %dma_wait3A_503 = tpu.memref_squeeze %dma_wait3A_502 : memref<1x128xi32, #tpu.memory_space<hbm>> -> memref<128xi32, #tpu.memory_space<hbm>>
    tpu.wait_dma2 semaphore(%arg13 : memref<!tpu.dma_semaphore, #tpu.memory_space<semaphore_mem>>) src(%dma_wait3A_503 : memref<128xi32, #tpu.memory_space<hbm>>) dst(%dma_wait3A_500 : memref<128xi32, #tpu.memory_space<vmem>>)
    %dma_start3A_504 = arith.constant 0 : i32
    %dma_start3A_505 = arith.constant 0 : i32
    %dma_start3A_506 = arith.constant 0 : i32
    %dma_start3A_507 = arith.constant 0 : i32
    %dma_start3A_508 = tpu.memref_slice %arg8[%dma_start3A_504, %dma_start3A_506, %dma_start3A_507] : memref<3x128x128xf32, #tpu.memory_space<vmem>> -> memref<1x128x128xf32, #tpu.memory_space<vmem>>
    %dma_start3A_509 = tpu.memref_squeeze %dma_start3A_508 : memref<1x128x128xf32, #tpu.memory_space<vmem>> -> memref<128x128xf32, #tpu.memory_space<vmem>>
    %dma_start3A_510 = arith.constant 0 : i32
    %dma_start3A_511 = tpu.memref_slice %arg7[%dma_start3A_505, %dma_start3A_510] : memref<3x128xi32, #tpu.memory_space<vmem>> -> memref<1x128xi32, #tpu.memory_space<vmem>>
    %dma_start3A_512 = tpu.memref_squeeze %dma_start3A_511 : memref<1x128xi32, #tpu.memory_space<vmem>> -> memref<128xi32, #tpu.memory_space<vmem>>
    %dma_start3A_513 = arith.constant 0 : i32
    %dma_start3A_514 = arith.constant 0 : i32
    %dma_start3A_515 = tpu.memref_slice %arg9[%dma_start3A_513, %dma_start3A_514] : memref<10112x128xf32, #tpu.memory_space<vmem_shared>> -> memref<10112x128xf32, #tpu.memory_space<vmem_shared>>
    tpu.enqueue_indirect_dma source(%dma_start3A_509 : memref<128x128xf32, #tpu.memory_space<vmem>>) target(%dma_start3A_515 : memref<10112x128xf32, #tpu.memory_space<vmem_shared>>) offsets(%dma_start3A_512 : memref<128xi32, #tpu.memory_space<vmem>>) semaphore(%arg19 : memref<!tpu.dma_semaphore, #tpu.memory_space<semaphore_mem>>) {add = true}
    %dma_wait3A_516 = arith.constant 2 : i32
    %dma_wait3A_517 = arith.constant 0 : i32
    %dma_wait3A_518 = arith.constant 0 : i32
    %dma_wait3A_519 = tpu.memref_slice %arg8[%dma_wait3A_516, %dma_wait3A_517, %dma_wait3A_518] : memref<3x128x128xf32, #tpu.memory_space<vmem>> -> memref<1x128x128xf32, #tpu.memory_space<vmem>>
    %dma_wait3A_520 = tpu.memref_squeeze %dma_wait3A_519 : memref<1x128x128xf32, #tpu.memory_space<vmem>> -> memref<128x128xf32, #tpu.memory_space<vmem>>
    %dma_wait3A_521 = arith.constant 0 : i32
    %dma_wait3A_522 = arith.constant 0 : i32
    %dma_wait3A_523 = tpu.memref_slice %arg9[%dma_wait3A_521, %dma_wait3A_522] : memref<10112x128xf32, #tpu.memory_space<vmem_shared>> -> memref<128x128xf32, #tpu.memory_space<vmem_shared>>
    %dma_wait3A_524 = arith.constant 0 : i32
    %dma_wait3A_525 = arith.constant 0 : i32
    %dma_wait3A_526 = tpu.memref_slice %arg9[%dma_wait3A_524, %dma_wait3A_525] : memref<10112x128xf32, #tpu.memory_space<vmem_shared>> -> memref<128x128xf32, #tpu.memory_space<vmem_shared>>
    %dma_wait3A_527 = arith.constant 0 : i32
    %dma_wait3A_528 = arith.constant 0 : i32
    %dma_wait3A_529 = tpu.memref_slice %arg8[%dma_wait3A_516, %dma_wait3A_527, %dma_wait3A_528] : memref<3x128x128xf32, #tpu.memory_space<vmem>> -> memref<1x128x128xf32, #tpu.memory_space<vmem>>
    %dma_wait3A_530 = tpu.memref_squeeze %dma_wait3A_529 : memref<1x128x128xf32, #tpu.memory_space<vmem>> -> memref<128x128xf32, #tpu.memory_space<vmem>>
    tpu.wait_dma2 semaphore(%arg21 : memref<!tpu.dma_semaphore, #tpu.memory_space<semaphore_mem>>) src(%dma_wait3A_530 : memref<128x128xf32, #tpu.memory_space<vmem>>) dst(%dma_wait3A_526 : memref<128x128xf32, #tpu.memory_space<vmem_shared>>)
    %dma_wait3A_531 = arith.constant 1 : i32
    %dma_wait3A_532 = arith.constant 1 : i32
    %dma_wait3A_533 = arith.constant 0 : i32
    %dma_wait3A_534 = arith.constant 0 : i32
    %dma_wait3A_535 = tpu.memref_slice %arg8[%dma_wait3A_532, %dma_wait3A_533, %dma_wait3A_534] : memref<3x128x128xf32, #tpu.memory_space<vmem>> -> memref<1x128x128xf32, #tpu.memory_space<vmem>>
    %dma_wait3A_536 = tpu.memref_squeeze %dma_wait3A_535 : memref<1x128x128xf32, #tpu.memory_space<vmem>> -> memref<128x128xf32, #tpu.memory_space<vmem>>
    %dma_wait3A_537 = arith.constant 0 : i32
    %dma_wait3A_538 = tpu.memref_slice %arg6[%dma_wait3A_531, %dma_wait3A_537] : memref<3x128xi32, #tpu.memory_space<vmem>> -> memref<1x128xi32, #tpu.memory_space<vmem>>
    %dma_wait3A_539 = tpu.memref_squeeze %dma_wait3A_538 : memref<1x128xi32, #tpu.memory_space<vmem>> -> memref<128xi32, #tpu.memory_space<vmem>>
    %dma_wait3A_540 = arith.constant 0 : i32
    %dma_wait3A_541 = arith.constant 0 : i32
    %dma_wait3A_542 = tpu.memref_slice %arg2[%dma_wait3A_540, %dma_wait3A_541] : memref<10000x128xf32, #tpu.memory_space<hbm>> -> memref<10000x128xf32, #tpu.memory_space<hbm>>
    tpu.wait_indirect_dma semaphore(%arg17 : memref<!tpu.dma_semaphore, #tpu.memory_space<semaphore_mem>>) src(%dma_wait3A_542 : memref<10000x128xf32, #tpu.memory_space<hbm>>) dst(%dma_wait3A_536 : memref<128x128xf32, #tpu.memory_space<vmem>>)
    %dma_wait3A_543 = arith.constant 0 : i32
    %dma_wait3A_544 = arith.constant 1 : i32
    %dma_wait3A_545 = arith.constant 0 : i32
    %dma_wait3A_546 = tpu.memref_slice %arg7[%dma_wait3A_544, %dma_wait3A_545] : memref<3x128xi32, #tpu.memory_space<vmem>> -> memref<1x128xi32, #tpu.memory_space<vmem>>
    %dma_wait3A_547 = tpu.memref_squeeze %dma_wait3A_546 : memref<1x128xi32, #tpu.memory_space<vmem>> -> memref<128xi32, #tpu.memory_space<vmem>>
    %dma_wait3A_548 = arith.constant 0 : i32
    %dma_wait3A_549 = tpu.memref_slice %arg4[%dma_wait3A_543, %dma_wait3A_548] : memref<2560x128xi32, #tpu.memory_space<hbm>> -> memref<1x128xi32, #tpu.memory_space<hbm>>
    %dma_wait3A_550 = tpu.memref_squeeze %dma_wait3A_549 : memref<1x128xi32, #tpu.memory_space<hbm>> -> memref<128xi32, #tpu.memory_space<hbm>>
    %dma_wait3A_551 = arith.constant 0 : i32
    %dma_wait3A_552 = tpu.memref_slice %arg7[%dma_wait3A_544, %dma_wait3A_551] : memref<3x128xi32, #tpu.memory_space<vmem>> -> memref<1x128xi32, #tpu.memory_space<vmem>>
    %dma_wait3A_553 = tpu.memref_squeeze %dma_wait3A_552 : memref<1x128xi32, #tpu.memory_space<vmem>> -> memref<128xi32, #tpu.memory_space<vmem>>
    %dma_wait3A_554 = arith.constant 0 : i32
    %dma_wait3A_555 = tpu.memref_slice %arg4[%dma_wait3A_543, %dma_wait3A_554] : memref<2560x128xi32, #tpu.memory_space<hbm>> -> memref<1x128xi32, #tpu.memory_space<hbm>>
    %dma_wait3A_556 = tpu.memref_squeeze %dma_wait3A_555 : memref<1x128xi32, #tpu.memory_space<hbm>> -> memref<128xi32, #tpu.memory_space<hbm>>
    tpu.wait_dma2 semaphore(%arg14 : memref<!tpu.dma_semaphore, #tpu.memory_space<semaphore_mem>>) src(%dma_wait3A_556 : memref<128xi32, #tpu.memory_space<hbm>>) dst(%dma_wait3A_553 : memref<128xi32, #tpu.memory_space<vmem>>)
    %dma_start3A_557 = arith.constant 1 : i32
    %dma_start3A_558 = arith.constant 1 : i32
    %dma_start3A_559 = arith.constant 0 : i32
    %dma_start3A_560 = arith.constant 0 : i32
    %dma_start3A_561 = tpu.memref_slice %arg8[%dma_start3A_557, %dma_start3A_559, %dma_start3A_560] : memref<3x128x128xf32, #tpu.memory_space<vmem>> -> memref<1x128x128xf32, #tpu.memory_space<vmem>>
    %dma_start3A_562 = tpu.memref_squeeze %dma_start3A_561 : memref<1x128x128xf32, #tpu.memory_space<vmem>> -> memref<128x128xf32, #tpu.memory_space<vmem>>
    %dma_start3A_563 = arith.constant 0 : i32
    %dma_start3A_564 = tpu.memref_slice %arg7[%dma_start3A_558, %dma_start3A_563] : memref<3x128xi32, #tpu.memory_space<vmem>> -> memref<1x128xi32, #tpu.memory_space<vmem>>
    %dma_start3A_565 = tpu.memref_squeeze %dma_start3A_564 : memref<1x128xi32, #tpu.memory_space<vmem>> -> memref<128xi32, #tpu.memory_space<vmem>>
    %dma_start3A_566 = arith.constant 0 : i32
    %dma_start3A_567 = arith.constant 0 : i32
    %dma_start3A_568 = tpu.memref_slice %arg9[%dma_start3A_566, %dma_start3A_567] : memref<10112x128xf32, #tpu.memory_space<vmem_shared>> -> memref<10112x128xf32, #tpu.memory_space<vmem_shared>>
    tpu.enqueue_indirect_dma source(%dma_start3A_562 : memref<128x128xf32, #tpu.memory_space<vmem>>) target(%dma_start3A_568 : memref<10112x128xf32, #tpu.memory_space<vmem_shared>>) offsets(%dma_start3A_565 : memref<128xi32, #tpu.memory_space<vmem>>) semaphore(%arg20 : memref<!tpu.dma_semaphore, #tpu.memory_space<semaphore_mem>>) {add = true}
    %dma_wait3A_569 = arith.constant 0 : i32
    %dma_wait3A_570 = arith.constant 0 : i32
    %dma_wait3A_571 = arith.constant 0 : i32
    %dma_wait3A_572 = tpu.memref_slice %arg8[%dma_wait3A_569, %dma_wait3A_570, %dma_wait3A_571] : memref<3x128x128xf32, #tpu.memory_space<vmem>> -> memref<1x128x128xf32, #tpu.memory_space<vmem>>
    %dma_wait3A_573 = tpu.memref_squeeze %dma_wait3A_572 : memref<1x128x128xf32, #tpu.memory_space<vmem>> -> memref<128x128xf32, #tpu.memory_space<vmem>>
    %dma_wait3A_574 = arith.constant 0 : i32
    %dma_wait3A_575 = arith.constant 0 : i32
    %dma_wait3A_576 = tpu.memref_slice %arg9[%dma_wait3A_574, %dma_wait3A_575] : memref<10112x128xf32, #tpu.memory_space<vmem_shared>> -> memref<128x128xf32, #tpu.memory_space<vmem_shared>>
    %dma_wait3A_577 = arith.constant 0 : i32
    %dma_wait3A_578 = arith.constant 0 : i32
    %dma_wait3A_579 = tpu.memref_slice %arg9[%dma_wait3A_577, %dma_wait3A_578] : memref<10112x128xf32, #tpu.memory_space<vmem_shared>> -> memref<128x128xf32, #tpu.memory_space<vmem_shared>>
    %dma_wait3A_580 = arith.constant 0 : i32
    %dma_wait3A_581 = arith.constant 0 : i32
    %dma_wait3A_582 = tpu.memref_slice %arg8[%dma_wait3A_569, %dma_wait3A_580, %dma_wait3A_581] : memref<3x128x128xf32, #tpu.memory_space<vmem>> -> memref<1x128x128xf32, #tpu.memory_space<vmem>>
    %dma_wait3A_583 = tpu.memref_squeeze %dma_wait3A_582 : memref<1x128x128xf32, #tpu.memory_space<vmem>> -> memref<128x128xf32, #tpu.memory_space<vmem>>
    tpu.wait_dma2 semaphore(%arg19 : memref<!tpu.dma_semaphore, #tpu.memory_space<semaphore_mem>>) src(%dma_wait3A_583 : memref<128x128xf32, #tpu.memory_space<vmem>>) dst(%dma_wait3A_579 : memref<128x128xf32, #tpu.memory_space<vmem_shared>>)
    %dma_wait3A_584 = arith.constant 1 : i32
    %dma_wait3A_585 = arith.constant 0 : i32
    %dma_wait3A_586 = arith.constant 0 : i32
    %dma_wait3A_587 = tpu.memref_slice %arg8[%dma_wait3A_584, %dma_wait3A_585, %dma_wait3A_586] : memref<3x128x128xf32, #tpu.memory_space<vmem>> -> memref<1x128x128xf32, #tpu.memory_space<vmem>>
    %dma_wait3A_588 = tpu.memref_squeeze %dma_wait3A_587 : memref<1x128x128xf32, #tpu.memory_space<vmem>> -> memref<128x128xf32, #tpu.memory_space<vmem>>
    %dma_wait3A_589 = arith.constant 0 : i32
    %dma_wait3A_590 = arith.constant 0 : i32
    %dma_wait3A_591 = tpu.memref_slice %arg9[%dma_wait3A_589, %dma_wait3A_590] : memref<10112x128xf32, #tpu.memory_space<vmem_shared>> -> memref<128x128xf32, #tpu.memory_space<vmem_shared>>
    %dma_wait3A_592 = arith.constant 0 : i32
    %dma_wait3A_593 = arith.constant 0 : i32
    %dma_wait3A_594 = tpu.memref_slice %arg9[%dma_wait3A_592, %dma_wait3A_593] : memref<10112x128xf32, #tpu.memory_space<vmem_shared>> -> memref<128x128xf32, #tpu.memory_space<vmem_shared>>
    %dma_wait3A_595 = arith.constant 0 : i32
    %dma_wait3A_596 = arith.constant 0 : i32
    %dma_wait3A_597 = tpu.memref_slice %arg8[%dma_wait3A_584, %dma_wait3A_595, %dma_wait3A_596] : memref<3x128x128xf32, #tpu.memory_space<vmem>> -> memref<1x128x128xf32, #tpu.memory_space<vmem>>
    %dma_wait3A_598 = tpu.memref_squeeze %dma_wait3A_597 : memref<1x128x128xf32, #tpu.memory_space<vmem>> -> memref<128x128xf32, #tpu.memory_space<vmem>>
    tpu.wait_dma2 semaphore(%arg20 : memref<!tpu.dma_semaphore, #tpu.memory_space<semaphore_mem>>) src(%dma_wait3A_598 : memref<128x128xf32, #tpu.memory_space<vmem>>) dst(%dma_wait3A_594 : memref<128x128xf32, #tpu.memory_space<vmem_shared>>)
    %dma_wait3A_599 = arith.constant 0 : i32
    %dma_wait3A_600 = arith.constant 2 : i32
    %dma_wait3A_601 = arith.constant 0 : i32
    %dma_wait3A_602 = tpu.memref_slice %arg6[%dma_wait3A_600, %dma_wait3A_601] : memref<3x128xi32, #tpu.memory_space<vmem>> -> memref<1x128xi32, #tpu.memory_space<vmem>>
    %dma_wait3A_603 = tpu.memref_squeeze %dma_wait3A_602 : memref<1x128xi32, #tpu.memory_space<vmem>> -> memref<128xi32, #tpu.memory_space<vmem>>
    %dma_wait3A_604 = arith.constant 0 : i32
    %dma_wait3A_605 = tpu.memref_slice %arg3[%dma_wait3A_599, %dma_wait3A_604] : memref<2568x128xi32, #tpu.memory_space<hbm>> -> memref<1x128xi32, #tpu.memory_space<hbm>>
    %dma_wait3A_606 = tpu.memref_squeeze %dma_wait3A_605 : memref<1x128xi32, #tpu.memory_space<hbm>> -> memref<128xi32, #tpu.memory_space<hbm>>
    %dma_wait3A_607 = arith.constant 0 : i32
    %dma_wait3A_608 = tpu.memref_slice %arg6[%dma_wait3A_600, %dma_wait3A_607] : memref<3x128xi32, #tpu.memory_space<vmem>> -> memref<1x128xi32, #tpu.memory_space<vmem>>
    %dma_wait3A_609 = tpu.memref_squeeze %dma_wait3A_608 : memref<1x128xi32, #tpu.memory_space<vmem>> -> memref<128xi32, #tpu.memory_space<vmem>>
    %dma_wait3A_610 = arith.constant 0 : i32
    %dma_wait3A_611 = tpu.memref_slice %arg3[%dma_wait3A_599, %dma_wait3A_610] : memref<2568x128xi32, #tpu.memory_space<hbm>> -> memref<1x128xi32, #tpu.memory_space<hbm>>
    %dma_wait3A_612 = tpu.memref_squeeze %dma_wait3A_611 : memref<1x128xi32, #tpu.memory_space<hbm>> -> memref<128xi32, #tpu.memory_space<hbm>>
    tpu.wait_dma2 semaphore(%arg12 : memref<!tpu.dma_semaphore, #tpu.memory_space<semaphore_mem>>) src(%dma_wait3A_612 : memref<128xi32, #tpu.memory_space<hbm>>) dst(%dma_wait3A_609 : memref<128xi32, #tpu.memory_space<vmem>>)
    %barrier3A_613 = arith.constant 0 : index
    tpu.barrier barrier_id(%barrier3A_613)
    %mul3A_614 = arith.constant 632 : i32
    %mul3A_615 = arith.muli %arg1, %mul3A_614 : i32
    %add3A_616 = arith.constant 0 : i32
    %add3A_617 = arith.addi %mul3A_615, %add3A_616 : i32
    %mul3A_618 = arith.constant 10112 : i32
    %mul3A_619 = arith.muli %arg0, %mul3A_618 : i32
    %mul3A_620 = arith.constant 632 : i32
    %mul3A_621 = arith.muli %arg1, %mul3A_620 : i32
    %add3A_622 = arith.addi %mul3A_619, %mul3A_621 : i32
    %add3A_623 = arith.constant 0 : i32
    %add3A_624 = arith.addi %add3A_622, %add3A_623 : i32
    "tpu.region"() ({
      %run_scoped3A_669 = tpu.sem_alloc : memref<!tpu.dma_semaphore, #tpu.memory_space<semaphore_mem>>
      %dma_start3A_670 = arith.constant 0 : i32
      %dma_start3A_671 = tpu.memref_slice %arg5[%add3A_624, %dma_start3A_670] : memref<20224x128xf32, #tpu.memory_space<hbm>> -> memref<128x128xf32, #tpu.memory_space<hbm>>
      %dma_start3A_672 = arith.constant 0 : i32
      %dma_start3A_673 = tpu.memref_slice %arg9[%add3A_617, %dma_start3A_672] : memref<10112x128xf32, #tpu.memory_space<vmem_shared>> -> memref<128x128xf32, #tpu.memory_space<vmem_shared>>
      tpu.enqueue_dma source(%dma_start3A_673 : memref<128x128xf32, #tpu.memory_space<vmem_shared>>) target(%dma_start3A_671 : memref<128x128xf32, #tpu.memory_space<hbm>>) target_semaphore(%run_scoped3A_669 : memref<!tpu.dma_semaphore, #tpu.memory_space<semaphore_mem>>)
      %dma_wait3A_674 = arith.constant 0 : i32
      %dma_wait3A_675 = tpu.memref_slice %arg5[%add3A_624, %dma_wait3A_674] : memref<20224x128xf32, #tpu.memory_space<hbm>> -> memref<128x128xf32, #tpu.memory_space<hbm>>
      %dma_wait3A_676 = arith.constant 0 : i32
      %dma_wait3A_677 = tpu.memref_slice %arg9[%add3A_617, %dma_wait3A_676] : memref<10112x128xf32, #tpu.memory_space<vmem_shared>> -> memref<128x128xf32, #tpu.memory_space<vmem_shared>>
      tpu.wait_dma2 semaphore(%run_scoped3A_669 : memref<!tpu.dma_semaphore, #tpu.memory_space<semaphore_mem>>) src(%dma_wait3A_677 : memref<128x128xf32, #tpu.memory_space<vmem_shared>>) dst(%dma_wait3A_675 : memref<128x128xf32, #tpu.memory_space<hbm>>)
      tpu.yield
    }) : () -> ()
    %mul3A_625 = arith.constant 632 : i32
    %mul3A_626 = arith.muli %arg1, %mul3A_625 : i32
    %add3A_627 = arith.constant 128 : i32
    %add3A_628 = arith.addi %mul3A_626, %add3A_627 : i32
    %mul3A_629 = arith.constant 10112 : i32
    %mul3A_630 = arith.muli %arg0, %mul3A_629 : i32
    %mul3A_631 = arith.constant 632 : i32
    %mul3A_632 = arith.muli %arg1, %mul3A_631 : i32
    %add3A_633 = arith.addi %mul3A_630, %mul3A_632 : i32
    %add3A_634 = arith.constant 128 : i32
    %add3A_635 = arith.addi %add3A_633, %add3A_634 : i32
    "tpu.region"() ({
      %run_scoped3A_669 = tpu.sem_alloc : memref<!tpu.dma_semaphore, #tpu.memory_space<semaphore_mem>>
      %dma_start3A_670 = arith.constant 0 : i32
      %dma_start3A_671 = tpu.memref_slice %arg5[%add3A_635, %dma_start3A_670] : memref<20224x128xf32, #tpu.memory_space<hbm>> -> memref<128x128xf32, #tpu.memory_space<hbm>>
      %dma_start3A_672 = arith.constant 0 : i32
      %dma_start3A_673 = tpu.memref_slice %arg9[%add3A_628, %dma_start3A_672] : memref<10112x128xf32, #tpu.memory_space<vmem_shared>> -> memref<128x128xf32, #tpu.memory_space<vmem_shared>>
      tpu.enqueue_dma source(%dma_start3A_673 : memref<128x128xf32, #tpu.memory_space<vmem_shared>>) target(%dma_start3A_671 : memref<128x128xf32, #tpu.memory_space<hbm>>) target_semaphore(%run_scoped3A_669 : memref<!tpu.dma_semaphore, #tpu.memory_space<semaphore_mem>>)
      %dma_wait3A_674 = arith.constant 0 : i32
      %dma_wait3A_675 = tpu.memref_slice %arg5[%add3A_635, %dma_wait3A_674] : memref<20224x128xf32, #tpu.memory_space<hbm>> -> memref<128x128xf32, #tpu.memory_space<hbm>>
      %dma_wait3A_676 = arith.constant 0 : i32
      %dma_wait3A_677 = tpu.memref_slice %arg9[%add3A_628, %dma_wait3A_676] : memref<10112x128xf32, #tpu.memory_space<vmem_shared>> -> memref<128x128xf32, #tpu.memory_space<vmem_shared>>
      tpu.wait_dma2 semaphore(%run_scoped3A_669 : memref<!tpu.dma_semaphore, #tpu.memory_space<semaphore_mem>>) src(%dma_wait3A_677 : memref<128x128xf32, #tpu.memory_space<vmem_shared>>) dst(%dma_wait3A_675 : memref<128x128xf32, #tpu.memory_space<hbm>>)
      tpu.yield
    }) : () -> ()
    %mul3A_636 = arith.constant 632 : i32
    %mul3A_637 = arith.muli %arg1, %mul3A_636 : i32
    %add3A_638 = arith.constant 256 : i32
    %add3A_639 = arith.addi %mul3A_637, %add3A_638 : i32
    %mul3A_640 = arith.constant 10112 : i32
    %mul3A_641 = arith.muli %arg0, %mul3A_640 : i32
    %mul3A_642 = arith.constant 632 : i32
    %mul3A_643 = arith.muli %arg1, %mul3A_642 : i32
    %add3A_644 = arith.addi %mul3A_641, %mul3A_643 : i32
    %add3A_645 = arith.constant 256 : i32
    %add3A_646 = arith.addi %add3A_644, %add3A_645 : i32
    "tpu.region"() ({
      %run_scoped3A_669 = tpu.sem_alloc : memref<!tpu.dma_semaphore, #tpu.memory_space<semaphore_mem>>
      %dma_start3A_670 = arith.constant 0 : i32
      %dma_start3A_671 = tpu.memref_slice %arg5[%add3A_646, %dma_start3A_670] : memref<20224x128xf32, #tpu.memory_space<hbm>> -> memref<128x128xf32, #tpu.memory_space<hbm>>
      %dma_start3A_672 = arith.constant 0 : i32
      %dma_start3A_673 = tpu.memref_slice %arg9[%add3A_639, %dma_start3A_672] : memref<10112x128xf32, #tpu.memory_space<vmem_shared>> -> memref<128x128xf32, #tpu.memory_space<vmem_shared>>
      tpu.enqueue_dma source(%dma_start3A_673 : memref<128x128xf32, #tpu.memory_space<vmem_shared>>) target(%dma_start3A_671 : memref<128x128xf32, #tpu.memory_space<hbm>>) target_semaphore(%run_scoped3A_669 : memref<!tpu.dma_semaphore, #tpu.memory_space<semaphore_mem>>)
      %dma_wait3A_674 = arith.constant 0 : i32
      %dma_wait3A_675 = tpu.memref_slice %arg5[%add3A_646, %dma_wait3A_674] : memref<20224x128xf32, #tpu.memory_space<hbm>> -> memref<128x128xf32, #tpu.memory_space<hbm>>
      %dma_wait3A_676 = arith.constant 0 : i32
      %dma_wait3A_677 = tpu.memref_slice %arg9[%add3A_639, %dma_wait3A_676] : memref<10112x128xf32, #tpu.memory_space<vmem_shared>> -> memref<128x128xf32, #tpu.memory_space<vmem_shared>>
      tpu.wait_dma2 semaphore(%run_scoped3A_669 : memref<!tpu.dma_semaphore, #tpu.memory_space<semaphore_mem>>) src(%dma_wait3A_677 : memref<128x128xf32, #tpu.memory_space<vmem_shared>>) dst(%dma_wait3A_675 : memref<128x128xf32, #tpu.memory_space<hbm>>)
      tpu.yield
    }) : () -> ()
    %mul3A_647 = arith.constant 632 : i32
    %mul3A_648 = arith.muli %arg1, %mul3A_647 : i32
    %add3A_649 = arith.constant 384 : i32
    %add3A_650 = arith.addi %mul3A_648, %add3A_649 : i32
    %mul3A_651 = arith.constant 10112 : i32
    %mul3A_652 = arith.muli %arg0, %mul3A_651 : i32
    %mul3A_653 = arith.constant 632 : i32
    %mul3A_654 = arith.muli %arg1, %mul3A_653 : i32
    %add3A_655 = arith.addi %mul3A_652, %mul3A_654 : i32
    %add3A_656 = arith.constant 384 : i32
    %add3A_657 = arith.addi %add3A_655, %add3A_656 : i32
    "tpu.region"() ({
      %run_scoped3A_669 = tpu.sem_alloc : memref<!tpu.dma_semaphore, #tpu.memory_space<semaphore_mem>>
      %dma_start3A_670 = arith.constant 0 : i32
      %dma_start3A_671 = tpu.memref_slice %arg5[%add3A_657, %dma_start3A_670] : memref<20224x128xf32, #tpu.memory_space<hbm>> -> memref<128x128xf32, #tpu.memory_space<hbm>>
      %dma_start3A_672 = arith.constant 0 : i32
      %dma_start3A_673 = tpu.memref_slice %arg9[%add3A_650, %dma_start3A_672] : memref<10112x128xf32, #tpu.memory_space<vmem_shared>> -> memref<128x128xf32, #tpu.memory_space<vmem_shared>>
      tpu.enqueue_dma source(%dma_start3A_673 : memref<128x128xf32, #tpu.memory_space<vmem_shared>>) target(%dma_start3A_671 : memref<128x128xf32, #tpu.memory_space<hbm>>) target_semaphore(%run_scoped3A_669 : memref<!tpu.dma_semaphore, #tpu.memory_space<semaphore_mem>>)
      %dma_wait3A_674 = arith.constant 0 : i32
      %dma_wait3A_675 = tpu.memref_slice %arg5[%add3A_657, %dma_wait3A_674] : memref<20224x128xf32, #tpu.memory_space<hbm>> -> memref<128x128xf32, #tpu.memory_space<hbm>>
      %dma_wait3A_676 = arith.constant 0 : i32
      %dma_wait3A_677 = tpu.memref_slice %arg9[%add3A_650, %dma_wait3A_676] : memref<10112x128xf32, #tpu.memory_space<vmem_shared>> -> memref<128x128xf32, #tpu.memory_space<vmem_shared>>
      tpu.wait_dma2 semaphore(%run_scoped3A_669 : memref<!tpu.dma_semaphore, #tpu.memory_space<semaphore_mem>>) src(%dma_wait3A_677 : memref<128x128xf32, #tpu.memory_space<vmem_shared>>) dst(%dma_wait3A_675 : memref<128x128xf32, #tpu.memory_space<hbm>>)
      tpu.yield
    }) : () -> ()
    %mul3A_658 = arith.constant 632 : i32
    %mul3A_659 = arith.muli %arg1, %mul3A_658 : i32
    %add3A_660 = arith.constant 512 : i32
    %add3A_661 = arith.addi %mul3A_659, %add3A_660 : i32
    %mul3A_662 = arith.constant 10112 : i32
    %mul3A_663 = arith.muli %arg0, %mul3A_662 : i32
    %mul3A_664 = arith.constant 632 : i32
    %mul3A_665 = arith.muli %arg1, %mul3A_664 : i32
    %add3A_666 = arith.addi %mul3A_663, %mul3A_665 : i32
    %add3A_667 = arith.constant 512 : i32
    %add3A_668 = arith.addi %add3A_666, %add3A_667 : i32
    "tpu.region"() ({
      %run_scoped3A_669 = tpu.sem_alloc : memref<!tpu.dma_semaphore, #tpu.memory_space<semaphore_mem>>
      %dma_start3A_670 = arith.constant 0 : i32
      %dma_start3A_671 = tpu.memref_slice %arg5[%add3A_668, %dma_start3A_670] : memref<20224x128xf32, #tpu.memory_space<hbm>> -> memref<120x128xf32, #tpu.memory_space<hbm>>
      %dma_start3A_672 = arith.constant 0 : i32
      %dma_start3A_673 = tpu.memref_slice %arg9[%add3A_661, %dma_start3A_672] : memref<10112x128xf32, #tpu.memory_space<vmem_shared>> -> memref<120x128xf32, #tpu.memory_space<vmem_shared>>
      tpu.enqueue_dma source(%dma_start3A_673 : memref<120x128xf32, #tpu.memory_space<vmem_shared>>) target(%dma_start3A_671 : memref<120x128xf32, #tpu.memory_space<hbm>>) target_semaphore(%run_scoped3A_669 : memref<!tpu.dma_semaphore, #tpu.memory_space<semaphore_mem>>)
      %dma_wait3A_674 = arith.constant 0 : i32
      %dma_wait3A_675 = tpu.memref_slice %arg5[%add3A_668, %dma_wait3A_674] : memref<20224x128xf32, #tpu.memory_space<hbm>> -> memref<120x128xf32, #tpu.memory_space<hbm>>
      %dma_wait3A_676 = arith.constant 0 : i32
      %dma_wait3A_677 = tpu.memref_slice %arg9[%add3A_661, %dma_wait3A_676] : memref<10112x128xf32, #tpu.memory_space<vmem_shared>> -> memref<120x128xf32, #tpu.memory_space<vmem_shared>>
      tpu.wait_dma2 semaphore(%run_scoped3A_669 : memref<!tpu.dma_semaphore, #tpu.memory_space<semaphore_mem>>) src(%dma_wait3A_677 : memref<120x128xf32, #tpu.memory_space<vmem_shared>>) dst(%dma_wait3A_675 : memref<120x128xf32, #tpu.memory_space<hbm>>)
      tpu.yield
    }) : () -> ()
    return
  }
}

module attributes {stable_mosaic.version = 14 : i64} {
  func.func @_tc1a_body(%arg0: i32, %arg1: memref<2000x128xf32, #tpu.memory_space<vmem>>, %arg2: memref<128x128xf32, #tpu.memory_space<vmem>>, %arg3: memref<2000x128xf32, #tpu.memory_space<vmem>>) attributes {dimension_semantics = [#tpu.dimension_semantics<arbitrary>], iteration_bounds = array<i64: 5>, scalar_prefetch = 0 : i64, scratch_operands = 0 : i64, tpu.core_type = #tpu.core_type<tc>, window_params = [{transform_indices = @transform_0, window_bounds = array<i64: 2000, 128>}, {pipeline_mode = #tpu.pipeline_mode<synchronous>, transform_indices = @transform_1, window_bounds = array<i64: 128, 128>}, {transform_indices = @transform_2, window_bounds = array<i64: 2000, 128>}]} {
    %get3A = arith.constant 0 : index
    %get3A_0 = arith.constant 0 : index
    %get3A_1 = vector.load %arg1[%get3A, %get3A_0] : memref<2000x128xf32, #tpu.memory_space<vmem>>, vector<2000x128xf32>
    %get3A_2 = arith.constant 0 : index
    %get3A_3 = arith.constant 0 : index
    %get3A_4 = vector.load %arg2[%get3A_2, %get3A_3] : memref<128x128xf32, #tpu.memory_space<vmem>>, vector<128x128xf32>
    %dot_general3A = arith.constant dense<0.000000e+00> : vector<2000x128xf32>
    %dot_general3A_5 = tpu.matmul %get3A_1, %get3A_4, %dot_general3A {dimension_numbers = #tpu.dot_dimension_numbers<[1], [0], [0], [1], [0, 0, 1, 1], [], []>, transpose_lhs_hint = false} : vector<2000x128xf32>, vector<128x128xf32>, vector<2000x128xf32> -> vector<2000x128xf32>
    %swap3A = arith.constant 0 : index
    %swap3A_6 = arith.constant 0 : index
    %swap3A_7 = vector.load %arg3[%swap3A, %swap3A_6] : memref<2000x128xf32, #tpu.memory_space<vmem>>, vector<2000x128xf32>
    tpu.vector_store %arg3[%swap3A, %swap3A_6], %dot_general3A_5 {strides = array<i32>} : memref<2000x128xf32, #tpu.memory_space<vmem>>, vector<2000x128xf32>,
    return
  }
  func.func @transform_0(%arg0: i32) -> (i32, i32) {
    %c0_i32 = arith.constant 0 : i32
    %c0_i32_0 = arith.constant 0 : i32
    return %arg0, %c0_i32 : i32, i32
  }
  func.func @transform_1(%arg0: i32) -> (i32, i32) {
    %c0_i32 = arith.constant 0 : i32
    %c0_i32_0 = arith.constant 0 : i32
    %c0_i32_1 = arith.constant 0 : i32
    return %c0_i32, %c0_i32_0 : i32, i32
  }
  func.func @transform_2(%arg0: i32) -> (i32, i32) {
    %c0_i32 = arith.constant 0 : i32
    %c0_i32_0 = arith.constant 0 : i32
    return %arg0, %c0_i32 : i32, i32
  }
}

module attributes {stable_mosaic.version = 14 : i64} {
  func.func @_tc1b_body(%arg0: i32, %arg1: memref<2000x128xf32, #tpu.memory_space<vmem>>, %arg2: memref<2000x1xf32, #tpu.memory_space<vmem>>, %arg3: memref<2000x1xf32, #tpu.memory_space<vmem>>, %arg4: memref<2000x128xf32, #tpu.memory_space<vmem>>) attributes {dimension_semantics = [#tpu.dimension_semantics<arbitrary>], iteration_bounds = array<i64: 5>, scalar_prefetch = 0 : i64, scratch_operands = 0 : i64, tpu.core_type = #tpu.core_type<tc>, window_params = [{transform_indices = @transform_0, window_bounds = array<i64: 2000, 128>}, {transform_indices = @transform_1, window_bounds = array<i64: 2000, 1>}, {transform_indices = @transform_2, window_bounds = array<i64: 2000, 1>}, {transform_indices = @transform_3, window_bounds = array<i64: 2000, 128>}]} {
    %get3A = arith.constant 0 : index
    %get3A_0 = arith.constant 0 : index
    %get3A_1 = vector.load %arg2[%get3A, %get3A_0] : memref<2000x1xf32, #tpu.memory_space<vmem>>, vector<2000x1xf32>
    %get3A_2 = arith.constant 0 : index
    %get3A_3 = arith.constant 0 : index
    %get3A_4 = vector.load %arg3[%get3A_2, %get3A_3] : memref<2000x1xf32, #tpu.memory_space<vmem>>, vector<2000x1xf32>
    %add3A = arith.addf %get3A_1, %get3A_4 : vector<2000x1xf32>
    %add3A_5 = arith.constant 1.000000e+00 : f32
    %add3A_6 = vector.broadcast %add3A_5 : f32 to vector<2000x1xf32>
    %add3A_7 = arith.addf %add3A, %add3A_6 : vector<2000x1xf32>
    %rsqrt3A = math.rsqrt %add3A_7 : vector<2000x1xf32>
    %get3A_8 = arith.constant 0 : index
    %get3A_9 = arith.constant 0 : index
    %get3A_10 = vector.load %arg1[%get3A_8, %get3A_9] : memref<2000x128xf32, #tpu.memory_space<vmem>>, vector<2000x128xf32>
    %mul3A = vector.broadcast %rsqrt3A : vector<2000x1xf32> to vector<2000x128xf32>
    %mul3A_11 = arith.mulf %get3A_10, %mul3A : vector<2000x128xf32>
    %swap3A = arith.constant 0 : index
    %swap3A_12 = arith.constant 0 : index
    %swap3A_13 = vector.load %arg4[%swap3A, %swap3A_12] : memref<2000x128xf32, #tpu.memory_space<vmem>>, vector<2000x128xf32>
    tpu.vector_store %arg4[%swap3A, %swap3A_12], %mul3A_11 {strides = array<i32>} : memref<2000x128xf32, #tpu.memory_space<vmem>>, vector<2000x128xf32>,
    return
  }
  func.func @transform_0(%arg0: i32) -> (i32, i32) {
    %c0_i32 = arith.constant 0 : i32
    %c0_i32_0 = arith.constant 0 : i32
    return %arg0, %c0_i32 : i32, i32
  }
  func.func @transform_1(%arg0: i32) -> (i32, i32) {
    %c0_i32 = arith.constant 0 : i32
    %c0_i32_0 = arith.constant 0 : i32
    return %arg0, %c0_i32 : i32, i32
  }
  func.func @transform_2(%arg0: i32) -> (i32, i32) {
    %c0_i32 = arith.constant 0 : i32
    %c0_i32_0 = arith.constant 0 : i32
    return %arg0, %c0_i32 : i32, i32
  }
  func.func @transform_3(%arg0: i32) -> (i32, i32) {
    %c0_i32 = arith.constant 0 : i32
    %c0_i32_0 = arith.constant 0 : i32
    return %arg0, %c0_i32 : i32, i32
  }
}

module attributes {stable_mosaic.version = 14 : i64} {
  func.func @_tc3_body(%arg0: i32, %arg1: memref<1x2000x128xf32, #tpu.memory_space<vmem>>, %arg2: memref<1x2000x128xf32, #tpu.memory_space<vmem>>, %arg3: memref<2000x128xf32, #tpu.memory_space<vmem>>, %arg4: memref<1x128xf32, #tpu.memory_space<vmem>>, %arg5: memref<2000x1xf32, #tpu.memory_space<vmem>>, %arg6: memref<2000x1xf32, #tpu.memory_space<vmem>>, %arg7: memref<2000x128xf32, #tpu.memory_space<vmem>>) attributes {dimension_semantics = [#tpu.dimension_semantics<arbitrary>], iteration_bounds = array<i64: 5>, scalar_prefetch = 0 : i64, scratch_operands = 0 : i64, tpu.core_type = #tpu.core_type<tc>, window_params = [{transform_indices = @transform_0, window_bounds = array<i64: 1, 2000, 128>}, {transform_indices = @transform_1, window_bounds = array<i64: 1, 2000, 128>}, {transform_indices = @transform_2, window_bounds = array<i64: 2000, 128>}, {pipeline_mode = #tpu.pipeline_mode<synchronous>, transform_indices = @transform_3, window_bounds = array<i64: 1, 128>}, {transform_indices = @transform_4, window_bounds = array<i64: 2000, 1>}, {transform_indices = @transform_5, window_bounds = array<i64: 2000, 1>}, {transform_indices = @transform_6, window_bounds = array<i64: 2000, 128>}]} {
    %get3A = arith.constant 0 : index
    %get3A_0 = arith.constant 0 : index
    %get3A_1 = vector.load %arg5[%get3A, %get3A_0] : memref<2000x1xf32, #tpu.memory_space<vmem>>, vector<2000x1xf32>
    %get3A_2 = arith.constant 0 : index
    %get3A_3 = arith.constant 0 : index
    %get3A_4 = vector.load %arg6[%get3A_2, %get3A_3] : memref<2000x1xf32, #tpu.memory_space<vmem>>, vector<2000x1xf32>
    %add3A = arith.addf %get3A_1, %get3A_4 : vector<2000x1xf32>
    %add3A_5 = arith.constant 1.000000e+00 : f32
    %add3A_6 = vector.broadcast %add3A_5 : f32 to vector<2000x1xf32>
    %add3A_7 = arith.addf %add3A, %add3A_6 : vector<2000x1xf32>
    %rsqrt3A = math.rsqrt %add3A_7 : vector<2000x1xf32>
    %get3A_8 = arith.constant 0 : index
    %get3A_9 = arith.constant 0 : index
    %get3A_10 = arith.constant 0 : index
    %get3A_11 = vector.load %arg1[%get3A_8, %get3A_9, %get3A_10] : memref<1x2000x128xf32, #tpu.memory_space<vmem>>, vector<1x2000x128xf32>
    %get3A_12 = vector.shape_cast %get3A_11 : vector<1x2000x128xf32> to vector<2000x128xf32>
    %get3A_13 = arith.constant 0 : index
    %get3A_14 = arith.constant 0 : index
    %get3A_15 = arith.constant 0 : index
    %get3A_16 = vector.load %arg2[%get3A_13, %get3A_14, %get3A_15] : memref<1x2000x128xf32, #tpu.memory_space<vmem>>, vector<1x2000x128xf32>
    %get3A_17 = vector.shape_cast %get3A_16 : vector<1x2000x128xf32> to vector<2000x128xf32>
    %add3A_18 = arith.addf %get3A_12, %get3A_17 : vector<2000x128xf32>
    %get3A_19 = arith.constant 0 : index
    %get3A_20 = arith.constant 0 : index
    %get3A_21 = vector.load %arg3[%get3A_19, %get3A_20] : memref<2000x128xf32, #tpu.memory_space<vmem>>, vector<2000x128xf32>
    %add3A_22 = arith.addf %add3A_18, %get3A_21 : vector<2000x128xf32>
    %mul3A = vector.broadcast %rsqrt3A : vector<2000x1xf32> to vector<2000x128xf32>
    %mul3A_23 = arith.mulf %mul3A, %add3A_22 : vector<2000x128xf32>
    %get3A_24 = arith.constant 0 : index
    %get3A_25 = arith.constant 0 : index
    %get3A_26 = vector.load %arg4[%get3A_24, %get3A_25] : memref<1x128xf32, #tpu.memory_space<vmem>>, vector<1x128xf32>
    %add3A_27 = vector.broadcast %get3A_26 : vector<1x128xf32> to vector<2000x128xf32>
    %add3A_28 = arith.addf %mul3A_23, %add3A_27 : vector<2000x128xf32>
    %max3A = arith.constant 0.000000e+00 : f32
    %max3A_29 = vector.broadcast %max3A : f32 to vector<2000x128xf32>
    %max3A_30 = arith.maximumf %add3A_28, %max3A_29 : vector<2000x128xf32>
    %swap3A = arith.constant 0 : index
    %swap3A_31 = arith.constant 0 : index
    %swap3A_32 = vector.load %arg7[%swap3A, %swap3A_31] : memref<2000x128xf32, #tpu.memory_space<vmem>>, vector<2000x128xf32>
    tpu.vector_store %arg7[%swap3A, %swap3A_31], %max3A_30 {strides = array<i32>} : memref<2000x128xf32, #tpu.memory_space<vmem>>, vector<2000x128xf32>,
    return
  }
  func.func @transform_0(%arg0: i32) -> (i32, i32, i32) {
    %c0_i32 = arith.constant 0 : i32
    %c0_i32_0 = arith.constant 0 : i32
    %c0_i32_1 = arith.constant 0 : i32
    return %c0_i32, %arg0, %c0_i32_0 : i32, i32, i32
  }
  func.func @transform_1(%arg0: i32) -> (i32, i32, i32) {
    %c1_i32 = arith.constant 1 : i32
    %c0_i32 = arith.constant 0 : i32
    %c0_i32_0 = arith.constant 0 : i32
    return %c1_i32, %arg0, %c0_i32 : i32, i32, i32
  }
  func.func @transform_2(%arg0: i32) -> (i32, i32) {
    %c0_i32 = arith.constant 0 : i32
    %c0_i32_0 = arith.constant 0 : i32
    return %arg0, %c0_i32 : i32, i32
  }
  func.func @transform_3(%arg0: i32) -> (i32, i32) {
    %c0_i32 = arith.constant 0 : i32
    %c0_i32_0 = arith.constant 0 : i32
    %c0_i32_1 = arith.constant 0 : i32
    return %c0_i32, %c0_i32_0 : i32, i32
  }
  func.func @transform_4(%arg0: i32) -> (i32, i32) {
    %c0_i32 = arith.constant 0 : i32
    %c0_i32_0 = arith.constant 0 : i32
    return %arg0, %c0_i32 : i32, i32
  }
  func.func @transform_5(%arg0: i32) -> (i32, i32) {
    %c0_i32 = arith.constant 0 : i32
    %c0_i32_0 = arith.constant 0 : i32
    return %arg0, %c0_i32 : i32, i32
  }
  func.func @transform_6(%arg0: i32) -> (i32, i32) {
    %c0_i32 = arith.constant 0 : i32
    %c0_i32_0 = arith.constant 0 : i32
    return %arg0, %c0_i32 : i32, i32
  }
}

module attributes {stable_mosaic.version = 14 : i64} {
  func.func @_tc2_body(%arg0: i32, %arg1: memref<1x2000x128xf32, #tpu.memory_space<vmem>>, %arg2: memref<1x2000x128xf32, #tpu.memory_space<vmem>>, %arg3: memref<2000x128xf32, #tpu.memory_space<vmem>>, %arg4: memref<1x128xf32, #tpu.memory_space<vmem>>, %arg5: memref<128x128xf32, #tpu.memory_space<vmem>>, %arg6: memref<2000x1xf32, #tpu.memory_space<vmem>>, %arg7: memref<2000x1xf32, #tpu.memory_space<vmem>>, %arg8: memref<2000x128xf32, #tpu.memory_space<vmem>>) attributes {dimension_semantics = [#tpu.dimension_semantics<arbitrary>], iteration_bounds = array<i64: 5>, scalar_prefetch = 0 : i64, scratch_operands = 0 : i64, tpu.core_type = #tpu.core_type<tc>, window_params = [{transform_indices = @transform_0, window_bounds = array<i64: 1, 2000, 128>}, {transform_indices = @transform_1, window_bounds = array<i64: 1, 2000, 128>}, {transform_indices = @transform_2, window_bounds = array<i64: 2000, 128>}, {pipeline_mode = #tpu.pipeline_mode<synchronous>, transform_indices = @transform_3, window_bounds = array<i64: 1, 128>}, {pipeline_mode = #tpu.pipeline_mode<synchronous>, transform_indices = @transform_4, window_bounds = array<i64: 128, 128>}, {transform_indices = @transform_5, window_bounds = array<i64: 2000, 1>}, {transform_indices = @transform_6, window_bounds = array<i64: 2000, 1>}, {transform_indices = @transform_7, window_bounds = array<i64: 2000, 128>}]} {
    %get3A = arith.constant 0 : index
    %get3A_0 = arith.constant 0 : index
    %get3A_1 = vector.load %arg6[%get3A, %get3A_0] : memref<2000x1xf32, #tpu.memory_space<vmem>>, vector<2000x1xf32>
    %get3A_2 = arith.constant 0 : index
    %get3A_3 = arith.constant 0 : index
    %get3A_4 = vector.load %arg7[%get3A_2, %get3A_3] : memref<2000x1xf32, #tpu.memory_space<vmem>>, vector<2000x1xf32>
    %add3A = arith.addf %get3A_1, %get3A_4 : vector<2000x1xf32>
    %add3A_5 = arith.constant 1.000000e+00 : f32
    %add3A_6 = vector.broadcast %add3A_5 : f32 to vector<2000x1xf32>
    %add3A_7 = arith.addf %add3A, %add3A_6 : vector<2000x1xf32>
    %rsqrt3A = math.rsqrt %add3A_7 : vector<2000x1xf32>
    %get3A_8 = arith.constant 0 : index
    %get3A_9 = arith.constant 0 : index
    %get3A_10 = arith.constant 0 : index
    %get3A_11 = vector.load %arg1[%get3A_8, %get3A_9, %get3A_10] : memref<1x2000x128xf32, #tpu.memory_space<vmem>>, vector<1x2000x128xf32>
    %get3A_12 = vector.shape_cast %get3A_11 : vector<1x2000x128xf32> to vector<2000x128xf32>
    %get3A_13 = arith.constant 0 : index
    %get3A_14 = arith.constant 0 : index
    %get3A_15 = arith.constant 0 : index
    %get3A_16 = vector.load %arg2[%get3A_13, %get3A_14, %get3A_15] : memref<1x2000x128xf32, #tpu.memory_space<vmem>>, vector<1x2000x128xf32>
    %get3A_17 = vector.shape_cast %get3A_16 : vector<1x2000x128xf32> to vector<2000x128xf32>
    %add3A_18 = arith.addf %get3A_12, %get3A_17 : vector<2000x128xf32>
    %get3A_19 = arith.constant 0 : index
    %get3A_20 = arith.constant 0 : index
    %get3A_21 = vector.load %arg3[%get3A_19, %get3A_20] : memref<2000x128xf32, #tpu.memory_space<vmem>>, vector<2000x128xf32>
    %add3A_22 = arith.addf %add3A_18, %get3A_21 : vector<2000x128xf32>
    %mul3A = vector.broadcast %rsqrt3A : vector<2000x1xf32> to vector<2000x128xf32>
    %mul3A_23 = arith.mulf %mul3A, %add3A_22 : vector<2000x128xf32>
    %get3A_24 = arith.constant 0 : index
    %get3A_25 = arith.constant 0 : index
    %get3A_26 = vector.load %arg4[%get3A_24, %get3A_25] : memref<1x128xf32, #tpu.memory_space<vmem>>, vector<1x128xf32>
    %add3A_27 = vector.broadcast %get3A_26 : vector<1x128xf32> to vector<2000x128xf32>
    %add3A_28 = arith.addf %mul3A_23, %add3A_27 : vector<2000x128xf32>
    %max3A = arith.constant 0.000000e+00 : f32
    %max3A_29 = vector.broadcast %max3A : f32 to vector<2000x128xf32>
    %max3A_30 = arith.maximumf %add3A_28, %max3A_29 : vector<2000x128xf32>
    %get3A_31 = arith.constant 0 : index
    %get3A_32 = arith.constant 0 : index
    %get3A_33 = vector.load %arg5[%get3A_31, %get3A_32] : memref<128x128xf32, #tpu.memory_space<vmem>>, vector<128x128xf32>
    %dot_general3A = arith.constant dense<0.000000e+00> : vector<2000x128xf32>
    %dot_general3A_34 = tpu.matmul %max3A_30, %get3A_33, %dot_general3A {dimension_numbers = #tpu.dot_dimension_numbers<[1], [0], [0], [1], [0, 0, 1, 1], [], []>, transpose_lhs_hint = false} : vector<2000x128xf32>, vector<128x128xf32>, vector<2000x128xf32> -> vector<2000x128xf32>
    %mul3A_35 = vector.broadcast %rsqrt3A : vector<2000x1xf32> to vector<2000x128xf32>
    %mul3A_36 = arith.mulf %dot_general3A_34, %mul3A_35 : vector<2000x128xf32>
    %swap3A = arith.constant 0 : index
    %swap3A_37 = arith.constant 0 : index
    %swap3A_38 = vector.load %arg8[%swap3A, %swap3A_37] : memref<2000x128xf32, #tpu.memory_space<vmem>>, vector<2000x128xf32>
    tpu.vector_store %arg8[%swap3A, %swap3A_37], %mul3A_36 {strides = array<i32>} : memref<2000x128xf32, #tpu.memory_space<vmem>>, vector<2000x128xf32>,
    return
  }
  func.func @transform_0(%arg0: i32) -> (i32, i32, i32) {
    %c0_i32 = arith.constant 0 : i32
    %c0_i32_0 = arith.constant 0 : i32
    %c0_i32_1 = arith.constant 0 : i32
    return %c0_i32, %arg0, %c0_i32_0 : i32, i32, i32
  }
  func.func @transform_1(%arg0: i32) -> (i32, i32, i32) {
    %c1_i32 = arith.constant 1 : i32
    %c0_i32 = arith.constant 0 : i32
    %c0_i32_0 = arith.constant 0 : i32
    return %c1_i32, %arg0, %c0_i32 : i32, i32, i32
  }
  func.func @transform_2(%arg0: i32) -> (i32, i32) {
    %c0_i32 = arith.constant 0 : i32
    %c0_i32_0 = arith.constant 0 : i32
    return %arg0, %c0_i32 : i32, i32
  }
  func.func @transform_3(%arg0: i32) -> (i32, i32) {
    %c0_i32 = arith.constant 0 : i32
    %c0_i32_0 = arith.constant 0 : i32
    %c0_i32_1 = arith.constant 0 : i32
    return %c0_i32, %c0_i32_0 : i32, i32
  }
  func.func @transform_4(%arg0: i32) -> (i32, i32) {
    %c0_i32 = arith.constant 0 : i32
    %c0_i32_0 = arith.constant 0 : i32
    %c0_i32_1 = arith.constant 0 : i32
    return %c0_i32, %c0_i32_0 : i32, i32
  }
  func.func @transform_5(%arg0: i32) -> (i32, i32) {
    %c0_i32 = arith.constant 0 : i32
    %c0_i32_0 = arith.constant 0 : i32
    return %arg0, %c0_i32 : i32, i32
  }
  func.func @transform_6(%arg0: i32) -> (i32, i32) {
    %c0_i32 = arith.constant 0 : i32
    %c0_i32_0 = arith.constant 0 : i32
    return %arg0, %c0_i32 : i32, i32
  }
  func.func @transform_7(%arg0: i32) -> (i32, i32) {
    %c0_i32 = arith.constant 0 : i32
    %c0_i32_0 = arith.constant 0 : i32
    return %arg0, %c0_i32 : i32, i32
  }
}

</mosaic_0001>

<sc_bundles>
// kernel: kernel.12.cloned.1.call-start
scs
__scs_entry_jumppad:
0x0: {  	(pc) =	sbr.rel $0x88, $3  }
0x1: {  	(tag) =	ssettag $0x0;
	lr =	simm.s32 $0x1  }
0x2: {  	[smem:$0x3F9B] =	sst lr;
	_ =	strace $0xD0000000  }
0x3: {  	_ = 	snop  }
0x4: {  	_ = 	snop  }
0x5: {  	_ = 	snop  }
0x6: {  	_ = 	snop  }
0x7: {  	_ = 	snop  }
__scs_overlays_trampoline_lowered:
0x8: {  	[smem:$0x3FAA] =	sst s0  }
0x9: {  	[smem:$0x3FAB] =	sst s1  }
0xa: {  	[smem:$0x3FAC] =	sst s2  }
0xb: {  	[smem:$0x3FAD] =	sst s3  }
0xc: {  	[smem:$0x3FAE] =	sst s4  }
0xd: {  	[smem:$0x3FAF] =	sst s5  }
0xe: {  	[smem:$0x3FB0] =	sst s6  }
0xf: {  	[smem:$0x3FB1] =	sst s7  }
0x10: {  	[smem:$0x3FB2] =	sst s8  }
0x11: {  	[smem:$0x3FB3] =	sst s9;
	s0 =	simm.s32 @!p0 $0x0  }
0x12: {  	s1 =	sld [smem:$0x3F99];
	s0 =	simm.s32 @p0 $0x1  }
0x13: {  	[smem:$0x3FB4] =	sst s0;
	s0 =	simm.s32 @!p1 $0x0  }
0x14: {  	s2 =	sld [smem:$0x3F98];
	s0 =	simm.s32 @p1 $0x1  }
0x15: {  	[smem:$0x3FB5] =	sst s0;
	s0 =	simm.s32 @!p2 $0x0  }
0x16: {  	s3 =	sld [smem:$0x3FDB];
	s0 =	simm.s32 @p2 $0x1  }
0x17: {  	s4 =	simm.s32 $0x1BF5;
	[smem:$0x3FB7] =	sst s0  }
0x18: {  	s0 =	sld [smem:$0x3F9A];
	_ =	swait.ge [sflag:s4], $0x0  }
0x19: {  	s7 =	sld [smem:$0x3F9B]  }
0x1a: {  	s8 =	sadd.s32 $0xFFFFE003, lr  }
0x1b: {  	s9 =	sadd.s32 $0xFFFFFEF7, lr;
	s5 =	simm.s32 $0xFFFFFFFF;
	p2 =	slt.u32 s8, $0xFFFFF086  }
0x1c: {  	p1 =	slt.u32 s9, $0xF7A;
	s5 =	simm.s32 @!p2 $0x0  }
0x1d: {  	s5 =	simm.s32 @p1 $0x1;
	p0 =	seq.s32 s7, s2  }
0x1e: {  	s7 =	smul.u32 @!p0 $0xF7A, s2;
	p2 =	seq.s32 @!p0 s5, $0x0  }
0x1f: {  	s9 =	smul.u32 $0xF7A, s1;
	s8 =	simm.s32 @!p0 $0x1BF5;
	p2 =	por !p2, p0  }
0x20: {  	[sflag:s8] =	ssyncset.s32 @!p0 $0xFFFFF086;
	s6 =	sadd.s32 @!p0 s3, s7;
	s7 =	simm.s32 @!p0 $0x108  }
0x21: {  	s3 =	sadd.s32 s3, s9;
	s6 =	sadd.s32 @!p0 $0x88, s6;
	s7 =	simm.s32 @p2 $0x1082  }
0x22: {  	[simem:s7], [sflag:s8] =	dma.local @!p0 [hbm:s6], $0xF7A  }
0x23: {  	s9 =	sor.u32 $0xD0000000, s2;
	s6 =	simm.s32 $0x108;
	_ =	swait.ge @!p0 [sflag:s8], $0x0  }
0x24: {  	s3 =	sadd.s32 $0x88, s3;
	s6 =	simm.s32 @!p1 $0x1082;
	[sflag:s4] =	ssyncset.s32 $0xFFFFF086  }
0x25: {  	[simem:s6], [sflag:s4] =	dma.local [hbm:s3], $0xF7A  }
0x26: {  	[smem:$0x3F9B] =	sst s1;
	(tag) =	ssettag s2;
	_ =	strace s9  }
0x27: {  	s1 =	sld [smem:$0x3FAB]  }
0x28: {  	s2 =	sld [smem:$0x3FAC]  }
0x29: {  	s4 =	sld [smem:$0x3FAE]  }
0x2a: {  	p0 =	seq.s32 s5, $0x0;
	s5 =	sld [smem:$0x3FAF]  }
0x2b: {  	s6 =	sld [smem:$0x3FB0]  }
0x2c: {  	s7 =	sld [smem:$0x3FB1]  }
0x2d: {  	s3 =	simm.s32 $0x108;
	s8 =	sld [smem:$0x3FB2]  }
0x2e: {  	s3 =	simm.s32 @!p0 $0x1082;
	s9 =	sld [smem:$0x3FB3]  }
0x2f: {  	lr =	sadd.s32 s0, s3;
	s0 =	sld [smem:$0x3FAA]  }
0x30: {  	s3 =	sld [smem:$0x3FAD]  }
0x31: {  	[smem:$0x3FB6] =	sst s10  }
0x32: {  	s10 =	sld [smem:$0x3FB4];
	_ =	sdelay $0x3  }
0x33: {  	p0 =	seq.s32 s10, $0x1;
	s10 =	sld [smem:$0x3FB6];
	_ =	sdelay $0x3  }
0x34: {  	[smem:$0x3FB6] =	sst s10  }
0x35: {  	s10 =	sld [smem:$0x3FB5];
	_ =	sdelay $0x3  }
0x36: {  	p1 =	seq.s32 s10, $0x1;
	s10 =	sld [smem:$0x3FB6];
	_ =	sdelay $0x3  }
0x37: {  	[smem:$0x3FB6] =	sst s10  }
0x38: {  	s10 =	sld [smem:$0x3FB7]  }
0x39: {  	_ = 	snop;
	(pc) =	sbr.ind lr, $3  }
0x3a: {  	_ = 	snop  }
0x3b: {  	_ = 	snop  }
0x3c: {  	p2 =	seq.s32 s10, $0x1;
	s10 =	sld [smem:$0x3FB6]  }
0x3d: {  	_ =	shalt  }
0x3e: {  	_ =	shalt  }
0x3f: {  	_ =	shalt  }
0x40: {  	_ =	shalt  }
0x41: {  	_ =	shalt  }
0x42: {  	_ =	shalt  }
0x43: {  	_ =	shalt  }
0x44: {  	_ =	shalt  }
0x45: {  	_ =	shalt  }
0x46: {  	_ =	shalt  }
0x47: {  	_ =	shalt  }
0x48: {  	_ =	shalt  }
0x49: {  	_ =	shalt  }
0x4a: {  	_ =	shalt  }
0x4b: {  	_ =	shalt  }
0x4c: {  	_ =	shalt  }
0x4d: {  	_ =	shalt  }
0x4e: {  	_ =	shalt  }
0x4f: {  	_ =	shalt  }
0x50: {  	_ =	shalt  }
0x51: {  	_ =	shalt  }
0x52: {  	_ =	shalt  }
0x53: {  	_ =	shalt  }
0x54: {  	_ =	shalt  }
0x55: {  	_ =	shalt  }
0x56: {  	_ =	shalt  }
0x57: {  	_ =	shalt  }
0x58: {  	_ =	shalt  }
0x59: {  	_ =	shalt  }
0x5a: {  	_ =	shalt  }
0x5b: {  	_ =	shalt  }
0x5c: {  	_ =	shalt  }
0x5d: {  	_ =	shalt  }
0x5e: {  	_ =	shalt  }
0x5f: {  	_ =	shalt  }
0x60: {  	_ =	shalt  }
0x61: {  	_ =	shalt  }
0x62: {  	_ =	shalt  }
0x63: {  	_ =	shalt  }
0x64: {  	_ =	shalt  }
0x65: {  	_ =	shalt  }
0x66: {  	_ =	shalt  }
0x67: {  	_ =	shalt  }
0x68: {  	_ =	shalt  }
0x69: {  	_ =	shalt  }
0x6a: {  	_ =	shalt  }
0x6b: {  	_ =	shalt  }
0x6c: {  	_ =	shalt  }
0x6d: {  	_ =	shalt  }
0x6e: {  	_ =	shalt  }
0x6f: {  	_ =	shalt  }
0x70: {  	_ =	shalt  }
0x71: {  	_ =	shalt  }
0x72: {  	_ =	shalt  }
0x73: {  	_ =	shalt  }
0x74: {  	_ =	shalt  }
0x75: {  	_ =	shalt  }
0x76: {  	_ =	shalt  }
0x77: {  	_ =	shalt  }
0x78: {  	_ =	shalt  }
0x79: {  	_ =	shalt  }
0x7a: {  	_ =	shalt  }
0x7b: {  	_ =	shalt  }
0x7c: {  	_ =	shalt  }
0x7d: {  	_ =	shalt  }
0x7e: {  	_ =	shalt  }
0x7f: {  	_ =	shalt  }
0x80: {  	_ =	shalt  }
0x81: {  	_ =	shalt  }
0x82: {  	_ =	shalt  }
0x83: {  	_ =	shalt  }
0x84: {  	_ =	shalt  }
0x85: {  	_ =	shalt  }
0x86: {  	_ =	shalt  }
0x87: {  	_ =	shalt  }
.Lfunc_end0:
.L_simem_size_0:
called_computation.1_lowered:
.L_overlay_start_0:
0x88: {  	s2 =	sld [smem:$0x3FD9]  }
0x89: {  	s3 =	sld [smem:$0x3FFE];
	_ =	sdelay $0x1  }
0x8a: {  	s1 =	srdreg.scid  }
0x8b: {  	s0 =	sand.u32 $0x1, s1  }
0x8c: {  	s17 =	sshll.u32 s0, $0xA;
	s2 =	sadd.s32 s3, s2  }
0x8d: {  	s2 =	sadd.s32 s2, s17  }
0x8e: {  	[smem:$0x3FC2] =	sst s2  }
0x8f: {  	_ = 	snop  }
0x90: {  	s2 =	sld [smem:$0x3FD0];
	(tm) =	ssettm $0x1  }
0x91: {  	s18 =	sld [smem:$0x3FFB];
	_ =	sdelay $0x3  }
0x92: {  	_ =	strace s18  }
0x93: {  	s3 =	sld [smem:$0x3FFC];
	_ =	sdelay $0x3  }
0x94: {  	_ =	strace s3  }
0x95: {  	s3 =	sld [smem:$0x3FFD];
	_ =	sdelay $0x3  }
0x96: {  	_ =	strace s3  }
0x97: {  	_ =	strace $0x8FFFFFFF  }
0x98: {  	s19 =	sld [smem:$0x3FDB];
	_ =	sdelay $0x1  }
0x99: {  	s4 =	simm.s32 $_scs_section_size  }
0x9a: {  	s5 =	simm.s32 $_size__tile_overlayer_lowered;
	s6 =	simm.s32 $_tile_overlayer_lowered  }
0x9b: {  	s22 =	simm.s32 $0x1BFF;
	s21 =	sshll.u32 s6, $0x1;
	s3 =	sadd.s32 s4, s19  }
0x9c: {  	s7 =	simm.s32 $0x0;
	s20 =	sshll.u32 s5, $0x1;
	s5 =	sadd.s32 s21, s3  }
0x9d: {  	[timem:s7], [sflag:s22] =	dma.local [hbm:s5], s20  }
0x9e: {  	_ =	swait.ge [sflag:s22], s20  }
0x9f: {  	s4 =	ssub.s32 $0x0, s20;
	[sflag:s22] =	ssyncset.done $0x0  }
0xa0: {  	[sflag:s22] =	ssyncadd.s32 s4;
	_ =	sdelay $0x1  }
0xa1: {  	s23 =	simm.s32 $0x1B8B  }
0xa2: {  	_ =	swait.ge [sflag:s23], $0x1  }
0xa3: {  	[sflag:s23] =	ssyncset.done $0x0  }
0xa4: {  	s25 =	simm.s32 $0x1B8E;
	s24 =	sld [smem:$0x3FFE];
	[sflag:s23] =	ssyncadd.s32 $0xFFFFFFFF  }
0xa5: {  	s26 =	simm.s32 $execute0_lowered;
	[smem:$0x3FD2] =	sst s25  }
0xa6: {  	s5 =	sshll.u32 s26, $0x1;
	_ =	strace $0x80000049;
	[dreg:$0x1] =	wrdreg $0xFFFFFFFF  }
0xa7: {  	s28 =	simm.s32 $_size_execute0_lowered;
	s3 =	sadd.s32 s3, s5;
	[dreg:$0x0] =	wrdreg $0x0  }
0xa8: {  	s5 =	sshll.u32 s28, $0x1;
	[dreg:$0x2] =	wrdreg s3  }
0xa9: {  	[dreg:$0x3] =	wrdreg s5  }
0xaa: {  	[dreg:$0x4] =	wrdreg $0xC0  }
0xab: {  	_ =	task [dreg:s7], $0x5FFFF  }
0xac: {  	[dreg:$0x1] =	wrdreg $0xFFFFFFFF  }
0xad: {  	[dreg:$0x0] =	wrdreg $0x60  }
0xae: {  	[dreg:$0x2] =	wrdreg s2  }
0xaf: {  	[dreg:$0x3] =	wrdreg s24  }
0xb0: {  	[dreg:$0x4] =	wrdreg $0xC4000  }
0xb1: {  	[dreg:$0x5] =	wrdreg $0x9  }
0xb2: {  	_ =	task.clear_ibuf [dreg:s7], $0x6FFFF;
	_ =	strace $0x90000049  }
0xb3: {  	s29 =	simm.s32 $0x9;
	_ =	strace $0x8000004B  }
0xb4: {  	_ =	swait.ge [sflag:s29], $0x1  }
0xb5: {  	[sflag:s29] =	ssyncadd.s32 $0xFFFFFFFF  }
0xb6: {  	_ =	strace $0x9000004B  }
0xb7: {  	_ =	sfence  }
0xb8: {  	s30 =	sld [smem:$0x0];
	_ =	sdelay $0x2  }
0xb9: {  	s31 =	sshll.u32 s1, $0xD;
	s1 =	sshrl.u32 s1, $0x2  }
0xba: {  	s3 =	sand.u32 $0x4000, s31;
	s1 =	sadd.s32 s1, s30  }
0xbb: {  	s0 =	sor.u32 s3, s0;
	s1 =	sshll.u32 s1, $0x11  }
0xbc: {  	s0 =	sor.u32 s1, s0  }
0xbd: {  	s0 =	sadd.s32 $0x8F2B, s0  }
0xbe: {  	[sflag:s0] =	ssyncadd.remote.s32 $0x1  }
0xbf: {  	_ =	sfence.sel $0xFFFF  }
0xc0: {  	[dreg:$0x0] =	wrdreg $0xFFFFFFFF;
	(pc) =	sbr.abs _section_cstart, $3  }
0xc1: {  	[dreg:$0x1] =	wrdreg $0xFFFFFFFF  }
0xc2: {  	_ =	task.clear_ibuf [dreg:s7], $0x2FFFF;
	_ =	strace $0x9FFFFFFF  }
0xc3: {  	(tm) =	ssettm $0x7FFFFFFF  }
tec
execute0_lowered:
.L_overlay_start_1:
0x0: {  	(tag) =	ssettag $0x1  }
0x1: {  	s1 =	rddreg [dreg:$0x0]  }
0x2: {  	s0 =	rddreg [dreg:$0x1]  }
0x3: {  	s2 =	srdreg.scid;
	s12 =	stileid.u32  }
0x4: {  	s3 =	rddreg [dreg:$0x2];
	s4 =	simm.s32 $0x0;
	s6 =	smul.u32 $0x278, s12  }
0x5: {  	s29 =	simm.s32 $0xC;
	s2 =	sand.u32 $0x1, s2;
	s8 =	smul.u32 $0x4F000, s12  }
0x6: {  	[smem:$0x7FF] =	sst s4;
	s5 =	sadd.s32 $0xC000, s0;
	s19 =	smul.u32 $0x500, s12  }
0x7: {  	s7 =	smul.u32 $0x2780, s2;
	_ =	strace $0x8000004A;
	s22 =	ssub.s32 $0x2, s2  }
0x8: {  	s9 =	sshll.u32 s2, $0x4;
	s2 =	smul.u32 $0x5000, s2;
	s10 =	sshrl.u32 s22, $0x1  }
0x9: {  	s9 =	sor.u32 s12, s9;
	s8 =	sshrl.u32 s8, $0x2;
	s12 =	simm.s32 $0x280  }
0xa: {  	s7 =	sadd.s32 s6, s7;
	s6 =	sadd.s32 $0x2000, s0;
	s2 =	sadd.s32 s19, s2  }
0xb: {  	s26 =	sadd.s32 s8, s3;
	s23 =	smul.u32 $0x500, s9;
	[dreg:$0x4] =	wrdreg s2  }
0xc: {  	s9 =	smul.u32 $0x2800, s9;
	s28 =	sadd.s32 $0x4000, s26;
	[dreg:$0x5] =	wrdreg s26  }
0xd: {  	s19 =	simm.s32 $0x300;
	s30 =	sadd.s32 $0x8000, s26;
	[dreg:$0x6] =	wrdreg s28  }
0xe: {  	s7 =	sshll.u32 s7, $0x4;
	s31 =	sadd.s32 $0x10000, s26;
	[dreg:$0x7] =	wrdreg s30  }
0xf: {  	s2 =	simm.s32 $0x80;
	s8 =	sadd.s32 s6, s23;
	[dreg:$0x19] =	wrdreg s31  }
0x10: {  	s13 =	sadd.s32 s5, s23;
	s24 =	sor.u32 $0x10, s23;
	[dreg:$0xb] =	wrdreg s8  }
0x11: {  	s11 =	sor.u32 $0x20, s23;
	s14 =	sadd.s32 s5, s24;
	[dreg:$0x8] =	wrdreg s13  }
0x12: {  	s0 =	sadd.s32 s7, s0;
	s25 =	sadd.s32 s5, s11;
	[dreg:$0x9] =	wrdreg s14  }
0x13: {  	s7 =	ssub.s32 s22, s10;
	s16 =	sadd.s32 s6, s11;
	[dreg:$0xa] =	wrdreg s25  }
0x14: {  	s9 =	sshrl.u32 s9, $0x3;
	s20 =	sadd.s32 $0x16200, s0;
	[dreg:$0xd] =	wrdreg s16  }
0x15: {  	s15 =	sadd.s32 $0x4F0, s9;
	s21 =	sadd.s32 $0x16A00, s0;
	[dreg:$0x12] =	wrdreg s20  }
0x16: {  	s18 =	sadd.s32 s6, s9;
	s22 =	sadd.s32 $0x17200, s0;
	[dreg:$0x13] =	wrdreg s21  }
0x17: {  	s9 =	sadd.s32 s5, s9;
	s23 =	sadd.s32 $0x17A00, s0;
	[dreg:$0x14] =	wrdreg s22  }
0x18: {  	s0 =	sadd.s32 $0x18200, s0;
	s11 =	sadd.s32 $0xC000, s26;
	[dreg:$0x15] =	wrdreg s23  }
0x19: {  	s14 =	sadd.s32 s6, s24;
	s17 =	sadd.s32 s5, s15;
	[dreg:$0x16] =	wrdreg s0  }
0x1a: {  	s10 =	sadd.s32 $0x4E0, s18;
	s9 =	sadd.s32 $0x500, s9;
	[dreg:$0x18] =	wrdreg s11  }
0x1b: {  	s8 =	sadd.s32 s6, s15;
	s24 =	smax.u32 s7, $0x1;
	[dreg:$0xc] =	wrdreg s14  }
0x1c: {  	s25 =	sadd.s32 $0x30, s13;
	s13 =	simm.s32 $0x1;
	[dreg:$0xe] =	wrdreg s17  }
0x1d: {  	s15 =	simm.s32 $0x4400;
	s16 =	simm.s32 $0x7;
	[dreg:$0xf] =	wrdreg s10  }
0x1e: {  	s18 =	simm.s32 $0x8400;
	s20 =	simm.s32 $0x8;
	[dreg:$0x10] =	wrdreg s9  }
0x1f: {  	s21 =	simm.s32 $0x5;
	s22 =	simm.s32 $0xA;
	[dreg:$0x11] =	wrdreg s8  }
0x20: {  	s23 =	simm.s32 $0x9;
	s7 =	simm.s32 $0x0;
	[dreg:$0x17] =	wrdreg s24  }
0x21: {  	[dreg:$0x1a] =	wrdreg s25;
	s14 =	simm.s32 $0x2;
	s10 =	simm.s32 $0x4  }
0x22: {  	v0 =	vimm.f32 $0.0e+00;
	s17 =	simm.s32 $0x3;
	s24 =	simm.s32 $0x6;
	s25 =	simm.s32 $0xB  }
.LBB2_1:
0x23: {  	[dreg:$0x1b] =	wrdreg s7;
	s7 =	simm.s32 $0x0;
	s9 =	simm.s32 $0x200  }
.LBB2_2:
0x24: {  	p0 =	sne.s32 s9, $0xFE00;
	[tilespmem:s7+$0x470] =	vst v0  }
0x25: {  	[tilespmem:s7+$0x400] =	vst v0  }
0x26: {  	[tilespmem:s7+$0x410] =	vst v0  }
.Ltmp0:
0x27: {  	[tilespmem:s7+$0x420] =	vst v0;
	(pc) =	sbr.rel @p0 .LBB2_2-.Ltmp0, $4  }
0x28: {  	[tilespmem:s7+$0x430] =	vst v0  }
0x29: {  	[tilespmem:s7+$0x440] =	vst v0  }
0x2a: {  	[tilespmem:s7+$0x450] =	vst v0  }
0x2b: {  	[tilespmem:s7+$0x460] =	vst v0;
	s7 =	sshra.s32 s9, $0x2;
	s9 =	sadd.s32 $0x200, s9  }
0x2c: {  	[tilespmem:s7+$0x470] =	vst v0  }
0x2d: {  	[tilespmem:s7+$0x400] =	vst v0  }
0x2e: {  	[tilespmem:s7+$0x410] =	vst v0  }
0x2f: {  	[tilespmem:s7+$0x420] =	vst v0  }
0x30: {  	[tilespmem:s7+$0x430] =	vst v0  }
0x31: {  	[tilespmem:s7+$0x440] =	vst v0  }
0x32: {  	[tilespmem:s7+$0x450] =	vst v0  }
0x33: {  	[tilespmem:s7+$0x460] =	vst v0;
	s0 =	simm.s32 $0x400  }
0x34: {  	[spmem:s26] =	stream.linear.scatter [tilespmem:s0], [sflag:$0xD], $0x4000, $0x38;
	v63 =	vld [tilespmem:$0x0]  }
0x35: {  	s26 =	simm.s32 $0xD  }
0x36: {  	_ =	swait.ge [sflag:s26], $0x4000  }
0x37: {  	[sflag:s26] =	ssyncset.done $0x0  }
0x38: {  	[sflag:s26] =	ssyncadd.s32 $0xFFFFC000  }
0x39: {  	[spmem:s28] =	stream.linear.scatter [tilespmem:s0], [sflag:$0xD], $0x4000, $0x38;
	v63 =	vld [tilespmem:$0x0]  }
0x3a: {  	_ =	swait.ge [sflag:s26], $0x4000  }
0x3b: {  	[sflag:s26] =	ssyncset.done $0x0  }
0x3c: {  	[sflag:s26] =	ssyncadd.s32 $0xFFFFC000  }
0x3d: {  	[spmem:s30] =	stream.linear.scatter [tilespmem:s0], [sflag:$0xD], $0x4000, $0x38;
	v63 =	vld [tilespmem:$0x0]  }
0x3e: {  	_ =	swait.ge [sflag:s26], $0x4000  }
0x3f: {  	[sflag:s26] =	ssyncset.done $0x0  }
0x40: {  	[sflag:s26] =	ssyncadd.s32 $0xFFFFC000  }
0x41: {  	[spmem:s11] =	stream.linear.scatter [tilespmem:s0], [sflag:$0xD], $0x4000, $0x38;
	v63 =	vld [tilespmem:$0x0]  }
0x42: {  	_ =	swait.ge [sflag:s26], $0x4000  }
0x43: {  	[sflag:s26] =	ssyncset.done $0x0  }
0x44: {  	s11 =	simm.s32 $0x400;
	[sflag:s26] =	ssyncadd.s32 $0xFFFFC000  }
0x45: {  	[spmem:s31] =	stream.linear.scatter [tilespmem:s11], [sflag:$0xD], $0x3C00, $0x38;
	v63 =	vld [tilespmem:$0x0]  }
0x46: {  	_ =	swait.ge [sflag:s26], $0x3C00  }
0x47: {  	[sflag:s26] =	ssyncset.done $0x0  }
0x48: {  	[sflag:s26] =	ssyncadd.s32 $0xFFFFC400  }
0x49: {  	[bflag:$0x0] =	sbarrier.arrive $0xFFFF  }
0x4a: {  	s7 =	rddreg [dreg:$0x8]  }
0x4b: {  	[tilespmem:s4], [sflag:$0x1] =	stream.linear.gather [hbm4b:s7+s4], $0x80, $0x38;
	v63 =	vld [tilespmem:$0x0]  }
0x4c: {  	s8 =	rddreg [dreg:$0x9]  }
0x4d: {  	[tilespmem:s2], [sflag:$0x2] =	stream.linear.gather [hbm4b:s8+s4], $0x80, $0x38;
	v63 =	vld [tilespmem:$0x0]  }
0x4e: {  	s31 =	simm.s32 $0x100;
	s9 =	rddreg [dreg:$0xa]  }
0x4f: {  	[tilespmem:s31], [sflag:$0x3] =	stream.linear.gather [hbm4b:s9+s4], $0x80, $0x38;
	v63 =	vld [tilespmem:$0x0]  }
0x50: {  	s26 =	rddreg [dreg:$0xb];
	s8 =	simm.s32 $0x200  }
0x51: {  	[tilespmem:s8], [sflag:$0x4] =	stream.linear.gather [hbm4b:s26+s4], $0x80, $0x38;
	v63 =	vld [tilespmem:$0x0]  }
0x52: {  	s30 =	rddreg [dreg:$0xc]  }
0x53: {  	[tilespmem:s12], [sflag:$0x5] =	stream.linear.gather [hbm4b:s30+s4], $0x80, $0x38;
	v63 =	vld [tilespmem:$0x0]  }
0x54: {  	_ =	swait.ge [sflag:s13], $0x80  }
0x55: {  	[sflag:s13] =	ssyncset.done $0x0  }
0x56: {  	[sflag:s13] =	ssyncadd.s32 $0xFFFFFF80  }
0x57: {  	[tilespmem:s11], [sflag:$0x7] =	stream.indirect.gather [hbm4b:s1+s2], $0x80, s4, s2, $0xb8;
	v63 =	vld [tilespmem:$0x0]  }
0x58: {  	_ =	swait.ge [sflag:s14], $0x80  }
0x59: {  	[sflag:s14] =	ssyncset.done $0x0  }
0x5a: {  	[sflag:s14] =	ssyncadd.s32 $0xFFFFFF80  }
0x5b: {  	[tilespmem:s15], [sflag:$0x8] =	stream.indirect.gather [hbm4b:s1+s2], $0x80, s2, s2, $0xb8;
	v63 =	vld [tilespmem:$0x0]  }
0x5c: {  	_ =	swait.ge [sflag:s16], $0x4000  }
0x5d: {  	[sflag:s16] =	ssyncset.done $0x0  }
0x5e: {  	[sflag:s16] =	ssyncadd.s32 $0xFFFFC000  }
0x5f: {  	_ =	swait.ge [sflag:s10], $0x80  }
0x60: {  	[sflag:s10] =	ssyncset.done $0x0  }
0x61: {  	[sflag:s10] =	ssyncadd.s32 $0xFFFFFF80  }
0x62: {  	[spmem:s3] =	stream.indirect.scatter.add.f32 [tilespmem:s11], [sflag:$0xA], $0x80, s8, s2, $0xb8;
	v63 =	vld [tilespmem:$0x0]  }
0x63: {  	_ =	swait.ge [sflag:s17], $0x80  }
0x64: {  	[sflag:s17] =	ssyncset.done $0x0  }
0x65: {  	[sflag:s17] =	ssyncadd.s32 $0xFFFFFF80  }
0x66: {  	[tilespmem:s18], [sflag:$0x9] =	stream.indirect.gather [hbm4b:s1+s2], $0x80, s31, s2, $0xb8;
	v63 =	vld [tilespmem:$0x0]  }
0x67: {  	s7 =	rddreg [dreg:$0x1a]  }
0x68: {  	[tilespmem:s4], [sflag:$0x1] =	stream.linear.gather [hbm4b:s7+s4], $0x80, $0x38;
	v63 =	vld [tilespmem:$0x0]  }
0x69: {  	s9 =	rddreg [dreg:$0xd]  }
0x6a: {  	[tilespmem:s19], [sflag:$0x6] =	stream.linear.gather [hbm4b:s9+s4], $0x80, $0x38;
	v63 =	vld [tilespmem:$0x0]  }
0x6b: {  	_ =	swait.ge [sflag:s20], $0x4000  }
0x6c: {  	[sflag:s20] =	ssyncset.done $0x0  }
0x6d: {  	[sflag:s20] =	ssyncadd.s32 $0xFFFFC000  }
0x6e: {  	_ =	swait.ge [sflag:s21], $0x80  }
0x6f: {  	[sflag:s21] =	ssyncset.done $0x0  }
0x70: {  	[sflag:s21] =	ssyncadd.s32 $0xFFFFFF80  }
0x71: {  	[spmem:s3] =	stream.indirect.scatter.add.f32 [tilespmem:s15], [sflag:$0xB], $0x80, s12, s2, $0xb8;
	v63 =	vld [tilespmem:$0x0]  }
0x72: {  	_ =	swait.ge [sflag:s13], $0x80  }
0x73: {  	[sflag:s13] =	ssyncset.done $0x0  }
0x74: {  	[sflag:s13] =	ssyncadd.s32 $0xFFFFFF80  }
0x75: {  	_ =	swait.ge [sflag:s22], $0x4000  }
0x76: {  	s26 =	rddreg [dreg:$0x4]  }
0x77: {  	[sflag:s22] =	ssyncset.done $0x0;
	s28 =	sadd.s32 $0x60, s26  }
0x78: {  	s30 =	simm.s32 $0x40;
	[sflag:s22] =	ssyncadd.s32 $0xFFFFC000;
	s9 =	sadd.s32 $0xFFFFFFE0, s28  }
0x79: {  	[tilespmem:s11], [sflag:$0x7] =	stream.indirect.gather [hbm4b:s1+s2], $0x80, s4, s2, $0xb8;
	v63 =	vld [tilespmem:$0x0]  }
0x7a: {  	s0 =	simm.s32 $0x30;
	s7 =	sand.u32 $0x70, s30;
	s9 =	sand.u32 $0xFFFFF80, s9  }
0x7b: {  	s7 =	sor.u32 s7, s9;
	s9 =	sand.u32 $0x70, s0;
	s0 =	sadd.s32 $0xFFFFFFD0, s28  }
0x7c: {  	s30 =	sadd.s32 s5, s7;
	s26 =	sand.u32 $0xFFFFF80, s0;
	s9 =	sadd.s32 s6, s9  }
0x7d: {  	[tilespmem:s2], [sflag:$0x2] =	stream.linear.gather [hbm4b:s30+s4], $0x80, $0x38;
	v63 =	vld [tilespmem:$0x0]  }
0x7e: {  	s9 =	sadd.s32 s26, s9  }
0x7f: {  	[tilespmem:s8], [sflag:$0x4] =	stream.linear.gather [hbm4b:s9+s4], $0x80, $0x38;
	v63 =	vld [tilespmem:$0x0]  }
0x80: {  	_ =	swait.ge [sflag:s23], $0x4000  }
0x81: {  	[sflag:s23] =	ssyncset.done $0x0  }
0x82: {  	[sflag:s23] =	ssyncadd.s32 $0xFFFFC000  }
0x83: {  	_ =	swait.ge [sflag:s24], $0x80  }
0x84: {  	[sflag:s24] =	ssyncset.done $0x0  }
0x85: {  	[sflag:s24] =	ssyncadd.s32 $0xFFFFFF80  }
0x86: {  	[spmem:s3] =	stream.indirect.scatter.add.f32 [tilespmem:s18], [sflag:$0xC], $0x80, s19, s2, $0xb8;
	v63 =	vld [tilespmem:$0x0]  }
0x87: {  	_ =	swait.ge [sflag:s14], $0x80  }
0x88: {  	[sflag:s14] =	ssyncset.done $0x0  }
0x89: {  	[sflag:s14] =	ssyncadd.s32 $0xFFFFFF80  }
0x8a: {  	s26 =	simm.s32 $0x50;
	s30 =	sadd.s32 $0xFFFFFFF0, s28;
	_ =	swait.ge [sflag:s25], $0x4000  }
0x8b: {  	s9 =	sand.u32 $0x70, s26;
	s26 =	sand.u32 $0xFFFFF80, s30;
	[sflag:s25] =	ssyncset.done $0x0  }
0x8c: {  	s26 =	sor.u32 s9, s26;
	[sflag:s25] =	ssyncadd.s32 $0xFFFFC000  }
0x8d: {  	[tilespmem:s15], [sflag:$0x8] =	stream.indirect.gather [hbm4b:s1+s2], $0x80, s2, s2, $0xb8;
	v63 =	vld [tilespmem:$0x0]  }
0x8e: {  	s9 =	sadd.s32 s5, s26  }
0x8f: {  	[tilespmem:s31], [sflag:$0x3] =	stream.linear.gather [hbm4b:s9+s4], $0x80, $0x38;
	v63 =	vld [tilespmem:$0x0]  }
0x90: {  	s7 =	sadd.s32 s6, s7  }
0x91: {  	[tilespmem:s12], [sflag:$0x5] =	stream.linear.gather [hbm4b:s7+s4], $0x80, $0x38;
	v63 =	vld [tilespmem:$0x0]  }
0x92: {  	_ =	swait.ge [sflag:s16], $0x4000  }
0x93: {  	[sflag:s16] =	ssyncset.done $0x0  }
0x94: {  	[sflag:s16] =	ssyncadd.s32 $0xFFFFC000  }
0x95: {  	_ =	swait.ge [sflag:s10], $0x80  }
0x96: {  	[sflag:s10] =	ssyncset.done $0x0  }
0x97: {  	[sflag:s10] =	ssyncadd.s32 $0xFFFFFF80  }
0x98: {  	[spmem:s3] =	stream.indirect.scatter.add.f32 [tilespmem:s11], [sflag:$0xA], $0x80, s8, s2, $0xb8;
	v63 =	vld [tilespmem:$0x0]  }
0x99: {  	_ =	swait.ge [sflag:s17], $0x80  }
0x9a: {  	s28 =	sand.u32 $0xFFFFF80, s28;
	[sflag:s17] =	ssyncset.done $0x0  }
0x9b: {  	s9 =	simm.s32 $0x60;
	s7 =	simm.s32 $0x90;
	[sflag:s17] =	ssyncadd.s32 $0xFFFFFF80  }
.LBB2_4:
0x9c: {  	_ =	swait.ge [sflag:s29], $0x4000  }
0x9d: {  	s8 =	sand.u32 $0x70, s9;
	[sflag:s29] =	ssyncset.done $0x0  }
0x9e: {  	s8 =	sadd.s32 s5, s8;
	[sflag:s29] =	ssyncadd.s32 $0xFFFFC000  }
0x9f: {  	[tilespmem:s18], [sflag:$0x9] =	stream.indirect.gather [hbm4b:s1+s2], $0x80, s31, s2, $0xb8;
	v63 =	vld [tilespmem:$0x0]  }
0xa0: {  	s8 =	sadd.s32 s28, s8  }
0xa1: {  	[tilespmem:s4], [sflag:$0x1] =	stream.linear.gather [hbm4b:s8+s4], $0x80, $0x38;
	v63 =	vld [tilespmem:$0x0]  }
0xa2: {  	s26 =	sadd.s32 s6, s26  }
0xa3: {  	[tilespmem:s19], [sflag:$0x6] =	stream.linear.gather [hbm4b:s26+s4], $0x80, $0x38;
	v63 =	vld [tilespmem:$0x0]  }
0xa4: {  	_ =	swait.ge [sflag:s20], $0x4000  }
0xa5: {  	[sflag:s20] =	ssyncset.done $0x0  }
0xa6: {  	[sflag:s20] =	ssyncadd.s32 $0xFFFFC000  }
0xa7: {  	_ =	swait.ge [sflag:s21], $0x80  }
0xa8: {  	[sflag:s21] =	ssyncset.done $0x0  }
0xa9: {  	[sflag:s21] =	ssyncadd.s32 $0xFFFFFF80  }
0xaa: {  	[spmem:s3] =	stream.indirect.scatter.add.f32 [tilespmem:s15], [sflag:$0xB], $0x80, s12, s2, $0xb8;
	v63 =	vld [tilespmem:$0x0]  }
0xab: {  	_ =	swait.ge [sflag:s13], $0x80  }
0xac: {  	[sflag:s13] =	ssyncset.done $0x0  }
0xad: {  	s9 =	smov.u32 s7;
	[sflag:s13] =	ssyncadd.s32 $0xFFFFFF80  }
0xae: {  	s0 =	sadd.s32 $0xFFFFFFE0, s9;
	s28 =	sadd.s32 $0xFFFFFFF0, s9;
	_ =	swait.ge [sflag:s22], $0x4000  }
0xaf: {  	s31 =	sadd.s32 $0xFFFFFFD0, s9;
	s28 =	sand.u32 $0x70, s28;
	s30 =	rddreg [dreg:$0x4]  }
0xb0: {  	s31 =	sand.u32 $0x70, s31;
	[sflag:s22] =	ssyncset.done $0x0;
	s8 =	sadd.s32 s9, s30  }
0xb1: {  	s31 =	sadd.s32 s6, s31;
	[sflag:s22] =	ssyncadd.s32 $0xFFFFC000;
	s30 =	sadd.s32 $0xFFFFFFE0, s8  }
0xb2: {  	[tilespmem:s11], [sflag:$0x7] =	stream.indirect.gather [hbm4b:s1+s2], $0x80, s4, s2, $0xb8;
	v63 =	vld [tilespmem:$0x0]  }
0xb3: {  	s26 =	sand.u32 $0x70, s0;
	s0 =	sadd.s32 $0xFFFFFFD0, s8;
	s30 =	sand.u32 $0xFFFFF80, s30  }
0xb4: {  	s0 =	sand.u32 $0xFFFFF80, s0;
	s30 =	sor.u32 s26, s30;
	s26 =	sadd.s32 $0xFFFFFFF0, s8  }
0xb5: {  	s0 =	sadd.s32 s0, s31;
	s11 =	sadd.s32 s5, s30;
	s26 =	sand.u32 $0xFFFFF80, s26  }
0xb6: {  	[tilespmem:s2], [sflag:$0x2] =	stream.linear.gather [hbm4b:s11+s4], $0x80, $0x38;
	v63 =	vld [tilespmem:$0x0]  }
0xb7: {  	s26 =	sor.u32 s28, s26;
	s28 =	sand.u32 $0xFFFFF80, s8;
	s8 =	simm.s32 $0x200  }
0xb8: {  	[tilespmem:s8], [sflag:$0x4] =	stream.linear.gather [hbm4b:s0+s4], $0x80, $0x38;
	v63 =	vld [tilespmem:$0x0]  }
0xb9: {  	_ =	swait.ge [sflag:s23], $0x4000  }
0xba: {  	[sflag:s23] =	ssyncset.done $0x0  }
0xbb: {  	[sflag:s23] =	ssyncadd.s32 $0xFFFFC000  }
0xbc: {  	_ =	swait.ge [sflag:s24], $0x80  }
0xbd: {  	[sflag:s24] =	ssyncset.done $0x0  }
0xbe: {  	[sflag:s24] =	ssyncadd.s32 $0xFFFFFF80  }
0xbf: {  	[spmem:s3] =	stream.indirect.scatter.add.f32 [tilespmem:s18], [sflag:$0xC], $0x80, s19, s2, $0xb8;
	v63 =	vld [tilespmem:$0x0]  }
0xc0: {  	_ =	swait.ge [sflag:s14], $0x80  }
0xc1: {  	[sflag:s14] =	ssyncset.done $0x0  }
0xc2: {  	[sflag:s14] =	ssyncadd.s32 $0xFFFFFF80  }
0xc3: {  	_ =	swait.ge [sflag:s25], $0x4000  }
0xc4: {  	[sflag:s25] =	ssyncset.done $0x0  }
0xc5: {  	[sflag:s25] =	ssyncadd.s32 $0xFFFFC000  }
0xc6: {  	[tilespmem:s15], [sflag:$0x8] =	stream.indirect.gather [hbm4b:s1+s2], $0x80, s2, s2, $0xb8;
	v63 =	vld [tilespmem:$0x0]  }
0xc7: {  	s31 =	simm.s32 $0x100;
	s0 =	sadd.s32 s5, s26  }
0xc8: {  	[tilespmem:s31], [sflag:$0x3] =	stream.linear.gather [hbm4b:s0+s4], $0x80, $0x38;
	v63 =	vld [tilespmem:$0x0]  }
0xc9: {  	s30 =	sadd.s32 s6, s30  }
0xca: {  	[tilespmem:s12], [sflag:$0x5] =	stream.linear.gather [hbm4b:s30+s4], $0x80, $0x38;
	v63 =	vld [tilespmem:$0x0]  }
0xcb: {  	_ =	swait.ge [sflag:s16], $0x4000  }
0xcc: {  	[sflag:s16] =	ssyncset.done $0x0  }
0xcd: {  	[sflag:s16] =	ssyncadd.s32 $0xFFFFC000  }
0xce: {  	_ =	swait.ge [sflag:s10], $0x80  }
0xcf: {  	p0 =	sne.s32 s7, $0x4E0;
	[sflag:s10] =	ssyncset.done $0x0  }
.Ltmp1:
0xd0: {  	s11 =	simm.s32 $0x400;
	[sflag:s10] =	ssyncadd.s32 $0xFFFFFF80;
	(pc) =	sbr.rel @p0 .LBB2_4-.Ltmp1, $4  }
0xd1: {  	[spmem:s3] =	stream.indirect.scatter.add.f32 [tilespmem:s11], [sflag:$0xA], $0x80, s8, s2, $0xb8;
	v63 =	vld [tilespmem:$0x0]  }
0xd2: {  	_ =	swait.ge [sflag:s17], $0x80  }
0xd3: {  	[sflag:s17] =	ssyncset.done $0x0  }
0xd4: {  	s7 =	sadd.s32 $0x30, s7;
	[sflag:s17] =	ssyncadd.s32 $0xFFFFFF80  }
0xd5: {  	_ =	swait.ge [sflag:s29], $0x4000  }
0xd6: {  	s0 =	sand.u32 $0x70, s9;
	[sflag:s29] =	ssyncset.done $0x0  }
0xd7: {  	s0 =	sadd.s32 s5, s0;
	[sflag:s29] =	ssyncadd.s32 $0xFFFFC000  }
0xd8: {  	[tilespmem:s18], [sflag:$0x9] =	stream.indirect.gather [hbm4b:s1+s2], $0x80, s31, s2, $0xb8;
	v63 =	vld [tilespmem:$0x0]  }
0xd9: {  	s0 =	sadd.s32 s28, s0  }
0xda: {  	[tilespmem:s4], [sflag:$0x1] =	stream.linear.gather [hbm4b:s0+s4], $0x80, $0x38;
	v63 =	vld [tilespmem:$0x0]  }
0xdb: {  	s26 =	sadd.s32 s6, s26  }
0xdc: {  	[tilespmem:s19], [sflag:$0x6] =	stream.linear.gather [hbm4b:s26+s4], $0x80, $0x38;
	v63 =	vld [tilespmem:$0x0]  }
0xdd: {  	_ =	swait.ge [sflag:s20], $0x4000  }
0xde: {  	[sflag:s20] =	ssyncset.done $0x0  }
0xdf: {  	[sflag:s20] =	ssyncadd.s32 $0xFFFFC000  }
0xe0: {  	_ =	swait.ge [sflag:s21], $0x80  }
0xe1: {  	[sflag:s21] =	ssyncset.done $0x0  }
0xe2: {  	[sflag:s21] =	ssyncadd.s32 $0xFFFFFF80  }
0xe3: {  	[spmem:s3] =	stream.indirect.scatter.add.f32 [tilespmem:s15], [sflag:$0xB], $0x80, s12, s2, $0xb8;
	v63 =	vld [tilespmem:$0x0]  }
0xe4: {  	_ =	swait.ge [sflag:s13], $0x80  }
0xe5: {  	[sflag:s13] =	ssyncset.done $0x0  }
0xe6: {  	[sflag:s13] =	ssyncadd.s32 $0xFFFFFF80  }
0xe7: {  	_ =	swait.ge [sflag:s22], $0x4000  }
0xe8: {  	[sflag:s22] =	ssyncset.done $0x0  }
0xe9: {  	[sflag:s22] =	ssyncadd.s32 $0xFFFFC000  }
0xea: {  	[tilespmem:s11], [sflag:$0x7] =	stream.indirect.gather [hbm4b:s1+s2], $0x80, s4, s2, $0xb8;
	v63 =	vld [tilespmem:$0x0]  }
0xeb: {  	s7 =	rddreg [dreg:$0xe]  }
0xec: {  	[tilespmem:s2], [sflag:$0x2] =	stream.linear.gather [hbm4b:s7+s4], $0x80, $0x38;
	v63 =	vld [tilespmem:$0x0]  }
0xed: {  	s9 =	rddreg [dreg:$0xf]  }
0xee: {  	[tilespmem:s8], [sflag:$0x4] =	stream.linear.gather [hbm4b:s9+s4], $0x80, $0x38;
	v63 =	vld [tilespmem:$0x0]  }
0xef: {  	_ =	swait.ge [sflag:s23], $0x4000  }
0xf0: {  	[sflag:s23] =	ssyncset.done $0x0  }
0xf1: {  	[sflag:s23] =	ssyncadd.s32 $0xFFFFC000  }
0xf2: {  	_ =	swait.ge [sflag:s24], $0x80  }
0xf3: {  	[sflag:s24] =	ssyncset.done $0x0  }
0xf4: {  	[sflag:s24] =	ssyncadd.s32 $0xFFFFFF80  }
0xf5: {  	[spmem:s3] =	stream.indirect.scatter.add.f32 [tilespmem:s18], [sflag:$0xC], $0x80, s19, s2, $0xb8;
	v63 =	vld [tilespmem:$0x0]  }
0xf6: {  	_ =	swait.ge [sflag:s14], $0x80  }
0xf7: {  	[sflag:s14] =	ssyncset.done $0x0  }
0xf8: {  	[sflag:s14] =	ssyncadd.s32 $0xFFFFFF80  }
0xf9: {  	_ =	swait.ge [sflag:s25], $0x4000  }
0xfa: {  	[sflag:s25] =	ssyncset.done $0x0  }
0xfb: {  	[sflag:s25] =	ssyncadd.s32 $0xFFFFC000  }
0xfc: {  	[tilespmem:s15], [sflag:$0x8] =	stream.indirect.gather [hbm4b:s1+s2], $0x80, s2, s2, $0xb8;
	v63 =	vld [tilespmem:$0x0]  }
0xfd: {  	s26 =	rddreg [dreg:$0x10]  }
0xfe: {  	[tilespmem:s31], [sflag:$0x3] =	stream.linear.gather [hbm4b:s26+s4], $0x80, $0x38;
	v63 =	vld [tilespmem:$0x0]  }
0xff: {  	s7 =	rddreg [dreg:$0x11]  }
0x100: {  	[tilespmem:s12], [sflag:$0x5] =	stream.linear.gather [hbm4b:s7+s4], $0x80, $0x38;
	v63 =	vld [tilespmem:$0x0]  }
0x101: {  	_ =	swait.ge [sflag:s16], $0x4000  }
0x102: {  	[sflag:s16] =	ssyncset.done $0x0  }
0x103: {  	[sflag:s16] =	ssyncadd.s32 $0xFFFFC000  }
0x104: {  	_ =	swait.ge [sflag:s10], $0x80  }
0x105: {  	[sflag:s10] =	ssyncset.done $0x0  }
0x106: {  	[sflag:s10] =	ssyncadd.s32 $0xFFFFFF80  }
0x107: {  	[spmem:s3] =	stream.indirect.scatter.add.f32 [tilespmem:s11], [sflag:$0xA], $0x80, s8, s2, $0xb8;
	v63 =	vld [tilespmem:$0x0]  }
0x108: {  	_ =	swait.ge [sflag:s29], $0x4000  }
0x109: {  	[sflag:s29] =	ssyncset.done $0x0  }
0x10a: {  	[sflag:s29] =	ssyncadd.s32 $0xFFFFC000  }
0x10b: {  	_ =	swait.ge [sflag:s20], $0x4000  }
0x10c: {  	[sflag:s20] =	ssyncset.done $0x0  }
0x10d: {  	[sflag:s20] =	ssyncadd.s32 $0xFFFFC000  }
0x10e: {  	_ =	swait.ge [sflag:s21], $0x80  }
0x10f: {  	[sflag:s21] =	ssyncset.done $0x0  }
0x110: {  	[sflag:s21] =	ssyncadd.s32 $0xFFFFFF80  }
0x111: {  	[spmem:s3] =	stream.indirect.scatter.add.f32 [tilespmem:s15], [sflag:$0xB], $0x80, s12, s2, $0xb8;
	v63 =	vld [tilespmem:$0x0]  }
0x112: {  	_ =	swait.ge [sflag:s22], $0x4000  }
0x113: {  	[sflag:s22] =	ssyncset.done $0x0  }
0x114: {  	[sflag:s22] =	ssyncadd.s32 $0xFFFFC000  }
0x115: {  	_ =	swait.ge [sflag:s25], $0x4000  }
0x116: {  	[sflag:s25] =	ssyncset.done $0x0  }
0x117: {  	[sflag:s25] =	ssyncadd.s32 $0xFFFFC000  }
0x118: {  	_ =	swait.ge [sflag:s17], $0x80  }
0x119: {  	[sflag:s17] =	ssyncset.done $0x0  }
0x11a: {  	[sflag:s17] =	ssyncadd.s32 $0xFFFFFF80  }
0x11b: {  	s9 =	stileid.u32;
	[bflag:$0x0] =	sbarrier.arrive $0xFFFF  }
0x11c: {  	s0 =	sshll.u32 s9, $0x6;
	s9 =	simm.s32 $0xD;
	s26 =	rddreg [dreg:$0x5]  }
0x11d: {  	s0 =	sor.u32 $0x1C0D, s0;
	s11 =	rddreg [dreg:$0x12];
	s7 =	sshrl.u32 s26, $0x3  }
0x11e: {  	[hbm:s11], [sflag:s0] =	dma.local [spmem:s7], $0x800  }
0x11f: {  	_ =	swait.ge [sflag:s9], $0x800  }
0x120: {  	[sflag:s9] =	ssyncset.done $0x0;
	s28 =	rddreg [dreg:$0x6]  }
0x121: {  	s11 =	rddreg [dreg:$0x13];
	[sflag:s9] =	ssyncadd.s32 $0xFFFFF800;
	s8 =	sshrl.u32 s28, $0x3  }
0x122: {  	[hbm:s11], [sflag:s0] =	dma.local [spmem:s8], $0x800  }
0x123: {  	_ =	swait.ge [sflag:s9], $0x800  }
0x124: {  	[sflag:s9] =	ssyncset.done $0x0;
	s30 =	rddreg [dreg:$0x7]  }
0x125: {  	s11 =	rddreg [dreg:$0x14];
	[sflag:s9] =	ssyncadd.s32 $0xFFFFF800;
	s8 =	sshrl.u32 s30, $0x3  }
0x126: {  	[hbm:s11], [sflag:s0] =	dma.local [spmem:s8], $0x800  }
0x127: {  	_ =	swait.ge [sflag:s9], $0x800  }
0x128: {  	[sflag:s9] =	ssyncset.done $0x0;
	s11 =	rddreg [dreg:$0x18]  }
0x129: {  	s8 =	rddreg [dreg:$0x15];
	[sflag:s9] =	ssyncadd.s32 $0xFFFFF800;
	s7 =	sshrl.u32 s11, $0x3  }
0x12a: {  	[hbm:s8], [sflag:s0] =	dma.local [spmem:s7], $0x800  }
0x12b: {  	_ =	swait.ge [sflag:s9], $0x800  }
0x12c: {  	[sflag:s9] =	ssyncset.done $0x0;
	s31 =	rddreg [dreg:$0x19]  }
0x12d: {  	s8 =	rddreg [dreg:$0x16];
	[sflag:s9] =	ssyncadd.s32 $0xFFFFF800;
	s7 =	sshrl.u32 s31, $0x3  }
0x12e: {  	[hbm:s8], [sflag:s0] =	dma.local [spmem:s7], $0x780  }
0x12f: {  	_ =	swait.ge [sflag:s9], $0x780  }
0x130: {  	s0 =	rddreg [dreg:$0x1b]  }
0x131: {  	s8 =	rddreg [dreg:$0x17];
	s7 =	sadd.s32 $0x1, s0  }
0x132: {  	p0 =	sne.s32 s7, s8  }
.Ltmp2:
0x133: {  	_ = 	snop;
	(pc) =	sbr.rel @p0 .LBB2_1-.Ltmp2, $3  }
0x134: {  	_ =	sdelay $0x1  }
0x135: {  	[sflag:s9] =	ssyncset.done $0x0  }
0x136: {  	[sflag:s9] =	ssyncadd.s32 $0xFFFFF880  }
0x137: {  	_ =	sfence.sel $0x180000  }
0x138: {  	[bflag:$0x0] =	sbarrier.arrive $0xFFFF  }
0x139: {  	_ =	strace $0x9000004A  }
0x13a: {  	s0 =	stileid.u32;
	[bflag:$0x2] =	sbarrier.arrive $0xFFFF  }
0x13b: {  	p0 =	sne.s32 s0, $0x0;
	s0 =	rddreg [dreg:$0x3]  }
0x13c: {  	s0 =	sadd.s32 @!p0 $0x100000, s0  }
0x13d: {  	[sflag:s0] =	ssyncadd.tile.s32 @!p0 $0x1;
	_ =	shalt  }
.Lfunc_end2:
_tile_overlayer_lowered:
.L_overlay_start_2:
0x13e: {  	(tag) =	ssettag $0x2  }
0x13f: {  	s0 =	rddreg [dreg:$0x0];
	s2 =	stileid.u32  }
0x140: {  	s1 =	rddreg [dreg:$0x1];
	p0 =	sne.s32 s2, $0x0  }
0x141: {  	s3 =	rddreg [dreg:$0x2];
	[bflag:$0x3] =	sbarrier.arrive $0xFFFF;
	s2 =	simm.s32 @!p0 $0x1C0D  }
0x142: {  	[timem:s3], [sflag:s2] =	dma.local @!p0 [hbm:s0], s1  }
0x143: {  	s0 =	simm.s32 @!p0 $0xD  }
0x144: {  	_ =	swait.ge @!p0 [sflag:s0], s1  }
0x145: {  	s1 =	ssub.s32 @!p0 $0x0, s1;
	[sflag:s0] =	ssyncset.done @!p0 $0x0  }
0x146: {  	[sflag:s0] =	ssyncadd.s32 @!p0 s1  }
0x147: {  	[bflag:$0x3] =	sbarrier.arrive $0xFFFF  }
0x148: {  	_ =	shalt  }

// kernel: kernel.15.cloned.1.call-start
scs
__scs_entry_jumppad:
0x0: {  	(pc) =	sbr.rel $0x88, $3  }
0x1: {  	(tag) =	ssettag $0x0;
	lr =	simm.s32 $0x1  }
0x2: {  	[smem:$0x3F9B] =	sst lr;
	_ =	strace $0xD0000000  }
0x3: {  	_ = 	snop  }
0x4: {  	_ = 	snop  }
0x5: {  	_ = 	snop  }
0x6: {  	_ = 	snop  }
0x7: {  	_ = 	snop  }
__scs_overlays_trampoline_lowered:
0x8: {  	[smem:$0x3FAA] =	sst s0  }
0x9: {  	[smem:$0x3FAB] =	sst s1  }
0xa: {  	[smem:$0x3FAC] =	sst s2  }
0xb: {  	[smem:$0x3FAD] =	sst s3  }
0xc: {  	[smem:$0x3FAE] =	sst s4  }
0xd: {  	[smem:$0x3FAF] =	sst s5  }
0xe: {  	[smem:$0x3FB0] =	sst s6  }
0xf: {  	[smem:$0x3FB1] =	sst s7  }
0x10: {  	[smem:$0x3FB2] =	sst s8  }
0x11: {  	[smem:$0x3FB3] =	sst s9;
	s0 =	simm.s32 @!p0 $0x0  }
0x12: {  	s1 =	sld [smem:$0x3F99];
	s0 =	simm.s32 @p0 $0x1  }
0x13: {  	[smem:$0x3FB4] =	sst s0;
	s0 =	simm.s32 @!p1 $0x0  }
0x14: {  	s2 =	sld [smem:$0x3F98];
	s0 =	simm.s32 @p1 $0x1  }
0x15: {  	[smem:$0x3FB5] =	sst s0;
	s0 =	simm.s32 @!p2 $0x0  }
0x16: {  	s3 =	sld [smem:$0x3FDB];
	s0 =	simm.s32 @p2 $0x1  }
0x17: {  	s4 =	simm.s32 $0x1BF5;
	[smem:$0x3FB7] =	sst s0  }
0x18: {  	s0 =	sld [smem:$0x3F9A];
	_ =	swait.ge [sflag:s4], $0x0  }
0x19: {  	s7 =	sld [smem:$0x3F9B]  }
0x1a: {  	s8 =	sadd.s32 $0xFFFFE003, lr  }
0x1b: {  	s9 =	sadd.s32 $0xFFFFFEF7, lr;
	s5 =	simm.s32 $0xFFFFFFFF;
	p2 =	slt.u32 s8, $0xFFFFF086  }
0x1c: {  	p1 =	slt.u32 s9, $0xF7A;
	s5 =	simm.s32 @!p2 $0x0  }
0x1d: {  	s5 =	simm.s32 @p1 $0x1;
	p0 =	seq.s32 s7, s2  }
0x1e: {  	s7 =	smul.u32 @!p0 $0xF7A, s2;
	p2 =	seq.s32 @!p0 s5, $0x0  }
0x1f: {  	s9 =	smul.u32 $0xF7A, s1;
	s8 =	simm.s32 @!p0 $0x1BF5;
	p2 =	por !p2, p0  }
0x20: {  	[sflag:s8] =	ssyncset.s32 @!p0 $0xFFFFF086;
	s6 =	sadd.s32 @!p0 s3, s7;
	s7 =	simm.s32 @!p0 $0x108  }
0x21: {  	s3 =	sadd.s32 s3, s9;
	s6 =	sadd.s32 @!p0 $0x88, s6;
	s7 =	simm.s32 @p2 $0x1082  }
0x22: {  	[simem:s7], [sflag:s8] =	dma.local @!p0 [hbm:s6], $0xF7A  }
0x23: {  	s9 =	sor.u32 $0xD0000000, s2;
	s6 =	simm.s32 $0x108;
	_ =	swait.ge @!p0 [sflag:s8], $0x0  }
0x24: {  	s3 =	sadd.s32 $0x88, s3;
	s6 =	simm.s32 @!p1 $0x1082;
	[sflag:s4] =	ssyncset.s32 $0xFFFFF086  }
0x25: {  	[simem:s6], [sflag:s4] =	dma.local [hbm:s3], $0xF7A  }
0x26: {  	[smem:$0x3F9B] =	sst s1;
	(tag) =	ssettag s2;
	_ =	strace s9  }
0x27: {  	s1 =	sld [smem:$0x3FAB]  }
0x28: {  	s2 =	sld [smem:$0x3FAC]  }
0x29: {  	s4 =	sld [smem:$0x3FAE]  }
0x2a: {  	p0 =	seq.s32 s5, $0x0;
	s5 =	sld [smem:$0x3FAF]  }
0x2b: {  	s6 =	sld [smem:$0x3FB0]  }
0x2c: {  	s7 =	sld [smem:$0x3FB1]  }
0x2d: {  	s3 =	simm.s32 $0x108;
	s8 =	sld [smem:$0x3FB2]  }
0x2e: {  	s3 =	simm.s32 @!p0 $0x1082;
	s9 =	sld [smem:$0x3FB3]  }
0x2f: {  	lr =	sadd.s32 s0, s3;
	s0 =	sld [smem:$0x3FAA]  }
0x30: {  	s3 =	sld [smem:$0x3FAD]  }
0x31: {  	[smem:$0x3FB6] =	sst s10  }
0x32: {  	s10 =	sld [smem:$0x3FB4];
	_ =	sdelay $0x3  }
0x33: {  	p0 =	seq.s32 s10, $0x1;
	s10 =	sld [smem:$0x3FB6];
	_ =	sdelay $0x3  }
0x34: {  	[smem:$0x3FB6] =	sst s10  }
0x35: {  	s10 =	sld [smem:$0x3FB5];
	_ =	sdelay $0x3  }
0x36: {  	p1 =	seq.s32 s10, $0x1;
	s10 =	sld [smem:$0x3FB6];
	_ =	sdelay $0x3  }
0x37: {  	[smem:$0x3FB6] =	sst s10  }
0x38: {  	s10 =	sld [smem:$0x3FB7]  }
0x39: {  	_ = 	snop;
	(pc) =	sbr.ind lr, $3  }
0x3a: {  	_ = 	snop  }
0x3b: {  	_ = 	snop  }
0x3c: {  	p2 =	seq.s32 s10, $0x1;
	s10 =	sld [smem:$0x3FB6]  }
0x3d: {  	_ =	shalt  }
0x3e: {  	_ =	shalt  }
0x3f: {  	_ =	shalt  }
0x40: {  	_ =	shalt  }
0x41: {  	_ =	shalt  }
0x42: {  	_ =	shalt  }
0x43: {  	_ =	shalt  }
0x44: {  	_ =	shalt  }
0x45: {  	_ =	shalt  }
0x46: {  	_ =	shalt  }
0x47: {  	_ =	shalt  }
0x48: {  	_ =	shalt  }
0x49: {  	_ =	shalt  }
0x4a: {  	_ =	shalt  }
0x4b: {  	_ =	shalt  }
0x4c: {  	_ =	shalt  }
0x4d: {  	_ =	shalt  }
0x4e: {  	_ =	shalt  }
0x4f: {  	_ =	shalt  }
0x50: {  	_ =	shalt  }
0x51: {  	_ =	shalt  }
0x52: {  	_ =	shalt  }
0x53: {  	_ =	shalt  }
0x54: {  	_ =	shalt  }
0x55: {  	_ =	shalt  }
0x56: {  	_ =	shalt  }
0x57: {  	_ =	shalt  }
0x58: {  	_ =	shalt  }
0x59: {  	_ =	shalt  }
0x5a: {  	_ =	shalt  }
0x5b: {  	_ =	shalt  }
0x5c: {  	_ =	shalt  }
0x5d: {  	_ =	shalt  }
0x5e: {  	_ =	shalt  }
0x5f: {  	_ =	shalt  }
0x60: {  	_ =	shalt  }
0x61: {  	_ =	shalt  }
0x62: {  	_ =	shalt  }
0x63: {  	_ =	shalt  }
0x64: {  	_ =	shalt  }
0x65: {  	_ =	shalt  }
0x66: {  	_ =	shalt  }
0x67: {  	_ =	shalt  }
0x68: {  	_ =	shalt  }
0x69: {  	_ =	shalt  }
0x6a: {  	_ =	shalt  }
0x6b: {  	_ =	shalt  }
0x6c: {  	_ =	shalt  }
0x6d: {  	_ =	shalt  }
0x6e: {  	_ =	shalt  }
0x6f: {  	_ =	shalt  }
0x70: {  	_ =	shalt  }
0x71: {  	_ =	shalt  }
0x72: {  	_ =	shalt  }
0x73: {  	_ =	shalt  }
0x74: {  	_ =	shalt  }
0x75: {  	_ =	shalt  }
0x76: {  	_ =	shalt  }
0x77: {  	_ =	shalt  }
0x78: {  	_ =	shalt  }
0x79: {  	_ =	shalt  }
0x7a: {  	_ =	shalt  }
0x7b: {  	_ =	shalt  }
0x7c: {  	_ =	shalt  }
0x7d: {  	_ =	shalt  }
0x7e: {  	_ =	shalt  }
0x7f: {  	_ =	shalt  }
0x80: {  	_ =	shalt  }
0x81: {  	_ =	shalt  }
0x82: {  	_ =	shalt  }
0x83: {  	_ =	shalt  }
0x84: {  	_ =	shalt  }
0x85: {  	_ =	shalt  }
0x86: {  	_ =	shalt  }
0x87: {  	_ =	shalt  }
.Lfunc_end0:
.L_simem_size_0:
called_computation.2_lowered:
.L_overlay_start_0:
0x88: {  	s2 =	sld [smem:$0x3FD9]  }
0x89: {  	s3 =	sld [smem:$0x3FFE];
	_ =	sdelay $0x1  }
0x8a: {  	s1 =	srdreg.scid  }
0x8b: {  	s0 =	sand.u32 $0x1, s1  }
0x8c: {  	s17 =	sshll.u32 s0, $0xA;
	s2 =	sadd.s32 s3, s2  }
0x8d: {  	s2 =	sadd.s32 s2, s17  }
0x8e: {  	[smem:$0x3FC2] =	sst s2  }
0x8f: {  	_ = 	snop  }
0x90: {  	s2 =	sld [smem:$0x3FD0];
	(tm) =	ssettm $0x1  }
0x91: {  	s18 =	sld [smem:$0x3FFB];
	_ =	sdelay $0x3  }
0x92: {  	_ =	strace s18  }
0x93: {  	s3 =	sld [smem:$0x3FFC];
	_ =	sdelay $0x3  }
0x94: {  	_ =	strace s3  }
0x95: {  	s3 =	sld [smem:$0x3FFD];
	_ =	sdelay $0x3  }
0x96: {  	_ =	strace s3  }
0x97: {  	_ =	strace $0x8FFFFFFF  }
0x98: {  	s19 =	sld [smem:$0x3FDB];
	_ =	sdelay $0x1  }
0x99: {  	s4 =	simm.s32 $_scs_section_size  }
0x9a: {  	s5 =	simm.s32 $_size__tile_overlayer_lowered;
	s6 =	simm.s32 $_tile_overlayer_lowered  }
0x9b: {  	s22 =	simm.s32 $0x1BFF;
	s21 =	sshll.u32 s6, $0x1;
	s3 =	sadd.s32 s4, s19  }
0x9c: {  	s7 =	simm.s32 $0x0;
	s20 =	sshll.u32 s5, $0x1;
	s5 =	sadd.s32 s21, s3  }
0x9d: {  	[timem:s7], [sflag:s22] =	dma.local [hbm:s5], s20  }
0x9e: {  	_ =	swait.ge [sflag:s22], s20  }
0x9f: {  	s4 =	ssub.s32 $0x0, s20;
	[sflag:s22] =	ssyncset.done $0x0  }
0xa0: {  	[sflag:s22] =	ssyncadd.s32 s4;
	_ =	sdelay $0x1  }
0xa1: {  	s23 =	simm.s32 $0x1B8B  }
0xa2: {  	_ =	swait.ge [sflag:s23], $0x1  }
0xa3: {  	[sflag:s23] =	ssyncset.done $0x0  }
0xa4: {  	s25 =	simm.s32 $0x1B8E;
	s24 =	sld [smem:$0x3FFE];
	[sflag:s23] =	ssyncadd.s32 $0xFFFFFFFF  }
0xa5: {  	s26 =	simm.s32 $execute0_lowered;
	[smem:$0x3FD2] =	sst s25  }
0xa6: {  	s5 =	sshll.u32 s26, $0x1;
	_ =	strace $0x8000004C;
	[dreg:$0x1] =	wrdreg $0xFFFFFFFF  }
0xa7: {  	s28 =	simm.s32 $_size_execute0_lowered;
	s3 =	sadd.s32 s3, s5;
	[dreg:$0x0] =	wrdreg $0x0  }
0xa8: {  	s5 =	sshll.u32 s28, $0x1;
	[dreg:$0x2] =	wrdreg s3  }
0xa9: {  	[dreg:$0x3] =	wrdreg s5  }
0xaa: {  	[dreg:$0x4] =	wrdreg $0xC0  }
0xab: {  	_ =	task [dreg:s7], $0x5FFFF  }
0xac: {  	[dreg:$0x1] =	wrdreg $0xFFFFFFFF  }
0xad: {  	[dreg:$0x0] =	wrdreg $0x60  }
0xae: {  	[dreg:$0x2] =	wrdreg s2  }
0xaf: {  	[dreg:$0x3] =	wrdreg s24  }
0xb0: {  	[dreg:$0x4] =	wrdreg $0xC4000  }
0xb1: {  	[dreg:$0x5] =	wrdreg $0x9  }
0xb2: {  	_ =	task.clear_ibuf [dreg:s7], $0x6FFFF;
	_ =	strace $0x9000004C  }
0xb3: {  	s29 =	simm.s32 $0x9;
	_ =	strace $0x8000004E  }
0xb4: {  	_ =	swait.ge [sflag:s29], $0x1  }
0xb5: {  	[sflag:s29] =	ssyncadd.s32 $0xFFFFFFFF  }
0xb6: {  	_ =	strace $0x9000004E  }
0xb7: {  	_ =	sfence  }
0xb8: {  	s30 =	sld [smem:$0x0];
	_ =	sdelay $0x2  }
0xb9: {  	s31 =	sshll.u32 s1, $0xD;
	s1 =	sshrl.u32 s1, $0x2  }
0xba: {  	s3 =	sand.u32 $0x4000, s31;
	s1 =	sadd.s32 s1, s30  }
0xbb: {  	s0 =	sor.u32 s3, s0;
	s1 =	sshll.u32 s1, $0x11  }
0xbc: {  	s0 =	sor.u32 s1, s0  }
0xbd: {  	s0 =	sadd.s32 $0x8F2B, s0  }
0xbe: {  	[sflag:s0] =	ssyncadd.remote.s32 $0x1  }
0xbf: {  	_ =	sfence.sel $0xFFFF  }
0xc0: {  	[dreg:$0x0] =	wrdreg $0xFFFFFFFF;
	(pc) =	sbr.abs _section_cstart, $3  }
0xc1: {  	[dreg:$0x1] =	wrdreg $0xFFFFFFFF  }
0xc2: {  	_ =	task.clear_ibuf [dreg:s7], $0x2FFFF;
	_ =	strace $0x9FFFFFFF  }
0xc3: {  	(tm) =	ssettm $0x7FFFFFFF  }
tec
execute0_lowered:
.L_overlay_start_1:
0x0: {  	(tag) =	ssettag $0x1  }
0x1: {  	s1 =	rddreg [dreg:$0x0]  }
0x2: {  	s0 =	rddreg [dreg:$0x1]  }
0x3: {  	s2 =	srdreg.scid;
	s12 =	stileid.u32  }
0x4: {  	s3 =	rddreg [dreg:$0x2];
	s4 =	simm.s32 $0x0;
	s6 =	smul.u32 $0x278, s12  }
0x5: {  	s29 =	simm.s32 $0xC;
	s2 =	sand.u32 $0x1, s2;
	s8 =	smul.u32 $0x4F000, s12  }
0x6: {  	[smem:$0x7FF] =	sst s4;
	s5 =	sadd.s32 $0xC000, s0;
	s19 =	smul.u32 $0x500, s12  }
0x7: {  	s7 =	smul.u32 $0x2780, s2;
	_ =	strace $0x8000004D;
	s22 =	ssub.s32 $0x2, s2  }
0x8: {  	s9 =	sshll.u32 s2, $0x4;
	s2 =	smul.u32 $0x5000, s2;
	s10 =	sshrl.u32 s22, $0x1  }
0x9: {  	s9 =	sor.u32 s12, s9;
	s8 =	sshrl.u32 s8, $0x2;
	s12 =	simm.s32 $0x280  }
0xa: {  	s7 =	sadd.s32 s6, s7;
	s6 =	sadd.s32 $0x2000, s0;
	s2 =	sadd.s32 s19, s2  }
0xb: {  	s26 =	sadd.s32 s8, s3;
	s23 =	smul.u32 $0x500, s9;
	[dreg:$0x4] =	wrdreg s2  }
0xc: {  	s9 =	smul.u32 $0x2800, s9;
	s28 =	sadd.s32 $0x4000, s26;
	[dreg:$0x5] =	wrdreg s26  }
0xd: {  	s19 =	simm.s32 $0x300;
	s30 =	sadd.s32 $0x8000, s26;
	[dreg:$0x6] =	wrdreg s28  }
0xe: {  	s7 =	sshll.u32 s7, $0x4;
	s31 =	sadd.s32 $0x10000, s26;
	[dreg:$0x7] =	wrdreg s30  }
0xf: {  	s2 =	simm.s32 $0x80;
	s8 =	sadd.s32 s6, s23;
	[dreg:$0x19] =	wrdreg s31  }
0x10: {  	s13 =	sadd.s32 s5, s23;
	s24 =	sor.u32 $0x10, s23;
	[dreg:$0xb] =	wrdreg s8  }
0x11: {  	s11 =	sor.u32 $0x20, s23;
	s14 =	sadd.s32 s5, s24;
	[dreg:$0x8] =	wrdreg s13  }
0x12: {  	s0 =	sadd.s32 s7, s0;
	s25 =	sadd.s32 s5, s11;
	[dreg:$0x9] =	wrdreg s14  }
0x13: {  	s7 =	ssub.s32 s22, s10;
	s16 =	sadd.s32 s6, s11;
	[dreg:$0xa] =	wrdreg s25  }
0x14: {  	s9 =	sshrl.u32 s9, $0x3;
	s20 =	sadd.s32 $0x16200, s0;
	[dreg:$0xd] =	wrdreg s16  }
0x15: {  	s15 =	sadd.s32 $0x4F0, s9;
	s21 =	sadd.s32 $0x16A00, s0;
	[dreg:$0x12] =	wrdreg s20  }
0x16: {  	s18 =	sadd.s32 s6, s9;
	s22 =	sadd.s32 $0x17200, s0;
	[dreg:$0x13] =	wrdreg s21  }
0x17: {  	s9 =	sadd.s32 s5, s9;
	s23 =	sadd.s32 $0x17A00, s0;
	[dreg:$0x14] =	wrdreg s22  }
0x18: {  	s0 =	sadd.s32 $0x18200, s0;
	s11 =	sadd.s32 $0xC000, s26;
	[dreg:$0x15] =	wrdreg s23  }
0x19: {  	s14 =	sadd.s32 s6, s24;
	s17 =	sadd.s32 s5, s15;
	[dreg:$0x16] =	wrdreg s0  }
0x1a: {  	s10 =	sadd.s32 $0x4E0, s18;
	s9 =	sadd.s32 $0x500, s9;
	[dreg:$0x18] =	wrdreg s11  }
0x1b: {  	s8 =	sadd.s32 s6, s15;
	s24 =	smax.u32 s7, $0x1;
	[dreg:$0xc] =	wrdreg s14  }
0x1c: {  	s25 =	sadd.s32 $0x30, s13;
	s13 =	simm.s32 $0x1;
	[dreg:$0xe] =	wrdreg s17  }
0x1d: {  	s15 =	simm.s32 $0x4400;
	s16 =	simm.s32 $0x7;
	[dreg:$0xf] =	wrdreg s10  }
0x1e: {  	s18 =	simm.s32 $0x8400;
	s20 =	simm.s32 $0x8;
	[dreg:$0x10] =	wrdreg s9  }
0x1f: {  	s21 =	simm.s32 $0x5;
	s22 =	simm.s32 $0xA;
	[dreg:$0x11] =	wrdreg s8  }
0x20: {  	s23 =	simm.s32 $0x9;
	s7 =	simm.s32 $0x0;
	[dreg:$0x17] =	wrdreg s24  }
0x21: {  	[dreg:$0x1a] =	wrdreg s25;
	s14 =	simm.s32 $0x2;
	s10 =	simm.s32 $0x4  }
0x22: {  	v0 =	vimm.f32 $0.0e+00;
	s17 =	simm.s32 $0x3;
	s24 =	simm.s32 $0x6;
	s25 =	simm.s32 $0xB  }
.LBB2_1:
0x23: {  	[dreg:$0x1b] =	wrdreg s7;
	s7 =	simm.s32 $0x0;
	s9 =	simm.s32 $0x200  }
.LBB2_2:
0x24: {  	p0 =	sne.s32 s9, $0xFE00;
	[tilespmem:s7+$0x470] =	vst v0  }
0x25: {  	[tilespmem:s7+$0x400] =	vst v0  }
0x26: {  	[tilespmem:s7+$0x410] =	vst v0  }
.Ltmp0:
0x27: {  	[tilespmem:s7+$0x420] =	vst v0;
	(pc) =	sbr.rel @p0 .LBB2_2-.Ltmp0, $4  }
0x28: {  	[tilespmem:s7+$0x430] =	vst v0  }
0x29: {  	[tilespmem:s7+$0x440] =	vst v0  }
0x2a: {  	[tilespmem:s7+$0x450] =	vst v0  }
0x2b: {  	[tilespmem:s7+$0x460] =	vst v0;
	s7 =	sshra.s32 s9, $0x2;
	s9 =	sadd.s32 $0x200, s9  }
0x2c: {  	[tilespmem:s7+$0x470] =	vst v0  }
0x2d: {  	[tilespmem:s7+$0x400] =	vst v0  }
0x2e: {  	[tilespmem:s7+$0x410] =	vst v0  }
0x2f: {  	[tilespmem:s7+$0x420] =	vst v0  }
0x30: {  	[tilespmem:s7+$0x430] =	vst v0  }
0x31: {  	[tilespmem:s7+$0x440] =	vst v0  }
0x32: {  	[tilespmem:s7+$0x450] =	vst v0  }
0x33: {  	[tilespmem:s7+$0x460] =	vst v0;
	s0 =	simm.s32 $0x400  }
0x34: {  	[spmem:s26] =	stream.linear.scatter [tilespmem:s0], [sflag:$0xD], $0x4000, $0x38;
	v63 =	vld [tilespmem:$0x0]  }
0x35: {  	s26 =	simm.s32 $0xD  }
0x36: {  	_ =	swait.ge [sflag:s26], $0x4000  }
0x37: {  	[sflag:s26] =	ssyncset.done $0x0  }
0x38: {  	[sflag:s26] =	ssyncadd.s32 $0xFFFFC000  }
0x39: {  	[spmem:s28] =	stream.linear.scatter [tilespmem:s0], [sflag:$0xD], $0x4000, $0x38;
	v63 =	vld [tilespmem:$0x0]  }
0x3a: {  	_ =	swait.ge [sflag:s26], $0x4000  }
0x3b: {  	[sflag:s26] =	ssyncset.done $0x0  }
0x3c: {  	[sflag:s26] =	ssyncadd.s32 $0xFFFFC000  }
0x3d: {  	[spmem:s30] =	stream.linear.scatter [tilespmem:s0], [sflag:$0xD], $0x4000, $0x38;
	v63 =	vld [tilespmem:$0x0]  }
0x3e: {  	_ =	swait.ge [sflag:s26], $0x4000  }
0x3f: {  	[sflag:s26] =	ssyncset.done $0x0  }
0x40: {  	[sflag:s26] =	ssyncadd.s32 $0xFFFFC000  }
0x41: {  	[spmem:s11] =	stream.linear.scatter [tilespmem:s0], [sflag:$0xD], $0x4000, $0x38;
	v63 =	vld [tilespmem:$0x0]  }
0x42: {  	_ =	swait.ge [sflag:s26], $0x4000  }
0x43: {  	[sflag:s26] =	ssyncset.done $0x0  }
0x44: {  	s11 =	simm.s32 $0x400;
	[sflag:s26] =	ssyncadd.s32 $0xFFFFC000  }
0x45: {  	[spmem:s31] =	stream.linear.scatter [tilespmem:s11], [sflag:$0xD], $0x3C00, $0x38;
	v63 =	vld [tilespmem:$0x0]  }
0x46: {  	_ =	swait.ge [sflag:s26], $0x3C00  }
0x47: {  	[sflag:s26] =	ssyncset.done $0x0  }
0x48: {  	[sflag:s26] =	ssyncadd.s32 $0xFFFFC400  }
0x49: {  	[bflag:$0x0] =	sbarrier.arrive $0xFFFF  }
0x4a: {  	s7 =	rddreg [dreg:$0x8]  }
0x4b: {  	[tilespmem:s4], [sflag:$0x1] =	stream.linear.gather [hbm4b:s7+s4], $0x80, $0x38;
	v63 =	vld [tilespmem:$0x0]  }
0x4c: {  	s8 =	rddreg [dreg:$0x9]  }
0x4d: {  	[tilespmem:s2], [sflag:$0x2] =	stream.linear.gather [hbm4b:s8+s4], $0x80, $0x38;
	v63 =	vld [tilespmem:$0x0]  }
0x4e: {  	s31 =	simm.s32 $0x100;
	s9 =	rddreg [dreg:$0xa]  }
0x4f: {  	[tilespmem:s31], [sflag:$0x3] =	stream.linear.gather [hbm4b:s9+s4], $0x80, $0x38;
	v63 =	vld [tilespmem:$0x0]  }
0x50: {  	s26 =	rddreg [dreg:$0xb];
	s8 =	simm.s32 $0x200  }
0x51: {  	[tilespmem:s8], [sflag:$0x4] =	stream.linear.gather [hbm4b:s26+s4], $0x80, $0x38;
	v63 =	vld [tilespmem:$0x0]  }
0x52: {  	s30 =	rddreg [dreg:$0xc]  }
0x53: {  	[tilespmem:s12], [sflag:$0x5] =	stream.linear.gather [hbm4b:s30+s4], $0x80, $0x38;
	v63 =	vld [tilespmem:$0x0]  }
0x54: {  	_ =	swait.ge [sflag:s13], $0x80  }
0x55: {  	[sflag:s13] =	ssyncset.done $0x0  }
0x56: {  	[sflag:s13] =	ssyncadd.s32 $0xFFFFFF80  }
0x57: {  	[tilespmem:s11], [sflag:$0x7] =	stream.indirect.gather [hbm4b:s1+s2], $0x80, s4, s2, $0xb8;
	v63 =	vld [tilespmem:$0x0]  }
0x58: {  	_ =	swait.ge [sflag:s14], $0x80  }
0x59: {  	[sflag:s14] =	ssyncset.done $0x0  }
0x5a: {  	[sflag:s14] =	ssyncadd.s32 $0xFFFFFF80  }
0x5b: {  	[tilespmem:s15], [sflag:$0x8] =	stream.indirect.gather [hbm4b:s1+s2], $0x80, s2, s2, $0xb8;
	v63 =	vld [tilespmem:$0x0]  }
0x5c: {  	_ =	swait.ge [sflag:s16], $0x4000  }
0x5d: {  	[sflag:s16] =	ssyncset.done $0x0  }
0x5e: {  	[sflag:s16] =	ssyncadd.s32 $0xFFFFC000  }
0x5f: {  	_ =	swait.ge [sflag:s10], $0x80  }
0x60: {  	[sflag:s10] =	ssyncset.done $0x0  }
0x61: {  	[sflag:s10] =	ssyncadd.s32 $0xFFFFFF80  }
0x62: {  	[spmem:s3] =	stream.indirect.scatter.add.f32 [tilespmem:s11], [sflag:$0xA], $0x80, s8, s2, $0xb8;
	v63 =	vld [tilespmem:$0x0]  }
0x63: {  	_ =	swait.ge [sflag:s17], $0x80  }
0x64: {  	[sflag:s17] =	ssyncset.done $0x0  }
0x65: {  	[sflag:s17] =	ssyncadd.s32 $0xFFFFFF80  }
0x66: {  	[tilespmem:s18], [sflag:$0x9] =	stream.indirect.gather [hbm4b:s1+s2], $0x80, s31, s2, $0xb8;
	v63 =	vld [tilespmem:$0x0]  }
0x67: {  	s7 =	rddreg [dreg:$0x1a]  }
0x68: {  	[tilespmem:s4], [sflag:$0x1] =	stream.linear.gather [hbm4b:s7+s4], $0x80, $0x38;
	v63 =	vld [tilespmem:$0x0]  }
0x69: {  	s9 =	rddreg [dreg:$0xd]  }
0x6a: {  	[tilespmem:s19], [sflag:$0x6] =	stream.linear.gather [hbm4b:s9+s4], $0x80, $0x38;
	v63 =	vld [tilespmem:$0x0]  }
0x6b: {  	_ =	swait.ge [sflag:s20], $0x4000  }
0x6c: {  	[sflag:s20] =	ssyncset.done $0x0  }
0x6d: {  	[sflag:s20] =	ssyncadd.s32 $0xFFFFC000  }
0x6e: {  	_ =	swait.ge [sflag:s21], $0x80  }
0x6f: {  	[sflag:s21] =	ssyncset.done $0x0  }
0x70: {  	[sflag:s21] =	ssyncadd.s32 $0xFFFFFF80  }
0x71: {  	[spmem:s3] =	stream.indirect.scatter.add.f32 [tilespmem:s15], [sflag:$0xB], $0x80, s12, s2, $0xb8;
	v63 =	vld [tilespmem:$0x0]  }
0x72: {  	_ =	swait.ge [sflag:s13], $0x80  }
0x73: {  	[sflag:s13] =	ssyncset.done $0x0  }
0x74: {  	[sflag:s13] =	ssyncadd.s32 $0xFFFFFF80  }
0x75: {  	_ =	swait.ge [sflag:s22], $0x4000  }
0x76: {  	s26 =	rddreg [dreg:$0x4]  }
0x77: {  	[sflag:s22] =	ssyncset.done $0x0;
	s28 =	sadd.s32 $0x60, s26  }
0x78: {  	s30 =	simm.s32 $0x40;
	[sflag:s22] =	ssyncadd.s32 $0xFFFFC000;
	s9 =	sadd.s32 $0xFFFFFFE0, s28  }
0x79: {  	[tilespmem:s11], [sflag:$0x7] =	stream.indirect.gather [hbm4b:s1+s2], $0x80, s4, s2, $0xb8;
	v63 =	vld [tilespmem:$0x0]  }
0x7a: {  	s0 =	simm.s32 $0x30;
	s7 =	sand.u32 $0x70, s30;
	s9 =	sand.u32 $0xFFFFF80, s9  }
0x7b: {  	s7 =	sor.u32 s7, s9;
	s9 =	sand.u32 $0x70, s0;
	s0 =	sadd.s32 $0xFFFFFFD0, s28  }
0x7c: {  	s30 =	sadd.s32 s5, s7;
	s26 =	sand.u32 $0xFFFFF80, s0;
	s9 =	sadd.s32 s6, s9  }
0x7d: {  	[tilespmem:s2], [sflag:$0x2] =	stream.linear.gather [hbm4b:s30+s4], $0x80, $0x38;
	v63 =	vld [tilespmem:$0x0]  }
0x7e: {  	s9 =	sadd.s32 s26, s9  }
0x7f: {  	[tilespmem:s8], [sflag:$0x4] =	stream.linear.gather [hbm4b:s9+s4], $0x80, $0x38;
	v63 =	vld [tilespmem:$0x0]  }
0x80: {  	_ =	swait.ge [sflag:s23], $0x4000  }
0x81: {  	[sflag:s23] =	ssyncset.done $0x0  }
0x82: {  	[sflag:s23] =	ssyncadd.s32 $0xFFFFC000  }
0x83: {  	_ =	swait.ge [sflag:s24], $0x80  }
0x84: {  	[sflag:s24] =	ssyncset.done $0x0  }
0x85: {  	[sflag:s24] =	ssyncadd.s32 $0xFFFFFF80  }
0x86: {  	[spmem:s3] =	stream.indirect.scatter.add.f32 [tilespmem:s18], [sflag:$0xC], $0x80, s19, s2, $0xb8;
	v63 =	vld [tilespmem:$0x0]  }
0x87: {  	_ =	swait.ge [sflag:s14], $0x80  }
0x88: {  	[sflag:s14] =	ssyncset.done $0x0  }
0x89: {  	[sflag:s14] =	ssyncadd.s32 $0xFFFFFF80  }
0x8a: {  	s26 =	simm.s32 $0x50;
	s30 =	sadd.s32 $0xFFFFFFF0, s28;
	_ =	swait.ge [sflag:s25], $0x4000  }
0x8b: {  	s9 =	sand.u32 $0x70, s26;
	s26 =	sand.u32 $0xFFFFF80, s30;
	[sflag:s25] =	ssyncset.done $0x0  }
0x8c: {  	s26 =	sor.u32 s9, s26;
	[sflag:s25] =	ssyncadd.s32 $0xFFFFC000  }
0x8d: {  	[tilespmem:s15], [sflag:$0x8] =	stream.indirect.gather [hbm4b:s1+s2], $0x80, s2, s2, $0xb8;
	v63 =	vld [tilespmem:$0x0]  }
0x8e: {  	s9 =	sadd.s32 s5, s26  }
0x8f: {  	[tilespmem:s31], [sflag:$0x3] =	stream.linear.gather [hbm4b:s9+s4], $0x80, $0x38;
	v63 =	vld [tilespmem:$0x0]  }
0x90: {  	s7 =	sadd.s32 s6, s7  }
0x91: {  	[tilespmem:s12], [sflag:$0x5] =	stream.linear.gather [hbm4b:s7+s4], $0x80, $0x38;
	v63 =	vld [tilespmem:$0x0]  }
0x92: {  	_ =	swait.ge [sflag:s16], $0x4000  }
0x93: {  	[sflag:s16] =	ssyncset.done $0x0  }
0x94: {  	[sflag:s16] =	ssyncadd.s32 $0xFFFFC000  }
0x95: {  	_ =	swait.ge [sflag:s10], $0x80  }
0x96: {  	[sflag:s10] =	ssyncset.done $0x0  }
0x97: {  	[sflag:s10] =	ssyncadd.s32 $0xFFFFFF80  }
0x98: {  	[spmem:s3] =	stream.indirect.scatter.add.f32 [tilespmem:s11], [sflag:$0xA], $0x80, s8, s2, $0xb8;
	v63 =	vld [tilespmem:$0x0]  }
0x99: {  	_ =	swait.ge [sflag:s17], $0x80  }
0x9a: {  	s28 =	sand.u32 $0xFFFFF80, s28;
	[sflag:s17] =	ssyncset.done $0x0  }
0x9b: {  	s9 =	simm.s32 $0x60;
	s7 =	simm.s32 $0x90;
	[sflag:s17] =	ssyncadd.s32 $0xFFFFFF80  }
.LBB2_4:
0x9c: {  	_ =	swait.ge [sflag:s29], $0x4000  }
0x9d: {  	s8 =	sand.u32 $0x70, s9;
	[sflag:s29] =	ssyncset.done $0x0  }
0x9e: {  	s8 =	sadd.s32 s5, s8;
	[sflag:s29] =	ssyncadd.s32 $0xFFFFC000  }
0x9f: {  	[tilespmem:s18], [sflag:$0x9] =	stream.indirect.gather [hbm4b:s1+s2], $0x80, s31, s2, $0xb8;
	v63 =	vld [tilespmem:$0x0]  }
0xa0: {  	s8 =	sadd.s32 s28, s8  }
0xa1: {  	[tilespmem:s4], [sflag:$0x1] =	stream.linear.gather [hbm4b:s8+s4], $0x80, $0x38;
	v63 =	vld [tilespmem:$0x0]  }
0xa2: {  	s26 =	sadd.s32 s6, s26  }
0xa3: {  	[tilespmem:s19], [sflag:$0x6] =	stream.linear.gather [hbm4b:s26+s4], $0x80, $0x38;
	v63 =	vld [tilespmem:$0x0]  }
0xa4: {  	_ =	swait.ge [sflag:s20], $0x4000  }
0xa5: {  	[sflag:s20] =	ssyncset.done $0x0  }
0xa6: {  	[sflag:s20] =	ssyncadd.s32 $0xFFFFC000  }
0xa7: {  	_ =	swait.ge [sflag:s21], $0x80  }
0xa8: {  	[sflag:s21] =	ssyncset.done $0x0  }
0xa9: {  	[sflag:s21] =	ssyncadd.s32 $0xFFFFFF80  }
0xaa: {  	[spmem:s3] =	stream.indirect.scatter.add.f32 [tilespmem:s15], [sflag:$0xB], $0x80, s12, s2, $0xb8;
	v63 =	vld [tilespmem:$0x0]  }
0xab: {  	_ =	swait.ge [sflag:s13], $0x80  }
0xac: {  	[sflag:s13] =	ssyncset.done $0x0  }
0xad: {  	s9 =	smov.u32 s7;
	[sflag:s13] =	ssyncadd.s32 $0xFFFFFF80  }
0xae: {  	s0 =	sadd.s32 $0xFFFFFFE0, s9;
	s28 =	sadd.s32 $0xFFFFFFF0, s9;
	_ =	swait.ge [sflag:s22], $0x4000  }
0xaf: {  	s31 =	sadd.s32 $0xFFFFFFD0, s9;
	s28 =	sand.u32 $0x70, s28;
	s30 =	rddreg [dreg:$0x4]  }
0xb0: {  	s31 =	sand.u32 $0x70, s31;
	[sflag:s22] =	ssyncset.done $0x0;
	s8 =	sadd.s32 s9, s30  }
0xb1: {  	s31 =	sadd.s32 s6, s31;
	[sflag:s22] =	ssyncadd.s32 $0xFFFFC000;
	s30 =	sadd.s32 $0xFFFFFFE0, s8  }
0xb2: {  	[tilespmem:s11], [sflag:$0x7] =	stream.indirect.gather [hbm4b:s1+s2], $0x80, s4, s2, $0xb8;
	v63 =	vld [tilespmem:$0x0]  }
0xb3: {  	s26 =	sand.u32 $0x70, s0;
	s0 =	sadd.s32 $0xFFFFFFD0, s8;
	s30 =	sand.u32 $0xFFFFF80, s30  }
0xb4: {  	s0 =	sand.u32 $0xFFFFF80, s0;
	s30 =	sor.u32 s26, s30;
	s26 =	sadd.s32 $0xFFFFFFF0, s8  }
0xb5: {  	s0 =	sadd.s32 s0, s31;
	s11 =	sadd.s32 s5, s30;
	s26 =	sand.u32 $0xFFFFF80, s26  }
0xb6: {  	[tilespmem:s2], [sflag:$0x2] =	stream.linear.gather [hbm4b:s11+s4], $0x80, $0x38;
	v63 =	vld [tilespmem:$0x0]  }
0xb7: {  	s26 =	sor.u32 s28, s26;
	s28 =	sand.u32 $0xFFFFF80, s8;
	s8 =	simm.s32 $0x200  }
0xb8: {  	[tilespmem:s8], [sflag:$0x4] =	stream.linear.gather [hbm4b:s0+s4], $0x80, $0x38;
	v63 =	vld [tilespmem:$0x0]  }
0xb9: {  	_ =	swait.ge [sflag:s23], $0x4000  }
0xba: {  	[sflag:s23] =	ssyncset.done $0x0  }
0xbb: {  	[sflag:s23] =	ssyncadd.s32 $0xFFFFC000  }
0xbc: {  	_ =	swait.ge [sflag:s24], $0x80  }
0xbd: {  	[sflag:s24] =	ssyncset.done $0x0  }
0xbe: {  	[sflag:s24] =	ssyncadd.s32 $0xFFFFFF80  }
0xbf: {  	[spmem:s3] =	stream.indirect.scatter.add.f32 [tilespmem:s18], [sflag:$0xC], $0x80, s19, s2, $0xb8;
	v63 =	vld [tilespmem:$0x0]  }
0xc0: {  	_ =	swait.ge [sflag:s14], $0x80  }
0xc1: {  	[sflag:s14] =	ssyncset.done $0x0  }
0xc2: {  	[sflag:s14] =	ssyncadd.s32 $0xFFFFFF80  }
0xc3: {  	_ =	swait.ge [sflag:s25], $0x4000  }
0xc4: {  	[sflag:s25] =	ssyncset.done $0x0  }
0xc5: {  	[sflag:s25] =	ssyncadd.s32 $0xFFFFC000  }
0xc6: {  	[tilespmem:s15], [sflag:$0x8] =	stream.indirect.gather [hbm4b:s1+s2], $0x80, s2, s2, $0xb8;
	v63 =	vld [tilespmem:$0x0]  }
0xc7: {  	s31 =	simm.s32 $0x100;
	s0 =	sadd.s32 s5, s26  }
0xc8: {  	[tilespmem:s31], [sflag:$0x3] =	stream.linear.gather [hbm4b:s0+s4], $0x80, $0x38;
	v63 =	vld [tilespmem:$0x0]  }
0xc9: {  	s30 =	sadd.s32 s6, s30  }
0xca: {  	[tilespmem:s12], [sflag:$0x5] =	stream.linear.gather [hbm4b:s30+s4], $0x80, $0x38;
	v63 =	vld [tilespmem:$0x0]  }
0xcb: {  	_ =	swait.ge [sflag:s16], $0x4000  }
0xcc: {  	[sflag:s16] =	ssyncset.done $0x0  }
0xcd: {  	[sflag:s16] =	ssyncadd.s32 $0xFFFFC000  }
0xce: {  	_ =	swait.ge [sflag:s10], $0x80  }
0xcf: {  	p0 =	sne.s32 s7, $0x4E0;
	[sflag:s10] =	ssyncset.done $0x0  }
.Ltmp1:
0xd0: {  	s11 =	simm.s32 $0x400;
	[sflag:s10] =	ssyncadd.s32 $0xFFFFFF80;
	(pc) =	sbr.rel @p0 .LBB2_4-.Ltmp1, $4  }
0xd1: {  	[spmem:s3] =	stream.indirect.scatter.add.f32 [tilespmem:s11], [sflag:$0xA], $0x80, s8, s2, $0xb8;
	v63 =	vld [tilespmem:$0x0]  }
0xd2: {  	_ =	swait.ge [sflag:s17], $0x80  }
0xd3: {  	[sflag:s17] =	ssyncset.done $0x0  }
0xd4: {  	s7 =	sadd.s32 $0x30, s7;
	[sflag:s17] =	ssyncadd.s32 $0xFFFFFF80  }
0xd5: {  	_ =	swait.ge [sflag:s29], $0x4000  }
0xd6: {  	s0 =	sand.u32 $0x70, s9;
	[sflag:s29] =	ssyncset.done $0x0  }
0xd7: {  	s0 =	sadd.s32 s5, s0;
	[sflag:s29] =	ssyncadd.s32 $0xFFFFC000  }
0xd8: {  	[tilespmem:s18], [sflag:$0x9] =	stream.indirect.gather [hbm4b:s1+s2], $0x80, s31, s2, $0xb8;
	v63 =	vld [tilespmem:$0x0]  }
0xd9: {  	s0 =	sadd.s32 s28, s0  }
0xda: {  	[tilespmem:s4], [sflag:$0x1] =	stream.linear.gather [hbm4b:s0+s4], $0x80, $0x38;
	v63 =	vld [tilespmem:$0x0]  }
0xdb: {  	s26 =	sadd.s32 s6, s26  }
0xdc: {  	[tilespmem:s19], [sflag:$0x6] =	stream.linear.gather [hbm4b:s26+s4], $0x80, $0x38;
	v63 =	vld [tilespmem:$0x0]  }
0xdd: {  	_ =	swait.ge [sflag:s20], $0x4000  }
0xde: {  	[sflag:s20] =	ssyncset.done $0x0  }
0xdf: {  	[sflag:s20] =	ssyncadd.s32 $0xFFFFC000  }
0xe0: {  	_ =	swait.ge [sflag:s21], $0x80  }
0xe1: {  	[sflag:s21] =	ssyncset.done $0x0  }
0xe2: {  	[sflag:s21] =	ssyncadd.s32 $0xFFFFFF80  }
0xe3: {  	[spmem:s3] =	stream.indirect.scatter.add.f32 [tilespmem:s15], [sflag:$0xB], $0x80, s12, s2, $0xb8;
	v63 =	vld [tilespmem:$0x0]  }
0xe4: {  	_ =	swait.ge [sflag:s13], $0x80  }
0xe5: {  	[sflag:s13] =	ssyncset.done $0x0  }
0xe6: {  	[sflag:s13] =	ssyncadd.s32 $0xFFFFFF80  }
0xe7: {  	_ =	swait.ge [sflag:s22], $0x4000  }
0xe8: {  	[sflag:s22] =	ssyncset.done $0x0  }
0xe9: {  	[sflag:s22] =	ssyncadd.s32 $0xFFFFC000  }
0xea: {  	[tilespmem:s11], [sflag:$0x7] =	stream.indirect.gather [hbm4b:s1+s2], $0x80, s4, s2, $0xb8;
	v63 =	vld [tilespmem:$0x0]  }
0xeb: {  	s7 =	rddreg [dreg:$0xe]  }
0xec: {  	[tilespmem:s2], [sflag:$0x2] =	stream.linear.gather [hbm4b:s7+s4], $0x80, $0x38;
	v63 =	vld [tilespmem:$0x0]  }
0xed: {  	s9 =	rddreg [dreg:$0xf]  }
0xee: {  	[tilespmem:s8], [sflag:$0x4] =	stream.linear.gather [hbm4b:s9+s4], $0x80, $0x38;
	v63 =	vld [tilespmem:$0x0]  }
0xef: {  	_ =	swait.ge [sflag:s23], $0x4000  }
0xf0: {  	[sflag:s23] =	ssyncset.done $0x0  }
0xf1: {  	[sflag:s23] =	ssyncadd.s32 $0xFFFFC000  }
0xf2: {  	_ =	swait.ge [sflag:s24], $0x80  }
0xf3: {  	[sflag:s24] =	ssyncset.done $0x0  }
0xf4: {  	[sflag:s24] =	ssyncadd.s32 $0xFFFFFF80  }
0xf5: {  	[spmem:s3] =	stream.indirect.scatter.add.f32 [tilespmem:s18], [sflag:$0xC], $0x80, s19, s2, $0xb8;
	v63 =	vld [tilespmem:$0x0]  }
0xf6: {  	_ =	swait.ge [sflag:s14], $0x80  }
0xf7: {  	[sflag:s14] =	ssyncset.done $0x0  }
0xf8: {  	[sflag:s14] =	ssyncadd.s32 $0xFFFFFF80  }
0xf9: {  	_ =	swait.ge [sflag:s25], $0x4000  }
0xfa: {  	[sflag:s25] =	ssyncset.done $0x0  }
0xfb: {  	[sflag:s25] =	ssyncadd.s32 $0xFFFFC000  }
0xfc: {  	[tilespmem:s15], [sflag:$0x8] =	stream.indirect.gather [hbm4b:s1+s2], $0x80, s2, s2, $0xb8;
	v63 =	vld [tilespmem:$0x0]  }
0xfd: {  	s26 =	rddreg [dreg:$0x10]  }
0xfe: {  	[tilespmem:s31], [sflag:$0x3] =	stream.linear.gather [hbm4b:s26+s4], $0x80, $0x38;
	v63 =	vld [tilespmem:$0x0]  }
0xff: {  	s7 =	rddreg [dreg:$0x11]  }
0x100: {  	[tilespmem:s12], [sflag:$0x5] =	stream.linear.gather [hbm4b:s7+s4], $0x80, $0x38;
	v63 =	vld [tilespmem:$0x0]  }
0x101: {  	_ =	swait.ge [sflag:s16], $0x4000  }
0x102: {  	[sflag:s16] =	ssyncset.done $0x0  }
0x103: {  	[sflag:s16] =	ssyncadd.s32 $0xFFFFC000  }
0x104: {  	_ =	swait.ge [sflag:s10], $0x80  }
0x105: {  	[sflag:s10] =	ssyncset.done $0x0  }
0x106: {  	[sflag:s10] =	ssyncadd.s32 $0xFFFFFF80  }
0x107: {  	[spmem:s3] =	stream.indirect.scatter.add.f32 [tilespmem:s11], [sflag:$0xA], $0x80, s8, s2, $0xb8;
	v63 =	vld [tilespmem:$0x0]  }
0x108: {  	_ =	swait.ge [sflag:s29], $0x4000  }
0x109: {  	[sflag:s29] =	ssyncset.done $0x0  }
0x10a: {  	[sflag:s29] =	ssyncadd.s32 $0xFFFFC000  }
0x10b: {  	_ =	swait.ge [sflag:s20], $0x4000  }
0x10c: {  	[sflag:s20] =	ssyncset.done $0x0  }
0x10d: {  	[sflag:s20] =	ssyncadd.s32 $0xFFFFC000  }
0x10e: {  	_ =	swait.ge [sflag:s21], $0x80  }
0x10f: {  	[sflag:s21] =	ssyncset.done $0x0  }
0x110: {  	[sflag:s21] =	ssyncadd.s32 $0xFFFFFF80  }
0x111: {  	[spmem:s3] =	stream.indirect.scatter.add.f32 [tilespmem:s15], [sflag:$0xB], $0x80, s12, s2, $0xb8;
	v63 =	vld [tilespmem:$0x0]  }
0x112: {  	_ =	swait.ge [sflag:s22], $0x4000  }
0x113: {  	[sflag:s22] =	ssyncset.done $0x0  }
0x114: {  	[sflag:s22] =	ssyncadd.s32 $0xFFFFC000  }
0x115: {  	_ =	swait.ge [sflag:s25], $0x4000  }
0x116: {  	[sflag:s25] =	ssyncset.done $0x0  }
0x117: {  	[sflag:s25] =	ssyncadd.s32 $0xFFFFC000  }
0x118: {  	_ =	swait.ge [sflag:s17], $0x80  }
0x119: {  	[sflag:s17] =	ssyncset.done $0x0  }
0x11a: {  	[sflag:s17] =	ssyncadd.s32 $0xFFFFFF80  }
0x11b: {  	s9 =	stileid.u32;
	[bflag:$0x0] =	sbarrier.arrive $0xFFFF  }
0x11c: {  	s0 =	sshll.u32 s9, $0x6;
	s9 =	simm.s32 $0xD;
	s26 =	rddreg [dreg:$0x5]  }
0x11d: {  	s0 =	sor.u32 $0x1C0D, s0;
	s11 =	rddreg [dreg:$0x12];
	s7 =	sshrl.u32 s26, $0x3  }
0x11e: {  	[hbm:s11], [sflag:s0] =	dma.local [spmem:s7], $0x800  }
0x11f: {  	_ =	swait.ge [sflag:s9], $0x800  }
0x120: {  	[sflag:s9] =	ssyncset.done $0x0;
	s28 =	rddreg [dreg:$0x6]  }
0x121: {  	s11 =	rddreg [dreg:$0x13];
	[sflag:s9] =	ssyncadd.s32 $0xFFFFF800;
	s8 =	sshrl.u32 s28, $0x3  }
0x122: {  	[hbm:s11], [sflag:s0] =	dma.local [spmem:s8], $0x800  }
0x123: {  	_ =	swait.ge [sflag:s9], $0x800  }
0x124: {  	[sflag:s9] =	ssyncset.done $0x0;
	s30 =	rddreg [dreg:$0x7]  }
0x125: {  	s11 =	rddreg [dreg:$0x14];
	[sflag:s9] =	ssyncadd.s32 $0xFFFFF800;
	s8 =	sshrl.u32 s30, $0x3  }
0x126: {  	[hbm:s11], [sflag:s0] =	dma.local [spmem:s8], $0x800  }
0x127: {  	_ =	swait.ge [sflag:s9], $0x800  }
0x128: {  	[sflag:s9] =	ssyncset.done $0x0;
	s11 =	rddreg [dreg:$0x18]  }
0x129: {  	s8 =	rddreg [dreg:$0x15];
	[sflag:s9] =	ssyncadd.s32 $0xFFFFF800;
	s7 =	sshrl.u32 s11, $0x3  }
0x12a: {  	[hbm:s8], [sflag:s0] =	dma.local [spmem:s7], $0x800  }
0x12b: {  	_ =	swait.ge [sflag:s9], $0x800  }
0x12c: {  	[sflag:s9] =	ssyncset.done $0x0;
	s31 =	rddreg [dreg:$0x19]  }
0x12d: {  	s8 =	rddreg [dreg:$0x16];
	[sflag:s9] =	ssyncadd.s32 $0xFFFFF800;
	s7 =	sshrl.u32 s31, $0x3  }
0x12e: {  	[hbm:s8], [sflag:s0] =	dma.local [spmem:s7], $0x780  }
0x12f: {  	_ =	swait.ge [sflag:s9], $0x780  }
0x130: {  	s0 =	rddreg [dreg:$0x1b]  }
0x131: {  	s8 =	rddreg [dreg:$0x17];
	s7 =	sadd.s32 $0x1, s0  }
0x132: {  	p0 =	sne.s32 s7, s8  }
.Ltmp2:
0x133: {  	_ = 	snop;
	(pc) =	sbr.rel @p0 .LBB2_1-.Ltmp2, $3  }
0x134: {  	_ =	sdelay $0x1  }
0x135: {  	[sflag:s9] =	ssyncset.done $0x0  }
0x136: {  	[sflag:s9] =	ssyncadd.s32 $0xFFFFF880  }
0x137: {  	_ =	sfence.sel $0x180000  }
0x138: {  	[bflag:$0x0] =	sbarrier.arrive $0xFFFF  }
0x139: {  	_ =	strace $0x9000004D  }
0x13a: {  	s0 =	stileid.u32;
	[bflag:$0x2] =	sbarrier.arrive $0xFFFF  }
0x13b: {  	p0 =	sne.s32 s0, $0x0;
	s0 =	rddreg [dreg:$0x3]  }
0x13c: {  	s0 =	sadd.s32 @!p0 $0x100000, s0  }
0x13d: {  	[sflag:s0] =	ssyncadd.tile.s32 @!p0 $0x1;
	_ =	shalt  }
.Lfunc_end2:
_tile_overlayer_lowered:
.L_overlay_start_2:
0x13e: {  	(tag) =	ssettag $0x2  }
0x13f: {  	s0 =	rddreg [dreg:$0x0];
	s2 =	stileid.u32  }
0x140: {  	s1 =	rddreg [dreg:$0x1];
	p0 =	sne.s32 s2, $0x0  }
0x141: {  	s3 =	rddreg [dreg:$0x2];
	[bflag:$0x3] =	sbarrier.arrive $0xFFFF;
	s2 =	simm.s32 @!p0 $0x1C0D  }
0x142: {  	[timem:s3], [sflag:s2] =	dma.local @!p0 [hbm:s0], s1  }
0x143: {  	s0 =	simm.s32 @!p0 $0xD  }
0x144: {  	_ =	swait.ge @!p0 [sflag:s0], s1  }
0x145: {  	s1 =	ssub.s32 @!p0 $0x0, s1;
	[sflag:s0] =	ssyncset.done @!p0 $0x0  }
0x146: {  	[sflag:s0] =	ssyncadd.s32 @!p0 s1  }
0x147: {  	[bflag:$0x3] =	sbarrier.arrive $0xFFFF  }
0x148: {  	_ =	shalt  }

// kernel: kernel.9.cloned.1.call-start
scs
__scs_entry_jumppad:
0x0: {  	(pc) =	sbr.rel $0x88, $3  }
0x1: {  	(tag) =	ssettag $0x0;
	lr =	simm.s32 $0x1  }
0x2: {  	[smem:$0x3F9B] =	sst lr;
	_ =	strace $0xD0000000  }
0x3: {  	_ = 	snop  }
0x4: {  	_ = 	snop  }
0x5: {  	_ = 	snop  }
0x6: {  	_ = 	snop  }
0x7: {  	_ = 	snop  }
__scs_overlays_trampoline_lowered:
0x8: {  	[smem:$0x3FAA] =	sst s0  }
0x9: {  	[smem:$0x3FAB] =	sst s1  }
0xa: {  	[smem:$0x3FAC] =	sst s2  }
0xb: {  	[smem:$0x3FAD] =	sst s3  }
0xc: {  	[smem:$0x3FAE] =	sst s4  }
0xd: {  	[smem:$0x3FAF] =	sst s5  }
0xe: {  	[smem:$0x3FB0] =	sst s6  }
0xf: {  	[smem:$0x3FB1] =	sst s7  }
0x10: {  	[smem:$0x3FB2] =	sst s8  }
0x11: {  	[smem:$0x3FB3] =	sst s9;
	s0 =	simm.s32 @!p0 $0x0  }
0x12: {  	s1 =	sld [smem:$0x3F99];
	s0 =	simm.s32 @p0 $0x1  }
0x13: {  	[smem:$0x3FB4] =	sst s0;
	s0 =	simm.s32 @!p1 $0x0  }
0x14: {  	s2 =	sld [smem:$0x3F98];
	s0 =	simm.s32 @p1 $0x1  }
0x15: {  	[smem:$0x3FB5] =	sst s0;
	s0 =	simm.s32 @!p2 $0x0  }
0x16: {  	s3 =	sld [smem:$0x3FDB];
	s0 =	simm.s32 @p2 $0x1  }
0x17: {  	s4 =	simm.s32 $0x1BF5;
	[smem:$0x3FB7] =	sst s0  }
0x18: {  	s0 =	sld [smem:$0x3F9A];
	_ =	swait.ge [sflag:s4], $0x0  }
0x19: {  	s7 =	sld [smem:$0x3F9B]  }
0x1a: {  	s8 =	sadd.s32 $0xFFFFE003, lr  }
0x1b: {  	s9 =	sadd.s32 $0xFFFFFEF7, lr;
	s5 =	simm.s32 $0xFFFFFFFF;
	p2 =	slt.u32 s8, $0xFFFFF086  }
0x1c: {  	p1 =	slt.u32 s9, $0xF7A;
	s5 =	simm.s32 @!p2 $0x0  }
0x1d: {  	s5 =	simm.s32 @p1 $0x1;
	p0 =	seq.s32 s7, s2  }
0x1e: {  	s7 =	smul.u32 @!p0 $0xF7A, s2;
	p2 =	seq.s32 @!p0 s5, $0x0  }
0x1f: {  	s9 =	smul.u32 $0xF7A, s1;
	s8 =	simm.s32 @!p0 $0x1BF5;
	p2 =	por !p2, p0  }
0x20: {  	[sflag:s8] =	ssyncset.s32 @!p0 $0xFFFFF086;
	s6 =	sadd.s32 @!p0 s3, s7;
	s7 =	simm.s32 @!p0 $0x108  }
0x21: {  	s3 =	sadd.s32 s3, s9;
	s6 =	sadd.s32 @!p0 $0x88, s6;
	s7 =	simm.s32 @p2 $0x1082  }
0x22: {  	[simem:s7], [sflag:s8] =	dma.local @!p0 [hbm:s6], $0xF7A  }
0x23: {  	s9 =	sor.u32 $0xD0000000, s2;
	s6 =	simm.s32 $0x108;
	_ =	swait.ge @!p0 [sflag:s8], $0x0  }
0x24: {  	s3 =	sadd.s32 $0x88, s3;
	s6 =	simm.s32 @!p1 $0x1082;
	[sflag:s4] =	ssyncset.s32 $0xFFFFF086  }
0x25: {  	[simem:s6], [sflag:s4] =	dma.local [hbm:s3], $0xF7A  }
0x26: {  	[smem:$0x3F9B] =	sst s1;
	(tag) =	ssettag s2;
	_ =	strace s9  }
0x27: {  	s1 =	sld [smem:$0x3FAB]  }
0x28: {  	s2 =	sld [smem:$0x3FAC]  }
0x29: {  	s4 =	sld [smem:$0x3FAE]  }
0x2a: {  	p0 =	seq.s32 s5, $0x0;
	s5 =	sld [smem:$0x3FAF]  }
0x2b: {  	s6 =	sld [smem:$0x3FB0]  }
0x2c: {  	s7 =	sld [smem:$0x3FB1]  }
0x2d: {  	s3 =	simm.s32 $0x108;
	s8 =	sld [smem:$0x3FB2]  }
0x2e: {  	s3 =	simm.s32 @!p0 $0x1082;
	s9 =	sld [smem:$0x3FB3]  }
0x2f: {  	lr =	sadd.s32 s0, s3;
	s0 =	sld [smem:$0x3FAA]  }
0x30: {  	s3 =	sld [smem:$0x3FAD]  }
0x31: {  	[smem:$0x3FB6] =	sst s10  }
0x32: {  	s10 =	sld [smem:$0x3FB4];
	_ =	sdelay $0x3  }
0x33: {  	p0 =	seq.s32 s10, $0x1;
	s10 =	sld [smem:$0x3FB6];
	_ =	sdelay $0x3  }
0x34: {  	[smem:$0x3FB6] =	sst s10  }
0x35: {  	s10 =	sld [smem:$0x3FB5];
	_ =	sdelay $0x3  }
0x36: {  	p1 =	seq.s32 s10, $0x1;
	s10 =	sld [smem:$0x3FB6];
	_ =	sdelay $0x3  }
0x37: {  	[smem:$0x3FB6] =	sst s10  }
0x38: {  	s10 =	sld [smem:$0x3FB7]  }
0x39: {  	_ = 	snop;
	(pc) =	sbr.ind lr, $3  }
0x3a: {  	_ = 	snop  }
0x3b: {  	_ = 	snop  }
0x3c: {  	p2 =	seq.s32 s10, $0x1;
	s10 =	sld [smem:$0x3FB6]  }
0x3d: {  	_ =	shalt  }
0x3e: {  	_ =	shalt  }
0x3f: {  	_ =	shalt  }
0x40: {  	_ =	shalt  }
0x41: {  	_ =	shalt  }
0x42: {  	_ =	shalt  }
0x43: {  	_ =	shalt  }
0x44: {  	_ =	shalt  }
0x45: {  	_ =	shalt  }
0x46: {  	_ =	shalt  }
0x47: {  	_ =	shalt  }
0x48: {  	_ =	shalt  }
0x49: {  	_ =	shalt  }
0x4a: {  	_ =	shalt  }
0x4b: {  	_ =	shalt  }
0x4c: {  	_ =	shalt  }
0x4d: {  	_ =	shalt  }
0x4e: {  	_ =	shalt  }
0x4f: {  	_ =	shalt  }
0x50: {  	_ =	shalt  }
0x51: {  	_ =	shalt  }
0x52: {  	_ =	shalt  }
0x53: {  	_ =	shalt  }
0x54: {  	_ =	shalt  }
0x55: {  	_ =	shalt  }
0x56: {  	_ =	shalt  }
0x57: {  	_ =	shalt  }
0x58: {  	_ =	shalt  }
0x59: {  	_ =	shalt  }
0x5a: {  	_ =	shalt  }
0x5b: {  	_ =	shalt  }
0x5c: {  	_ =	shalt  }
0x5d: {  	_ =	shalt  }
0x5e: {  	_ =	shalt  }
0x5f: {  	_ =	shalt  }
0x60: {  	_ =	shalt  }
0x61: {  	_ =	shalt  }
0x62: {  	_ =	shalt  }
0x63: {  	_ =	shalt  }
0x64: {  	_ =	shalt  }
0x65: {  	_ =	shalt  }
0x66: {  	_ =	shalt  }
0x67: {  	_ =	shalt  }
0x68: {  	_ =	shalt  }
0x69: {  	_ =	shalt  }
0x6a: {  	_ =	shalt  }
0x6b: {  	_ =	shalt  }
0x6c: {  	_ =	shalt  }
0x6d: {  	_ =	shalt  }
0x6e: {  	_ =	shalt  }
0x6f: {  	_ =	shalt  }
0x70: {  	_ =	shalt  }
0x71: {  	_ =	shalt  }
0x72: {  	_ =	shalt  }
0x73: {  	_ =	shalt  }
0x74: {  	_ =	shalt  }
0x75: {  	_ =	shalt  }
0x76: {  	_ =	shalt  }
0x77: {  	_ =	shalt  }
0x78: {  	_ =	shalt  }
0x79: {  	_ =	shalt  }
0x7a: {  	_ =	shalt  }
0x7b: {  	_ =	shalt  }
0x7c: {  	_ =	shalt  }
0x7d: {  	_ =	shalt  }
0x7e: {  	_ =	shalt  }
0x7f: {  	_ =	shalt  }
0x80: {  	_ =	shalt  }
0x81: {  	_ =	shalt  }
0x82: {  	_ =	shalt  }
0x83: {  	_ =	shalt  }
0x84: {  	_ =	shalt  }
0x85: {  	_ =	shalt  }
0x86: {  	_ =	shalt  }
0x87: {  	_ =	shalt  }
.Lfunc_end0:
.L_simem_size_0:
called_computation_lowered:
.L_overlay_start_0:
0x88: {  	s2 =	sld [smem:$0x3FD9]  }
0x89: {  	s3 =	sld [smem:$0x3FFE];
	_ =	sdelay $0x1  }
0x8a: {  	s1 =	srdreg.scid  }
0x8b: {  	s0 =	sand.u32 $0x1, s1  }
0x8c: {  	s17 =	sshll.u32 s0, $0xA;
	s2 =	sadd.s32 s3, s2  }
0x8d: {  	s2 =	sadd.s32 s2, s17  }
0x8e: {  	[smem:$0x3FC2] =	sst s2  }
0x8f: {  	_ = 	snop  }
0x90: {  	s2 =	sld [smem:$0x3FD0];
	(tm) =	ssettm $0x1  }
0x91: {  	s18 =	sld [smem:$0x3FFB];
	_ =	sdelay $0x3  }
0x92: {  	_ =	strace s18  }
0x93: {  	s3 =	sld [smem:$0x3FFC];
	_ =	sdelay $0x3  }
0x94: {  	_ =	strace s3  }
0x95: {  	s3 =	sld [smem:$0x3FFD];
	_ =	sdelay $0x3  }
0x96: {  	_ =	strace s3  }
0x97: {  	_ =	strace $0x8FFFFFFF  }
0x98: {  	s19 =	sld [smem:$0x3FDB];
	_ =	sdelay $0x1  }
0x99: {  	s4 =	simm.s32 $_scs_section_size  }
0x9a: {  	s5 =	simm.s32 $_size__tile_overlayer_lowered;
	s6 =	simm.s32 $_tile_overlayer_lowered  }
0x9b: {  	s22 =	simm.s32 $0x1BFF;
	s21 =	sshll.u32 s6, $0x1;
	s3 =	sadd.s32 s4, s19  }
0x9c: {  	s7 =	simm.s32 $0x0;
	s20 =	sshll.u32 s5, $0x1;
	s5 =	sadd.s32 s21, s3  }
0x9d: {  	[timem:s7], [sflag:s22] =	dma.local [hbm:s5], s20  }
0x9e: {  	_ =	swait.ge [sflag:s22], s20  }
0x9f: {  	s4 =	ssub.s32 $0x0, s20;
	[sflag:s22] =	ssyncset.done $0x0  }
0xa0: {  	[sflag:s22] =	ssyncadd.s32 s4;
	_ =	sdelay $0x1  }
0xa1: {  	s23 =	simm.s32 $0x1B8B  }
0xa2: {  	_ =	swait.ge [sflag:s23], $0x1  }
0xa3: {  	[sflag:s23] =	ssyncset.done $0x0  }
0xa4: {  	s25 =	simm.s32 $0x1B8E;
	s24 =	sld [smem:$0x3FFE];
	[sflag:s23] =	ssyncadd.s32 $0xFFFFFFFF  }
0xa5: {  	s26 =	simm.s32 $execute0_lowered;
	[smem:$0x3FD2] =	sst s25  }
0xa6: {  	s5 =	sshll.u32 s26, $0x1;
	_ =	strace $0x80000046;
	[dreg:$0x1] =	wrdreg $0xFFFFFFFF  }
0xa7: {  	s28 =	simm.s32 $_size_execute0_lowered;
	s3 =	sadd.s32 s3, s5;
	[dreg:$0x0] =	wrdreg $0x0  }
0xa8: {  	s5 =	sshll.u32 s28, $0x1;
	[dreg:$0x2] =	wrdreg s3  }
0xa9: {  	[dreg:$0x3] =	wrdreg s5  }
0xaa: {  	[dreg:$0x4] =	wrdreg $0xC0  }
0xab: {  	_ =	task [dreg:s7], $0x5FFFF  }
0xac: {  	[dreg:$0x1] =	wrdreg $0xFFFFFFFF  }
0xad: {  	[dreg:$0x0] =	wrdreg $0x60  }
0xae: {  	[dreg:$0x2] =	wrdreg s24  }
0xaf: {  	[dreg:$0x3] =	wrdreg s2  }
0xb0: {  	[dreg:$0x4] =	wrdreg $0x2B000  }
0xb1: {  	[dreg:$0x5] =	wrdreg $0x9  }
0xb2: {  	_ =	task.clear_ibuf [dreg:s7], $0x6FFFF;
	_ =	strace $0x90000046  }
0xb3: {  	s29 =	simm.s32 $0x9;
	_ =	strace $0x80000048  }
0xb4: {  	_ =	swait.ge [sflag:s29], $0x1  }
0xb5: {  	[sflag:s29] =	ssyncadd.s32 $0xFFFFFFFF  }
0xb6: {  	_ =	strace $0x90000048  }
0xb7: {  	_ =	sfence  }
0xb8: {  	s30 =	sld [smem:$0x0];
	_ =	sdelay $0x2  }
0xb9: {  	s31 =	sshll.u32 s1, $0xD;
	s1 =	sshrl.u32 s1, $0x2  }
0xba: {  	s3 =	sand.u32 $0x4000, s31;
	s1 =	sadd.s32 s1, s30  }
0xbb: {  	s0 =	sor.u32 s3, s0;
	s1 =	sshll.u32 s1, $0x11  }
0xbc: {  	s0 =	sor.u32 s1, s0  }
0xbd: {  	s0 =	sadd.s32 $0x8F2B, s0  }
0xbe: {  	[sflag:s0] =	ssyncadd.remote.s32 $0x1  }
0xbf: {  	_ =	sfence.sel $0xFFFF  }
0xc0: {  	[dreg:$0x0] =	wrdreg $0xFFFFFFFF;
	(pc) =	sbr.abs _section_cstart, $3  }
0xc1: {  	[dreg:$0x1] =	wrdreg $0xFFFFFFFF  }
0xc2: {  	_ =	task.clear_ibuf [dreg:s7], $0x2FFFF;
	_ =	strace $0x9FFFFFFF  }
0xc3: {  	(tm) =	ssettm $0x7FFFFFFF  }
tec
execute0_lowered:
.L_overlay_start_1:
0x0: {  	(tag) =	ssettag $0x1  }
0x1: {  	s4 =	rddreg [dreg:$0x0]  }
0x2: {  	s6 =	rddreg [dreg:$0x1];
	s0 =	srdreg.scid  }
0x3: {  	s2 =	rddreg [dreg:$0x2];
	s1 =	stileid.u32;
	s3 =	simm.s32 $0x0  }
0x4: {  	s11 =	simm.s32 $0x2800;
	s5 =	sand.u32 $0x1, s0;
	s0 =	rddreg [dreg:$0x3]  }
0x5: {  	s14 =	simm.s32 $0x0;
	s8 =	smul.u32 $0x280, s1;
	[smem:$0x7FF] =	sst s3  }
0x6: {  	s12 =	sshll.u32 s1, $0x6;
	s7 =	sshll.u32 s5, $0x4;
	s9 =	smul.u32 $0x2800, s5  }
0x7: {  	s5 =	ssub.s32 $0x2, s5;
	_ =	strace $0x80000047;
	s7 =	sor.u32 s1, s7  }
0x8: {  	s12 =	sor.u32 $0x1C01, s12;
	s10 =	sshrl.u32 s5, $0x1;
	s7 =	smul.u32 $0x500, s7  }
0x9: {  	s9 =	sadd.s32 s8, s9;
	s31 =	ssub.s32 s5, s10;
	s5 =	sadd.s32 s8, s2  }
0xa: {  	s8 =	simm.s32 $0x1;
	s10 =	simm.s32 $0x80;
	s9 =	sshrl.u32 s9, $0x3  }
0xb: {  	s13 =	sshrl.u32 s5, $0x3;
	s4 =	sadd.s32 s7, s4;
	s6 =	sadd.s32 s6, s9  }
0xc: {  	v0 =	vimm.f32 $1.000000000e+00;
	v1 =	vimm.f32 $0.0e+00;
	s7 =	smax.u32 s31, $0x1;
	s9 =	simm.s32 $0x2880;
	s4 =	sadd.s32 $0x2000, s4  }
.LBB2_1:
0xd: {  	[tilespmem:s3], [sflag:$0x1] =	stream.linear.gather [hbm4b:s4+s3], $0x2800, $0x38;
	[tilespmem:$0x2D80] =	vst v63  }
0xe: {  	_ =	swait.ge [sflag:s8], $0x2800  }
0xf: {  	[sflag:s8] =	ssyncset.done $0x0  }
0x10: {  	[sflag:s8] =	ssyncadd.s32 $0xFFFFD800  }
0x11: {  	[tilespmem:$0x2800] =	vst v0  }
0x12: {  	[tilespmem:$0x2810] =	vst v0  }
0x13: {  	[tilespmem:$0x2820] =	vst v0  }
0x14: {  	[tilespmem:$0x2830] =	vst v0  }
0x15: {  	[tilespmem:$0x2840] =	vst v0  }
0x16: {  	[tilespmem:$0x2850] =	vst v0  }
0x17: {  	[tilespmem:$0x2860] =	vst v0  }
0x18: {  	[tilespmem:$0x2870] =	vst v0  }
0x19: {  	[tilespmem:$0x2880] =	vst v1  }
0x1a: {  	[tilespmem:$0x2890] =	vst v1  }
0x1b: {  	[tilespmem:$0x28A0] =	vst v1  }
0x1c: {  	[tilespmem:$0x28B0] =	vst v1  }
0x1d: {  	[tilespmem:$0x28C0] =	vst v1  }
0x1e: {  	[tilespmem:$0x28D0] =	vst v1  }
0x1f: {  	[tilespmem:$0x28E0] =	vst v1  }
0x20: {  	[tilespmem:$0x28F0] =	vst v1  }
0x21: {  	[tilespmem:$0x2900] =	vst v1  }
0x22: {  	[tilespmem:$0x2910] =	vst v1  }
0x23: {  	[tilespmem:$0x2920] =	vst v1  }
0x24: {  	[tilespmem:$0x2930] =	vst v1  }
0x25: {  	[tilespmem:$0x2940] =	vst v1  }
0x26: {  	[tilespmem:$0x2950] =	vst v1  }
0x27: {  	[tilespmem:$0x2960] =	vst v1  }
0x28: {  	[tilespmem:$0x2970] =	vst v1  }
0x29: {  	[tilespmem:$0x2980] =	vst v1  }
0x2a: {  	[tilespmem:$0x2990] =	vst v1  }
0x2b: {  	[tilespmem:$0x29A0] =	vst v1  }
0x2c: {  	[tilespmem:$0x29B0] =	vst v1  }
0x2d: {  	[tilespmem:$0x29C0] =	vst v1  }
0x2e: {  	[tilespmem:$0x29D0] =	vst v1  }
0x2f: {  	[tilespmem:$0x29E0] =	vst v1  }
0x30: {  	[tilespmem:$0x29F0] =	vst v1  }
0x31: {  	[tilespmem:$0x2A00] =	vst v1  }
0x32: {  	[tilespmem:$0x2A10] =	vst v1  }
0x33: {  	[tilespmem:$0x2A20] =	vst v1  }
0x34: {  	[tilespmem:$0x2A30] =	vst v1  }
0x35: {  	[tilespmem:$0x2A40] =	vst v1  }
0x36: {  	[tilespmem:$0x2A50] =	vst v1  }
0x37: {  	[tilespmem:$0x2A60] =	vst v1  }
0x38: {  	[tilespmem:$0x2A70] =	vst v1  }
0x39: {  	[tilespmem:$0x2A80] =	vst v1  }
0x3a: {  	[tilespmem:$0x2A90] =	vst v1  }
0x3b: {  	[tilespmem:$0x2AA0] =	vst v1  }
0x3c: {  	[tilespmem:$0x2AB0] =	vst v1  }
0x3d: {  	[tilespmem:$0x2AC0] =	vst v1  }
0x3e: {  	[tilespmem:$0x2AD0] =	vst v1  }
0x3f: {  	[tilespmem:$0x2AE0] =	vst v1  }
0x40: {  	[tilespmem:$0x2AF0] =	vst v1  }
0x41: {  	[spmem:s5] =	stream.linear.scatter [tilespmem:s9], [sflag:$0x1], $0x280, $0x38;
	[tilespmem:$0x2D80] =	vst v63  }
0x42: {  	_ =	swait.ge [sflag:s8], $0x280  }
0x43: {  	[sflag:s8] =	ssyncset.done $0x0  }
0x44: {  	[sflag:s8] =	ssyncadd.s32 $0xFFFFFD80  }
0x45: {  	s15 =	simm.s32 $0x0;
	[bflag:$0x0] =	sbarrier.arrive $0xFFFF  }
0x46: {  	[spmem:s2] =	stream.indirect.scatter.add.f32 [tilespmem:s11], [sflag:$0x1], $0x1, s15, s10, $0xb8;
	[tilespmem:$0x2D80] =	vst v63  }
0x47: {  	_ =	swait.ge [sflag:s8], $0x80  }
0x48: {  	s15 =	simm.s32 $0x200;
	[sflag:s8] =	ssyncset.done $0x0  }
.LBB2_2:
0x49: {  	s16 =	sshra.s32 s15, $0x2;
	[sflag:s8] =	ssyncadd.s32 $0xFFFFFF80;
	p0 =	sne.s32 s15, $0x9E00  }
0x4a: {  	[spmem:s2] =	stream.indirect.scatter.add.f32 [tilespmem:s11], [sflag:$0x1], $0x1, s16, s10, $0xb8;
	[tilespmem:$0x2D80] =	vst v63  }
.Ltmp0:
0x4b: {  	_ = 	snop;
	(pc) =	sbr.rel @p0 .LBB2_2-.Ltmp0, $4  }
0x4c: {  	_ = 	snop  }
0x4d: {  	s15 =	sadd.s32 $0x200, s15  }
0x4e: {  	_ =	swait.ge [sflag:s8], $0x80  }
0x4f: {  	[sflag:s8] =	ssyncset.done $0x0  }
0x50: {  	s14 =	sadd.s32 $0x1, s14  }
0x51: {  	[sflag:s8] =	ssyncadd.s32 $0xFFFFFF80;
	p0 =	sne.s32 s14, s7  }
.Ltmp1:
0x52: {  	[bflag:$0x0] =	sbarrier.arrive $0xFFFF;
	(pc) =	sbr.rel @p0 .LBB2_1-.Ltmp1, $4  }
0x53: {  	[hbm:s6], [sflag:s12] =	dma.local [spmem:s13], $0x50  }
0x54: {  	_ =	swait.ge [sflag:s8], $0x50  }
0x55: {  	[sflag:s8] =	ssyncset.done $0x0  }
0x56: {  	[sflag:s8] =	ssyncadd.s32 $0xFFFFFFB0  }
0x57: {  	_ =	sfence.sel $0x180000  }
0x58: {  	[bflag:$0x0] =	sbarrier.arrive $0xFFFF  }
0x59: {  	p0 =	sne.s32 s1, $0x0;
	_ =	strace $0x90000047  }
0x5a: {  	s0 =	sadd.s32 @!p0 $0x100000, s0;
	[bflag:$0x2] =	sbarrier.arrive $0xFFFF  }
0x5b: {  	[sflag:s0] =	ssyncadd.tile.s32 @!p0 $0x1;
	_ =	shalt  }
.Lfunc_end2:
_tile_overlayer_lowered:
.L_overlay_start_2:
0x5c: {  	(tag) =	ssettag $0x2  }
0x5d: {  	s0 =	rddreg [dreg:$0x0];
	s2 =	stileid.u32  }
0x5e: {  	s1 =	rddreg [dreg:$0x1];
	p0 =	sne.s32 s2, $0x0  }
0x5f: {  	s3 =	rddreg [dreg:$0x2];
	[bflag:$0x3] =	sbarrier.arrive $0xFFFF;
	s2 =	simm.s32 @!p0 $0x1C01  }
0x60: {  	[timem:s3], [sflag:s2] =	dma.local @!p0 [hbm:s0], s1  }
0x61: {  	s0 =	simm.s32 @!p0 $0x1  }
0x62: {  	_ =	swait.ge @!p0 [sflag:s0], s1  }
0x63: {  	s1 =	ssub.s32 @!p0 $0x0, s1;
	[sflag:s0] =	ssyncset.done @!p0 $0x0  }
0x64: {  	[sflag:s0] =	ssyncadd.s32 @!p0 s1  }
0x65: {  	[bflag:$0x3] =	sbarrier.arrive $0xFFFF  }
0x66: {  	_ =	shalt  }

</sc_bundles>
